<compile_context>
chip_gen: v7x
topology: tpu7x:2x2x1
jax: 0.10.2.dev20260603
libtpu: 0.0.44.dev20260713+nightly
codegen_flags: <defaults>
</compile_context>

<pallas_src>
import jax
import jax.numpy as jnp
from jax import lax
from jax.experimental import pallas as pl
from jax.experimental.pallas import tpu as pltpu
from jax.experimental.pallas import tpu_sc as plsc

ALPHA = 0.1
NN = 4096
NE = 131072
NWORD = NN * NN // 32
NC, NS, LANES = 2, 16, 16
EPT = NE // NS
WPT = NWORD // NS
NPT = NN // NS
HALF = NE // NC
PAD = 4096
OCH = HALF // NS
SEG = HALF + PAD


def _mesh():
    return plsc.VectorSubcoreMesh(
        core_axis_name="c", subcore_axis_name="s", num_cores=NC, num_subcores=NS
    )


def _popcount(m):
    m = m - (lax.shift_right_logical(m, 1) & 0x55555555)
    m = (m & 0x33333333) + (lax.shift_right_logical(m, 2) & 0x33333333)
    m = (m + lax.shift_right_logical(m, 4)) & 0x0F0F0F0F
    return (m + lax.shift_right_logical(m, 8) + lax.shift_right_logical(m, 16)
            + lax.shift_right_logical(m, 24)) & 0x3F


def _csum16(p):
    iota = lax.iota(jnp.int32, LANES)
    y = p
    for d in (1, 2, 4, 8):
        sh = jnp.take(y, jnp.maximum(iota - d, 0))
        y = y + jnp.where(iota >= d, sh, 0)
    return y


def _bcast_last(x):
    return jnp.take(x, jnp.full((LANES,), LANES - 1, jnp.int32))


def _decay_body(t_ref, out_ref):
    t = t_ref[...]
    ct = jnp.max(t)
    out_ref[...] = jnp.exp(-ALPHA * (ct - t))


def _decay_call(t2):
    return pl.pallas_call(
        _decay_body,
        out_shape=jax.ShapeDtypeStruct(t2.shape, jnp.float32),
    )(t2)


CH = 4096
NCH = EPT // CH
SWC = 4096


def _sc_body(ei_hbm, dec_hbm, key_out, w_out,
             eu_v, ev_v, edec_v, idx2_v, val2_v, dd_v, pos2_v, bmi_v, bmv_v,
             tot_v, degb_v, disb_v, zf_v, comm_v,
             bmpfx_sh, deg_sh, dis_sh, comm_sh, okw_sh, sem):
    c = lax.axis_index("c")
    s = lax.axis_index("s")

    def _z16(i, _):
        val2_v[pl.ds(i * LANES, LANES)] = jnp.zeros((LANES,), jnp.int32)
        return 0
    lax.fori_loop(0, SWC // LANES, _z16, 0)

    def _zf16(i, _):
        zf_v[pl.ds(i * LANES, LANES)] = jnp.zeros((LANES,), jnp.float32)
        return 0
    lax.fori_loop(0, NPT // LANES, _zf16, 0)

    for k in range(WPT // SWC):
        pltpu.sync_copy(val2_v.at[pl.ds(0, SWC)],
                        bmpfx_sh.at[pl.ds(s * WPT + k * SWC, SWC)])
    pltpu.sync_copy(zf_v, deg_sh.at[pl.ds(s * NPT, NPT)])

    plsc.subcore_barrier()

    for ch in range(NCH):
        esl = pl.ds(s * EPT + ch * CH, CH)
        pltpu.sync_copy(ei_hbm.at[0, esl], eu_v)
        pltpu.sync_copy(ei_hbm.at[1, esl], ev_v)
        pltpu.sync_copy(dec_hbm.at[esl], edec_v)

        def _wb(g, _):
            sl = pl.ds(g * LANES, LANES)
            u16 = eu_v[sl]
            v16 = ev_v[sl]
            bmi_v[sl] = u16 * 128 + lax.shift_right_logical(v16, 5)
            bmv_v[sl] = lax.shift_left(jnp.ones((LANES,), jnp.int32),
                                       v16 & 31)
            return 0
        lax.fori_loop(0, CH // LANES, _wb, 0)

        adds = [
            pltpu.async_copy(bmv_v, bmpfx_sh.at[bmi_v], sem, add=True),
            pltpu.async_copy(edec_v, deg_sh.at[eu_v], sem, add=True),
        ]
        for cp in adds:
            cp.wait()

    plsc.subcore_barrier()

    run = jnp.zeros((LANES,), jnp.int32)
    for k in range(WPT // SWC):
        pltpu.sync_copy(bmpfx_sh.at[pl.ds(s * WPT + k * SWC, SWC)],
                        val2_v.at[pl.ds(0, SWC)])

        def _scan(i, r):
            sl = pl.ds(i * LANES, LANES)
            pc = _popcount(val2_v[sl])
            inc = _csum16(pc)
            val2_v[pl.ds(SWC + i * LANES, LANES)] = inc - pc + r
            return r + _bcast_last(inc)
        run = lax.fori_loop(0, SWC // LANES, _scan, run)
        pltpu.sync_copy(val2_v.at[pl.ds(SWC, SWC)],
                        bmpfx_sh.at[pl.ds(NWORD + s * WPT + k * SWC, SWC)])
    tot_v[pl.ds(0, LANES)] = run
    pltpu.sync_copy(tot_v, comm_sh.at[pl.ds(s * LANES, LANES)])

    pltpu.sync_copy(deg_sh.at[pl.ds(s * NPT, NPT)], degb_v)

    def _dis(i, _):
        sl = pl.ds(i * LANES, LANES)
        x = degb_v[sl]
        yi = 0x5F3759DF - lax.shift_right_logical(
            lax.bitcast_convert_type(x, jnp.int32), 1)
        y = lax.bitcast_convert_type(yi, jnp.float32)
        y = y * (1.5 - 0.5 * x * y * y)
        y = y * (1.5 - 0.5 * x * y * y)
        y = y * (1.5 - 0.5 * x * y * y)
        disb_v[sl] = jnp.where(x > 0.0, y, 0.0)
        return 0
    lax.fori_loop(0, NPT // LANES, _dis, 0)
    pltpu.sync_copy(disb_v, dis_sh.at[pl.ds(s * NPT, NPT)])

    plsc.subcore_barrier()

    pltpu.sync_copy(comm_sh, comm_v)
    iota16 = lax.iota(jnp.int32, LANES)
    totals16 = jnp.zeros((LANES,), jnp.int32)
    for tt in range(NS):
        x = comm_v[pl.ds(tt * LANES, LANES)]
        totals16 = jnp.where(iota16 == tt, x, totals16)
    base16 = _csum16(totals16) - totals16

    for ch in range(NCH):
        esl = pl.ds(s * EPT + ch * CH, CH)
        pltpu.sync_copy(ei_hbm.at[0, esl], eu_v)
        pltpu.sync_copy(ei_hbm.at[1, esl], ev_v)
        pltpu.sync_copy(dec_hbm.at[esl], edec_v)

        def _wi(g, _):
            sl = pl.ds(g * LANES, LANES)
            sh = pl.ds(CH + g * LANES, LANES)
            u16 = eu_v[sl]
            v16 = ev_v[sl]
            widx = u16 * 128 + lax.shift_right_logical(v16, 5)
            idx2_v[sl] = widx
            idx2_v[sh] = NWORD + widx
            return 0
        lax.fori_loop(0, CH // LANES, _wi, 0)
        pltpu.async_copy(bmpfx_sh.at[idx2_v], val2_v, sem).wait()

        def _di(g, _):
            sl = pl.ds(g * LANES, LANES)
            sh = pl.ds(CH + g * LANES, LANES)
            idx2_v[sl] = eu_v[sl]
            idx2_v[sh] = ev_v[sl]
            return 0
        lax.fori_loop(0, CH // LANES, _di, 0)
        pltpu.async_copy(dis_sh.at[idx2_v], dd_v, sem).wait()

        def _rank(g, _):
            sl = pl.ds(g * LANES, LANES)
            sh = pl.ds(CH + g * LANES, LANES)
            u16 = eu_v[sl]
            v16 = ev_v[sl]
            bmw = val2_v[sl]
            bv = lax.shift_left(jnp.ones((LANES,), jnp.int32), v16 & 31)
            pc = _popcount(bmw & (bv - 1))
            key = u16 * NN + v16
            widx = u16 * 128 + lax.shift_right_logical(v16, 5)
            base = jnp.take(base16, lax.shift_right_logical(widx, 15))
            p = val2_v[sh] + base + pc - c * HALF
            foreign = (p < 0) | (p >= HALF)
            p = jnp.where(foreign, HALF + (key & (PAD - 1)), p)
            pos2_v[sl] = p
            pos2_v[sh] = p + SEG
            w = dd_v[sl] * edec_v[sl] * dd_v[sh]
            val2_v[sl] = key
            val2_v[sh] = lax.bitcast_convert_type(w, jnp.int32)
            return 0
        lax.fori_loop(0, CH // LANES, _rank, 0)

        pltpu.async_copy(val2_v, okw_sh.at[pos2_v], sem).wait()

    plsc.subcore_barrier()

    outs = [
        pltpu.async_copy(okw_sh.at[pl.ds(s * OCH, OCH)],
                         key_out.at[pl.ds(c * HALF + s * OCH, OCH)], sem),
        pltpu.async_copy(okw_sh.at[pl.ds(SEG + s * OCH, OCH)],
                         w_out.at[pl.ds(c * HALF + s * OCH, OCH)], sem),
    ]
    for cp in outs:
        cp.wait()


def _sc_call(edge_index, dec1):
    fn = pl.kernel(
        _sc_body,
        out_type=[
            jax.ShapeDtypeStruct((NE,), jnp.int32),
            jax.ShapeDtypeStruct((NE,), jnp.int32),
        ],
        mesh=_mesh(),
        scratch_types=[
            pltpu.VMEM((CH,), jnp.int32),
            pltpu.VMEM((CH,), jnp.int32),
            pltpu.VMEM((CH,), jnp.float32),
            pltpu.VMEM((2 * CH,), jnp.int32),
            pltpu.VMEM((2 * CH,), jnp.int32),
            pltpu.VMEM((2 * CH,), jnp.float32),
            pltpu.VMEM((2 * CH,), jnp.int32),
            pltpu.VMEM((CH,), jnp.int32),
            pltpu.VMEM((CH,), jnp.int32),
            pltpu.VMEM((LANES,), jnp.int32),
            pltpu.VMEM((NPT,), jnp.float32),
            pltpu.VMEM((NPT,), jnp.float32),
            pltpu.VMEM((NPT,), jnp.float32),
            pltpu.VMEM((NS * LANES,), jnp.int32),
            pltpu.VMEM_SHARED((2 * NWORD,), jnp.int32),
            pltpu.VMEM_SHARED((NN,), jnp.float32),
            pltpu.VMEM_SHARED((NN,), jnp.float32),
            pltpu.VMEM_SHARED((NS * LANES,), jnp.int32),
            pltpu.VMEM_SHARED((2 * SEG,), jnp.int32),
            pltpu.SemaphoreType.DMA,
        ],
    )
    return fn(edge_index, dec1)


def _unpack_body(key_ref, idx_ref):
    key = key_ref[...]
    idx_ref[0] = lax.shift_right_logical(key, 12)
    idx_ref[1] = key & (NN - 1)


def _unpack_call(key1):
    return pl.pallas_call(
        _unpack_body,
        out_shape=jax.ShapeDtypeStruct((2, NE), jnp.int32),
    )(key1)


def kernel(edge_index, edge_time, num_nodes):
    del num_nodes
    ei = edge_index.astype(jnp.int32)
    dec1 = _decay_call(edge_time)
    keys, wbits = _sc_call(ei, dec1)
    edge_index_out = _unpack_call(keys)
    w = lax.bitcast_convert_type(wbits, jnp.float32)
    return edge_index_out, w

# --- scband reference (transcript-rebuilt; emitter-appended) ---
"""Pipeline reference for scband-time-aware-random-walk-diffusion-46858093199624 (READ-ONLY COPY).

The authoritative reference and input builder live on the scoring server;
editing this copy changes nothing except your own understanding.
"""

import jax, jax.numpy as jnp
import numpy as np

ALPHA = 0.1
N_NODES = 4096
N_EDGES = 131072


def setup_inputs(seed: int = 0) -> dict:
    rng = np.random.default_rng(0)
    # unique (u, v) pairs so that the per-edge in-place multiply in the torch
    # loop is exactly equivalent to a scatter-add of decay values
    lin = rng.choice(N_NODES * N_NODES, size=N_EDGES, replace=False)
    edge_index = jnp.asarray(
        np.stack([lin // N_NODES, lin % N_NODES]).astype(np.int64)
    )
    key = jax.random.key(seed)
    edge_time = jax.random.uniform(key, (N_EDGES,), dtype=jnp.float32)
    return {"edge_index": edge_index, "edge_time": edge_time, "num_nodes": N_NODES}


def reference(edge_index, edge_time, num_nodes):
    u, v = edge_index[0], edge_index[1]
    current_time = edge_time.max()
    decay = jnp.exp(-ALPHA * (current_time - edge_time))
    # to_dense_adj builds a 0/1 dense adjacency (1 per unique edge); the torch
    # loop then multiplies adj[u, v] by decay[i] per edge. With unique edges
    # this is exactly a scatter-add of decay into a zero matrix.
    adj = jnp.zeros((N_NODES, N_NODES), dtype=jnp.float32).at[u, v].add(decay)
    adj = adj + (num_nodes - num_nodes)
    deg = adj.sum(axis=1)
    safe = deg > 0
    deg_inv_sqrt = jnp.where(safe, jnp.power(jnp.where(safe, deg, 1.0), -0.5), 0.0)
    adj = deg_inv_sqrt[:, None] * adj * deg_inv_sqrt[None, :]
    # dense_to_sparse: row-major nonzero entries and their weights
    rows, cols = jnp.nonzero(adj, size=N_EDGES)
    edge_index_out = jnp.stack([rows, cols])
    edge_weight = adj[rows, cols]
    return (edge_index_out, edge_weight)

if __name__ == "__main__":
    import jax
    _d = setup_inputs()
    print(jax.jit(kernel)(*tuple(_d.values())))

</pallas_src>

<mosaic_0001>
#map = affine_map<(d0, d1) -> (0, 0)>
#map1 = affine_map<(d0, d1) -> (0)>
module attributes {stable_mosaic.version = 14 : i64} {
  func.func @_sc_body(%arg0: i32, %arg1: i32, %arg2: memref<2x131072xi32, #tpu.memory_space<hbm>>, %arg3: memref<131072xf32, #tpu.memory_space<hbm>>, %arg4: memref<131072xi32, #tpu.memory_space<hbm>>, %arg5: memref<131072xi32, #tpu.memory_space<hbm>>, %arg6: memref<4096xi32, #tpu.memory_space<vmem>>, %arg7: memref<4096xi32, #tpu.memory_space<vmem>>, %arg8: memref<4096xf32, #tpu.memory_space<vmem>>, %arg9: memref<8192xi32, #tpu.memory_space<vmem>>, %arg10: memref<8192xi32, #tpu.memory_space<vmem>>, %arg11: memref<8192xf32, #tpu.memory_space<vmem>>, %arg12: memref<8192xi32, #tpu.memory_space<vmem>>, %arg13: memref<4096xi32, #tpu.memory_space<vmem>>, %arg14: memref<4096xi32, #tpu.memory_space<vmem>>, %arg15: memref<16xi32, #tpu.memory_space<vmem>>, %arg16: memref<256xf32, #tpu.memory_space<vmem>>, %arg17: memref<256xf32, #tpu.memory_space<vmem>>, %arg18: memref<256xf32, #tpu.memory_space<vmem>>, %arg19: memref<256xi32, #tpu.memory_space<vmem>>, %arg20: memref<1048576xi32, #tpu.memory_space<vmem_shared>>, %arg21: memref<4096xf32, #tpu.memory_space<vmem_shared>>, %arg22: memref<4096xf32, #tpu.memory_space<vmem_shared>>, %arg23: memref<256xi32, #tpu.memory_space<vmem_shared>>, %arg24: memref<139264xi32, #tpu.memory_space<vmem_shared>>, %arg25: memref<!tpu.dma_semaphore, #tpu.memory_space<semaphore_mem>>) attributes {dimension_semantics = [#tpu.dimension_semantics<core_parallel>, #tpu.dimension_semantics<subcore_parallel>], iteration_bounds = array<i64: 2, 16>, scalar_prefetch = 0 : i64, scratch_operands = 20 : i64, tpu.core_type = #tpu.core_type<sc_vector_subcore>, window_params = [{transform_indices = #map}, {transform_indices = #map1}, {transform_indices = #map1}, {transform_indices = #map1}]} {
    %scan3A = arith.constant 0 : i32
    %scan3A_0 = arith.constant 0 : i32
    %scan3A_1 = arith.constant 256 : i32
    %scan3A_2 = arith.addi %scan3A_0, %scan3A_1 : i32
    %scan3A_3 = arith.constant 1 : i32
    %scan3A_4 = scf.for %scan3A_533 = %scan3A_0 to %scan3A_2 step %scan3A_3 iter_args(%scan3A_534 = %scan3A) -> (i32)  : i32 {
      %broadcast_in_dim3A_535 = arith.constant 0 : i32
      %broadcast_in_dim3A_536 = vector.broadcast %broadcast_in_dim3A_535 : i32 to vector<16xi32>
      %mul3A_537 = arith.constant 16 : i32
      %mul3A_538 = arith.muli %scan3A_533, %mul3A_537 : i32
      %swap3A_539 = arith.index_cast %mul3A_538 : i32 to index
      %swap3A_540 = tpu.vector_load %arg10[%swap3A_539] {strides = array<i32>} : memref<8192xi32, #tpu.memory_space<vmem>>, vector<16xi32>,
      %swap3A_541 = vector.shape_cast %swap3A_540 : vector<16xi32> to vector<16xi32>
      %swap3A_542 = vector.shape_cast %broadcast_in_dim3A_536 : vector<16xi32> to vector<16xi32>
      tpu.vector_store %arg10[%swap3A_539], %swap3A_542 {strides = array<i32>} : memref<8192xi32, #tpu.memory_space<vmem>>, vector<16xi32>,
      %scan3A_543 = arith.constant 0 : i32
      scf.yield %scan3A_543 : i32
    }
    %scan3A_5 = arith.constant 256 : i32
    %scan3A_6 = arith.constant 0 : i32
    %scan3A_7 = arith.constant 0 : i32
    %scan3A_8 = arith.constant 16 : i32
    %scan3A_9 = arith.addi %scan3A_7, %scan3A_8 : i32
    %scan3A_10 = arith.constant 1 : i32
    %scan3A_11 = scf.for %scan3A_533 = %scan3A_7 to %scan3A_9 step %scan3A_10 iter_args(%scan3A_534 = %scan3A_6) -> (i32)  : i32 {
      %broadcast_in_dim3A_535 = arith.constant 0.000000e+00 : f32
      %broadcast_in_dim3A_536 = vector.broadcast %broadcast_in_dim3A_535 : f32 to vector<16xf32>
      %mul3A_537 = arith.constant 16 : i32
      %mul3A_538 = arith.muli %scan3A_533, %mul3A_537 : i32
      %swap3A_539 = arith.index_cast %mul3A_538 : i32 to index
      %swap3A_540 = tpu.vector_load %arg18[%swap3A_539] {strides = array<i32>} : memref<256xf32, #tpu.memory_space<vmem>>, vector<16xf32>,
      %swap3A_541 = vector.shape_cast %swap3A_540 : vector<16xf32> to vector<16xf32>
      %swap3A_542 = vector.shape_cast %broadcast_in_dim3A_536 : vector<16xf32> to vector<16xf32>
      tpu.vector_store %arg18[%swap3A_539], %swap3A_542 {strides = array<i32>} : memref<256xf32, #tpu.memory_space<vmem>>, vector<16xf32>,
      %scan3A_543 = arith.constant 0 : i32
      scf.yield %scan3A_543 : i32
    }
    %scan3A_12 = arith.constant 16 : i32
    %mul3A = arith.constant 32768 : i32
    %mul3A_13 = arith.muli %arg1, %mul3A : i32
    %add3A = arith.constant 0 : i32
    %add3A_14 = arith.addi %mul3A_13, %add3A : i32
    "tpu.region"() ({
      %run_scoped3A_533 = tpu.sem_alloc : memref<!tpu.dma_semaphore, #tpu.memory_space<semaphore_mem>>
      %dma_start3A_534 = arith.constant 0 : i32
      %dma_start3A_535 = tpu.memref_slice %arg10[%dma_start3A_534] : memref<8192xi32, #tpu.memory_space<vmem>> -> memref<4096xi32, #tpu.memory_space<vmem>>
      %dma_start3A_536 = tpu.memref_slice %arg20[%add3A_14] : memref<1048576xi32, #tpu.memory_space<vmem_shared>> -> memref<4096xi32, #tpu.memory_space<vmem_shared>>
      %dma_start3A_537 = tpu.memref_slice %arg20[%add3A_14] : memref<1048576xi32, #tpu.memory_space<vmem_shared>> -> memref<4096xi32, #tpu.memory_space<vmem_shared>>
      %dma_start3A_538 = arith.constant 0 : i32
      %dma_start3A_539 = tpu.memref_slice %arg10[%dma_start3A_538] : memref<8192xi32, #tpu.memory_space<vmem>> -> memref<4096xi32, #tpu.memory_space<vmem>>
      tpu.enqueue_dma source(%dma_start3A_539 : memref<4096xi32, #tpu.memory_space<vmem>>) target(%dma_start3A_537 : memref<4096xi32, #tpu.memory_space<vmem_shared>>) target_semaphore(%run_scoped3A_533 : memref<!tpu.dma_semaphore, #tpu.memory_space<semaphore_mem>>)
      %dma_wait3A_540 = arith.constant 0 : i32
      %dma_wait3A_541 = tpu.memref_slice %arg10[%dma_wait3A_540] : memref<8192xi32, #tpu.memory_space<vmem>> -> memref<4096xi32, #tpu.memory_space<vmem>>
      %dma_wait3A_542 = tpu.memref_slice %arg20[%add3A_14] : memref<1048576xi32, #tpu.memory_space<vmem_shared>> -> memref<4096xi32, #tpu.memory_space<vmem_shared>>
      %dma_wait3A_543 = tpu.memref_slice %arg20[%add3A_14] : memref<1048576xi32, #tpu.memory_space<vmem_shared>> -> memref<4096xi32, #tpu.memory_space<vmem_shared>>
      %dma_wait3A_544 = arith.constant 0 : i32
      %dma_wait3A_545 = tpu.memref_slice %arg10[%dma_wait3A_544] : memref<8192xi32, #tpu.memory_space<vmem>> -> memref<4096xi32, #tpu.memory_space<vmem>>
      tpu.wait_dma2 semaphore(%run_scoped3A_533 : memref<!tpu.dma_semaphore, #tpu.memory_space<semaphore_mem>>) src(%dma_wait3A_545 : memref<4096xi32, #tpu.memory_space<vmem>>) dst(%dma_wait3A_543 : memref<4096xi32, #tpu.memory_space<vmem_shared>>)
      tpu.yield
    }) : () -> ()
    %mul3A_15 = arith.constant 32768 : i32
    %mul3A_16 = arith.muli %arg1, %mul3A_15 : i32
    %add3A_17 = arith.constant 4096 : i32
    %add3A_18 = arith.addi %mul3A_16, %add3A_17 : i32
    "tpu.region"() ({
      %run_scoped3A_533 = tpu.sem_alloc : memref<!tpu.dma_semaphore, #tpu.memory_space<semaphore_mem>>
      %dma_start3A_534 = arith.constant 0 : i32
      %dma_start3A_535 = tpu.memref_slice %arg10[%dma_start3A_534] : memref<8192xi32, #tpu.memory_space<vmem>> -> memref<4096xi32, #tpu.memory_space<vmem>>
      %dma_start3A_536 = tpu.memref_slice %arg20[%add3A_18] : memref<1048576xi32, #tpu.memory_space<vmem_shared>> -> memref<4096xi32, #tpu.memory_space<vmem_shared>>
      %dma_start3A_537 = tpu.memref_slice %arg20[%add3A_18] : memref<1048576xi32, #tpu.memory_space<vmem_shared>> -> memref<4096xi32, #tpu.memory_space<vmem_shared>>
      %dma_start3A_538 = arith.constant 0 : i32
      %dma_start3A_539 = tpu.memref_slice %arg10[%dma_start3A_538] : memref<8192xi32, #tpu.memory_space<vmem>> -> memref<4096xi32, #tpu.memory_space<vmem>>
      tpu.enqueue_dma source(%dma_start3A_539 : memref<4096xi32, #tpu.memory_space<vmem>>) target(%dma_start3A_537 : memref<4096xi32, #tpu.memory_space<vmem_shared>>) target_semaphore(%run_scoped3A_533 : memref<!tpu.dma_semaphore, #tpu.memory_space<semaphore_mem>>)
      %dma_wait3A_540 = arith.constant 0 : i32
      %dma_wait3A_541 = tpu.memref_slice %arg10[%dma_wait3A_540] : memref<8192xi32, #tpu.memory_space<vmem>> -> memref<4096xi32, #tpu.memory_space<vmem>>
      %dma_wait3A_542 = tpu.memref_slice %arg20[%add3A_18] : memref<1048576xi32, #tpu.memory_space<vmem_shared>> -> memref<4096xi32, #tpu.memory_space<vmem_shared>>
      %dma_wait3A_543 = tpu.memref_slice %arg20[%add3A_18] : memref<1048576xi32, #tpu.memory_space<vmem_shared>> -> memref<4096xi32, #tpu.memory_space<vmem_shared>>
      %dma_wait3A_544 = arith.constant 0 : i32
      %dma_wait3A_545 = tpu.memref_slice %arg10[%dma_wait3A_544] : memref<8192xi32, #tpu.memory_space<vmem>> -> memref<4096xi32, #tpu.memory_space<vmem>>
      tpu.wait_dma2 semaphore(%run_scoped3A_533 : memref<!tpu.dma_semaphore, #tpu.memory_space<semaphore_mem>>) src(%dma_wait3A_545 : memref<4096xi32, #tpu.memory_space<vmem>>) dst(%dma_wait3A_543 : memref<4096xi32, #tpu.memory_space<vmem_shared>>)
      tpu.yield
    }) : () -> ()
    %mul3A_19 = arith.constant 32768 : i32
    %mul3A_20 = arith.muli %arg1, %mul3A_19 : i32
    %add3A_21 = arith.constant 8192 : i32
    %add3A_22 = arith.addi %mul3A_20, %add3A_21 : i32
    "tpu.region"() ({
      %run_scoped3A_533 = tpu.sem_alloc : memref<!tpu.dma_semaphore, #tpu.memory_space<semaphore_mem>>
      %dma_start3A_534 = arith.constant 0 : i32
      %dma_start3A_535 = tpu.memref_slice %arg10[%dma_start3A_534] : memref<8192xi32, #tpu.memory_space<vmem>> -> memref<4096xi32, #tpu.memory_space<vmem>>
      %dma_start3A_536 = tpu.memref_slice %arg20[%add3A_22] : memref<1048576xi32, #tpu.memory_space<vmem_shared>> -> memref<4096xi32, #tpu.memory_space<vmem_shared>>
      %dma_start3A_537 = tpu.memref_slice %arg20[%add3A_22] : memref<1048576xi32, #tpu.memory_space<vmem_shared>> -> memref<4096xi32, #tpu.memory_space<vmem_shared>>
      %dma_start3A_538 = arith.constant 0 : i32
      %dma_start3A_539 = tpu.memref_slice %arg10[%dma_start3A_538] : memref<8192xi32, #tpu.memory_space<vmem>> -> memref<4096xi32, #tpu.memory_space<vmem>>
      tpu.enqueue_dma source(%dma_start3A_539 : memref<4096xi32, #tpu.memory_space<vmem>>) target(%dma_start3A_537 : memref<4096xi32, #tpu.memory_space<vmem_shared>>) target_semaphore(%run_scoped3A_533 : memref<!tpu.dma_semaphore, #tpu.memory_space<semaphore_mem>>)
      %dma_wait3A_540 = arith.constant 0 : i32
      %dma_wait3A_541 = tpu.memref_slice %arg10[%dma_wait3A_540] : memref<8192xi32, #tpu.memory_space<vmem>> -> memref<4096xi32, #tpu.memory_space<vmem>>
      %dma_wait3A_542 = tpu.memref_slice %arg20[%add3A_22] : memref<1048576xi32, #tpu.memory_space<vmem_shared>> -> memref<4096xi32, #tpu.memory_space<vmem_shared>>
      %dma_wait3A_543 = tpu.memref_slice %arg20[%add3A_22] : memref<1048576xi32, #tpu.memory_space<vmem_shared>> -> memref<4096xi32, #tpu.memory_space<vmem_shared>>
      %dma_wait3A_544 = arith.constant 0 : i32
      %dma_wait3A_545 = tpu.memref_slice %arg10[%dma_wait3A_544] : memref<8192xi32, #tpu.memory_space<vmem>> -> memref<4096xi32, #tpu.memory_space<vmem>>
      tpu.wait_dma2 semaphore(%run_scoped3A_533 : memref<!tpu.dma_semaphore, #tpu.memory_space<semaphore_mem>>) src(%dma_wait3A_545 : memref<4096xi32, #tpu.memory_space<vmem>>) dst(%dma_wait3A_543 : memref<4096xi32, #tpu.memory_space<vmem_shared>>)
      tpu.yield
    }) : () -> ()
    %mul3A_23 = arith.constant 32768 : i32
    %mul3A_24 = arith.muli %arg1, %mul3A_23 : i32
    %add3A_25 = arith.constant 12288 : i32
    %add3A_26 = arith.addi %mul3A_24, %add3A_25 : i32
    "tpu.region"() ({
      %run_scoped3A_533 = tpu.sem_alloc : memref<!tpu.dma_semaphore, #tpu.memory_space<semaphore_mem>>
      %dma_start3A_534 = arith.constant 0 : i32
      %dma_start3A_535 = tpu.memref_slice %arg10[%dma_start3A_534] : memref<8192xi32, #tpu.memory_space<vmem>> -> memref<4096xi32, #tpu.memory_space<vmem>>
      %dma_start3A_536 = tpu.memref_slice %arg20[%add3A_26] : memref<1048576xi32, #tpu.memory_space<vmem_shared>> -> memref<4096xi32, #tpu.memory_space<vmem_shared>>
      %dma_start3A_537 = tpu.memref_slice %arg20[%add3A_26] : memref<1048576xi32, #tpu.memory_space<vmem_shared>> -> memref<4096xi32, #tpu.memory_space<vmem_shared>>
      %dma_start3A_538 = arith.constant 0 : i32
      %dma_start3A_539 = tpu.memref_slice %arg10[%dma_start3A_538] : memref<8192xi32, #tpu.memory_space<vmem>> -> memref<4096xi32, #tpu.memory_space<vmem>>
      tpu.enqueue_dma source(%dma_start3A_539 : memref<4096xi32, #tpu.memory_space<vmem>>) target(%dma_start3A_537 : memref<4096xi32, #tpu.memory_space<vmem_shared>>) target_semaphore(%run_scoped3A_533 : memref<!tpu.dma_semaphore, #tpu.memory_space<semaphore_mem>>)
      %dma_wait3A_540 = arith.constant 0 : i32
      %dma_wait3A_541 = tpu.memref_slice %arg10[%dma_wait3A_540] : memref<8192xi32, #tpu.memory_space<vmem>> -> memref<4096xi32, #tpu.memory_space<vmem>>
      %dma_wait3A_542 = tpu.memref_slice %arg20[%add3A_26] : memref<1048576xi32, #tpu.memory_space<vmem_shared>> -> memref<4096xi32, #tpu.memory_space<vmem_shared>>
      %dma_wait3A_543 = tpu.memref_slice %arg20[%add3A_26] : memref<1048576xi32, #tpu.memory_space<vmem_shared>> -> memref<4096xi32, #tpu.memory_space<vmem_shared>>
      %dma_wait3A_544 = arith.constant 0 : i32
      %dma_wait3A_545 = tpu.memref_slice %arg10[%dma_wait3A_544] : memref<8192xi32, #tpu.memory_space<vmem>> -> memref<4096xi32, #tpu.memory_space<vmem>>
      tpu.wait_dma2 semaphore(%run_scoped3A_533 : memref<!tpu.dma_semaphore, #tpu.memory_space<semaphore_mem>>) src(%dma_wait3A_545 : memref<4096xi32, #tpu.memory_space<vmem>>) dst(%dma_wait3A_543 : memref<4096xi32, #tpu.memory_space<vmem_shared>>)
      tpu.yield
    }) : () -> ()
    %mul3A_27 = arith.constant 32768 : i32
    %mul3A_28 = arith.muli %arg1, %mul3A_27 : i32
    %add3A_29 = arith.constant 16384 : i32
    %add3A_30 = arith.addi %mul3A_28, %add3A_29 : i32
    "tpu.region"() ({
      %run_scoped3A_533 = tpu.sem_alloc : memref<!tpu.dma_semaphore, #tpu.memory_space<semaphore_mem>>
      %dma_start3A_534 = arith.constant 0 : i32
      %dma_start3A_535 = tpu.memref_slice %arg10[%dma_start3A_534] : memref<8192xi32, #tpu.memory_space<vmem>> -> memref<4096xi32, #tpu.memory_space<vmem>>
      %dma_start3A_536 = tpu.memref_slice %arg20[%add3A_30] : memref<1048576xi32, #tpu.memory_space<vmem_shared>> -> memref<4096xi32, #tpu.memory_space<vmem_shared>>
      %dma_start3A_537 = tpu.memref_slice %arg20[%add3A_30] : memref<1048576xi32, #tpu.memory_space<vmem_shared>> -> memref<4096xi32, #tpu.memory_space<vmem_shared>>
      %dma_start3A_538 = arith.constant 0 : i32
      %dma_start3A_539 = tpu.memref_slice %arg10[%dma_start3A_538] : memref<8192xi32, #tpu.memory_space<vmem>> -> memref<4096xi32, #tpu.memory_space<vmem>>
      tpu.enqueue_dma source(%dma_start3A_539 : memref<4096xi32, #tpu.memory_space<vmem>>) target(%dma_start3A_537 : memref<4096xi32, #tpu.memory_space<vmem_shared>>) target_semaphore(%run_scoped3A_533 : memref<!tpu.dma_semaphore, #tpu.memory_space<semaphore_mem>>)
      %dma_wait3A_540 = arith.constant 0 : i32
      %dma_wait3A_541 = tpu.memref_slice %arg10[%dma_wait3A_540] : memref<8192xi32, #tpu.memory_space<vmem>> -> memref<4096xi32, #tpu.memory_space<vmem>>
      %dma_wait3A_542 = tpu.memref_slice %arg20[%add3A_30] : memref<1048576xi32, #tpu.memory_space<vmem_shared>> -> memref<4096xi32, #tpu.memory_space<vmem_shared>>
      %dma_wait3A_543 = tpu.memref_slice %arg20[%add3A_30] : memref<1048576xi32, #tpu.memory_space<vmem_shared>> -> memref<4096xi32, #tpu.memory_space<vmem_shared>>
      %dma_wait3A_544 = arith.constant 0 : i32
      %dma_wait3A_545 = tpu.memref_slice %arg10[%dma_wait3A_544] : memref<8192xi32, #tpu.memory_space<vmem>> -> memref<4096xi32, #tpu.memory_space<vmem>>
      tpu.wait_dma2 semaphore(%run_scoped3A_533 : memref<!tpu.dma_semaphore, #tpu.memory_space<semaphore_mem>>) src(%dma_wait3A_545 : memref<4096xi32, #tpu.memory_space<vmem>>) dst(%dma_wait3A_543 : memref<4096xi32, #tpu.memory_space<vmem_shared>>)
      tpu.yield
    }) : () -> ()
    %mul3A_31 = arith.constant 32768 : i32
    %mul3A_32 = arith.muli %arg1, %mul3A_31 : i32
    %add3A_33 = arith.constant 20480 : i32
    %add3A_34 = arith.addi %mul3A_32, %add3A_33 : i32
    "tpu.region"() ({
      %run_scoped3A_533 = tpu.sem_alloc : memref<!tpu.dma_semaphore, #tpu.memory_space<semaphore_mem>>
      %dma_start3A_534 = arith.constant 0 : i32
      %dma_start3A_535 = tpu.memref_slice %arg10[%dma_start3A_534] : memref<8192xi32, #tpu.memory_space<vmem>> -> memref<4096xi32, #tpu.memory_space<vmem>>
      %dma_start3A_536 = tpu.memref_slice %arg20[%add3A_34] : memref<1048576xi32, #tpu.memory_space<vmem_shared>> -> memref<4096xi32, #tpu.memory_space<vmem_shared>>
      %dma_start3A_537 = tpu.memref_slice %arg20[%add3A_34] : memref<1048576xi32, #tpu.memory_space<vmem_shared>> -> memref<4096xi32, #tpu.memory_space<vmem_shared>>
      %dma_start3A_538 = arith.constant 0 : i32
      %dma_start3A_539 = tpu.memref_slice %arg10[%dma_start3A_538] : memref<8192xi32, #tpu.memory_space<vmem>> -> memref<4096xi32, #tpu.memory_space<vmem>>
      tpu.enqueue_dma source(%dma_start3A_539 : memref<4096xi32, #tpu.memory_space<vmem>>) target(%dma_start3A_537 : memref<4096xi32, #tpu.memory_space<vmem_shared>>) target_semaphore(%run_scoped3A_533 : memref<!tpu.dma_semaphore, #tpu.memory_space<semaphore_mem>>)
      %dma_wait3A_540 = arith.constant 0 : i32
      %dma_wait3A_541 = tpu.memref_slice %arg10[%dma_wait3A_540] : memref<8192xi32, #tpu.memory_space<vmem>> -> memref<4096xi32, #tpu.memory_space<vmem>>
      %dma_wait3A_542 = tpu.memref_slice %arg20[%add3A_34] : memref<1048576xi32, #tpu.memory_space<vmem_shared>> -> memref<4096xi32, #tpu.memory_space<vmem_shared>>
      %dma_wait3A_543 = tpu.memref_slice %arg20[%add3A_34] : memref<1048576xi32, #tpu.memory_space<vmem_shared>> -> memref<4096xi32, #tpu.memory_space<vmem_shared>>
      %dma_wait3A_544 = arith.constant 0 : i32
      %dma_wait3A_545 = tpu.memref_slice %arg10[%dma_wait3A_544] : memref<8192xi32, #tpu.memory_space<vmem>> -> memref<4096xi32, #tpu.memory_space<vmem>>
      tpu.wait_dma2 semaphore(%run_scoped3A_533 : memref<!tpu.dma_semaphore, #tpu.memory_space<semaphore_mem>>) src(%dma_wait3A_545 : memref<4096xi32, #tpu.memory_space<vmem>>) dst(%dma_wait3A_543 : memref<4096xi32, #tpu.memory_space<vmem_shared>>)
      tpu.yield
    }) : () -> ()
    %mul3A_35 = arith.constant 32768 : i32
    %mul3A_36 = arith.muli %arg1, %mul3A_35 : i32
    %add3A_37 = arith.constant 24576 : i32
    %add3A_38 = arith.addi %mul3A_36, %add3A_37 : i32
    "tpu.region"() ({
      %run_scoped3A_533 = tpu.sem_alloc : memref<!tpu.dma_semaphore, #tpu.memory_space<semaphore_mem>>
      %dma_start3A_534 = arith.constant 0 : i32
      %dma_start3A_535 = tpu.memref_slice %arg10[%dma_start3A_534] : memref<8192xi32, #tpu.memory_space<vmem>> -> memref<4096xi32, #tpu.memory_space<vmem>>
      %dma_start3A_536 = tpu.memref_slice %arg20[%add3A_38] : memref<1048576xi32, #tpu.memory_space<vmem_shared>> -> memref<4096xi32, #tpu.memory_space<vmem_shared>>
      %dma_start3A_537 = tpu.memref_slice %arg20[%add3A_38] : memref<1048576xi32, #tpu.memory_space<vmem_shared>> -> memref<4096xi32, #tpu.memory_space<vmem_shared>>
      %dma_start3A_538 = arith.constant 0 : i32
      %dma_start3A_539 = tpu.memref_slice %arg10[%dma_start3A_538] : memref<8192xi32, #tpu.memory_space<vmem>> -> memref<4096xi32, #tpu.memory_space<vmem>>
      tpu.enqueue_dma source(%dma_start3A_539 : memref<4096xi32, #tpu.memory_space<vmem>>) target(%dma_start3A_537 : memref<4096xi32, #tpu.memory_space<vmem_shared>>) target_semaphore(%run_scoped3A_533 : memref<!tpu.dma_semaphore, #tpu.memory_space<semaphore_mem>>)
      %dma_wait3A_540 = arith.constant 0 : i32
      %dma_wait3A_541 = tpu.memref_slice %arg10[%dma_wait3A_540] : memref<8192xi32, #tpu.memory_space<vmem>> -> memref<4096xi32, #tpu.memory_space<vmem>>
      %dma_wait3A_542 = tpu.memref_slice %arg20[%add3A_38] : memref<1048576xi32, #tpu.memory_space<vmem_shared>> -> memref<4096xi32, #tpu.memory_space<vmem_shared>>
      %dma_wait3A_543 = tpu.memref_slice %arg20[%add3A_38] : memref<1048576xi32, #tpu.memory_space<vmem_shared>> -> memref<4096xi32, #tpu.memory_space<vmem_shared>>
      %dma_wait3A_544 = arith.constant 0 : i32
      %dma_wait3A_545 = tpu.memref_slice %arg10[%dma_wait3A_544] : memref<8192xi32, #tpu.memory_space<vmem>> -> memref<4096xi32, #tpu.memory_space<vmem>>
      tpu.wait_dma2 semaphore(%run_scoped3A_533 : memref<!tpu.dma_semaphore, #tpu.memory_space<semaphore_mem>>) src(%dma_wait3A_545 : memref<4096xi32, #tpu.memory_space<vmem>>) dst(%dma_wait3A_543 : memref<4096xi32, #tpu.memory_space<vmem_shared>>)
      tpu.yield
    }) : () -> ()
    %mul3A_39 = arith.constant 32768 : i32
    %mul3A_40 = arith.muli %arg1, %mul3A_39 : i32
    %add3A_41 = arith.constant 28672 : i32
    %add3A_42 = arith.addi %mul3A_40, %add3A_41 : i32
    "tpu.region"() ({
      %run_scoped3A_533 = tpu.sem_alloc : memref<!tpu.dma_semaphore, #tpu.memory_space<semaphore_mem>>
      %dma_start3A_534 = arith.constant 0 : i32
      %dma_start3A_535 = tpu.memref_slice %arg10[%dma_start3A_534] : memref<8192xi32, #tpu.memory_space<vmem>> -> memref<4096xi32, #tpu.memory_space<vmem>>
      %dma_start3A_536 = tpu.memref_slice %arg20[%add3A_42] : memref<1048576xi32, #tpu.memory_space<vmem_shared>> -> memref<4096xi32, #tpu.memory_space<vmem_shared>>
      %dma_start3A_537 = tpu.memref_slice %arg20[%add3A_42] : memref<1048576xi32, #tpu.memory_space<vmem_shared>> -> memref<4096xi32, #tpu.memory_space<vmem_shared>>
      %dma_start3A_538 = arith.constant 0 : i32
      %dma_start3A_539 = tpu.memref_slice %arg10[%dma_start3A_538] : memref<8192xi32, #tpu.memory_space<vmem>> -> memref<4096xi32, #tpu.memory_space<vmem>>
      tpu.enqueue_dma source(%dma_start3A_539 : memref<4096xi32, #tpu.memory_space<vmem>>) target(%dma_start3A_537 : memref<4096xi32, #tpu.memory_space<vmem_shared>>) target_semaphore(%run_scoped3A_533 : memref<!tpu.dma_semaphore, #tpu.memory_space<semaphore_mem>>)
      %dma_wait3A_540 = arith.constant 0 : i32
      %dma_wait3A_541 = tpu.memref_slice %arg10[%dma_wait3A_540] : memref<8192xi32, #tpu.memory_space<vmem>> -> memref<4096xi32, #tpu.memory_space<vmem>>
      %dma_wait3A_542 = tpu.memref_slice %arg20[%add3A_42] : memref<1048576xi32, #tpu.memory_space<vmem_shared>> -> memref<4096xi32, #tpu.memory_space<vmem_shared>>
      %dma_wait3A_543 = tpu.memref_slice %arg20[%add3A_42] : memref<1048576xi32, #tpu.memory_space<vmem_shared>> -> memref<4096xi32, #tpu.memory_space<vmem_shared>>
      %dma_wait3A_544 = arith.constant 0 : i32
      %dma_wait3A_545 = tpu.memref_slice %arg10[%dma_wait3A_544] : memref<8192xi32, #tpu.memory_space<vmem>> -> memref<4096xi32, #tpu.memory_space<vmem>>
      tpu.wait_dma2 semaphore(%run_scoped3A_533 : memref<!tpu.dma_semaphore, #tpu.memory_space<semaphore_mem>>) src(%dma_wait3A_545 : memref<4096xi32, #tpu.memory_space<vmem>>) dst(%dma_wait3A_543 : memref<4096xi32, #tpu.memory_space<vmem_shared>>)
      tpu.yield
    }) : () -> ()
    %mul3A_43 = arith.constant 256 : i32
    %mul3A_44 = arith.muli %arg1, %mul3A_43 : i32
    "tpu.region"() ({
      %run_scoped3A_533 = tpu.sem_alloc : memref<!tpu.dma_semaphore, #tpu.memory_space<semaphore_mem>>
      %dma_start3A_534 = tpu.memref_slice %arg21[%mul3A_44] : memref<4096xf32, #tpu.memory_space<vmem_shared>> -> memref<256xf32, #tpu.memory_space<vmem_shared>>
      %dma_start3A_535 = tpu.memref_slice %arg21[%mul3A_44] : memref<4096xf32, #tpu.memory_space<vmem_shared>> -> memref<256xf32, #tpu.memory_space<vmem_shared>>
      tpu.enqueue_dma source(%arg18 : memref<256xf32, #tpu.memory_space<vmem>>) target(%dma_start3A_535 : memref<256xf32, #tpu.memory_space<vmem_shared>>) target_semaphore(%run_scoped3A_533 : memref<!tpu.dma_semaphore, #tpu.memory_space<semaphore_mem>>)
      %dma_wait3A_536 = tpu.memref_slice %arg21[%mul3A_44] : memref<4096xf32, #tpu.memory_space<vmem_shared>> -> memref<256xf32, #tpu.memory_space<vmem_shared>>
      %dma_wait3A_537 = tpu.memref_slice %arg21[%mul3A_44] : memref<4096xf32, #tpu.memory_space<vmem_shared>> -> memref<256xf32, #tpu.memory_space<vmem_shared>>
      tpu.wait_dma2 semaphore(%run_scoped3A_533 : memref<!tpu.dma_semaphore, #tpu.memory_space<semaphore_mem>>) src(%arg18 : memref<256xf32, #tpu.memory_space<vmem>>) dst(%dma_wait3A_537 : memref<256xf32, #tpu.memory_space<vmem_shared>>)
      tpu.yield
    }) : () -> ()
    %barrier3A = arith.constant 0 : index
    tpu.barrier barrier_id(%barrier3A)
    %mul3A_45 = arith.constant 8192 : i32
    %mul3A_46 = arith.muli %arg1, %mul3A_45 : i32
    %add3A_47 = arith.constant 0 : i32
    %add3A_48 = arith.addi %mul3A_46, %add3A_47 : i32
    %run_scoped3A = arith.constant 0 : i32
    "tpu.region"() ({
      %run_scoped3A_533 = tpu.sem_alloc : memref<!tpu.dma_semaphore, #tpu.memory_space<semaphore_mem>>
      %dma_start3A_534 = tpu.memref_slice %arg2[%run_scoped3A, %add3A_48] : memref<2x131072xi32, #tpu.memory_space<hbm>> -> memref<1x4096xi32, #tpu.memory_space<hbm>>
      %dma_start3A_535 = tpu.memref_squeeze %dma_start3A_534 : memref<1x4096xi32, #tpu.memory_space<hbm>> -> memref<4096xi32, #tpu.memory_space<hbm>>
      %dma_start3A_536 = tpu.memref_slice %arg2[%run_scoped3A, %add3A_48] : memref<2x131072xi32, #tpu.memory_space<hbm>> -> memref<1x4096xi32, #tpu.memory_space<hbm>>
      %dma_start3A_537 = tpu.memref_squeeze %dma_start3A_536 : memref<1x4096xi32, #tpu.memory_space<hbm>> -> memref<4096xi32, #tpu.memory_space<hbm>>
      tpu.enqueue_dma source(%dma_start3A_537 : memref<4096xi32, #tpu.memory_space<hbm>>) target(%arg6 : memref<4096xi32, #tpu.memory_space<vmem>>) target_semaphore(%run_scoped3A_533 : memref<!tpu.dma_semaphore, #tpu.memory_space<semaphore_mem>>)
      %dma_wait3A_538 = tpu.memref_slice %arg2[%run_scoped3A, %add3A_48] : memref<2x131072xi32, #tpu.memory_space<hbm>> -> memref<1x4096xi32, #tpu.memory_space<hbm>>
      %dma_wait3A_539 = tpu.memref_squeeze %dma_wait3A_538 : memref<1x4096xi32, #tpu.memory_space<hbm>> -> memref<4096xi32, #tpu.memory_space<hbm>>
      %dma_wait3A_540 = tpu.memref_slice %arg2[%run_scoped3A, %add3A_48] : memref<2x131072xi32, #tpu.memory_space<hbm>> -> memref<1x4096xi32, #tpu.memory_space<hbm>>
      %dma_wait3A_541 = tpu.memref_squeeze %dma_wait3A_540 : memref<1x4096xi32, #tpu.memory_space<hbm>> -> memref<4096xi32, #tpu.memory_space<hbm>>
      tpu.wait_dma2 semaphore(%run_scoped3A_533 : memref<!tpu.dma_semaphore, #tpu.memory_space<semaphore_mem>>) src(%dma_wait3A_541 : memref<4096xi32, #tpu.memory_space<hbm>>) dst(%arg6 : memref<4096xi32, #tpu.memory_space<vmem>>)
      tpu.yield
    }) : () -> ()
    %run_scoped3A_49 = arith.constant 1 : i32
    "tpu.region"() ({
      %run_scoped3A_533 = tpu.sem_alloc : memref<!tpu.dma_semaphore, #tpu.memory_space<semaphore_mem>>
      %dma_start3A_534 = tpu.memref_slice %arg2[%run_scoped3A_49, %add3A_48] : memref<2x131072xi32, #tpu.memory_space<hbm>> -> memref<1x4096xi32, #tpu.memory_space<hbm>>
      %dma_start3A_535 = tpu.memref_squeeze %dma_start3A_534 : memref<1x4096xi32, #tpu.memory_space<hbm>> -> memref<4096xi32, #tpu.memory_space<hbm>>
      %dma_start3A_536 = tpu.memref_slice %arg2[%run_scoped3A_49, %add3A_48] : memref<2x131072xi32, #tpu.memory_space<hbm>> -> memref<1x4096xi32, #tpu.memory_space<hbm>>
      %dma_start3A_537 = tpu.memref_squeeze %dma_start3A_536 : memref<1x4096xi32, #tpu.memory_space<hbm>> -> memref<4096xi32, #tpu.memory_space<hbm>>
      tpu.enqueue_dma source(%dma_start3A_537 : memref<4096xi32, #tpu.memory_space<hbm>>) target(%arg7 : memref<4096xi32, #tpu.memory_space<vmem>>) target_semaphore(%run_scoped3A_533 : memref<!tpu.dma_semaphore, #tpu.memory_space<semaphore_mem>>)
      %dma_wait3A_538 = tpu.memref_slice %arg2[%run_scoped3A_49, %add3A_48] : memref<2x131072xi32, #tpu.memory_space<hbm>> -> memref<1x4096xi32, #tpu.memory_space<hbm>>
      %dma_wait3A_539 = tpu.memref_squeeze %dma_wait3A_538 : memref<1x4096xi32, #tpu.memory_space<hbm>> -> memref<4096xi32, #tpu.memory_space<hbm>>
      %dma_wait3A_540 = tpu.memref_slice %arg2[%run_scoped3A_49, %add3A_48] : memref<2x131072xi32, #tpu.memory_space<hbm>> -> memref<1x4096xi32, #tpu.memory_space<hbm>>
      %dma_wait3A_541 = tpu.memref_squeeze %dma_wait3A_540 : memref<1x4096xi32, #tpu.memory_space<hbm>> -> memref<4096xi32, #tpu.memory_space<hbm>>
      tpu.wait_dma2 semaphore(%run_scoped3A_533 : memref<!tpu.dma_semaphore, #tpu.memory_space<semaphore_mem>>) src(%dma_wait3A_541 : memref<4096xi32, #tpu.memory_space<hbm>>) dst(%arg7 : memref<4096xi32, #tpu.memory_space<vmem>>)
      tpu.yield
    }) : () -> ()
    "tpu.region"() ({
      %run_scoped3A_533 = tpu.sem_alloc : memref<!tpu.dma_semaphore, #tpu.memory_space<semaphore_mem>>
      %dma_start3A_534 = tpu.memref_slice %arg3[%add3A_48] : memref<131072xf32, #tpu.memory_space<hbm>> -> memref<4096xf32, #tpu.memory_space<hbm>>
      %dma_start3A_535 = tpu.memref_slice %arg3[%add3A_48] : memref<131072xf32, #tpu.memory_space<hbm>> -> memref<4096xf32, #tpu.memory_space<hbm>>
      tpu.enqueue_dma source(%dma_start3A_535 : memref<4096xf32, #tpu.memory_space<hbm>>) target(%arg8 : memref<4096xf32, #tpu.memory_space<vmem>>) target_semaphore(%run_scoped3A_533 : memref<!tpu.dma_semaphore, #tpu.memory_space<semaphore_mem>>)
      %dma_wait3A_536 = tpu.memref_slice %arg3[%add3A_48] : memref<131072xf32, #tpu.memory_space<hbm>> -> memref<4096xf32, #tpu.memory_space<hbm>>
      %dma_wait3A_537 = tpu.memref_slice %arg3[%add3A_48] : memref<131072xf32, #tpu.memory_space<hbm>> -> memref<4096xf32, #tpu.memory_space<hbm>>
      tpu.wait_dma2 semaphore(%run_scoped3A_533 : memref<!tpu.dma_semaphore, #tpu.memory_space<semaphore_mem>>) src(%dma_wait3A_537 : memref<4096xf32, #tpu.memory_space<hbm>>) dst(%arg8 : memref<4096xf32, #tpu.memory_space<vmem>>)
      tpu.yield
    }) : () -> ()
    %scan3A_50 = arith.constant 0 : i32
    %scan3A_51 = arith.constant 0 : i32
    %scan3A_52 = arith.constant 256 : i32
    %scan3A_53 = arith.addi %scan3A_51, %scan3A_52 : i32
    %scan3A_54 = arith.constant 1 : i32
    %scan3A_55 = scf.for %scan3A_533 = %scan3A_51 to %scan3A_53 step %scan3A_54 iter_args(%scan3A_534 = %scan3A_50) -> (i32)  : i32 {
      %mul3A_535 = arith.constant 16 : i32
      %mul3A_536 = arith.muli %scan3A_533, %mul3A_535 : i32
      %get3A_537 = arith.index_cast %mul3A_536 : i32 to index
      %get3A_538 = tpu.vector_load %arg6[%get3A_537] {strides = array<i32>} : memref<4096xi32, #tpu.memory_space<vmem>>, vector<16xi32>,
      %get3A_539 = vector.shape_cast %get3A_538 : vector<16xi32> to vector<16xi32>
      %get3A_540 = arith.index_cast %mul3A_536 : i32 to index
      %get3A_541 = tpu.vector_load %arg7[%get3A_540] {strides = array<i32>} : memref<4096xi32, #tpu.memory_space<vmem>>, vector<16xi32>,
      %get3A_542 = vector.shape_cast %get3A_541 : vector<16xi32> to vector<16xi32>
      %mul3A_543 = arith.constant 128 : i32
      %mul3A_544 = vector.broadcast %mul3A_543 : i32 to vector<16xi32>
      %mul3A_545 = arith.muli %get3A_539, %mul3A_544 : vector<16xi32>
      %shift_right_logical3A = arith.constant 5 : i32
      %shift_right_logical3A_546 = vector.broadcast %shift_right_logical3A : i32 to vector<16xi32>
      %shift_right_logical3A_547 = arith.shrui %get3A_542, %shift_right_logical3A_546 : vector<16xi32>
      %add3A_548 = arith.addi %mul3A_545, %shift_right_logical3A_547 : vector<16xi32>
      %swap3A_549 = arith.index_cast %mul3A_536 : i32 to index
      %swap3A_550 = tpu.vector_load %arg13[%swap3A_549] {strides = array<i32>} : memref<4096xi32, #tpu.memory_space<vmem>>, vector<16xi32>,
      %swap3A_551 = vector.shape_cast %swap3A_550 : vector<16xi32> to vector<16xi32>
      %swap3A_552 = vector.shape_cast %add3A_548 : vector<16xi32> to vector<16xi32>
      tpu.vector_store %arg13[%swap3A_549], %swap3A_552 {strides = array<i32>} : memref<4096xi32, #tpu.memory_space<vmem>>, vector<16xi32>,
      %broadcast_in_dim3A_553 = arith.constant 1 : i32
      %broadcast_in_dim3A_554 = vector.broadcast %broadcast_in_dim3A_553 : i32 to vector<16xi32>
      %and3A = arith.constant 31 : i32
      %and3A_555 = vector.broadcast %and3A : i32 to vector<16xi32>
      %and3A_556 = arith.andi %get3A_542, %and3A_555 : vector<16xi32>
      %shift_left3A = arith.shli %broadcast_in_dim3A_554, %and3A_556 : vector<16xi32>
      %swap3A_557 = arith.index_cast %mul3A_536 : i32 to index
      %swap3A_558 = tpu.vector_load %arg14[%swap3A_557] {strides = array<i32>} : memref<4096xi32, #tpu.memory_space<vmem>>, vector<16xi32>,
      %swap3A_559 = vector.shape_cast %swap3A_558 : vector<16xi32> to vector<16xi32>
      %swap3A_560 = vector.shape_cast %shift_left3A : vector<16xi32> to vector<16xi32>
      tpu.vector_store %arg14[%swap3A_557], %swap3A_560 {strides = array<i32>} : memref<4096xi32, #tpu.memory_space<vmem>>, vector<16xi32>,
      %scan3A_561 = arith.constant 0 : i32
      scf.yield %scan3A_561 : i32
    }
    %scan3A_56 = arith.constant 256 : i32
    %dma_start3A = arith.constant 0 : i32
    %dma_start3A_57 = tpu.memref_slice %arg20[%dma_start3A] : memref<1048576xi32, #tpu.memory_space<vmem_shared>> -> memref<1048576xi32, #tpu.memory_space<vmem_shared>>
    tpu.enqueue_indirect_dma source(%arg14 : memref<4096xi32, #tpu.memory_space<vmem>>) target(%dma_start3A_57 : memref<1048576xi32, #tpu.memory_space<vmem_shared>>) offsets(%arg13 : memref<4096xi32, #tpu.memory_space<vmem>>) semaphore(%arg25 : memref<!tpu.dma_semaphore, #tpu.memory_space<semaphore_mem>>) {add = true}
    %dma_start3A_58 = arith.constant 0 : i32
    %dma_start3A_59 = tpu.memref_slice %arg21[%dma_start3A_58] : memref<4096xf32, #tpu.memory_space<vmem_shared>> -> memref<4096xf32, #tpu.memory_space<vmem_shared>>
    tpu.enqueue_indirect_dma source(%arg8 : memref<4096xf32, #tpu.memory_space<vmem>>) target(%dma_start3A_59 : memref<4096xf32, #tpu.memory_space<vmem_shared>>) offsets(%arg6 : memref<4096xi32, #tpu.memory_space<vmem>>) semaphore(%arg25 : memref<!tpu.dma_semaphore, #tpu.memory_space<semaphore_mem>>) {add = true}
    %dma_wait3A = arith.constant 0 : i32
    %dma_wait3A_60 = tpu.memref_slice %arg20[%dma_wait3A] : memref<1048576xi32, #tpu.memory_space<vmem_shared>> -> memref<1048576xi32, #tpu.memory_space<vmem_shared>>
    tpu.wait_indirect_dma semaphore(%arg25 : memref<!tpu.dma_semaphore, #tpu.memory_space<semaphore_mem>>) src(%arg14 : memref<4096xi32, #tpu.memory_space<vmem>>) dst(%dma_wait3A_60 : memref<1048576xi32, #tpu.memory_space<vmem_shared>>)
    %dma_wait3A_61 = arith.constant 0 : i32
    %dma_wait3A_62 = tpu.memref_slice %arg21[%dma_wait3A_61] : memref<4096xf32, #tpu.memory_space<vmem_shared>> -> memref<4096xf32, #tpu.memory_space<vmem_shared>>
    tpu.wait_indirect_dma semaphore(%arg25 : memref<!tpu.dma_semaphore, #tpu.memory_space<semaphore_mem>>) src(%arg8 : memref<4096xf32, #tpu.memory_space<vmem>>) dst(%dma_wait3A_62 : memref<4096xf32, #tpu.memory_space<vmem_shared>>)
    %mul3A_63 = arith.constant 8192 : i32
    %mul3A_64 = arith.muli %arg1, %mul3A_63 : i32
    %add3A_65 = arith.constant 4096 : i32
    %add3A_66 = arith.addi %mul3A_64, %add3A_65 : i32
    %run_scoped3A_67 = arith.constant 0 : i32
    "tpu.region"() ({
      %run_scoped3A_533 = tpu.sem_alloc : memref<!tpu.dma_semaphore, #tpu.memory_space<semaphore_mem>>
      %dma_start3A_534 = tpu.memref_slice %arg2[%run_scoped3A_67, %add3A_66] : memref<2x131072xi32, #tpu.memory_space<hbm>> -> memref<1x4096xi32, #tpu.memory_space<hbm>>
      %dma_start3A_535 = tpu.memref_squeeze %dma_start3A_534 : memref<1x4096xi32, #tpu.memory_space<hbm>> -> memref<4096xi32, #tpu.memory_space<hbm>>
      %dma_start3A_536 = tpu.memref_slice %arg2[%run_scoped3A_67, %add3A_66] : memref<2x131072xi32, #tpu.memory_space<hbm>> -> memref<1x4096xi32, #tpu.memory_space<hbm>>
      %dma_start3A_537 = tpu.memref_squeeze %dma_start3A_536 : memref<1x4096xi32, #tpu.memory_space<hbm>> -> memref<4096xi32, #tpu.memory_space<hbm>>
      tpu.enqueue_dma source(%dma_start3A_537 : memref<4096xi32, #tpu.memory_space<hbm>>) target(%arg6 : memref<4096xi32, #tpu.memory_space<vmem>>) target_semaphore(%run_scoped3A_533 : memref<!tpu.dma_semaphore, #tpu.memory_space<semaphore_mem>>)
      %dma_wait3A_538 = tpu.memref_slice %arg2[%run_scoped3A_67, %add3A_66] : memref<2x131072xi32, #tpu.memory_space<hbm>> -> memref<1x4096xi32, #tpu.memory_space<hbm>>
      %dma_wait3A_539 = tpu.memref_squeeze %dma_wait3A_538 : memref<1x4096xi32, #tpu.memory_space<hbm>> -> memref<4096xi32, #tpu.memory_space<hbm>>
      %dma_wait3A_540 = tpu.memref_slice %arg2[%run_scoped3A_67, %add3A_66] : memref<2x131072xi32, #tpu.memory_space<hbm>> -> memref<1x4096xi32, #tpu.memory_space<hbm>>
      %dma_wait3A_541 = tpu.memref_squeeze %dma_wait3A_540 : memref<1x4096xi32, #tpu.memory_space<hbm>> -> memref<4096xi32, #tpu.memory_space<hbm>>
      tpu.wait_dma2 semaphore(%run_scoped3A_533 : memref<!tpu.dma_semaphore, #tpu.memory_space<semaphore_mem>>) src(%dma_wait3A_541 : memref<4096xi32, #tpu.memory_space<hbm>>) dst(%arg6 : memref<4096xi32, #tpu.memory_space<vmem>>)
      tpu.yield
    }) : () -> ()
    %run_scoped3A_68 = arith.constant 1 : i32
    "tpu.region"() ({
      %run_scoped3A_533 = tpu.sem_alloc : memref<!tpu.dma_semaphore, #tpu.memory_space<semaphore_mem>>
      %dma_start3A_534 = tpu.memref_slice %arg2[%run_scoped3A_68, %add3A_66] : memref<2x131072xi32, #tpu.memory_space<hbm>> -> memref<1x4096xi32, #tpu.memory_space<hbm>>
      %dma_start3A_535 = tpu.memref_squeeze %dma_start3A_534 : memref<1x4096xi32, #tpu.memory_space<hbm>> -> memref<4096xi32, #tpu.memory_space<hbm>>
      %dma_start3A_536 = tpu.memref_slice %arg2[%run_scoped3A_68, %add3A_66] : memref<2x131072xi32, #tpu.memory_space<hbm>> -> memref<1x4096xi32, #tpu.memory_space<hbm>>
      %dma_start3A_537 = tpu.memref_squeeze %dma_start3A_536 : memref<1x4096xi32, #tpu.memory_space<hbm>> -> memref<4096xi32, #tpu.memory_space<hbm>>
      tpu.enqueue_dma source(%dma_start3A_537 : memref<4096xi32, #tpu.memory_space<hbm>>) target(%arg7 : memref<4096xi32, #tpu.memory_space<vmem>>) target_semaphore(%run_scoped3A_533 : memref<!tpu.dma_semaphore, #tpu.memory_space<semaphore_mem>>)
      %dma_wait3A_538 = tpu.memref_slice %arg2[%run_scoped3A_68, %add3A_66] : memref<2x131072xi32, #tpu.memory_space<hbm>> -> memref<1x4096xi32, #tpu.memory_space<hbm>>
      %dma_wait3A_539 = tpu.memref_squeeze %dma_wait3A_538 : memref<1x4096xi32, #tpu.memory_space<hbm>> -> memref<4096xi32, #tpu.memory_space<hbm>>
      %dma_wait3A_540 = tpu.memref_slice %arg2[%run_scoped3A_68, %add3A_66] : memref<2x131072xi32, #tpu.memory_space<hbm>> -> memref<1x4096xi32, #tpu.memory_space<hbm>>
      %dma_wait3A_541 = tpu.memref_squeeze %dma_wait3A_540 : memref<1x4096xi32, #tpu.memory_space<hbm>> -> memref<4096xi32, #tpu.memory_space<hbm>>
      tpu.wait_dma2 semaphore(%run_scoped3A_533 : memref<!tpu.dma_semaphore, #tpu.memory_space<semaphore_mem>>) src(%dma_wait3A_541 : memref<4096xi32, #tpu.memory_space<hbm>>) dst(%arg7 : memref<4096xi32, #tpu.memory_space<vmem>>)
      tpu.yield
    }) : () -> ()
    "tpu.region"() ({
      %run_scoped3A_533 = tpu.sem_alloc : memref<!tpu.dma_semaphore, #tpu.memory_space<semaphore_mem>>
      %dma_start3A_534 = tpu.memref_slice %arg3[%add3A_66] : memref<131072xf32, #tpu.memory_space<hbm>> -> memref<4096xf32, #tpu.memory_space<hbm>>
      %dma_start3A_535 = tpu.memref_slice %arg3[%add3A_66] : memref<131072xf32, #tpu.memory_space<hbm>> -> memref<4096xf32, #tpu.memory_space<hbm>>
      tpu.enqueue_dma source(%dma_start3A_535 : memref<4096xf32, #tpu.memory_space<hbm>>) target(%arg8 : memref<4096xf32, #tpu.memory_space<vmem>>) target_semaphore(%run_scoped3A_533 : memref<!tpu.dma_semaphore, #tpu.memory_space<semaphore_mem>>)
      %dma_wait3A_536 = tpu.memref_slice %arg3[%add3A_66] : memref<131072xf32, #tpu.memory_space<hbm>> -> memref<4096xf32, #tpu.memory_space<hbm>>
      %dma_wait3A_537 = tpu.memref_slice %arg3[%add3A_66] : memref<131072xf32, #tpu.memory_space<hbm>> -> memref<4096xf32, #tpu.memory_space<hbm>>
      tpu.wait_dma2 semaphore(%run_scoped3A_533 : memref<!tpu.dma_semaphore, #tpu.memory_space<semaphore_mem>>) src(%dma_wait3A_537 : memref<4096xf32, #tpu.memory_space<hbm>>) dst(%arg8 : memref<4096xf32, #tpu.memory_space<vmem>>)
      tpu.yield
    }) : () -> ()
    %scan3A_69 = arith.constant 0 : i32
    %scan3A_70 = arith.constant 0 : i32
    %scan3A_71 = arith.constant 256 : i32
    %scan3A_72 = arith.addi %scan3A_70, %scan3A_71 : i32
    %scan3A_73 = arith.constant 1 : i32
    %scan3A_74 = scf.for %scan3A_533 = %scan3A_70 to %scan3A_72 step %scan3A_73 iter_args(%scan3A_534 = %scan3A_69) -> (i32)  : i32 {
      %mul3A_535 = arith.constant 16 : i32
      %mul3A_536 = arith.muli %scan3A_533, %mul3A_535 : i32
      %get3A_537 = arith.index_cast %mul3A_536 : i32 to index
      %get3A_538 = tpu.vector_load %arg6[%get3A_537] {strides = array<i32>} : memref<4096xi32, #tpu.memory_space<vmem>>, vector<16xi32>,
      %get3A_539 = vector.shape_cast %get3A_538 : vector<16xi32> to vector<16xi32>
      %get3A_540 = arith.index_cast %mul3A_536 : i32 to index
      %get3A_541 = tpu.vector_load %arg7[%get3A_540] {strides = array<i32>} : memref<4096xi32, #tpu.memory_space<vmem>>, vector<16xi32>,
      %get3A_542 = vector.shape_cast %get3A_541 : vector<16xi32> to vector<16xi32>
      %mul3A_543 = arith.constant 128 : i32
      %mul3A_544 = vector.broadcast %mul3A_543 : i32 to vector<16xi32>
      %mul3A_545 = arith.muli %get3A_539, %mul3A_544 : vector<16xi32>
      %shift_right_logical3A = arith.constant 5 : i32
      %shift_right_logical3A_546 = vector.broadcast %shift_right_logical3A : i32 to vector<16xi32>
      %shift_right_logical3A_547 = arith.shrui %get3A_542, %shift_right_logical3A_546 : vector<16xi32>
      %add3A_548 = arith.addi %mul3A_545, %shift_right_logical3A_547 : vector<16xi32>
      %swap3A_549 = arith.index_cast %mul3A_536 : i32 to index
      %swap3A_550 = tpu.vector_load %arg13[%swap3A_549] {strides = array<i32>} : memref<4096xi32, #tpu.memory_space<vmem>>, vector<16xi32>,
      %swap3A_551 = vector.shape_cast %swap3A_550 : vector<16xi32> to vector<16xi32>
      %swap3A_552 = vector.shape_cast %add3A_548 : vector<16xi32> to vector<16xi32>
      tpu.vector_store %arg13[%swap3A_549], %swap3A_552 {strides = array<i32>} : memref<4096xi32, #tpu.memory_space<vmem>>, vector<16xi32>,
      %broadcast_in_dim3A_553 = arith.constant 1 : i32
      %broadcast_in_dim3A_554 = vector.broadcast %broadcast_in_dim3A_553 : i32 to vector<16xi32>
      %and3A = arith.constant 31 : i32
      %and3A_555 = vector.broadcast %and3A : i32 to vector<16xi32>
      %and3A_556 = arith.andi %get3A_542, %and3A_555 : vector<16xi32>
      %shift_left3A = arith.shli %broadcast_in_dim3A_554, %and3A_556 : vector<16xi32>
      %swap3A_557 = arith.index_cast %mul3A_536 : i32 to index
      %swap3A_558 = tpu.vector_load %arg14[%swap3A_557] {strides = array<i32>} : memref<4096xi32, #tpu.memory_space<vmem>>, vector<16xi32>,
      %swap3A_559 = vector.shape_cast %swap3A_558 : vector<16xi32> to vector<16xi32>
      %swap3A_560 = vector.shape_cast %shift_left3A : vector<16xi32> to vector<16xi32>
      tpu.vector_store %arg14[%swap3A_557], %swap3A_560 {strides = array<i32>} : memref<4096xi32, #tpu.memory_space<vmem>>, vector<16xi32>,
      %scan3A_561 = arith.constant 0 : i32
      scf.yield %scan3A_561 : i32
    }
    %scan3A_75 = arith.constant 256 : i32
    %dma_start3A_76 = arith.constant 0 : i32
    %dma_start3A_77 = tpu.memref_slice %arg20[%dma_start3A_76] : memref<1048576xi32, #tpu.memory_space<vmem_shared>> -> memref<1048576xi32, #tpu.memory_space<vmem_shared>>
    tpu.enqueue_indirect_dma source(%arg14 : memref<4096xi32, #tpu.memory_space<vmem>>) target(%dma_start3A_77 : memref<1048576xi32, #tpu.memory_space<vmem_shared>>) offsets(%arg13 : memref<4096xi32, #tpu.memory_space<vmem>>) semaphore(%arg25 : memref<!tpu.dma_semaphore, #tpu.memory_space<semaphore_mem>>) {add = true}
    %dma_start3A_78 = arith.constant 0 : i32
    %dma_start3A_79 = tpu.memref_slice %arg21[%dma_start3A_78] : memref<4096xf32, #tpu.memory_space<vmem_shared>> -> memref<4096xf32, #tpu.memory_space<vmem_shared>>
    tpu.enqueue_indirect_dma source(%arg8 : memref<4096xf32, #tpu.memory_space<vmem>>) target(%dma_start3A_79 : memref<4096xf32, #tpu.memory_space<vmem_shared>>) offsets(%arg6 : memref<4096xi32, #tpu.memory_space<vmem>>) semaphore(%arg25 : memref<!tpu.dma_semaphore, #tpu.memory_space<semaphore_mem>>) {add = true}
    %dma_wait3A_80 = arith.constant 0 : i32
    %dma_wait3A_81 = tpu.memref_slice %arg20[%dma_wait3A_80] : memref<1048576xi32, #tpu.memory_space<vmem_shared>> -> memref<1048576xi32, #tpu.memory_space<vmem_shared>>
    tpu.wait_indirect_dma semaphore(%arg25 : memref<!tpu.dma_semaphore, #tpu.memory_space<semaphore_mem>>) src(%arg14 : memref<4096xi32, #tpu.memory_space<vmem>>) dst(%dma_wait3A_81 : memref<1048576xi32, #tpu.memory_space<vmem_shared>>)
    %dma_wait3A_82 = arith.constant 0 : i32
    %dma_wait3A_83 = tpu.memref_slice %arg21[%dma_wait3A_82] : memref<4096xf32, #tpu.memory_space<vmem_shared>> -> memref<4096xf32, #tpu.memory_space<vmem_shared>>
    tpu.wait_indirect_dma semaphore(%arg25 : memref<!tpu.dma_semaphore, #tpu.memory_space<semaphore_mem>>) src(%arg8 : memref<4096xf32, #tpu.memory_space<vmem>>) dst(%dma_wait3A_83 : memref<4096xf32, #tpu.memory_space<vmem_shared>>)
    %barrier3A_84 = arith.constant 0 : index
    tpu.barrier barrier_id(%barrier3A_84)
    %broadcast_in_dim3A = arith.constant 0 : i32
    %broadcast_in_dim3A_85 = vector.broadcast %broadcast_in_dim3A : i32 to vector<16xi32>
    %mul3A_86 = arith.constant 32768 : i32
    %mul3A_87 = arith.muli %arg1, %mul3A_86 : i32
    %add3A_88 = arith.constant 0 : i32
    %add3A_89 = arith.addi %mul3A_87, %add3A_88 : i32
    "tpu.region"() ({
      %run_scoped3A_533 = tpu.sem_alloc : memref<!tpu.dma_semaphore, #tpu.memory_space<semaphore_mem>>
      %dma_start3A_534 = arith.constant 0 : i32
      %dma_start3A_535 = tpu.memref_slice %arg10[%dma_start3A_534] : memref<8192xi32, #tpu.memory_space<vmem>> -> memref<4096xi32, #tpu.memory_space<vmem>>
      %dma_start3A_536 = tpu.memref_slice %arg20[%add3A_89] : memref<1048576xi32, #tpu.memory_space<vmem_shared>> -> memref<4096xi32, #tpu.memory_space<vmem_shared>>
      %dma_start3A_537 = arith.constant 0 : i32
      %dma_start3A_538 = tpu.memref_slice %arg10[%dma_start3A_537] : memref<8192xi32, #tpu.memory_space<vmem>> -> memref<4096xi32, #tpu.memory_space<vmem>>
      %dma_start3A_539 = tpu.memref_slice %arg20[%add3A_89] : memref<1048576xi32, #tpu.memory_space<vmem_shared>> -> memref<4096xi32, #tpu.memory_space<vmem_shared>>
      tpu.enqueue_dma source(%dma_start3A_539 : memref<4096xi32, #tpu.memory_space<vmem_shared>>) target(%dma_start3A_538 : memref<4096xi32, #tpu.memory_space<vmem>>) target_semaphore(%run_scoped3A_533 : memref<!tpu.dma_semaphore, #tpu.memory_space<semaphore_mem>>)
      %dma_wait3A_540 = arith.constant 0 : i32
      %dma_wait3A_541 = tpu.memref_slice %arg10[%dma_wait3A_540] : memref<8192xi32, #tpu.memory_space<vmem>> -> memref<4096xi32, #tpu.memory_space<vmem>>
      %dma_wait3A_542 = tpu.memref_slice %arg20[%add3A_89] : memref<1048576xi32, #tpu.memory_space<vmem_shared>> -> memref<4096xi32, #tpu.memory_space<vmem_shared>>
      %dma_wait3A_543 = arith.constant 0 : i32
      %dma_wait3A_544 = tpu.memref_slice %arg10[%dma_wait3A_543] : memref<8192xi32, #tpu.memory_space<vmem>> -> memref<4096xi32, #tpu.memory_space<vmem>>
      %dma_wait3A_545 = tpu.memref_slice %arg20[%add3A_89] : memref<1048576xi32, #tpu.memory_space<vmem_shared>> -> memref<4096xi32, #tpu.memory_space<vmem_shared>>
      tpu.wait_dma2 semaphore(%run_scoped3A_533 : memref<!tpu.dma_semaphore, #tpu.memory_space<semaphore_mem>>) src(%dma_wait3A_545 : memref<4096xi32, #tpu.memory_space<vmem_shared>>) dst(%dma_wait3A_544 : memref<4096xi32, #tpu.memory_space<vmem>>)
      tpu.yield
    }) : () -> ()
    %scan3A_90 = arith.constant 0 : i32
    %scan3A_91 = arith.constant 256 : i32
    %scan3A_92 = arith.addi %scan3A_90, %scan3A_91 : i32
    %scan3A_93 = arith.constant 1 : i32
    %scan3A_94 = scf.for %scan3A_533 = %scan3A_90 to %scan3A_92 step %scan3A_93 iter_args(%scan3A_534 = %broadcast_in_dim3A_85) -> (vector<16xi32>)  : i32 {
      %mul3A_535 = arith.constant 16 : i32
      %mul3A_536 = arith.muli %scan3A_533, %mul3A_535 : i32
      %get3A_537 = arith.index_cast %mul3A_536 : i32 to index
      %get3A_538 = tpu.vector_load %arg10[%get3A_537] {strides = array<i32>} : memref<8192xi32, #tpu.memory_space<vmem>>, vector<16xi32>,
      %get3A_539 = vector.shape_cast %get3A_538 : vector<16xi32> to vector<16xi32>
      %shift_right_logical3A = arith.constant 1 : i32
      %shift_right_logical3A_540 = vector.broadcast %shift_right_logical3A : i32 to vector<16xi32>
      %shift_right_logical3A_541 = arith.shrui %get3A_539, %shift_right_logical3A_540 : vector<16xi32>
      %and3A = arith.constant 1431655765 : i32
      %and3A_542 = vector.broadcast %and3A : i32 to vector<16xi32>
      %and3A_543 = arith.andi %shift_right_logical3A_541, %and3A_542 : vector<16xi32>
      %sub3A_544 = arith.subi %get3A_539, %and3A_543 : vector<16xi32>
      %and3A_545 = arith.constant 858993459 : i32
      %and3A_546 = vector.broadcast %and3A_545 : i32 to vector<16xi32>
      %and3A_547 = arith.andi %sub3A_544, %and3A_546 : vector<16xi32>
      %shift_right_logical3A_548 = arith.constant 2 : i32
      %shift_right_logical3A_549 = vector.broadcast %shift_right_logical3A_548 : i32 to vector<16xi32>
      %shift_right_logical3A_550 = arith.shrui %sub3A_544, %shift_right_logical3A_549 : vector<16xi32>
      %and3A_551 = arith.constant 858993459 : i32
      %and3A_552 = vector.broadcast %and3A_551 : i32 to vector<16xi32>
      %and3A_553 = arith.andi %shift_right_logical3A_550, %and3A_552 : vector<16xi32>
      %add3A_554 = arith.addi %and3A_547, %and3A_553 : vector<16xi32>
      %shift_right_logical3A_555 = arith.constant 4 : i32
      %shift_right_logical3A_556 = vector.broadcast %shift_right_logical3A_555 : i32 to vector<16xi32>
      %shift_right_logical3A_557 = arith.shrui %add3A_554, %shift_right_logical3A_556 : vector<16xi32>
      %add3A_558 = arith.addi %add3A_554, %shift_right_logical3A_557 : vector<16xi32>
      %and3A_559 = arith.constant 252645135 : i32
      %and3A_560 = vector.broadcast %and3A_559 : i32 to vector<16xi32>
      %and3A_561 = arith.andi %add3A_558, %and3A_560 : vector<16xi32>
      %shift_right_logical3A_562 = arith.constant 8 : i32
      %shift_right_logical3A_563 = vector.broadcast %shift_right_logical3A_562 : i32 to vector<16xi32>
      %shift_right_logical3A_564 = arith.shrui %and3A_561, %shift_right_logical3A_563 : vector<16xi32>
      %add3A_565 = arith.addi %and3A_561, %shift_right_logical3A_564 : vector<16xi32>
      %shift_right_logical3A_566 = arith.constant 16 : i32
      %shift_right_logical3A_567 = vector.broadcast %shift_right_logical3A_566 : i32 to vector<16xi32>
      %shift_right_logical3A_568 = arith.shrui %and3A_561, %shift_right_logical3A_567 : vector<16xi32>
      %add3A_569 = arith.addi %add3A_565, %shift_right_logical3A_568 : vector<16xi32>
      %shift_right_logical3A_570 = arith.constant 24 : i32
      %shift_right_logical3A_571 = vector.broadcast %shift_right_logical3A_570 : i32 to vector<16xi32>
      %shift_right_logical3A_572 = arith.shrui %and3A_561, %shift_right_logical3A_571 : vector<16xi32>
      %add3A_573 = arith.addi %add3A_569, %shift_right_logical3A_572 : vector<16xi32>
      %and3A_574 = arith.constant 63 : i32
      %and3A_575 = vector.broadcast %and3A_574 : i32 to vector<16xi32>
      %and3A_576 = arith.andi %add3A_573, %and3A_575 : vector<16xi32>
      %iota3A_577 = tpu.iota {dimensions = array<i32: 0>} : vector<16xi32>
      %sub3A_578 = arith.constant 1 : i32
      %sub3A_579 = vector.broadcast %sub3A_578 : i32 to vector<16xi32>
      %sub3A_580 = arith.subi %iota3A_577, %sub3A_579 : vector<16xi32>
      %max3A_581 = arith.constant 0 : i32
      %max3A_582 = vector.broadcast %max3A_581 : i32 to vector<16xi32>
      %max3A_583 = arith.maxsi %sub3A_580, %max3A_582 : vector<16xi32>
      %lt3A_584 = arith.constant 0 : i32
      %lt3A_585 = vector.broadcast %lt3A_584 : i32 to vector<16xi32>
      %lt3A_586 = arith.cmpi slt, %max3A_583, %lt3A_585 : vector<16xi32>
      %add3A_587 = arith.constant 16 : i32
      %add3A_588 = vector.broadcast %add3A_587 : i32 to vector<16xi32>
      %add3A_589 = arith.addi %max3A_583, %add3A_588 : vector<16xi32>
      %select_n3A_590 = arith.select %lt3A_586, %add3A_589, %max3A_583 : vector<16xi1>, vector<16xi32>
      %broadcast_in_dim3A_591 = vector.shape_cast %select_n3A_590 : vector<16xi32> to vector<16x1xi32>
      %gather3A_592 = vector.shape_cast %broadcast_in_dim3A_591 : vector<16x1xi32> to vector<16xi32>
      %gather3A_593 = tpu.dynamic_gather %and3A_576[%gather3A_592] in [0] : vector<16xi32>, vector<16xi32> -> vector<16xi32>
      %ge3A_594 = arith.constant 1 : i32
      %ge3A_595 = vector.broadcast %ge3A_594 : i32 to vector<16xi32>
      %ge3A_596 = arith.cmpi sge, %iota3A_577, %ge3A_595 : vector<16xi32>
      %jit3A_597 = arith.constant 0 : i32
      %broadcast_in_dim3A_598 = vector.broadcast %jit3A_597 : i32 to vector<16xi32>
      %select_n3A_599 = arith.select %ge3A_596, %gather3A_593, %broadcast_in_dim3A_598 : vector<16xi1>, vector<16xi32>
      %add3A_600 = arith.addi %and3A_576, %select_n3A_599 : vector<16xi32>
      %sub3A_601 = arith.constant 2 : i32
      %sub3A_602 = vector.broadcast %sub3A_601 : i32 to vector<16xi32>
      %sub3A_603 = arith.subi %iota3A_577, %sub3A_602 : vector<16xi32>
      %max3A_604 = arith.constant 0 : i32
      %max3A_605 = vector.broadcast %max3A_604 : i32 to vector<16xi32>
      %max3A_606 = arith.maxsi %sub3A_603, %max3A_605 : vector<16xi32>
      %lt3A_607 = arith.constant 0 : i32
      %lt3A_608 = vector.broadcast %lt3A_607 : i32 to vector<16xi32>
      %lt3A_609 = arith.cmpi slt, %max3A_606, %lt3A_608 : vector<16xi32>
      %add3A_610 = arith.constant 16 : i32
      %add3A_611 = vector.broadcast %add3A_610 : i32 to vector<16xi32>
      %add3A_612 = arith.addi %max3A_606, %add3A_611 : vector<16xi32>
      %select_n3A_613 = arith.select %lt3A_609, %add3A_612, %max3A_606 : vector<16xi1>, vector<16xi32>
      %broadcast_in_dim3A_614 = vector.shape_cast %select_n3A_613 : vector<16xi32> to vector<16x1xi32>
      %gather3A_615 = vector.shape_cast %broadcast_in_dim3A_614 : vector<16x1xi32> to vector<16xi32>
      %gather3A_616 = tpu.dynamic_gather %add3A_600[%gather3A_615] in [0] : vector<16xi32>, vector<16xi32> -> vector<16xi32>
      %ge3A_617 = arith.constant 2 : i32
      %ge3A_618 = vector.broadcast %ge3A_617 : i32 to vector<16xi32>
      %ge3A_619 = arith.cmpi sge, %iota3A_577, %ge3A_618 : vector<16xi32>
      %jit3A_620 = arith.constant 0 : i32
      %broadcast_in_dim3A_621 = vector.broadcast %jit3A_620 : i32 to vector<16xi32>
      %select_n3A_622 = arith.select %ge3A_619, %gather3A_616, %broadcast_in_dim3A_621 : vector<16xi1>, vector<16xi32>
      %add3A_623 = arith.addi %add3A_600, %select_n3A_622 : vector<16xi32>
      %sub3A_624 = arith.constant 4 : i32
      %sub3A_625 = vector.broadcast %sub3A_624 : i32 to vector<16xi32>
      %sub3A_626 = arith.subi %iota3A_577, %sub3A_625 : vector<16xi32>
      %max3A_627 = arith.constant 0 : i32
      %max3A_628 = vector.broadcast %max3A_627 : i32 to vector<16xi32>
      %max3A_629 = arith.maxsi %sub3A_626, %max3A_628 : vector<16xi32>
      %lt3A_630 = arith.constant 0 : i32
      %lt3A_631 = vector.broadcast %lt3A_630 : i32 to vector<16xi32>
      %lt3A_632 = arith.cmpi slt, %max3A_629, %lt3A_631 : vector<16xi32>
      %add3A_633 = arith.constant 16 : i32
      %add3A_634 = vector.broadcast %add3A_633 : i32 to vector<16xi32>
      %add3A_635 = arith.addi %max3A_629, %add3A_634 : vector<16xi32>
      %select_n3A_636 = arith.select %lt3A_632, %add3A_635, %max3A_629 : vector<16xi1>, vector<16xi32>
      %broadcast_in_dim3A_637 = vector.shape_cast %select_n3A_636 : vector<16xi32> to vector<16x1xi32>
      %gather3A_638 = vector.shape_cast %broadcast_in_dim3A_637 : vector<16x1xi32> to vector<16xi32>
      %gather3A_639 = tpu.dynamic_gather %add3A_623[%gather3A_638] in [0] : vector<16xi32>, vector<16xi32> -> vector<16xi32>
      %ge3A_640 = arith.constant 4 : i32
      %ge3A_641 = vector.broadcast %ge3A_640 : i32 to vector<16xi32>
      %ge3A_642 = arith.cmpi sge, %iota3A_577, %ge3A_641 : vector<16xi32>
      %jit3A_643 = arith.constant 0 : i32
      %broadcast_in_dim3A_644 = vector.broadcast %jit3A_643 : i32 to vector<16xi32>
      %select_n3A_645 = arith.select %ge3A_642, %gather3A_639, %broadcast_in_dim3A_644 : vector<16xi1>, vector<16xi32>
      %add3A_646 = arith.addi %add3A_623, %select_n3A_645 : vector<16xi32>
      %sub3A_647 = arith.constant 8 : i32
      %sub3A_648 = vector.broadcast %sub3A_647 : i32 to vector<16xi32>
      %sub3A_649 = arith.subi %iota3A_577, %sub3A_648 : vector<16xi32>
      %max3A_650 = arith.constant 0 : i32
      %max3A_651 = vector.broadcast %max3A_650 : i32 to vector<16xi32>
      %max3A_652 = arith.maxsi %sub3A_649, %max3A_651 : vector<16xi32>
      %lt3A_653 = arith.constant 0 : i32
      %lt3A_654 = vector.broadcast %lt3A_653 : i32 to vector<16xi32>
      %lt3A_655 = arith.cmpi slt, %max3A_652, %lt3A_654 : vector<16xi32>
      %add3A_656 = arith.constant 16 : i32
      %add3A_657 = vector.broadcast %add3A_656 : i32 to vector<16xi32>
      %add3A_658 = arith.addi %max3A_652, %add3A_657 : vector<16xi32>
      %select_n3A_659 = arith.select %lt3A_655, %add3A_658, %max3A_652 : vector<16xi1>, vector<16xi32>
      %broadcast_in_dim3A_660 = vector.shape_cast %select_n3A_659 : vector<16xi32> to vector<16x1xi32>
      %gather3A_661 = vector.shape_cast %broadcast_in_dim3A_660 : vector<16x1xi32> to vector<16xi32>
      %gather3A_662 = tpu.dynamic_gather %add3A_646[%gather3A_661] in [0] : vector<16xi32>, vector<16xi32> -> vector<16xi32>
      %ge3A_663 = arith.constant 8 : i32
      %ge3A_664 = vector.broadcast %ge3A_663 : i32 to vector<16xi32>
      %ge3A_665 = arith.cmpi sge, %iota3A_577, %ge3A_664 : vector<16xi32>
      %jit3A_666 = arith.constant 0 : i32
      %broadcast_in_dim3A_667 = vector.broadcast %jit3A_666 : i32 to vector<16xi32>
      %select_n3A_668 = arith.select %ge3A_665, %gather3A_662, %broadcast_in_dim3A_667 : vector<16xi1>, vector<16xi32>
      %add3A_669 = arith.addi %add3A_646, %select_n3A_668 : vector<16xi32>
      %sub3A_670 = arith.subi %add3A_669, %and3A_576 : vector<16xi32>
      %add3A_671 = arith.addi %sub3A_670, %scan3A_534 : vector<16xi32>
      %mul3A_672 = arith.constant 16 : i32
      %mul3A_673 = arith.muli %scan3A_533, %mul3A_672 : i32
      %add3A_674 = arith.constant 4096 : i32
      %add3A_675 = arith.addi %add3A_674, %mul3A_673 : i32
      %swap3A_676 = arith.index_cast %add3A_675 : i32 to index
      %swap3A_677 = tpu.vector_load %arg10[%swap3A_676] {strides = array<i32>} : memref<8192xi32, #tpu.memory_space<vmem>>, vector<16xi32>,
      %swap3A_678 = vector.shape_cast %swap3A_677 : vector<16xi32> to vector<16xi32>
      %swap3A_679 = vector.shape_cast %add3A_671 : vector<16xi32> to vector<16xi32>
      tpu.vector_store %arg10[%swap3A_676], %swap3A_679 {strides = array<i32>} : memref<8192xi32, #tpu.memory_space<vmem>>, vector<16xi32>,
      %broadcast_in_dim3A_680 = arith.constant 15 : i32
      %broadcast_in_dim3A_681 = vector.broadcast %broadcast_in_dim3A_680 : i32 to vector<16xi32>
      %lt3A_682 = arith.constant 0 : i32
      %lt3A_683 = vector.broadcast %lt3A_682 : i32 to vector<16xi32>
      %lt3A_684 = arith.cmpi slt, %broadcast_in_dim3A_681, %lt3A_683 : vector<16xi32>
      %add3A_685 = arith.constant 16 : i32
      %add3A_686 = vector.broadcast %add3A_685 : i32 to vector<16xi32>
      %add3A_687 = arith.addi %broadcast_in_dim3A_681, %add3A_686 : vector<16xi32>
      %select_n3A_688 = arith.select %lt3A_684, %add3A_687, %broadcast_in_dim3A_681 : vector<16xi1>, vector<16xi32>
      %broadcast_in_dim3A_689 = vector.shape_cast %select_n3A_688 : vector<16xi32> to vector<16x1xi32>
      %gather3A_690 = vector.shape_cast %broadcast_in_dim3A_689 : vector<16x1xi32> to vector<16xi32>
      %gather3A_691 = tpu.dynamic_gather %add3A_669[%gather3A_690] in [0] : vector<16xi32>, vector<16xi32> -> vector<16xi32>
      %add3A_692 = arith.addi %scan3A_534, %gather3A_691 : vector<16xi32>
      scf.yield %add3A_692 : vector<16xi32>
    }
    %scan3A_95 = arith.constant 256 : i32
    %mul3A_96 = arith.constant 32768 : i32
    %mul3A_97 = arith.muli %arg1, %mul3A_96 : i32
    %add3A_98 = arith.constant 524288 : i32
    %add3A_99 = arith.addi %add3A_98, %mul3A_97 : i32
    %add3A_100 = arith.constant 0 : i32
    %add3A_101 = arith.addi %add3A_99, %add3A_100 : i32
    "tpu.region"() ({
      %run_scoped3A_533 = tpu.sem_alloc : memref<!tpu.dma_semaphore, #tpu.memory_space<semaphore_mem>>
      %dma_start3A_534 = arith.constant 4096 : i32
      %dma_start3A_535 = tpu.memref_slice %arg10[%dma_start3A_534] : memref<8192xi32, #tpu.memory_space<vmem>> -> memref<4096xi32, #tpu.memory_space<vmem>>
      %dma_start3A_536 = tpu.memref_slice %arg20[%add3A_101] : memref<1048576xi32, #tpu.memory_space<vmem_shared>> -> memref<4096xi32, #tpu.memory_space<vmem_shared>>
      %dma_start3A_537 = tpu.memref_slice %arg20[%add3A_101] : memref<1048576xi32, #tpu.memory_space<vmem_shared>> -> memref<4096xi32, #tpu.memory_space<vmem_shared>>
      %dma_start3A_538 = arith.constant 4096 : i32
      %dma_start3A_539 = tpu.memref_slice %arg10[%dma_start3A_538] : memref<8192xi32, #tpu.memory_space<vmem>> -> memref<4096xi32, #tpu.memory_space<vmem>>
      tpu.enqueue_dma source(%dma_start3A_539 : memref<4096xi32, #tpu.memory_space<vmem>>) target(%dma_start3A_537 : memref<4096xi32, #tpu.memory_space<vmem_shared>>) target_semaphore(%run_scoped3A_533 : memref<!tpu.dma_semaphore, #tpu.memory_space<semaphore_mem>>)
      %dma_wait3A_540 = arith.constant 4096 : i32
      %dma_wait3A_541 = tpu.memref_slice %arg10[%dma_wait3A_540] : memref<8192xi32, #tpu.memory_space<vmem>> -> memref<4096xi32, #tpu.memory_space<vmem>>
      %dma_wait3A_542 = tpu.memref_slice %arg20[%add3A_101] : memref<1048576xi32, #tpu.memory_space<vmem_shared>> -> memref<4096xi32, #tpu.memory_space<vmem_shared>>
      %dma_wait3A_543 = tpu.memref_slice %arg20[%add3A_101] : memref<1048576xi32, #tpu.memory_space<vmem_shared>> -> memref<4096xi32, #tpu.memory_space<vmem_shared>>
      %dma_wait3A_544 = arith.constant 4096 : i32
      %dma_wait3A_545 = tpu.memref_slice %arg10[%dma_wait3A_544] : memref<8192xi32, #tpu.memory_space<vmem>> -> memref<4096xi32, #tpu.memory_space<vmem>>
      tpu.wait_dma2 semaphore(%run_scoped3A_533 : memref<!tpu.dma_semaphore, #tpu.memory_space<semaphore_mem>>) src(%dma_wait3A_545 : memref<4096xi32, #tpu.memory_space<vmem>>) dst(%dma_wait3A_543 : memref<4096xi32, #tpu.memory_space<vmem_shared>>)
      tpu.yield
    }) : () -> ()
    %mul3A_102 = arith.constant 32768 : i32
    %mul3A_103 = arith.muli %arg1, %mul3A_102 : i32
    %add3A_104 = arith.constant 4096 : i32
    %add3A_105 = arith.addi %mul3A_103, %add3A_104 : i32
    "tpu.region"() ({
      %run_scoped3A_533 = tpu.sem_alloc : memref<!tpu.dma_semaphore, #tpu.memory_space<semaphore_mem>>
      %dma_start3A_534 = arith.constant 0 : i32
      %dma_start3A_535 = tpu.memref_slice %arg10[%dma_start3A_534] : memref<8192xi32, #tpu.memory_space<vmem>> -> memref<4096xi32, #tpu.memory_space<vmem>>
      %dma_start3A_536 = tpu.memref_slice %arg20[%add3A_105] : memref<1048576xi32, #tpu.memory_space<vmem_shared>> -> memref<4096xi32, #tpu.memory_space<vmem_shared>>
      %dma_start3A_537 = arith.constant 0 : i32
      %dma_start3A_538 = tpu.memref_slice %arg10[%dma_start3A_537] : memref<8192xi32, #tpu.memory_space<vmem>> -> memref<4096xi32, #tpu.memory_space<vmem>>
      %dma_start3A_539 = tpu.memref_slice %arg20[%add3A_105] : memref<1048576xi32, #tpu.memory_space<vmem_shared>> -> memref<4096xi32, #tpu.memory_space<vmem_shared>>
      tpu.enqueue_dma source(%dma_start3A_539 : memref<4096xi32, #tpu.memory_space<vmem_shared>>) target(%dma_start3A_538 : memref<4096xi32, #tpu.memory_space<vmem>>) target_semaphore(%run_scoped3A_533 : memref<!tpu.dma_semaphore, #tpu.memory_space<semaphore_mem>>)
      %dma_wait3A_540 = arith.constant 0 : i32
      %dma_wait3A_541 = tpu.memref_slice %arg10[%dma_wait3A_540] : memref<8192xi32, #tpu.memory_space<vmem>> -> memref<4096xi32, #tpu.memory_space<vmem>>
      %dma_wait3A_542 = tpu.memref_slice %arg20[%add3A_105] : memref<1048576xi32, #tpu.memory_space<vmem_shared>> -> memref<4096xi32, #tpu.memory_space<vmem_shared>>
      %dma_wait3A_543 = arith.constant 0 : i32
      %dma_wait3A_544 = tpu.memref_slice %arg10[%dma_wait3A_543] : memref<8192xi32, #tpu.memory_space<vmem>> -> memref<4096xi32, #tpu.memory_space<vmem>>
      %dma_wait3A_545 = tpu.memref_slice %arg20[%add3A_105] : memref<1048576xi32, #tpu.memory_space<vmem_shared>> -> memref<4096xi32, #tpu.memory_space<vmem_shared>>
      tpu.wait_dma2 semaphore(%run_scoped3A_533 : memref<!tpu.dma_semaphore, #tpu.memory_space<semaphore_mem>>) src(%dma_wait3A_545 : memref<4096xi32, #tpu.memory_space<vmem_shared>>) dst(%dma_wait3A_544 : memref<4096xi32, #tpu.memory_space<vmem>>)
      tpu.yield
    }) : () -> ()
    %scan3A_106 = arith.constant 0 : i32
    %scan3A_107 = arith.constant 256 : i32
    %scan3A_108 = arith.addi %scan3A_106, %scan3A_107 : i32
    %scan3A_109 = arith.constant 1 : i32
    %scan3A_110 = scf.for %scan3A_533 = %scan3A_106 to %scan3A_108 step %scan3A_109 iter_args(%scan3A_534 = %scan3A_94) -> (vector<16xi32>)  : i32 {
      %mul3A_535 = arith.constant 16 : i32
      %mul3A_536 = arith.muli %scan3A_533, %mul3A_535 : i32
      %get3A_537 = arith.index_cast %mul3A_536 : i32 to index
      %get3A_538 = tpu.vector_load %arg10[%get3A_537] {strides = array<i32>} : memref<8192xi32, #tpu.memory_space<vmem>>, vector<16xi32>,
      %get3A_539 = vector.shape_cast %get3A_538 : vector<16xi32> to vector<16xi32>
      %shift_right_logical3A = arith.constant 1 : i32
      %shift_right_logical3A_540 = vector.broadcast %shift_right_logical3A : i32 to vector<16xi32>
      %shift_right_logical3A_541 = arith.shrui %get3A_539, %shift_right_logical3A_540 : vector<16xi32>
      %and3A = arith.constant 1431655765 : i32
      %and3A_542 = vector.broadcast %and3A : i32 to vector<16xi32>
      %and3A_543 = arith.andi %shift_right_logical3A_541, %and3A_542 : vector<16xi32>
      %sub3A_544 = arith.subi %get3A_539, %and3A_543 : vector<16xi32>
      %and3A_545 = arith.constant 858993459 : i32
      %and3A_546 = vector.broadcast %and3A_545 : i32 to vector<16xi32>
      %and3A_547 = arith.andi %sub3A_544, %and3A_546 : vector<16xi32>
      %shift_right_logical3A_548 = arith.constant 2 : i32
      %shift_right_logical3A_549 = vector.broadcast %shift_right_logical3A_548 : i32 to vector<16xi32>
      %shift_right_logical3A_550 = arith.shrui %sub3A_544, %shift_right_logical3A_549 : vector<16xi32>
      %and3A_551 = arith.constant 858993459 : i32
      %and3A_552 = vector.broadcast %and3A_551 : i32 to vector<16xi32>
      %and3A_553 = arith.andi %shift_right_logical3A_550, %and3A_552 : vector<16xi32>
      %add3A_554 = arith.addi %and3A_547, %and3A_553 : vector<16xi32>
      %shift_right_logical3A_555 = arith.constant 4 : i32
      %shift_right_logical3A_556 = vector.broadcast %shift_right_logical3A_555 : i32 to vector<16xi32>
      %shift_right_logical3A_557 = arith.shrui %add3A_554, %shift_right_logical3A_556 : vector<16xi32>
      %add3A_558 = arith.addi %add3A_554, %shift_right_logical3A_557 : vector<16xi32>
      %and3A_559 = arith.constant 252645135 : i32
      %and3A_560 = vector.broadcast %and3A_559 : i32 to vector<16xi32>
      %and3A_561 = arith.andi %add3A_558, %and3A_560 : vector<16xi32>
      %shift_right_logical3A_562 = arith.constant 8 : i32
      %shift_right_logical3A_563 = vector.broadcast %shift_right_logical3A_562 : i32 to vector<16xi32>
      %shift_right_logical3A_564 = arith.shrui %and3A_561, %shift_right_logical3A_563 : vector<16xi32>
      %add3A_565 = arith.addi %and3A_561, %shift_right_logical3A_564 : vector<16xi32>
      %shift_right_logical3A_566 = arith.constant 16 : i32
      %shift_right_logical3A_567 = vector.broadcast %shift_right_logical3A_566 : i32 to vector<16xi32>
      %shift_right_logical3A_568 = arith.shrui %and3A_561, %shift_right_logical3A_567 : vector<16xi32>
      %add3A_569 = arith.addi %add3A_565, %shift_right_logical3A_568 : vector<16xi32>
      %shift_right_logical3A_570 = arith.constant 24 : i32
      %shift_right_logical3A_571 = vector.broadcast %shift_right_logical3A_570 : i32 to vector<16xi32>
      %shift_right_logical3A_572 = arith.shrui %and3A_561, %shift_right_logical3A_571 : vector<16xi32>
      %add3A_573 = arith.addi %add3A_569, %shift_right_logical3A_572 : vector<16xi32>
      %and3A_574 = arith.constant 63 : i32
      %and3A_575 = vector.broadcast %and3A_574 : i32 to vector<16xi32>
      %and3A_576 = arith.andi %add3A_573, %and3A_575 : vector<16xi32>
      %iota3A_577 = tpu.iota {dimensions = array<i32: 0>} : vector<16xi32>
      %sub3A_578 = arith.constant 1 : i32
      %sub3A_579 = vector.broadcast %sub3A_578 : i32 to vector<16xi32>
      %sub3A_580 = arith.subi %iota3A_577, %sub3A_579 : vector<16xi32>
      %max3A_581 = arith.constant 0 : i32
      %max3A_582 = vector.broadcast %max3A_581 : i32 to vector<16xi32>
      %max3A_583 = arith.maxsi %sub3A_580, %max3A_582 : vector<16xi32>
      %lt3A_584 = arith.constant 0 : i32
      %lt3A_585 = vector.broadcast %lt3A_584 : i32 to vector<16xi32>
      %lt3A_586 = arith.cmpi slt, %max3A_583, %lt3A_585 : vector<16xi32>
      %add3A_587 = arith.constant 16 : i32
      %add3A_588 = vector.broadcast %add3A_587 : i32 to vector<16xi32>
      %add3A_589 = arith.addi %max3A_583, %add3A_588 : vector<16xi32>
      %select_n3A_590 = arith.select %lt3A_586, %add3A_589, %max3A_583 : vector<16xi1>, vector<16xi32>
      %broadcast_in_dim3A_591 = vector.shape_cast %select_n3A_590 : vector<16xi32> to vector<16x1xi32>
      %gather3A_592 = vector.shape_cast %broadcast_in_dim3A_591 : vector<16x1xi32> to vector<16xi32>
      %gather3A_593 = tpu.dynamic_gather %and3A_576[%gather3A_592] in [0] : vector<16xi32>, vector<16xi32> -> vector<16xi32>
      %ge3A_594 = arith.constant 1 : i32
      %ge3A_595 = vector.broadcast %ge3A_594 : i32 to vector<16xi32>
      %ge3A_596 = arith.cmpi sge, %iota3A_577, %ge3A_595 : vector<16xi32>
      %jit3A_597 = arith.constant 0 : i32
      %broadcast_in_dim3A_598 = vector.broadcast %jit3A_597 : i32 to vector<16xi32>
      %select_n3A_599 = arith.select %ge3A_596, %gather3A_593, %broadcast_in_dim3A_598 : vector<16xi1>, vector<16xi32>
      %add3A_600 = arith.addi %and3A_576, %select_n3A_599 : vector<16xi32>
      %sub3A_601 = arith.constant 2 : i32
      %sub3A_602 = vector.broadcast %sub3A_601 : i32 to vector<16xi32>
      %sub3A_603 = arith.subi %iota3A_577, %sub3A_602 : vector<16xi32>
      %max3A_604 = arith.constant 0 : i32
      %max3A_605 = vector.broadcast %max3A_604 : i32 to vector<16xi32>
      %max3A_606 = arith.maxsi %sub3A_603, %max3A_605 : vector<16xi32>
      %lt3A_607 = arith.constant 0 : i32
      %lt3A_608 = vector.broadcast %lt3A_607 : i32 to vector<16xi32>
      %lt3A_609 = arith.cmpi slt, %max3A_606, %lt3A_608 : vector<16xi32>
      %add3A_610 = arith.constant 16 : i32
      %add3A_611 = vector.broadcast %add3A_610 : i32 to vector<16xi32>
      %add3A_612 = arith.addi %max3A_606, %add3A_611 : vector<16xi32>
      %select_n3A_613 = arith.select %lt3A_609, %add3A_612, %max3A_606 : vector<16xi1>, vector<16xi32>
      %broadcast_in_dim3A_614 = vector.shape_cast %select_n3A_613 : vector<16xi32> to vector<16x1xi32>
      %gather3A_615 = vector.shape_cast %broadcast_in_dim3A_614 : vector<16x1xi32> to vector<16xi32>
      %gather3A_616 = tpu.dynamic_gather %add3A_600[%gather3A_615] in [0] : vector<16xi32>, vector<16xi32> -> vector<16xi32>
      %ge3A_617 = arith.constant 2 : i32
      %ge3A_618 = vector.broadcast %ge3A_617 : i32 to vector<16xi32>
      %ge3A_619 = arith.cmpi sge, %iota3A_577, %ge3A_618 : vector<16xi32>
      %jit3A_620 = arith.constant 0 : i32
      %broadcast_in_dim3A_621 = vector.broadcast %jit3A_620 : i32 to vector<16xi32>
      %select_n3A_622 = arith.select %ge3A_619, %gather3A_616, %broadcast_in_dim3A_621 : vector<16xi1>, vector<16xi32>
      %add3A_623 = arith.addi %add3A_600, %select_n3A_622 : vector<16xi32>
      %sub3A_624 = arith.constant 4 : i32
      %sub3A_625 = vector.broadcast %sub3A_624 : i32 to vector<16xi32>
      %sub3A_626 = arith.subi %iota3A_577, %sub3A_625 : vector<16xi32>
      %max3A_627 = arith.constant 0 : i32
      %max3A_628 = vector.broadcast %max3A_627 : i32 to vector<16xi32>
      %max3A_629 = arith.maxsi %sub3A_626, %max3A_628 : vector<16xi32>
      %lt3A_630 = arith.constant 0 : i32
      %lt3A_631 = vector.broadcast %lt3A_630 : i32 to vector<16xi32>
      %lt3A_632 = arith.cmpi slt, %max3A_629, %lt3A_631 : vector<16xi32>
      %add3A_633 = arith.constant 16 : i32
      %add3A_634 = vector.broadcast %add3A_633 : i32 to vector<16xi32>
      %add3A_635 = arith.addi %max3A_629, %add3A_634 : vector<16xi32>
      %select_n3A_636 = arith.select %lt3A_632, %add3A_635, %max3A_629 : vector<16xi1>, vector<16xi32>
      %broadcast_in_dim3A_637 = vector.shape_cast %select_n3A_636 : vector<16xi32> to vector<16x1xi32>
      %gather3A_638 = vector.shape_cast %broadcast_in_dim3A_637 : vector<16x1xi32> to vector<16xi32>
      %gather3A_639 = tpu.dynamic_gather %add3A_623[%gather3A_638] in [0] : vector<16xi32>, vector<16xi32> -> vector<16xi32>
      %ge3A_640 = arith.constant 4 : i32
      %ge3A_641 = vector.broadcast %ge3A_640 : i32 to vector<16xi32>
      %ge3A_642 = arith.cmpi sge, %iota3A_577, %ge3A_641 : vector<16xi32>
      %jit3A_643 = arith.constant 0 : i32
      %broadcast_in_dim3A_644 = vector.broadcast %jit3A_643 : i32 to vector<16xi32>
      %select_n3A_645 = arith.select %ge3A_642, %gather3A_639, %broadcast_in_dim3A_644 : vector<16xi1>, vector<16xi32>
      %add3A_646 = arith.addi %add3A_623, %select_n3A_645 : vector<16xi32>
      %sub3A_647 = arith.constant 8 : i32
      %sub3A_648 = vector.broadcast %sub3A_647 : i32 to vector<16xi32>
      %sub3A_649 = arith.subi %iota3A_577, %sub3A_648 : vector<16xi32>
      %max3A_650 = arith.constant 0 : i32
      %max3A_651 = vector.broadcast %max3A_650 : i32 to vector<16xi32>
      %max3A_652 = arith.maxsi %sub3A_649, %max3A_651 : vector<16xi32>
      %lt3A_653 = arith.constant 0 : i32
      %lt3A_654 = vector.broadcast %lt3A_653 : i32 to vector<16xi32>
      %lt3A_655 = arith.cmpi slt, %max3A_652, %lt3A_654 : vector<16xi32>
      %add3A_656 = arith.constant 16 : i32
      %add3A_657 = vector.broadcast %add3A_656 : i32 to vector<16xi32>
      %add3A_658 = arith.addi %max3A_652, %add3A_657 : vector<16xi32>
      %select_n3A_659 = arith.select %lt3A_655, %add3A_658, %max3A_652 : vector<16xi1>, vector<16xi32>
      %broadcast_in_dim3A_660 = vector.shape_cast %select_n3A_659 : vector<16xi32> to vector<16x1xi32>
      %gather3A_661 = vector.shape_cast %broadcast_in_dim3A_660 : vector<16x1xi32> to vector<16xi32>
      %gather3A_662 = tpu.dynamic_gather %add3A_646[%gather3A_661] in [0] : vector<16xi32>, vector<16xi32> -> vector<16xi32>
      %ge3A_663 = arith.constant 8 : i32
      %ge3A_664 = vector.broadcast %ge3A_663 : i32 to vector<16xi32>
      %ge3A_665 = arith.cmpi sge, %iota3A_577, %ge3A_664 : vector<16xi32>
      %jit3A_666 = arith.constant 0 : i32
      %broadcast_in_dim3A_667 = vector.broadcast %jit3A_666 : i32 to vector<16xi32>
      %select_n3A_668 = arith.select %ge3A_665, %gather3A_662, %broadcast_in_dim3A_667 : vector<16xi1>, vector<16xi32>
      %add3A_669 = arith.addi %add3A_646, %select_n3A_668 : vector<16xi32>
      %sub3A_670 = arith.subi %add3A_669, %and3A_576 : vector<16xi32>
      %add3A_671 = arith.addi %sub3A_670, %scan3A_534 : vector<16xi32>
      %mul3A_672 = arith.constant 16 : i32
      %mul3A_673 = arith.muli %scan3A_533, %mul3A_672 : i32
      %add3A_674 = arith.constant 4096 : i32
      %add3A_675 = arith.addi %add3A_674, %mul3A_673 : i32
      %swap3A_676 = arith.index_cast %add3A_675 : i32 to index
      %swap3A_677 = tpu.vector_load %arg10[%swap3A_676] {strides = array<i32>} : memref<8192xi32, #tpu.memory_space<vmem>>, vector<16xi32>,
      %swap3A_678 = vector.shape_cast %swap3A_677 : vector<16xi32> to vector<16xi32>
      %swap3A_679 = vector.shape_cast %add3A_671 : vector<16xi32> to vector<16xi32>
      tpu.vector_store %arg10[%swap3A_676], %swap3A_679 {strides = array<i32>} : memref<8192xi32, #tpu.memory_space<vmem>>, vector<16xi32>,
      %broadcast_in_dim3A_680 = arith.constant 15 : i32
      %broadcast_in_dim3A_681 = vector.broadcast %broadcast_in_dim3A_680 : i32 to vector<16xi32>
      %lt3A_682 = arith.constant 0 : i32
      %lt3A_683 = vector.broadcast %lt3A_682 : i32 to vector<16xi32>
      %lt3A_684 = arith.cmpi slt, %broadcast_in_dim3A_681, %lt3A_683 : vector<16xi32>
      %add3A_685 = arith.constant 16 : i32
      %add3A_686 = vector.broadcast %add3A_685 : i32 to vector<16xi32>
      %add3A_687 = arith.addi %broadcast_in_dim3A_681, %add3A_686 : vector<16xi32>
      %select_n3A_688 = arith.select %lt3A_684, %add3A_687, %broadcast_in_dim3A_681 : vector<16xi1>, vector<16xi32>
      %broadcast_in_dim3A_689 = vector.shape_cast %select_n3A_688 : vector<16xi32> to vector<16x1xi32>
      %gather3A_690 = vector.shape_cast %broadcast_in_dim3A_689 : vector<16x1xi32> to vector<16xi32>
      %gather3A_691 = tpu.dynamic_gather %add3A_669[%gather3A_690] in [0] : vector<16xi32>, vector<16xi32> -> vector<16xi32>
      %add3A_692 = arith.addi %scan3A_534, %gather3A_691 : vector<16xi32>
      scf.yield %add3A_692 : vector<16xi32>
    }
    %scan3A_111 = arith.constant 256 : i32
    %mul3A_112 = arith.constant 32768 : i32
    %mul3A_113 = arith.muli %arg1, %mul3A_112 : i32
    %add3A_114 = arith.constant 524288 : i32
    %add3A_115 = arith.addi %add3A_114, %mul3A_113 : i32
    %add3A_116 = arith.constant 4096 : i32
    %add3A_117 = arith.addi %add3A_115, %add3A_116 : i32
    "tpu.region"() ({
      %run_scoped3A_533 = tpu.sem_alloc : memref<!tpu.dma_semaphore, #tpu.memory_space<semaphore_mem>>
      %dma_start3A_534 = arith.constant 4096 : i32
      %dma_start3A_535 = tpu.memref_slice %arg10[%dma_start3A_534] : memref<8192xi32, #tpu.memory_space<vmem>> -> memref<4096xi32, #tpu.memory_space<vmem>>
      %dma_start3A_536 = tpu.memref_slice %arg20[%add3A_117] : memref<1048576xi32, #tpu.memory_space<vmem_shared>> -> memref<4096xi32, #tpu.memory_space<vmem_shared>>
      %dma_start3A_537 = tpu.memref_slice %arg20[%add3A_117] : memref<1048576xi32, #tpu.memory_space<vmem_shared>> -> memref<4096xi32, #tpu.memory_space<vmem_shared>>
      %dma_start3A_538 = arith.constant 4096 : i32
      %dma_start3A_539 = tpu.memref_slice %arg10[%dma_start3A_538] : memref<8192xi32, #tpu.memory_space<vmem>> -> memref<4096xi32, #tpu.memory_space<vmem>>
      tpu.enqueue_dma source(%dma_start3A_539 : memref<4096xi32, #tpu.memory_space<vmem>>) target(%dma_start3A_537 : memref<4096xi32, #tpu.memory_space<vmem_shared>>) target_semaphore(%run_scoped3A_533 : memref<!tpu.dma_semaphore, #tpu.memory_space<semaphore_mem>>)
      %dma_wait3A_540 = arith.constant 4096 : i32
      %dma_wait3A_541 = tpu.memref_slice %arg10[%dma_wait3A_540] : memref<8192xi32, #tpu.memory_space<vmem>> -> memref<4096xi32, #tpu.memory_space<vmem>>
      %dma_wait3A_542 = tpu.memref_slice %arg20[%add3A_117] : memref<1048576xi32, #tpu.memory_space<vmem_shared>> -> memref<4096xi32, #tpu.memory_space<vmem_shared>>
      %dma_wait3A_543 = tpu.memref_slice %arg20[%add3A_117] : memref<1048576xi32, #tpu.memory_space<vmem_shared>> -> memref<4096xi32, #tpu.memory_space<vmem_shared>>
      %dma_wait3A_544 = arith.constant 4096 : i32
      %dma_wait3A_545 = tpu.memref_slice %arg10[%dma_wait3A_544] : memref<8192xi32, #tpu.memory_space<vmem>> -> memref<4096xi32, #tpu.memory_space<vmem>>
      tpu.wait_dma2 semaphore(%run_scoped3A_533 : memref<!tpu.dma_semaphore, #tpu.memory_space<semaphore_mem>>) src(%dma_wait3A_545 : memref<4096xi32, #tpu.memory_space<vmem>>) dst(%dma_wait3A_543 : memref<4096xi32, #tpu.memory_space<vmem_shared>>)
      tpu.yield
    }) : () -> ()
    %mul3A_118 = arith.constant 32768 : i32
    %mul3A_119 = arith.muli %arg1, %mul3A_118 : i32
    %add3A_120 = arith.constant 8192 : i32
    %add3A_121 = arith.addi %mul3A_119, %add3A_120 : i32
    "tpu.region"() ({
      %run_scoped3A_533 = tpu.sem_alloc : memref<!tpu.dma_semaphore, #tpu.memory_space<semaphore_mem>>
      %dma_start3A_534 = arith.constant 0 : i32
      %dma_start3A_535 = tpu.memref_slice %arg10[%dma_start3A_534] : memref<8192xi32, #tpu.memory_space<vmem>> -> memref<4096xi32, #tpu.memory_space<vmem>>
      %dma_start3A_536 = tpu.memref_slice %arg20[%add3A_121] : memref<1048576xi32, #tpu.memory_space<vmem_shared>> -> memref<4096xi32, #tpu.memory_space<vmem_shared>>
      %dma_start3A_537 = arith.constant 0 : i32
      %dma_start3A_538 = tpu.memref_slice %arg10[%dma_start3A_537] : memref<8192xi32, #tpu.memory_space<vmem>> -> memref<4096xi32, #tpu.memory_space<vmem>>
      %dma_start3A_539 = tpu.memref_slice %arg20[%add3A_121] : memref<1048576xi32, #tpu.memory_space<vmem_shared>> -> memref<4096xi32, #tpu.memory_space<vmem_shared>>
      tpu.enqueue_dma source(%dma_start3A_539 : memref<4096xi32, #tpu.memory_space<vmem_shared>>) target(%dma_start3A_538 : memref<4096xi32, #tpu.memory_space<vmem>>) target_semaphore(%run_scoped3A_533 : memref<!tpu.dma_semaphore, #tpu.memory_space<semaphore_mem>>)
      %dma_wait3A_540 = arith.constant 0 : i32
      %dma_wait3A_541 = tpu.memref_slice %arg10[%dma_wait3A_540] : memref<8192xi32, #tpu.memory_space<vmem>> -> memref<4096xi32, #tpu.memory_space<vmem>>
      %dma_wait3A_542 = tpu.memref_slice %arg20[%add3A_121] : memref<1048576xi32, #tpu.memory_space<vmem_shared>> -> memref<4096xi32, #tpu.memory_space<vmem_shared>>
      %dma_wait3A_543 = arith.constant 0 : i32
      %dma_wait3A_544 = tpu.memref_slice %arg10[%dma_wait3A_543] : memref<8192xi32, #tpu.memory_space<vmem>> -> memref<4096xi32, #tpu.memory_space<vmem>>
      %dma_wait3A_545 = tpu.memref_slice %arg20[%add3A_121] : memref<1048576xi32, #tpu.memory_space<vmem_shared>> -> memref<4096xi32, #tpu.memory_space<vmem_shared>>
      tpu.wait_dma2 semaphore(%run_scoped3A_533 : memref<!tpu.dma_semaphore, #tpu.memory_space<semaphore_mem>>) src(%dma_wait3A_545 : memref<4096xi32, #tpu.memory_space<vmem_shared>>) dst(%dma_wait3A_544 : memref<4096xi32, #tpu.memory_space<vmem>>)
      tpu.yield
    }) : () -> ()
    %scan3A_122 = arith.constant 0 : i32
    %scan3A_123 = arith.constant 256 : i32
    %scan3A_124 = arith.addi %scan3A_122, %scan3A_123 : i32
    %scan3A_125 = arith.constant 1 : i32
    %scan3A_126 = scf.for %scan3A_533 = %scan3A_122 to %scan3A_124 step %scan3A_125 iter_args(%scan3A_534 = %scan3A_110) -> (vector<16xi32>)  : i32 {
      %mul3A_535 = arith.constant 16 : i32
      %mul3A_536 = arith.muli %scan3A_533, %mul3A_535 : i32
      %get3A_537 = arith.index_cast %mul3A_536 : i32 to index
      %get3A_538 = tpu.vector_load %arg10[%get3A_537] {strides = array<i32>} : memref<8192xi32, #tpu.memory_space<vmem>>, vector<16xi32>,
      %get3A_539 = vector.shape_cast %get3A_538 : vector<16xi32> to vector<16xi32>
      %shift_right_logical3A = arith.constant 1 : i32
      %shift_right_logical3A_540 = vector.broadcast %shift_right_logical3A : i32 to vector<16xi32>
      %shift_right_logical3A_541 = arith.shrui %get3A_539, %shift_right_logical3A_540 : vector<16xi32>
      %and3A = arith.constant 1431655765 : i32
      %and3A_542 = vector.broadcast %and3A : i32 to vector<16xi32>
      %and3A_543 = arith.andi %shift_right_logical3A_541, %and3A_542 : vector<16xi32>
      %sub3A_544 = arith.subi %get3A_539, %and3A_543 : vector<16xi32>
      %and3A_545 = arith.constant 858993459 : i32
      %and3A_546 = vector.broadcast %and3A_545 : i32 to vector<16xi32>
      %and3A_547 = arith.andi %sub3A_544, %and3A_546 : vector<16xi32>
      %shift_right_logical3A_548 = arith.constant 2 : i32
      %shift_right_logical3A_549 = vector.broadcast %shift_right_logical3A_548 : i32 to vector<16xi32>
      %shift_right_logical3A_550 = arith.shrui %sub3A_544, %shift_right_logical3A_549 : vector<16xi32>
      %and3A_551 = arith.constant 858993459 : i32
      %and3A_552 = vector.broadcast %and3A_551 : i32 to vector<16xi32>
      %and3A_553 = arith.andi %shift_right_logical3A_550, %and3A_552 : vector<16xi32>
      %add3A_554 = arith.addi %and3A_547, %and3A_553 : vector<16xi32>
      %shift_right_logical3A_555 = arith.constant 4 : i32
      %shift_right_logical3A_556 = vector.broadcast %shift_right_logical3A_555 : i32 to vector<16xi32>
      %shift_right_logical3A_557 = arith.shrui %add3A_554, %shift_right_logical3A_556 : vector<16xi32>
      %add3A_558 = arith.addi %add3A_554, %shift_right_logical3A_557 : vector<16xi32>
      %and3A_559 = arith.constant 252645135 : i32
      %and3A_560 = vector.broadcast %and3A_559 : i32 to vector<16xi32>
      %and3A_561 = arith.andi %add3A_558, %and3A_560 : vector<16xi32>
      %shift_right_logical3A_562 = arith.constant 8 : i32
      %shift_right_logical3A_563 = vector.broadcast %shift_right_logical3A_562 : i32 to vector<16xi32>
      %shift_right_logical3A_564 = arith.shrui %and3A_561, %shift_right_logical3A_563 : vector<16xi32>
      %add3A_565 = arith.addi %and3A_561, %shift_right_logical3A_564 : vector<16xi32>
      %shift_right_logical3A_566 = arith.constant 16 : i32
      %shift_right_logical3A_567 = vector.broadcast %shift_right_logical3A_566 : i32 to vector<16xi32>
      %shift_right_logical3A_568 = arith.shrui %and3A_561, %shift_right_logical3A_567 : vector<16xi32>
      %add3A_569 = arith.addi %add3A_565, %shift_right_logical3A_568 : vector<16xi32>
      %shift_right_logical3A_570 = arith.constant 24 : i32
      %shift_right_logical3A_571 = vector.broadcast %shift_right_logical3A_570 : i32 to vector<16xi32>
      %shift_right_logical3A_572 = arith.shrui %and3A_561, %shift_right_logical3A_571 : vector<16xi32>
      %add3A_573 = arith.addi %add3A_569, %shift_right_logical3A_572 : vector<16xi32>
      %and3A_574 = arith.constant 63 : i32
      %and3A_575 = vector.broadcast %and3A_574 : i32 to vector<16xi32>
      %and3A_576 = arith.andi %add3A_573, %and3A_575 : vector<16xi32>
      %iota3A_577 = tpu.iota {dimensions = array<i32: 0>} : vector<16xi32>
      %sub3A_578 = arith.constant 1 : i32
      %sub3A_579 = vector.broadcast %sub3A_578 : i32 to vector<16xi32>
      %sub3A_580 = arith.subi %iota3A_577, %sub3A_579 : vector<16xi32>
      %max3A_581 = arith.constant 0 : i32
      %max3A_582 = vector.broadcast %max3A_581 : i32 to vector<16xi32>
      %max3A_583 = arith.maxsi %sub3A_580, %max3A_582 : vector<16xi32>
      %lt3A_584 = arith.constant 0 : i32
      %lt3A_585 = vector.broadcast %lt3A_584 : i32 to vector<16xi32>
      %lt3A_586 = arith.cmpi slt, %max3A_583, %lt3A_585 : vector<16xi32>
      %add3A_587 = arith.constant 16 : i32
      %add3A_588 = vector.broadcast %add3A_587 : i32 to vector<16xi32>
      %add3A_589 = arith.addi %max3A_583, %add3A_588 : vector<16xi32>
      %select_n3A_590 = arith.select %lt3A_586, %add3A_589, %max3A_583 : vector<16xi1>, vector<16xi32>
      %broadcast_in_dim3A_591 = vector.shape_cast %select_n3A_590 : vector<16xi32> to vector<16x1xi32>
      %gather3A_592 = vector.shape_cast %broadcast_in_dim3A_591 : vector<16x1xi32> to vector<16xi32>
      %gather3A_593 = tpu.dynamic_gather %and3A_576[%gather3A_592] in [0] : vector<16xi32>, vector<16xi32> -> vector<16xi32>
      %ge3A_594 = arith.constant 1 : i32
      %ge3A_595 = vector.broadcast %ge3A_594 : i32 to vector<16xi32>
      %ge3A_596 = arith.cmpi sge, %iota3A_577, %ge3A_595 : vector<16xi32>
      %jit3A_597 = arith.constant 0 : i32
      %broadcast_in_dim3A_598 = vector.broadcast %jit3A_597 : i32 to vector<16xi32>
      %select_n3A_599 = arith.select %ge3A_596, %gather3A_593, %broadcast_in_dim3A_598 : vector<16xi1>, vector<16xi32>
      %add3A_600 = arith.addi %and3A_576, %select_n3A_599 : vector<16xi32>
      %sub3A_601 = arith.constant 2 : i32
      %sub3A_602 = vector.broadcast %sub3A_601 : i32 to vector<16xi32>
      %sub3A_603 = arith.subi %iota3A_577, %sub3A_602 : vector<16xi32>
      %max3A_604 = arith.constant 0 : i32
      %max3A_605 = vector.broadcast %max3A_604 : i32 to vector<16xi32>
      %max3A_606 = arith.maxsi %sub3A_603, %max3A_605 : vector<16xi32>
      %lt3A_607 = arith.constant 0 : i32
      %lt3A_608 = vector.broadcast %lt3A_607 : i32 to vector<16xi32>
      %lt3A_609 = arith.cmpi slt, %max3A_606, %lt3A_608 : vector<16xi32>
      %add3A_610 = arith.constant 16 : i32
      %add3A_611 = vector.broadcast %add3A_610 : i32 to vector<16xi32>
      %add3A_612 = arith.addi %max3A_606, %add3A_611 : vector<16xi32>
      %select_n3A_613 = arith.select %lt3A_609, %add3A_612, %max3A_606 : vector<16xi1>, vector<16xi32>
      %broadcast_in_dim3A_614 = vector.shape_cast %select_n3A_613 : vector<16xi32> to vector<16x1xi32>
      %gather3A_615 = vector.shape_cast %broadcast_in_dim3A_614 : vector<16x1xi32> to vector<16xi32>
      %gather3A_616 = tpu.dynamic_gather %add3A_600[%gather3A_615] in [0] : vector<16xi32>, vector<16xi32> -> vector<16xi32>
      %ge3A_617 = arith.constant 2 : i32
      %ge3A_618 = vector.broadcast %ge3A_617 : i32 to vector<16xi32>
      %ge3A_619 = arith.cmpi sge, %iota3A_577, %ge3A_618 : vector<16xi32>
      %jit3A_620 = arith.constant 0 : i32
      %broadcast_in_dim3A_621 = vector.broadcast %jit3A_620 : i32 to vector<16xi32>
      %select_n3A_622 = arith.select %ge3A_619, %gather3A_616, %broadcast_in_dim3A_621 : vector<16xi1>, vector<16xi32>
      %add3A_623 = arith.addi %add3A_600, %select_n3A_622 : vector<16xi32>
      %sub3A_624 = arith.constant 4 : i32
      %sub3A_625 = vector.broadcast %sub3A_624 : i32 to vector<16xi32>
      %sub3A_626 = arith.subi %iota3A_577, %sub3A_625 : vector<16xi32>
      %max3A_627 = arith.constant 0 : i32
      %max3A_628 = vector.broadcast %max3A_627 : i32 to vector<16xi32>
      %max3A_629 = arith.maxsi %sub3A_626, %max3A_628 : vector<16xi32>
      %lt3A_630 = arith.constant 0 : i32
      %lt3A_631 = vector.broadcast %lt3A_630 : i32 to vector<16xi32>
      %lt3A_632 = arith.cmpi slt, %max3A_629, %lt3A_631 : vector<16xi32>
      %add3A_633 = arith.constant 16 : i32
      %add3A_634 = vector.broadcast %add3A_633 : i32 to vector<16xi32>
      %add3A_635 = arith.addi %max3A_629, %add3A_634 : vector<16xi32>
      %select_n3A_636 = arith.select %lt3A_632, %add3A_635, %max3A_629 : vector<16xi1>, vector<16xi32>
      %broadcast_in_dim3A_637 = vector.shape_cast %select_n3A_636 : vector<16xi32> to vector<16x1xi32>
      %gather3A_638 = vector.shape_cast %broadcast_in_dim3A_637 : vector<16x1xi32> to vector<16xi32>
      %gather3A_639 = tpu.dynamic_gather %add3A_623[%gather3A_638] in [0] : vector<16xi32>, vector<16xi32> -> vector<16xi32>
      %ge3A_640 = arith.constant 4 : i32
      %ge3A_641 = vector.broadcast %ge3A_640 : i32 to vector<16xi32>
      %ge3A_642 = arith.cmpi sge, %iota3A_577, %ge3A_641 : vector<16xi32>
      %jit3A_643 = arith.constant 0 : i32
      %broadcast_in_dim3A_644 = vector.broadcast %jit3A_643 : i32 to vector<16xi32>
      %select_n3A_645 = arith.select %ge3A_642, %gather3A_639, %broadcast_in_dim3A_644 : vector<16xi1>, vector<16xi32>
      %add3A_646 = arith.addi %add3A_623, %select_n3A_645 : vector<16xi32>
      %sub3A_647 = arith.constant 8 : i32
      %sub3A_648 = vector.broadcast %sub3A_647 : i32 to vector<16xi32>
      %sub3A_649 = arith.subi %iota3A_577, %sub3A_648 : vector<16xi32>
      %max3A_650 = arith.constant 0 : i32
      %max3A_651 = vector.broadcast %max3A_650 : i32 to vector<16xi32>
      %max3A_652 = arith.maxsi %sub3A_649, %max3A_651 : vector<16xi32>
      %lt3A_653 = arith.constant 0 : i32
      %lt3A_654 = vector.broadcast %lt3A_653 : i32 to vector<16xi32>
      %lt3A_655 = arith.cmpi slt, %max3A_652, %lt3A_654 : vector<16xi32>
      %add3A_656 = arith.constant 16 : i32
      %add3A_657 = vector.broadcast %add3A_656 : i32 to vector<16xi32>
      %add3A_658 = arith.addi %max3A_652, %add3A_657 : vector<16xi32>
      %select_n3A_659 = arith.select %lt3A_655, %add3A_658, %max3A_652 : vector<16xi1>, vector<16xi32>
      %broadcast_in_dim3A_660 = vector.shape_cast %select_n3A_659 : vector<16xi32> to vector<16x1xi32>
      %gather3A_661 = vector.shape_cast %broadcast_in_dim3A_660 : vector<16x1xi32> to vector<16xi32>
      %gather3A_662 = tpu.dynamic_gather %add3A_646[%gather3A_661] in [0] : vector<16xi32>, vector<16xi32> -> vector<16xi32>
      %ge3A_663 = arith.constant 8 : i32
      %ge3A_664 = vector.broadcast %ge3A_663 : i32 to vector<16xi32>
      %ge3A_665 = arith.cmpi sge, %iota3A_577, %ge3A_664 : vector<16xi32>
      %jit3A_666 = arith.constant 0 : i32
      %broadcast_in_dim3A_667 = vector.broadcast %jit3A_666 : i32 to vector<16xi32>
      %select_n3A_668 = arith.select %ge3A_665, %gather3A_662, %broadcast_in_dim3A_667 : vector<16xi1>, vector<16xi32>
      %add3A_669 = arith.addi %add3A_646, %select_n3A_668 : vector<16xi32>
      %sub3A_670 = arith.subi %add3A_669, %and3A_576 : vector<16xi32>
      %add3A_671 = arith.addi %sub3A_670, %scan3A_534 : vector<16xi32>
      %mul3A_672 = arith.constant 16 : i32
      %mul3A_673 = arith.muli %scan3A_533, %mul3A_672 : i32
      %add3A_674 = arith.constant 4096 : i32
      %add3A_675 = arith.addi %add3A_674, %mul3A_673 : i32
      %swap3A_676 = arith.index_cast %add3A_675 : i32 to index
      %swap3A_677 = tpu.vector_load %arg10[%swap3A_676] {strides = array<i32>} : memref<8192xi32, #tpu.memory_space<vmem>>, vector<16xi32>,
      %swap3A_678 = vector.shape_cast %swap3A_677 : vector<16xi32> to vector<16xi32>
      %swap3A_679 = vector.shape_cast %add3A_671 : vector<16xi32> to vector<16xi32>
      tpu.vector_store %arg10[%swap3A_676], %swap3A_679 {strides = array<i32>} : memref<8192xi32, #tpu.memory_space<vmem>>, vector<16xi32>,
      %broadcast_in_dim3A_680 = arith.constant 15 : i32
      %broadcast_in_dim3A_681 = vector.broadcast %broadcast_in_dim3A_680 : i32 to vector<16xi32>
      %lt3A_682 = arith.constant 0 : i32
      %lt3A_683 = vector.broadcast %lt3A_682 : i32 to vector<16xi32>
      %lt3A_684 = arith.cmpi slt, %broadcast_in_dim3A_681, %lt3A_683 : vector<16xi32>
      %add3A_685 = arith.constant 16 : i32
      %add3A_686 = vector.broadcast %add3A_685 : i32 to vector<16xi32>
      %add3A_687 = arith.addi %broadcast_in_dim3A_681, %add3A_686 : vector<16xi32>
      %select_n3A_688 = arith.select %lt3A_684, %add3A_687, %broadcast_in_dim3A_681 : vector<16xi1>, vector<16xi32>
      %broadcast_in_dim3A_689 = vector.shape_cast %select_n3A_688 : vector<16xi32> to vector<16x1xi32>
      %gather3A_690 = vector.shape_cast %broadcast_in_dim3A_689 : vector<16x1xi32> to vector<16xi32>
      %gather3A_691 = tpu.dynamic_gather %add3A_669[%gather3A_690] in [0] : vector<16xi32>, vector<16xi32> -> vector<16xi32>
      %add3A_692 = arith.addi %scan3A_534, %gather3A_691 : vector<16xi32>
      scf.yield %add3A_692 : vector<16xi32>
    }
    %scan3A_127 = arith.constant 256 : i32
    %mul3A_128 = arith.constant 32768 : i32
    %mul3A_129 = arith.muli %arg1, %mul3A_128 : i32
    %add3A_130 = arith.constant 524288 : i32
    %add3A_131 = arith.addi %add3A_130, %mul3A_129 : i32
    %add3A_132 = arith.constant 8192 : i32
    %add3A_133 = arith.addi %add3A_131, %add3A_132 : i32
    "tpu.region"() ({
      %run_scoped3A_533 = tpu.sem_alloc : memref<!tpu.dma_semaphore, #tpu.memory_space<semaphore_mem>>
      %dma_start3A_534 = arith.constant 4096 : i32
      %dma_start3A_535 = tpu.memref_slice %arg10[%dma_start3A_534] : memref<8192xi32, #tpu.memory_space<vmem>> -> memref<4096xi32, #tpu.memory_space<vmem>>
      %dma_start3A_536 = tpu.memref_slice %arg20[%add3A_133] : memref<1048576xi32, #tpu.memory_space<vmem_shared>> -> memref<4096xi32, #tpu.memory_space<vmem_shared>>
      %dma_start3A_537 = tpu.memref_slice %arg20[%add3A_133] : memref<1048576xi32, #tpu.memory_space<vmem_shared>> -> memref<4096xi32, #tpu.memory_space<vmem_shared>>
      %dma_start3A_538 = arith.constant 4096 : i32
      %dma_start3A_539 = tpu.memref_slice %arg10[%dma_start3A_538] : memref<8192xi32, #tpu.memory_space<vmem>> -> memref<4096xi32, #tpu.memory_space<vmem>>
      tpu.enqueue_dma source(%dma_start3A_539 : memref<4096xi32, #tpu.memory_space<vmem>>) target(%dma_start3A_537 : memref<4096xi32, #tpu.memory_space<vmem_shared>>) target_semaphore(%run_scoped3A_533 : memref<!tpu.dma_semaphore, #tpu.memory_space<semaphore_mem>>)
      %dma_wait3A_540 = arith.constant 4096 : i32
      %dma_wait3A_541 = tpu.memref_slice %arg10[%dma_wait3A_540] : memref<8192xi32, #tpu.memory_space<vmem>> -> memref<4096xi32, #tpu.memory_space<vmem>>
      %dma_wait3A_542 = tpu.memref_slice %arg20[%add3A_133] : memref<1048576xi32, #tpu.memory_space<vmem_shared>> -> memref<4096xi32, #tpu.memory_space<vmem_shared>>
      %dma_wait3A_543 = tpu.memref_slice %arg20[%add3A_133] : memref<1048576xi32, #tpu.memory_space<vmem_shared>> -> memref<4096xi32, #tpu.memory_space<vmem_shared>>
      %dma_wait3A_544 = arith.constant 4096 : i32
      %dma_wait3A_545 = tpu.memref_slice %arg10[%dma_wait3A_544] : memref<8192xi32, #tpu.memory_space<vmem>> -> memref<4096xi32, #tpu.memory_space<vmem>>
      tpu.wait_dma2 semaphore(%run_scoped3A_533 : memref<!tpu.dma_semaphore, #tpu.memory_space<semaphore_mem>>) src(%dma_wait3A_545 : memref<4096xi32, #tpu.memory_space<vmem>>) dst(%dma_wait3A_543 : memref<4096xi32, #tpu.memory_space<vmem_shared>>)
      tpu.yield
    }) : () -> ()
    %mul3A_134 = arith.constant 32768 : i32
    %mul3A_135 = arith.muli %arg1, %mul3A_134 : i32
    %add3A_136 = arith.constant 12288 : i32
    %add3A_137 = arith.addi %mul3A_135, %add3A_136 : i32
    "tpu.region"() ({
      %run_scoped3A_533 = tpu.sem_alloc : memref<!tpu.dma_semaphore, #tpu.memory_space<semaphore_mem>>
      %dma_start3A_534 = arith.constant 0 : i32
      %dma_start3A_535 = tpu.memref_slice %arg10[%dma_start3A_534] : memref<8192xi32, #tpu.memory_space<vmem>> -> memref<4096xi32, #tpu.memory_space<vmem>>
      %dma_start3A_536 = tpu.memref_slice %arg20[%add3A_137] : memref<1048576xi32, #tpu.memory_space<vmem_shared>> -> memref<4096xi32, #tpu.memory_space<vmem_shared>>
      %dma_start3A_537 = arith.constant 0 : i32
      %dma_start3A_538 = tpu.memref_slice %arg10[%dma_start3A_537] : memref<8192xi32, #tpu.memory_space<vmem>> -> memref<4096xi32, #tpu.memory_space<vmem>>
      %dma_start3A_539 = tpu.memref_slice %arg20[%add3A_137] : memref<1048576xi32, #tpu.memory_space<vmem_shared>> -> memref<4096xi32, #tpu.memory_space<vmem_shared>>
      tpu.enqueue_dma source(%dma_start3A_539 : memref<4096xi32, #tpu.memory_space<vmem_shared>>) target(%dma_start3A_538 : memref<4096xi32, #tpu.memory_space<vmem>>) target_semaphore(%run_scoped3A_533 : memref<!tpu.dma_semaphore, #tpu.memory_space<semaphore_mem>>)
      %dma_wait3A_540 = arith.constant 0 : i32
      %dma_wait3A_541 = tpu.memref_slice %arg10[%dma_wait3A_540] : memref<8192xi32, #tpu.memory_space<vmem>> -> memref<4096xi32, #tpu.memory_space<vmem>>
      %dma_wait3A_542 = tpu.memref_slice %arg20[%add3A_137] : memref<1048576xi32, #tpu.memory_space<vmem_shared>> -> memref<4096xi32, #tpu.memory_space<vmem_shared>>
      %dma_wait3A_543 = arith.constant 0 : i32
      %dma_wait3A_544 = tpu.memref_slice %arg10[%dma_wait3A_543] : memref<8192xi32, #tpu.memory_space<vmem>> -> memref<4096xi32, #tpu.memory_space<vmem>>
      %dma_wait3A_545 = tpu.memref_slice %arg20[%add3A_137] : memref<1048576xi32, #tpu.memory_space<vmem_shared>> -> memref<4096xi32, #tpu.memory_space<vmem_shared>>
      tpu.wait_dma2 semaphore(%run_scoped3A_533 : memref<!tpu.dma_semaphore, #tpu.memory_space<semaphore_mem>>) src(%dma_wait3A_545 : memref<4096xi32, #tpu.memory_space<vmem_shared>>) dst(%dma_wait3A_544 : memref<4096xi32, #tpu.memory_space<vmem>>)
      tpu.yield
    }) : () -> ()
    %scan3A_138 = arith.constant 0 : i32
    %scan3A_139 = arith.constant 256 : i32
    %scan3A_140 = arith.addi %scan3A_138, %scan3A_139 : i32
    %scan3A_141 = arith.constant 1 : i32
    %scan3A_142 = scf.for %scan3A_533 = %scan3A_138 to %scan3A_140 step %scan3A_141 iter_args(%scan3A_534 = %scan3A_126) -> (vector<16xi32>)  : i32 {
      %mul3A_535 = arith.constant 16 : i32
      %mul3A_536 = arith.muli %scan3A_533, %mul3A_535 : i32
      %get3A_537 = arith.index_cast %mul3A_536 : i32 to index
      %get3A_538 = tpu.vector_load %arg10[%get3A_537] {strides = array<i32>} : memref<8192xi32, #tpu.memory_space<vmem>>, vector<16xi32>,
      %get3A_539 = vector.shape_cast %get3A_538 : vector<16xi32> to vector<16xi32>
      %shift_right_logical3A = arith.constant 1 : i32
      %shift_right_logical3A_540 = vector.broadcast %shift_right_logical3A : i32 to vector<16xi32>
      %shift_right_logical3A_541 = arith.shrui %get3A_539, %shift_right_logical3A_540 : vector<16xi32>
      %and3A = arith.constant 1431655765 : i32
      %and3A_542 = vector.broadcast %and3A : i32 to vector<16xi32>
      %and3A_543 = arith.andi %shift_right_logical3A_541, %and3A_542 : vector<16xi32>
      %sub3A_544 = arith.subi %get3A_539, %and3A_543 : vector<16xi32>
      %and3A_545 = arith.constant 858993459 : i32
      %and3A_546 = vector.broadcast %and3A_545 : i32 to vector<16xi32>
      %and3A_547 = arith.andi %sub3A_544, %and3A_546 : vector<16xi32>
      %shift_right_logical3A_548 = arith.constant 2 : i32
      %shift_right_logical3A_549 = vector.broadcast %shift_right_logical3A_548 : i32 to vector<16xi32>
      %shift_right_logical3A_550 = arith.shrui %sub3A_544, %shift_right_logical3A_549 : vector<16xi32>
      %and3A_551 = arith.constant 858993459 : i32
      %and3A_552 = vector.broadcast %and3A_551 : i32 to vector<16xi32>
      %and3A_553 = arith.andi %shift_right_logical3A_550, %and3A_552 : vector<16xi32>
      %add3A_554 = arith.addi %and3A_547, %and3A_553 : vector<16xi32>
      %shift_right_logical3A_555 = arith.constant 4 : i32
      %shift_right_logical3A_556 = vector.broadcast %shift_right_logical3A_555 : i32 to vector<16xi32>
      %shift_right_logical3A_557 = arith.shrui %add3A_554, %shift_right_logical3A_556 : vector<16xi32>
      %add3A_558 = arith.addi %add3A_554, %shift_right_logical3A_557 : vector<16xi32>
      %and3A_559 = arith.constant 252645135 : i32
      %and3A_560 = vector.broadcast %and3A_559 : i32 to vector<16xi32>
      %and3A_561 = arith.andi %add3A_558, %and3A_560 : vector<16xi32>
      %shift_right_logical3A_562 = arith.constant 8 : i32
      %shift_right_logical3A_563 = vector.broadcast %shift_right_logical3A_562 : i32 to vector<16xi32>
      %shift_right_logical3A_564 = arith.shrui %and3A_561, %shift_right_logical3A_563 : vector<16xi32>
      %add3A_565 = arith.addi %and3A_561, %shift_right_logical3A_564 : vector<16xi32>
      %shift_right_logical3A_566 = arith.constant 16 : i32
      %shift_right_logical3A_567 = vector.broadcast %shift_right_logical3A_566 : i32 to vector<16xi32>
      %shift_right_logical3A_568 = arith.shrui %and3A_561, %shift_right_logical3A_567 : vector<16xi32>
      %add3A_569 = arith.addi %add3A_565, %shift_right_logical3A_568 : vector<16xi32>
      %shift_right_logical3A_570 = arith.constant 24 : i32
      %shift_right_logical3A_571 = vector.broadcast %shift_right_logical3A_570 : i32 to vector<16xi32>
      %shift_right_logical3A_572 = arith.shrui %and3A_561, %shift_right_logical3A_571 : vector<16xi32>
      %add3A_573 = arith.addi %add3A_569, %shift_right_logical3A_572 : vector<16xi32>
      %and3A_574 = arith.constant 63 : i32
      %and3A_575 = vector.broadcast %and3A_574 : i32 to vector<16xi32>
      %and3A_576 = arith.andi %add3A_573, %and3A_575 : vector<16xi32>
      %iota3A_577 = tpu.iota {dimensions = array<i32: 0>} : vector<16xi32>
      %sub3A_578 = arith.constant 1 : i32
      %sub3A_579 = vector.broadcast %sub3A_578 : i32 to vector<16xi32>
      %sub3A_580 = arith.subi %iota3A_577, %sub3A_579 : vector<16xi32>
      %max3A_581 = arith.constant 0 : i32
      %max3A_582 = vector.broadcast %max3A_581 : i32 to vector<16xi32>
      %max3A_583 = arith.maxsi %sub3A_580, %max3A_582 : vector<16xi32>
      %lt3A_584 = arith.constant 0 : i32
      %lt3A_585 = vector.broadcast %lt3A_584 : i32 to vector<16xi32>
      %lt3A_586 = arith.cmpi slt, %max3A_583, %lt3A_585 : vector<16xi32>
      %add3A_587 = arith.constant 16 : i32
      %add3A_588 = vector.broadcast %add3A_587 : i32 to vector<16xi32>
      %add3A_589 = arith.addi %max3A_583, %add3A_588 : vector<16xi32>
      %select_n3A_590 = arith.select %lt3A_586, %add3A_589, %max3A_583 : vector<16xi1>, vector<16xi32>
      %broadcast_in_dim3A_591 = vector.shape_cast %select_n3A_590 : vector<16xi32> to vector<16x1xi32>
      %gather3A_592 = vector.shape_cast %broadcast_in_dim3A_591 : vector<16x1xi32> to vector<16xi32>
      %gather3A_593 = tpu.dynamic_gather %and3A_576[%gather3A_592] in [0] : vector<16xi32>, vector<16xi32> -> vector<16xi32>
      %ge3A_594 = arith.constant 1 : i32
      %ge3A_595 = vector.broadcast %ge3A_594 : i32 to vector<16xi32>
      %ge3A_596 = arith.cmpi sge, %iota3A_577, %ge3A_595 : vector<16xi32>
      %jit3A_597 = arith.constant 0 : i32
      %broadcast_in_dim3A_598 = vector.broadcast %jit3A_597 : i32 to vector<16xi32>
      %select_n3A_599 = arith.select %ge3A_596, %gather3A_593, %broadcast_in_dim3A_598 : vector<16xi1>, vector<16xi32>
      %add3A_600 = arith.addi %and3A_576, %select_n3A_599 : vector<16xi32>
      %sub3A_601 = arith.constant 2 : i32
      %sub3A_602 = vector.broadcast %sub3A_601 : i32 to vector<16xi32>
      %sub3A_603 = arith.subi %iota3A_577, %sub3A_602 : vector<16xi32>
      %max3A_604 = arith.constant 0 : i32
      %max3A_605 = vector.broadcast %max3A_604 : i32 to vector<16xi32>
      %max3A_606 = arith.maxsi %sub3A_603, %max3A_605 : vector<16xi32>
      %lt3A_607 = arith.constant 0 : i32
      %lt3A_608 = vector.broadcast %lt3A_607 : i32 to vector<16xi32>
      %lt3A_609 = arith.cmpi slt, %max3A_606, %lt3A_608 : vector<16xi32>
      %add3A_610 = arith.constant 16 : i32
      %add3A_611 = vector.broadcast %add3A_610 : i32 to vector<16xi32>
      %add3A_612 = arith.addi %max3A_606, %add3A_611 : vector<16xi32>
      %select_n3A_613 = arith.select %lt3A_609, %add3A_612, %max3A_606 : vector<16xi1>, vector<16xi32>
      %broadcast_in_dim3A_614 = vector.shape_cast %select_n3A_613 : vector<16xi32> to vector<16x1xi32>
      %gather3A_615 = vector.shape_cast %broadcast_in_dim3A_614 : vector<16x1xi32> to vector<16xi32>
      %gather3A_616 = tpu.dynamic_gather %add3A_600[%gather3A_615] in [0] : vector<16xi32>, vector<16xi32> -> vector<16xi32>
      %ge3A_617 = arith.constant 2 : i32
      %ge3A_618 = vector.broadcast %ge3A_617 : i32 to vector<16xi32>
      %ge3A_619 = arith.cmpi sge, %iota3A_577, %ge3A_618 : vector<16xi32>
      %jit3A_620 = arith.constant 0 : i32
      %broadcast_in_dim3A_621 = vector.broadcast %jit3A_620 : i32 to vector<16xi32>
      %select_n3A_622 = arith.select %ge3A_619, %gather3A_616, %broadcast_in_dim3A_621 : vector<16xi1>, vector<16xi32>
      %add3A_623 = arith.addi %add3A_600, %select_n3A_622 : vector<16xi32>
      %sub3A_624 = arith.constant 4 : i32
      %sub3A_625 = vector.broadcast %sub3A_624 : i32 to vector<16xi32>
      %sub3A_626 = arith.subi %iota3A_577, %sub3A_625 : vector<16xi32>
      %max3A_627 = arith.constant 0 : i32
      %max3A_628 = vector.broadcast %max3A_627 : i32 to vector<16xi32>
      %max3A_629 = arith.maxsi %sub3A_626, %max3A_628 : vector<16xi32>
      %lt3A_630 = arith.constant 0 : i32
      %lt3A_631 = vector.broadcast %lt3A_630 : i32 to vector<16xi32>
      %lt3A_632 = arith.cmpi slt, %max3A_629, %lt3A_631 : vector<16xi32>
      %add3A_633 = arith.constant 16 : i32
      %add3A_634 = vector.broadcast %add3A_633 : i32 to vector<16xi32>
      %add3A_635 = arith.addi %max3A_629, %add3A_634 : vector<16xi32>
      %select_n3A_636 = arith.select %lt3A_632, %add3A_635, %max3A_629 : vector<16xi1>, vector<16xi32>
      %broadcast_in_dim3A_637 = vector.shape_cast %select_n3A_636 : vector<16xi32> to vector<16x1xi32>
      %gather3A_638 = vector.shape_cast %broadcast_in_dim3A_637 : vector<16x1xi32> to vector<16xi32>
      %gather3A_639 = tpu.dynamic_gather %add3A_623[%gather3A_638] in [0] : vector<16xi32>, vector<16xi32> -> vector<16xi32>
      %ge3A_640 = arith.constant 4 : i32
      %ge3A_641 = vector.broadcast %ge3A_640 : i32 to vector<16xi32>
      %ge3A_642 = arith.cmpi sge, %iota3A_577, %ge3A_641 : vector<16xi32>
      %jit3A_643 = arith.constant 0 : i32
      %broadcast_in_dim3A_644 = vector.broadcast %jit3A_643 : i32 to vector<16xi32>
      %select_n3A_645 = arith.select %ge3A_642, %gather3A_639, %broadcast_in_dim3A_644 : vector<16xi1>, vector<16xi32>
      %add3A_646 = arith.addi %add3A_623, %select_n3A_645 : vector<16xi32>
      %sub3A_647 = arith.constant 8 : i32
      %sub3A_648 = vector.broadcast %sub3A_647 : i32 to vector<16xi32>
      %sub3A_649 = arith.subi %iota3A_577, %sub3A_648 : vector<16xi32>
      %max3A_650 = arith.constant 0 : i32
      %max3A_651 = vector.broadcast %max3A_650 : i32 to vector<16xi32>
      %max3A_652 = arith.maxsi %sub3A_649, %max3A_651 : vector<16xi32>
      %lt3A_653 = arith.constant 0 : i32
      %lt3A_654 = vector.broadcast %lt3A_653 : i32 to vector<16xi32>
      %lt3A_655 = arith.cmpi slt, %max3A_652, %lt3A_654 : vector<16xi32>
      %add3A_656 = arith.constant 16 : i32
      %add3A_657 = vector.broadcast %add3A_656 : i32 to vector<16xi32>
      %add3A_658 = arith.addi %max3A_652, %add3A_657 : vector<16xi32>
      %select_n3A_659 = arith.select %lt3A_655, %add3A_658, %max3A_652 : vector<16xi1>, vector<16xi32>
      %broadcast_in_dim3A_660 = vector.shape_cast %select_n3A_659 : vector<16xi32> to vector<16x1xi32>
      %gather3A_661 = vector.shape_cast %broadcast_in_dim3A_660 : vector<16x1xi32> to vector<16xi32>
      %gather3A_662 = tpu.dynamic_gather %add3A_646[%gather3A_661] in [0] : vector<16xi32>, vector<16xi32> -> vector<16xi32>
      %ge3A_663 = arith.constant 8 : i32
      %ge3A_664 = vector.broadcast %ge3A_663 : i32 to vector<16xi32>
      %ge3A_665 = arith.cmpi sge, %iota3A_577, %ge3A_664 : vector<16xi32>
      %jit3A_666 = arith.constant 0 : i32
      %broadcast_in_dim3A_667 = vector.broadcast %jit3A_666 : i32 to vector<16xi32>
      %select_n3A_668 = arith.select %ge3A_665, %gather3A_662, %broadcast_in_dim3A_667 : vector<16xi1>, vector<16xi32>
      %add3A_669 = arith.addi %add3A_646, %select_n3A_668 : vector<16xi32>
      %sub3A_670 = arith.subi %add3A_669, %and3A_576 : vector<16xi32>
      %add3A_671 = arith.addi %sub3A_670, %scan3A_534 : vector<16xi32>
      %mul3A_672 = arith.constant 16 : i32
      %mul3A_673 = arith.muli %scan3A_533, %mul3A_672 : i32
      %add3A_674 = arith.constant 4096 : i32
      %add3A_675 = arith.addi %add3A_674, %mul3A_673 : i32
      %swap3A_676 = arith.index_cast %add3A_675 : i32 to index
      %swap3A_677 = tpu.vector_load %arg10[%swap3A_676] {strides = array<i32>} : memref<8192xi32, #tpu.memory_space<vmem>>, vector<16xi32>,
      %swap3A_678 = vector.shape_cast %swap3A_677 : vector<16xi32> to vector<16xi32>
      %swap3A_679 = vector.shape_cast %add3A_671 : vector<16xi32> to vector<16xi32>
      tpu.vector_store %arg10[%swap3A_676], %swap3A_679 {strides = array<i32>} : memref<8192xi32, #tpu.memory_space<vmem>>, vector<16xi32>,
      %broadcast_in_dim3A_680 = arith.constant 15 : i32
      %broadcast_in_dim3A_681 = vector.broadcast %broadcast_in_dim3A_680 : i32 to vector<16xi32>
      %lt3A_682 = arith.constant 0 : i32
      %lt3A_683 = vector.broadcast %lt3A_682 : i32 to vector<16xi32>
      %lt3A_684 = arith.cmpi slt, %broadcast_in_dim3A_681, %lt3A_683 : vector<16xi32>
      %add3A_685 = arith.constant 16 : i32
      %add3A_686 = vector.broadcast %add3A_685 : i32 to vector<16xi32>
      %add3A_687 = arith.addi %broadcast_in_dim3A_681, %add3A_686 : vector<16xi32>
      %select_n3A_688 = arith.select %lt3A_684, %add3A_687, %broadcast_in_dim3A_681 : vector<16xi1>, vector<16xi32>
      %broadcast_in_dim3A_689 = vector.shape_cast %select_n3A_688 : vector<16xi32> to vector<16x1xi32>
      %gather3A_690 = vector.shape_cast %broadcast_in_dim3A_689 : vector<16x1xi32> to vector<16xi32>
      %gather3A_691 = tpu.dynamic_gather %add3A_669[%gather3A_690] in [0] : vector<16xi32>, vector<16xi32> -> vector<16xi32>
      %add3A_692 = arith.addi %scan3A_534, %gather3A_691 : vector<16xi32>
      scf.yield %add3A_692 : vector<16xi32>
    }
    %scan3A_143 = arith.constant 256 : i32
    %mul3A_144 = arith.constant 32768 : i32
    %mul3A_145 = arith.muli %arg1, %mul3A_144 : i32
    %add3A_146 = arith.constant 524288 : i32
    %add3A_147 = arith.addi %add3A_146, %mul3A_145 : i32
    %add3A_148 = arith.constant 12288 : i32
    %add3A_149 = arith.addi %add3A_147, %add3A_148 : i32
    "tpu.region"() ({
      %run_scoped3A_533 = tpu.sem_alloc : memref<!tpu.dma_semaphore, #tpu.memory_space<semaphore_mem>>
      %dma_start3A_534 = arith.constant 4096 : i32
      %dma_start3A_535 = tpu.memref_slice %arg10[%dma_start3A_534] : memref<8192xi32, #tpu.memory_space<vmem>> -> memref<4096xi32, #tpu.memory_space<vmem>>
      %dma_start3A_536 = tpu.memref_slice %arg20[%add3A_149] : memref<1048576xi32, #tpu.memory_space<vmem_shared>> -> memref<4096xi32, #tpu.memory_space<vmem_shared>>
      %dma_start3A_537 = tpu.memref_slice %arg20[%add3A_149] : memref<1048576xi32, #tpu.memory_space<vmem_shared>> -> memref<4096xi32, #tpu.memory_space<vmem_shared>>
      %dma_start3A_538 = arith.constant 4096 : i32
      %dma_start3A_539 = tpu.memref_slice %arg10[%dma_start3A_538] : memref<8192xi32, #tpu.memory_space<vmem>> -> memref<4096xi32, #tpu.memory_space<vmem>>
      tpu.enqueue_dma source(%dma_start3A_539 : memref<4096xi32, #tpu.memory_space<vmem>>) target(%dma_start3A_537 : memref<4096xi32, #tpu.memory_space<vmem_shared>>) target_semaphore(%run_scoped3A_533 : memref<!tpu.dma_semaphore, #tpu.memory_space<semaphore_mem>>)
      %dma_wait3A_540 = arith.constant 4096 : i32
      %dma_wait3A_541 = tpu.memref_slice %arg10[%dma_wait3A_540] : memref<8192xi32, #tpu.memory_space<vmem>> -> memref<4096xi32, #tpu.memory_space<vmem>>
      %dma_wait3A_542 = tpu.memref_slice %arg20[%add3A_149] : memref<1048576xi32, #tpu.memory_space<vmem_shared>> -> memref<4096xi32, #tpu.memory_space<vmem_shared>>
      %dma_wait3A_543 = tpu.memref_slice %arg20[%add3A_149] : memref<1048576xi32, #tpu.memory_space<vmem_shared>> -> memref<4096xi32, #tpu.memory_space<vmem_shared>>
      %dma_wait3A_544 = arith.constant 4096 : i32
      %dma_wait3A_545 = tpu.memref_slice %arg10[%dma_wait3A_544] : memref<8192xi32, #tpu.memory_space<vmem>> -> memref<4096xi32, #tpu.memory_space<vmem>>
      tpu.wait_dma2 semaphore(%run_scoped3A_533 : memref<!tpu.dma_semaphore, #tpu.memory_space<semaphore_mem>>) src(%dma_wait3A_545 : memref<4096xi32, #tpu.memory_space<vmem>>) dst(%dma_wait3A_543 : memref<4096xi32, #tpu.memory_space<vmem_shared>>)
      tpu.yield
    }) : () -> ()
    %mul3A_150 = arith.constant 32768 : i32
    %mul3A_151 = arith.muli %arg1, %mul3A_150 : i32
    %add3A_152 = arith.constant 16384 : i32
    %add3A_153 = arith.addi %mul3A_151, %add3A_152 : i32
    "tpu.region"() ({
      %run_scoped3A_533 = tpu.sem_alloc : memref<!tpu.dma_semaphore, #tpu.memory_space<semaphore_mem>>
      %dma_start3A_534 = arith.constant 0 : i32
      %dma_start3A_535 = tpu.memref_slice %arg10[%dma_start3A_534] : memref<8192xi32, #tpu.memory_space<vmem>> -> memref<4096xi32, #tpu.memory_space<vmem>>
      %dma_start3A_536 = tpu.memref_slice %arg20[%add3A_153] : memref<1048576xi32, #tpu.memory_space<vmem_shared>> -> memref<4096xi32, #tpu.memory_space<vmem_shared>>
      %dma_start3A_537 = arith.constant 0 : i32
      %dma_start3A_538 = tpu.memref_slice %arg10[%dma_start3A_537] : memref<8192xi32, #tpu.memory_space<vmem>> -> memref<4096xi32, #tpu.memory_space<vmem>>
      %dma_start3A_539 = tpu.memref_slice %arg20[%add3A_153] : memref<1048576xi32, #tpu.memory_space<vmem_shared>> -> memref<4096xi32, #tpu.memory_space<vmem_shared>>
      tpu.enqueue_dma source(%dma_start3A_539 : memref<4096xi32, #tpu.memory_space<vmem_shared>>) target(%dma_start3A_538 : memref<4096xi32, #tpu.memory_space<vmem>>) target_semaphore(%run_scoped3A_533 : memref<!tpu.dma_semaphore, #tpu.memory_space<semaphore_mem>>)
      %dma_wait3A_540 = arith.constant 0 : i32
      %dma_wait3A_541 = tpu.memref_slice %arg10[%dma_wait3A_540] : memref<8192xi32, #tpu.memory_space<vmem>> -> memref<4096xi32, #tpu.memory_space<vmem>>
      %dma_wait3A_542 = tpu.memref_slice %arg20[%add3A_153] : memref<1048576xi32, #tpu.memory_space<vmem_shared>> -> memref<4096xi32, #tpu.memory_space<vmem_shared>>
      %dma_wait3A_543 = arith.constant 0 : i32
      %dma_wait3A_544 = tpu.memref_slice %arg10[%dma_wait3A_543] : memref<8192xi32, #tpu.memory_space<vmem>> -> memref<4096xi32, #tpu.memory_space<vmem>>
      %dma_wait3A_545 = tpu.memref_slice %arg20[%add3A_153] : memref<1048576xi32, #tpu.memory_space<vmem_shared>> -> memref<4096xi32, #tpu.memory_space<vmem_shared>>
      tpu.wait_dma2 semaphore(%run_scoped3A_533 : memref<!tpu.dma_semaphore, #tpu.memory_space<semaphore_mem>>) src(%dma_wait3A_545 : memref<4096xi32, #tpu.memory_space<vmem_shared>>) dst(%dma_wait3A_544 : memref<4096xi32, #tpu.memory_space<vmem>>)
      tpu.yield
    }) : () -> ()
    %scan3A_154 = arith.constant 0 : i32
    %scan3A_155 = arith.constant 256 : i32
    %scan3A_156 = arith.addi %scan3A_154, %scan3A_155 : i32
    %scan3A_157 = arith.constant 1 : i32
    %scan3A_158 = scf.for %scan3A_533 = %scan3A_154 to %scan3A_156 step %scan3A_157 iter_args(%scan3A_534 = %scan3A_142) -> (vector<16xi32>)  : i32 {
      %mul3A_535 = arith.constant 16 : i32
      %mul3A_536 = arith.muli %scan3A_533, %mul3A_535 : i32
      %get3A_537 = arith.index_cast %mul3A_536 : i32 to index
      %get3A_538 = tpu.vector_load %arg10[%get3A_537] {strides = array<i32>} : memref<8192xi32, #tpu.memory_space<vmem>>, vector<16xi32>,
      %get3A_539 = vector.shape_cast %get3A_538 : vector<16xi32> to vector<16xi32>
      %shift_right_logical3A = arith.constant 1 : i32
      %shift_right_logical3A_540 = vector.broadcast %shift_right_logical3A : i32 to vector<16xi32>
      %shift_right_logical3A_541 = arith.shrui %get3A_539, %shift_right_logical3A_540 : vector<16xi32>
      %and3A = arith.constant 1431655765 : i32
      %and3A_542 = vector.broadcast %and3A : i32 to vector<16xi32>
      %and3A_543 = arith.andi %shift_right_logical3A_541, %and3A_542 : vector<16xi32>
      %sub3A_544 = arith.subi %get3A_539, %and3A_543 : vector<16xi32>
      %and3A_545 = arith.constant 858993459 : i32
      %and3A_546 = vector.broadcast %and3A_545 : i32 to vector<16xi32>
      %and3A_547 = arith.andi %sub3A_544, %and3A_546 : vector<16xi32>
      %shift_right_logical3A_548 = arith.constant 2 : i32
      %shift_right_logical3A_549 = vector.broadcast %shift_right_logical3A_548 : i32 to vector<16xi32>
      %shift_right_logical3A_550 = arith.shrui %sub3A_544, %shift_right_logical3A_549 : vector<16xi32>
      %and3A_551 = arith.constant 858993459 : i32
      %and3A_552 = vector.broadcast %and3A_551 : i32 to vector<16xi32>
      %and3A_553 = arith.andi %shift_right_logical3A_550, %and3A_552 : vector<16xi32>
      %add3A_554 = arith.addi %and3A_547, %and3A_553 : vector<16xi32>
      %shift_right_logical3A_555 = arith.constant 4 : i32
      %shift_right_logical3A_556 = vector.broadcast %shift_right_logical3A_555 : i32 to vector<16xi32>
      %shift_right_logical3A_557 = arith.shrui %add3A_554, %shift_right_logical3A_556 : vector<16xi32>
      %add3A_558 = arith.addi %add3A_554, %shift_right_logical3A_557 : vector<16xi32>
      %and3A_559 = arith.constant 252645135 : i32
      %and3A_560 = vector.broadcast %and3A_559 : i32 to vector<16xi32>
      %and3A_561 = arith.andi %add3A_558, %and3A_560 : vector<16xi32>
      %shift_right_logical3A_562 = arith.constant 8 : i32
      %shift_right_logical3A_563 = vector.broadcast %shift_right_logical3A_562 : i32 to vector<16xi32>
      %shift_right_logical3A_564 = arith.shrui %and3A_561, %shift_right_logical3A_563 : vector<16xi32>
      %add3A_565 = arith.addi %and3A_561, %shift_right_logical3A_564 : vector<16xi32>
      %shift_right_logical3A_566 = arith.constant 16 : i32
      %shift_right_logical3A_567 = vector.broadcast %shift_right_logical3A_566 : i32 to vector<16xi32>
      %shift_right_logical3A_568 = arith.shrui %and3A_561, %shift_right_logical3A_567 : vector<16xi32>
      %add3A_569 = arith.addi %add3A_565, %shift_right_logical3A_568 : vector<16xi32>
      %shift_right_logical3A_570 = arith.constant 24 : i32
      %shift_right_logical3A_571 = vector.broadcast %shift_right_logical3A_570 : i32 to vector<16xi32>
      %shift_right_logical3A_572 = arith.shrui %and3A_561, %shift_right_logical3A_571 : vector<16xi32>
      %add3A_573 = arith.addi %add3A_569, %shift_right_logical3A_572 : vector<16xi32>
      %and3A_574 = arith.constant 63 : i32
      %and3A_575 = vector.broadcast %and3A_574 : i32 to vector<16xi32>
      %and3A_576 = arith.andi %add3A_573, %and3A_575 : vector<16xi32>
      %iota3A_577 = tpu.iota {dimensions = array<i32: 0>} : vector<16xi32>
      %sub3A_578 = arith.constant 1 : i32
      %sub3A_579 = vector.broadcast %sub3A_578 : i32 to vector<16xi32>
      %sub3A_580 = arith.subi %iota3A_577, %sub3A_579 : vector<16xi32>
      %max3A_581 = arith.constant 0 : i32
      %max3A_582 = vector.broadcast %max3A_581 : i32 to vector<16xi32>
      %max3A_583 = arith.maxsi %sub3A_580, %max3A_582 : vector<16xi32>
      %lt3A_584 = arith.constant 0 : i32
      %lt3A_585 = vector.broadcast %lt3A_584 : i32 to vector<16xi32>
      %lt3A_586 = arith.cmpi slt, %max3A_583, %lt3A_585 : vector<16xi32>
      %add3A_587 = arith.constant 16 : i32
      %add3A_588 = vector.broadcast %add3A_587 : i32 to vector<16xi32>
      %add3A_589 = arith.addi %max3A_583, %add3A_588 : vector<16xi32>
      %select_n3A_590 = arith.select %lt3A_586, %add3A_589, %max3A_583 : vector<16xi1>, vector<16xi32>
      %broadcast_in_dim3A_591 = vector.shape_cast %select_n3A_590 : vector<16xi32> to vector<16x1xi32>
      %gather3A_592 = vector.shape_cast %broadcast_in_dim3A_591 : vector<16x1xi32> to vector<16xi32>
      %gather3A_593 = tpu.dynamic_gather %and3A_576[%gather3A_592] in [0] : vector<16xi32>, vector<16xi32> -> vector<16xi32>
      %ge3A_594 = arith.constant 1 : i32
      %ge3A_595 = vector.broadcast %ge3A_594 : i32 to vector<16xi32>
      %ge3A_596 = arith.cmpi sge, %iota3A_577, %ge3A_595 : vector<16xi32>
      %jit3A_597 = arith.constant 0 : i32
      %broadcast_in_dim3A_598 = vector.broadcast %jit3A_597 : i32 to vector<16xi32>
      %select_n3A_599 = arith.select %ge3A_596, %gather3A_593, %broadcast_in_dim3A_598 : vector<16xi1>, vector<16xi32>
      %add3A_600 = arith.addi %and3A_576, %select_n3A_599 : vector<16xi32>
      %sub3A_601 = arith.constant 2 : i32
      %sub3A_602 = vector.broadcast %sub3A_601 : i32 to vector<16xi32>
      %sub3A_603 = arith.subi %iota3A_577, %sub3A_602 : vector<16xi32>
      %max3A_604 = arith.constant 0 : i32
      %max3A_605 = vector.broadcast %max3A_604 : i32 to vector<16xi32>
      %max3A_606 = arith.maxsi %sub3A_603, %max3A_605 : vector<16xi32>
      %lt3A_607 = arith.constant 0 : i32
      %lt3A_608 = vector.broadcast %lt3A_607 : i32 to vector<16xi32>
      %lt3A_609 = arith.cmpi slt, %max3A_606, %lt3A_608 : vector<16xi32>
      %add3A_610 = arith.constant 16 : i32
      %add3A_611 = vector.broadcast %add3A_610 : i32 to vector<16xi32>
      %add3A_612 = arith.addi %max3A_606, %add3A_611 : vector<16xi32>
      %select_n3A_613 = arith.select %lt3A_609, %add3A_612, %max3A_606 : vector<16xi1>, vector<16xi32>
      %broadcast_in_dim3A_614 = vector.shape_cast %select_n3A_613 : vector<16xi32> to vector<16x1xi32>
      %gather3A_615 = vector.shape_cast %broadcast_in_dim3A_614 : vector<16x1xi32> to vector<16xi32>
      %gather3A_616 = tpu.dynamic_gather %add3A_600[%gather3A_615] in [0] : vector<16xi32>, vector<16xi32> -> vector<16xi32>
      %ge3A_617 = arith.constant 2 : i32
      %ge3A_618 = vector.broadcast %ge3A_617 : i32 to vector<16xi32>
      %ge3A_619 = arith.cmpi sge, %iota3A_577, %ge3A_618 : vector<16xi32>
      %jit3A_620 = arith.constant 0 : i32
      %broadcast_in_dim3A_621 = vector.broadcast %jit3A_620 : i32 to vector<16xi32>
      %select_n3A_622 = arith.select %ge3A_619, %gather3A_616, %broadcast_in_dim3A_621 : vector<16xi1>, vector<16xi32>
      %add3A_623 = arith.addi %add3A_600, %select_n3A_622 : vector<16xi32>
      %sub3A_624 = arith.constant 4 : i32
      %sub3A_625 = vector.broadcast %sub3A_624 : i32 to vector<16xi32>
      %sub3A_626 = arith.subi %iota3A_577, %sub3A_625 : vector<16xi32>
      %max3A_627 = arith.constant 0 : i32
      %max3A_628 = vector.broadcast %max3A_627 : i32 to vector<16xi32>
      %max3A_629 = arith.maxsi %sub3A_626, %max3A_628 : vector<16xi32>
      %lt3A_630 = arith.constant 0 : i32
      %lt3A_631 = vector.broadcast %lt3A_630 : i32 to vector<16xi32>
      %lt3A_632 = arith.cmpi slt, %max3A_629, %lt3A_631 : vector<16xi32>
      %add3A_633 = arith.constant 16 : i32
      %add3A_634 = vector.broadcast %add3A_633 : i32 to vector<16xi32>
      %add3A_635 = arith.addi %max3A_629, %add3A_634 : vector<16xi32>
      %select_n3A_636 = arith.select %lt3A_632, %add3A_635, %max3A_629 : vector<16xi1>, vector<16xi32>
      %broadcast_in_dim3A_637 = vector.shape_cast %select_n3A_636 : vector<16xi32> to vector<16x1xi32>
      %gather3A_638 = vector.shape_cast %broadcast_in_dim3A_637 : vector<16x1xi32> to vector<16xi32>
      %gather3A_639 = tpu.dynamic_gather %add3A_623[%gather3A_638] in [0] : vector<16xi32>, vector<16xi32> -> vector<16xi32>
      %ge3A_640 = arith.constant 4 : i32
      %ge3A_641 = vector.broadcast %ge3A_640 : i32 to vector<16xi32>
      %ge3A_642 = arith.cmpi sge, %iota3A_577, %ge3A_641 : vector<16xi32>
      %jit3A_643 = arith.constant 0 : i32
      %broadcast_in_dim3A_644 = vector.broadcast %jit3A_643 : i32 to vector<16xi32>
      %select_n3A_645 = arith.select %ge3A_642, %gather3A_639, %broadcast_in_dim3A_644 : vector<16xi1>, vector<16xi32>
      %add3A_646 = arith.addi %add3A_623, %select_n3A_645 : vector<16xi32>
      %sub3A_647 = arith.constant 8 : i32
      %sub3A_648 = vector.broadcast %sub3A_647 : i32 to vector<16xi32>
      %sub3A_649 = arith.subi %iota3A_577, %sub3A_648 : vector<16xi32>
      %max3A_650 = arith.constant 0 : i32
      %max3A_651 = vector.broadcast %max3A_650 : i32 to vector<16xi32>
      %max3A_652 = arith.maxsi %sub3A_649, %max3A_651 : vector<16xi32>
      %lt3A_653 = arith.constant 0 : i32
      %lt3A_654 = vector.broadcast %lt3A_653 : i32 to vector<16xi32>
      %lt3A_655 = arith.cmpi slt, %max3A_652, %lt3A_654 : vector<16xi32>
      %add3A_656 = arith.constant 16 : i32
      %add3A_657 = vector.broadcast %add3A_656 : i32 to vector<16xi32>
      %add3A_658 = arith.addi %max3A_652, %add3A_657 : vector<16xi32>
      %select_n3A_659 = arith.select %lt3A_655, %add3A_658, %max3A_652 : vector<16xi1>, vector<16xi32>
      %broadcast_in_dim3A_660 = vector.shape_cast %select_n3A_659 : vector<16xi32> to vector<16x1xi32>
      %gather3A_661 = vector.shape_cast %broadcast_in_dim3A_660 : vector<16x1xi32> to vector<16xi32>
      %gather3A_662 = tpu.dynamic_gather %add3A_646[%gather3A_661] in [0] : vector<16xi32>, vector<16xi32> -> vector<16xi32>
      %ge3A_663 = arith.constant 8 : i32
      %ge3A_664 = vector.broadcast %ge3A_663 : i32 to vector<16xi32>
      %ge3A_665 = arith.cmpi sge, %iota3A_577, %ge3A_664 : vector<16xi32>
      %jit3A_666 = arith.constant 0 : i32
      %broadcast_in_dim3A_667 = vector.broadcast %jit3A_666 : i32 to vector<16xi32>
      %select_n3A_668 = arith.select %ge3A_665, %gather3A_662, %broadcast_in_dim3A_667 : vector<16xi1>, vector<16xi32>
      %add3A_669 = arith.addi %add3A_646, %select_n3A_668 : vector<16xi32>
      %sub3A_670 = arith.subi %add3A_669, %and3A_576 : vector<16xi32>
      %add3A_671 = arith.addi %sub3A_670, %scan3A_534 : vector<16xi32>
      %mul3A_672 = arith.constant 16 : i32
      %mul3A_673 = arith.muli %scan3A_533, %mul3A_672 : i32
      %add3A_674 = arith.constant 4096 : i32
      %add3A_675 = arith.addi %add3A_674, %mul3A_673 : i32
      %swap3A_676 = arith.index_cast %add3A_675 : i32 to index
      %swap3A_677 = tpu.vector_load %arg10[%swap3A_676] {strides = array<i32>} : memref<8192xi32, #tpu.memory_space<vmem>>, vector<16xi32>,
      %swap3A_678 = vector.shape_cast %swap3A_677 : vector<16xi32> to vector<16xi32>
      %swap3A_679 = vector.shape_cast %add3A_671 : vector<16xi32> to vector<16xi32>
      tpu.vector_store %arg10[%swap3A_676], %swap3A_679 {strides = array<i32>} : memref<8192xi32, #tpu.memory_space<vmem>>, vector<16xi32>,
      %broadcast_in_dim3A_680 = arith.constant 15 : i32
      %broadcast_in_dim3A_681 = vector.broadcast %broadcast_in_dim3A_680 : i32 to vector<16xi32>
      %lt3A_682 = arith.constant 0 : i32
      %lt3A_683 = vector.broadcast %lt3A_682 : i32 to vector<16xi32>
      %lt3A_684 = arith.cmpi slt, %broadcast_in_dim3A_681, %lt3A_683 : vector<16xi32>
      %add3A_685 = arith.constant 16 : i32
      %add3A_686 = vector.broadcast %add3A_685 : i32 to vector<16xi32>
      %add3A_687 = arith.addi %broadcast_in_dim3A_681, %add3A_686 : vector<16xi32>
      %select_n3A_688 = arith.select %lt3A_684, %add3A_687, %broadcast_in_dim3A_681 : vector<16xi1>, vector<16xi32>
      %broadcast_in_dim3A_689 = vector.shape_cast %select_n3A_688 : vector<16xi32> to vector<16x1xi32>
      %gather3A_690 = vector.shape_cast %broadcast_in_dim3A_689 : vector<16x1xi32> to vector<16xi32>
      %gather3A_691 = tpu.dynamic_gather %add3A_669[%gather3A_690] in [0] : vector<16xi32>, vector<16xi32> -> vector<16xi32>
      %add3A_692 = arith.addi %scan3A_534, %gather3A_691 : vector<16xi32>
      scf.yield %add3A_692 : vector<16xi32>
    }
    %scan3A_159 = arith.constant 256 : i32
    %mul3A_160 = arith.constant 32768 : i32
    %mul3A_161 = arith.muli %arg1, %mul3A_160 : i32
    %add3A_162 = arith.constant 524288 : i32
    %add3A_163 = arith.addi %add3A_162, %mul3A_161 : i32
    %add3A_164 = arith.constant 16384 : i32
    %add3A_165 = arith.addi %add3A_163, %add3A_164 : i32
    "tpu.region"() ({
      %run_scoped3A_533 = tpu.sem_alloc : memref<!tpu.dma_semaphore, #tpu.memory_space<semaphore_mem>>
      %dma_start3A_534 = arith.constant 4096 : i32
      %dma_start3A_535 = tpu.memref_slice %arg10[%dma_start3A_534] : memref<8192xi32, #tpu.memory_space<vmem>> -> memref<4096xi32, #tpu.memory_space<vmem>>
      %dma_start3A_536 = tpu.memref_slice %arg20[%add3A_165] : memref<1048576xi32, #tpu.memory_space<vmem_shared>> -> memref<4096xi32, #tpu.memory_space<vmem_shared>>
      %dma_start3A_537 = tpu.memref_slice %arg20[%add3A_165] : memref<1048576xi32, #tpu.memory_space<vmem_shared>> -> memref<4096xi32, #tpu.memory_space<vmem_shared>>
      %dma_start3A_538 = arith.constant 4096 : i32
      %dma_start3A_539 = tpu.memref_slice %arg10[%dma_start3A_538] : memref<8192xi32, #tpu.memory_space<vmem>> -> memref<4096xi32, #tpu.memory_space<vmem>>
      tpu.enqueue_dma source(%dma_start3A_539 : memref<4096xi32, #tpu.memory_space<vmem>>) target(%dma_start3A_537 : memref<4096xi32, #tpu.memory_space<vmem_shared>>) target_semaphore(%run_scoped3A_533 : memref<!tpu.dma_semaphore, #tpu.memory_space<semaphore_mem>>)
      %dma_wait3A_540 = arith.constant 4096 : i32
      %dma_wait3A_541 = tpu.memref_slice %arg10[%dma_wait3A_540] : memref<8192xi32, #tpu.memory_space<vmem>> -> memref<4096xi32, #tpu.memory_space<vmem>>
      %dma_wait3A_542 = tpu.memref_slice %arg20[%add3A_165] : memref<1048576xi32, #tpu.memory_space<vmem_shared>> -> memref<4096xi32, #tpu.memory_space<vmem_shared>>
      %dma_wait3A_543 = tpu.memref_slice %arg20[%add3A_165] : memref<1048576xi32, #tpu.memory_space<vmem_shared>> -> memref<4096xi32, #tpu.memory_space<vmem_shared>>
      %dma_wait3A_544 = arith.constant 4096 : i32
      %dma_wait3A_545 = tpu.memref_slice %arg10[%dma_wait3A_544] : memref<8192xi32, #tpu.memory_space<vmem>> -> memref<4096xi32, #tpu.memory_space<vmem>>
      tpu.wait_dma2 semaphore(%run_scoped3A_533 : memref<!tpu.dma_semaphore, #tpu.memory_space<semaphore_mem>>) src(%dma_wait3A_545 : memref<4096xi32, #tpu.memory_space<vmem>>) dst(%dma_wait3A_543 : memref<4096xi32, #tpu.memory_space<vmem_shared>>)
      tpu.yield
    }) : () -> ()
    %mul3A_166 = arith.constant 32768 : i32
    %mul3A_167 = arith.muli %arg1, %mul3A_166 : i32
    %add3A_168 = arith.constant 20480 : i32
    %add3A_169 = arith.addi %mul3A_167, %add3A_168 : i32
    "tpu.region"() ({
      %run_scoped3A_533 = tpu.sem_alloc : memref<!tpu.dma_semaphore, #tpu.memory_space<semaphore_mem>>
      %dma_start3A_534 = arith.constant 0 : i32
      %dma_start3A_535 = tpu.memref_slice %arg10[%dma_start3A_534] : memref<8192xi32, #tpu.memory_space<vmem>> -> memref<4096xi32, #tpu.memory_space<vmem>>
      %dma_start3A_536 = tpu.memref_slice %arg20[%add3A_169] : memref<1048576xi32, #tpu.memory_space<vmem_shared>> -> memref<4096xi32, #tpu.memory_space<vmem_shared>>
      %dma_start3A_537 = arith.constant 0 : i32
      %dma_start3A_538 = tpu.memref_slice %arg10[%dma_start3A_537] : memref<8192xi32, #tpu.memory_space<vmem>> -> memref<4096xi32, #tpu.memory_space<vmem>>
      %dma_start3A_539 = tpu.memref_slice %arg20[%add3A_169] : memref<1048576xi32, #tpu.memory_space<vmem_shared>> -> memref<4096xi32, #tpu.memory_space<vmem_shared>>
      tpu.enqueue_dma source(%dma_start3A_539 : memref<4096xi32, #tpu.memory_space<vmem_shared>>) target(%dma_start3A_538 : memref<4096xi32, #tpu.memory_space<vmem>>) target_semaphore(%run_scoped3A_533 : memref<!tpu.dma_semaphore, #tpu.memory_space<semaphore_mem>>)
      %dma_wait3A_540 = arith.constant 0 : i32
      %dma_wait3A_541 = tpu.memref_slice %arg10[%dma_wait3A_540] : memref<8192xi32, #tpu.memory_space<vmem>> -> memref<4096xi32, #tpu.memory_space<vmem>>
      %dma_wait3A_542 = tpu.memref_slice %arg20[%add3A_169] : memref<1048576xi32, #tpu.memory_space<vmem_shared>> -> memref<4096xi32, #tpu.memory_space<vmem_shared>>
      %dma_wait3A_543 = arith.constant 0 : i32
      %dma_wait3A_544 = tpu.memref_slice %arg10[%dma_wait3A_543] : memref<8192xi32, #tpu.memory_space<vmem>> -> memref<4096xi32, #tpu.memory_space<vmem>>
      %dma_wait3A_545 = tpu.memref_slice %arg20[%add3A_169] : memref<1048576xi32, #tpu.memory_space<vmem_shared>> -> memref<4096xi32, #tpu.memory_space<vmem_shared>>
      tpu.wait_dma2 semaphore(%run_scoped3A_533 : memref<!tpu.dma_semaphore, #tpu.memory_space<semaphore_mem>>) src(%dma_wait3A_545 : memref<4096xi32, #tpu.memory_space<vmem_shared>>) dst(%dma_wait3A_544 : memref<4096xi32, #tpu.memory_space<vmem>>)
      tpu.yield
    }) : () -> ()
    %scan3A_170 = arith.constant 0 : i32
    %scan3A_171 = arith.constant 256 : i32
    %scan3A_172 = arith.addi %scan3A_170, %scan3A_171 : i32
    %scan3A_173 = arith.constant 1 : i32
    %scan3A_174 = scf.for %scan3A_533 = %scan3A_170 to %scan3A_172 step %scan3A_173 iter_args(%scan3A_534 = %scan3A_158) -> (vector<16xi32>)  : i32 {
      %mul3A_535 = arith.constant 16 : i32
      %mul3A_536 = arith.muli %scan3A_533, %mul3A_535 : i32
      %get3A_537 = arith.index_cast %mul3A_536 : i32 to index
      %get3A_538 = tpu.vector_load %arg10[%get3A_537] {strides = array<i32>} : memref<8192xi32, #tpu.memory_space<vmem>>, vector<16xi32>,
      %get3A_539 = vector.shape_cast %get3A_538 : vector<16xi32> to vector<16xi32>
      %shift_right_logical3A = arith.constant 1 : i32
      %shift_right_logical3A_540 = vector.broadcast %shift_right_logical3A : i32 to vector<16xi32>
      %shift_right_logical3A_541 = arith.shrui %get3A_539, %shift_right_logical3A_540 : vector<16xi32>
      %and3A = arith.constant 1431655765 : i32
      %and3A_542 = vector.broadcast %and3A : i32 to vector<16xi32>
      %and3A_543 = arith.andi %shift_right_logical3A_541, %and3A_542 : vector<16xi32>
      %sub3A_544 = arith.subi %get3A_539, %and3A_543 : vector<16xi32>
      %and3A_545 = arith.constant 858993459 : i32
      %and3A_546 = vector.broadcast %and3A_545 : i32 to vector<16xi32>
      %and3A_547 = arith.andi %sub3A_544, %and3A_546 : vector<16xi32>
      %shift_right_logical3A_548 = arith.constant 2 : i32
      %shift_right_logical3A_549 = vector.broadcast %shift_right_logical3A_548 : i32 to vector<16xi32>
      %shift_right_logical3A_550 = arith.shrui %sub3A_544, %shift_right_logical3A_549 : vector<16xi32>
      %and3A_551 = arith.constant 858993459 : i32
      %and3A_552 = vector.broadcast %and3A_551 : i32 to vector<16xi32>
      %and3A_553 = arith.andi %shift_right_logical3A_550, %and3A_552 : vector<16xi32>
      %add3A_554 = arith.addi %and3A_547, %and3A_553 : vector<16xi32>
      %shift_right_logical3A_555 = arith.constant 4 : i32
      %shift_right_logical3A_556 = vector.broadcast %shift_right_logical3A_555 : i32 to vector<16xi32>
      %shift_right_logical3A_557 = arith.shrui %add3A_554, %shift_right_logical3A_556 : vector<16xi32>
      %add3A_558 = arith.addi %add3A_554, %shift_right_logical3A_557 : vector<16xi32>
      %and3A_559 = arith.constant 252645135 : i32
      %and3A_560 = vector.broadcast %and3A_559 : i32 to vector<16xi32>
      %and3A_561 = arith.andi %add3A_558, %and3A_560 : vector<16xi32>
      %shift_right_logical3A_562 = arith.constant 8 : i32
      %shift_right_logical3A_563 = vector.broadcast %shift_right_logical3A_562 : i32 to vector<16xi32>
      %shift_right_logical3A_564 = arith.shrui %and3A_561, %shift_right_logical3A_563 : vector<16xi32>
      %add3A_565 = arith.addi %and3A_561, %shift_right_logical3A_564 : vector<16xi32>
      %shift_right_logical3A_566 = arith.constant 16 : i32
      %shift_right_logical3A_567 = vector.broadcast %shift_right_logical3A_566 : i32 to vector<16xi32>
      %shift_right_logical3A_568 = arith.shrui %and3A_561, %shift_right_logical3A_567 : vector<16xi32>
      %add3A_569 = arith.addi %add3A_565, %shift_right_logical3A_568 : vector<16xi32>
      %shift_right_logical3A_570 = arith.constant 24 : i32
      %shift_right_logical3A_571 = vector.broadcast %shift_right_logical3A_570 : i32 to vector<16xi32>
      %shift_right_logical3A_572 = arith.shrui %and3A_561, %shift_right_logical3A_571 : vector<16xi32>
      %add3A_573 = arith.addi %add3A_569, %shift_right_logical3A_572 : vector<16xi32>
      %and3A_574 = arith.constant 63 : i32
      %and3A_575 = vector.broadcast %and3A_574 : i32 to vector<16xi32>
      %and3A_576 = arith.andi %add3A_573, %and3A_575 : vector<16xi32>
      %iota3A_577 = tpu.iota {dimensions = array<i32: 0>} : vector<16xi32>
      %sub3A_578 = arith.constant 1 : i32
      %sub3A_579 = vector.broadcast %sub3A_578 : i32 to vector<16xi32>
      %sub3A_580 = arith.subi %iota3A_577, %sub3A_579 : vector<16xi32>
      %max3A_581 = arith.constant 0 : i32
      %max3A_582 = vector.broadcast %max3A_581 : i32 to vector<16xi32>
      %max3A_583 = arith.maxsi %sub3A_580, %max3A_582 : vector<16xi32>
      %lt3A_584 = arith.constant 0 : i32
      %lt3A_585 = vector.broadcast %lt3A_584 : i32 to vector<16xi32>
      %lt3A_586 = arith.cmpi slt, %max3A_583, %lt3A_585 : vector<16xi32>
      %add3A_587 = arith.constant 16 : i32
      %add3A_588 = vector.broadcast %add3A_587 : i32 to vector<16xi32>
      %add3A_589 = arith.addi %max3A_583, %add3A_588 : vector<16xi32>
      %select_n3A_590 = arith.select %lt3A_586, %add3A_589, %max3A_583 : vector<16xi1>, vector<16xi32>
      %broadcast_in_dim3A_591 = vector.shape_cast %select_n3A_590 : vector<16xi32> to vector<16x1xi32>
      %gather3A_592 = vector.shape_cast %broadcast_in_dim3A_591 : vector<16x1xi32> to vector<16xi32>
      %gather3A_593 = tpu.dynamic_gather %and3A_576[%gather3A_592] in [0] : vector<16xi32>, vector<16xi32> -> vector<16xi32>
      %ge3A_594 = arith.constant 1 : i32
      %ge3A_595 = vector.broadcast %ge3A_594 : i32 to vector<16xi32>
      %ge3A_596 = arith.cmpi sge, %iota3A_577, %ge3A_595 : vector<16xi32>
      %jit3A_597 = arith.constant 0 : i32
      %broadcast_in_dim3A_598 = vector.broadcast %jit3A_597 : i32 to vector<16xi32>
      %select_n3A_599 = arith.select %ge3A_596, %gather3A_593, %broadcast_in_dim3A_598 : vector<16xi1>, vector<16xi32>
      %add3A_600 = arith.addi %and3A_576, %select_n3A_599 : vector<16xi32>
      %sub3A_601 = arith.constant 2 : i32
      %sub3A_602 = vector.broadcast %sub3A_601 : i32 to vector<16xi32>
      %sub3A_603 = arith.subi %iota3A_577, %sub3A_602 : vector<16xi32>
      %max3A_604 = arith.constant 0 : i32
      %max3A_605 = vector.broadcast %max3A_604 : i32 to vector<16xi32>
      %max3A_606 = arith.maxsi %sub3A_603, %max3A_605 : vector<16xi32>
      %lt3A_607 = arith.constant 0 : i32
      %lt3A_608 = vector.broadcast %lt3A_607 : i32 to vector<16xi32>
      %lt3A_609 = arith.cmpi slt, %max3A_606, %lt3A_608 : vector<16xi32>
      %add3A_610 = arith.constant 16 : i32
      %add3A_611 = vector.broadcast %add3A_610 : i32 to vector<16xi32>
      %add3A_612 = arith.addi %max3A_606, %add3A_611 : vector<16xi32>
      %select_n3A_613 = arith.select %lt3A_609, %add3A_612, %max3A_606 : vector<16xi1>, vector<16xi32>
      %broadcast_in_dim3A_614 = vector.shape_cast %select_n3A_613 : vector<16xi32> to vector<16x1xi32>
      %gather3A_615 = vector.shape_cast %broadcast_in_dim3A_614 : vector<16x1xi32> to vector<16xi32>
      %gather3A_616 = tpu.dynamic_gather %add3A_600[%gather3A_615] in [0] : vector<16xi32>, vector<16xi32> -> vector<16xi32>
      %ge3A_617 = arith.constant 2 : i32
      %ge3A_618 = vector.broadcast %ge3A_617 : i32 to vector<16xi32>
      %ge3A_619 = arith.cmpi sge, %iota3A_577, %ge3A_618 : vector<16xi32>
      %jit3A_620 = arith.constant 0 : i32
      %broadcast_in_dim3A_621 = vector.broadcast %jit3A_620 : i32 to vector<16xi32>
      %select_n3A_622 = arith.select %ge3A_619, %gather3A_616, %broadcast_in_dim3A_621 : vector<16xi1>, vector<16xi32>
      %add3A_623 = arith.addi %add3A_600, %select_n3A_622 : vector<16xi32>
      %sub3A_624 = arith.constant 4 : i32
      %sub3A_625 = vector.broadcast %sub3A_624 : i32 to vector<16xi32>
      %sub3A_626 = arith.subi %iota3A_577, %sub3A_625 : vector<16xi32>
      %max3A_627 = arith.constant 0 : i32
      %max3A_628 = vector.broadcast %max3A_627 : i32 to vector<16xi32>
      %max3A_629 = arith.maxsi %sub3A_626, %max3A_628 : vector<16xi32>
      %lt3A_630 = arith.constant 0 : i32
      %lt3A_631 = vector.broadcast %lt3A_630 : i32 to vector<16xi32>
      %lt3A_632 = arith.cmpi slt, %max3A_629, %lt3A_631 : vector<16xi32>
      %add3A_633 = arith.constant 16 : i32
      %add3A_634 = vector.broadcast %add3A_633 : i32 to vector<16xi32>
      %add3A_635 = arith.addi %max3A_629, %add3A_634 : vector<16xi32>
      %select_n3A_636 = arith.select %lt3A_632, %add3A_635, %max3A_629 : vector<16xi1>, vector<16xi32>
      %broadcast_in_dim3A_637 = vector.shape_cast %select_n3A_636 : vector<16xi32> to vector<16x1xi32>
      %gather3A_638 = vector.shape_cast %broadcast_in_dim3A_637 : vector<16x1xi32> to vector<16xi32>
      %gather3A_639 = tpu.dynamic_gather %add3A_623[%gather3A_638] in [0] : vector<16xi32>, vector<16xi32> -> vector<16xi32>
      %ge3A_640 = arith.constant 4 : i32
      %ge3A_641 = vector.broadcast %ge3A_640 : i32 to vector<16xi32>
      %ge3A_642 = arith.cmpi sge, %iota3A_577, %ge3A_641 : vector<16xi32>
      %jit3A_643 = arith.constant 0 : i32
      %broadcast_in_dim3A_644 = vector.broadcast %jit3A_643 : i32 to vector<16xi32>
      %select_n3A_645 = arith.select %ge3A_642, %gather3A_639, %broadcast_in_dim3A_644 : vector<16xi1>, vector<16xi32>
      %add3A_646 = arith.addi %add3A_623, %select_n3A_645 : vector<16xi32>
      %sub3A_647 = arith.constant 8 : i32
      %sub3A_648 = vector.broadcast %sub3A_647 : i32 to vector<16xi32>
      %sub3A_649 = arith.subi %iota3A_577, %sub3A_648 : vector<16xi32>
      %max3A_650 = arith.constant 0 : i32
      %max3A_651 = vector.broadcast %max3A_650 : i32 to vector<16xi32>
      %max3A_652 = arith.maxsi %sub3A_649, %max3A_651 : vector<16xi32>
      %lt3A_653 = arith.constant 0 : i32
      %lt3A_654 = vector.broadcast %lt3A_653 : i32 to vector<16xi32>
      %lt3A_655 = arith.cmpi slt, %max3A_652, %lt3A_654 : vector<16xi32>
      %add3A_656 = arith.constant 16 : i32
      %add3A_657 = vector.broadcast %add3A_656 : i32 to vector<16xi32>
      %add3A_658 = arith.addi %max3A_652, %add3A_657 : vector<16xi32>
      %select_n3A_659 = arith.select %lt3A_655, %add3A_658, %max3A_652 : vector<16xi1>, vector<16xi32>
      %broadcast_in_dim3A_660 = vector.shape_cast %select_n3A_659 : vector<16xi32> to vector<16x1xi32>
      %gather3A_661 = vector.shape_cast %broadcast_in_dim3A_660 : vector<16x1xi32> to vector<16xi32>
      %gather3A_662 = tpu.dynamic_gather %add3A_646[%gather3A_661] in [0] : vector<16xi32>, vector<16xi32> -> vector<16xi32>
      %ge3A_663 = arith.constant 8 : i32
      %ge3A_664 = vector.broadcast %ge3A_663 : i32 to vector<16xi32>
      %ge3A_665 = arith.cmpi sge, %iota3A_577, %ge3A_664 : vector<16xi32>
      %jit3A_666 = arith.constant 0 : i32
      %broadcast_in_dim3A_667 = vector.broadcast %jit3A_666 : i32 to vector<16xi32>
      %select_n3A_668 = arith.select %ge3A_665, %gather3A_662, %broadcast_in_dim3A_667 : vector<16xi1>, vector<16xi32>
      %add3A_669 = arith.addi %add3A_646, %select_n3A_668 : vector<16xi32>
      %sub3A_670 = arith.subi %add3A_669, %and3A_576 : vector<16xi32>
      %add3A_671 = arith.addi %sub3A_670, %scan3A_534 : vector<16xi32>
      %mul3A_672 = arith.constant 16 : i32
      %mul3A_673 = arith.muli %scan3A_533, %mul3A_672 : i32
      %add3A_674 = arith.constant 4096 : i32
      %add3A_675 = arith.addi %add3A_674, %mul3A_673 : i32
      %swap3A_676 = arith.index_cast %add3A_675 : i32 to index
      %swap3A_677 = tpu.vector_load %arg10[%swap3A_676] {strides = array<i32>} : memref<8192xi32, #tpu.memory_space<vmem>>, vector<16xi32>,
      %swap3A_678 = vector.shape_cast %swap3A_677 : vector<16xi32> to vector<16xi32>
      %swap3A_679 = vector.shape_cast %add3A_671 : vector<16xi32> to vector<16xi32>
      tpu.vector_store %arg10[%swap3A_676], %swap3A_679 {strides = array<i32>} : memref<8192xi32, #tpu.memory_space<vmem>>, vector<16xi32>,
      %broadcast_in_dim3A_680 = arith.constant 15 : i32
      %broadcast_in_dim3A_681 = vector.broadcast %broadcast_in_dim3A_680 : i32 to vector<16xi32>
      %lt3A_682 = arith.constant 0 : i32
      %lt3A_683 = vector.broadcast %lt3A_682 : i32 to vector<16xi32>
      %lt3A_684 = arith.cmpi slt, %broadcast_in_dim3A_681, %lt3A_683 : vector<16xi32>
      %add3A_685 = arith.constant 16 : i32
      %add3A_686 = vector.broadcast %add3A_685 : i32 to vector<16xi32>
      %add3A_687 = arith.addi %broadcast_in_dim3A_681, %add3A_686 : vector<16xi32>
      %select_n3A_688 = arith.select %lt3A_684, %add3A_687, %broadcast_in_dim3A_681 : vector<16xi1>, vector<16xi32>
      %broadcast_in_dim3A_689 = vector.shape_cast %select_n3A_688 : vector<16xi32> to vector<16x1xi32>
      %gather3A_690 = vector.shape_cast %broadcast_in_dim3A_689 : vector<16x1xi32> to vector<16xi32>
      %gather3A_691 = tpu.dynamic_gather %add3A_669[%gather3A_690] in [0] : vector<16xi32>, vector<16xi32> -> vector<16xi32>
      %add3A_692 = arith.addi %scan3A_534, %gather3A_691 : vector<16xi32>
      scf.yield %add3A_692 : vector<16xi32>
    }
    %scan3A_175 = arith.constant 256 : i32
    %mul3A_176 = arith.constant 32768 : i32
    %mul3A_177 = arith.muli %arg1, %mul3A_176 : i32
    %add3A_178 = arith.constant 524288 : i32
    %add3A_179 = arith.addi %add3A_178, %mul3A_177 : i32
    %add3A_180 = arith.constant 20480 : i32
    %add3A_181 = arith.addi %add3A_179, %add3A_180 : i32
    "tpu.region"() ({
      %run_scoped3A_533 = tpu.sem_alloc : memref<!tpu.dma_semaphore, #tpu.memory_space<semaphore_mem>>
      %dma_start3A_534 = arith.constant 4096 : i32
      %dma_start3A_535 = tpu.memref_slice %arg10[%dma_start3A_534] : memref<8192xi32, #tpu.memory_space<vmem>> -> memref<4096xi32, #tpu.memory_space<vmem>>
      %dma_start3A_536 = tpu.memref_slice %arg20[%add3A_181] : memref<1048576xi32, #tpu.memory_space<vmem_shared>> -> memref<4096xi32, #tpu.memory_space<vmem_shared>>
      %dma_start3A_537 = tpu.memref_slice %arg20[%add3A_181] : memref<1048576xi32, #tpu.memory_space<vmem_shared>> -> memref<4096xi32, #tpu.memory_space<vmem_shared>>
      %dma_start3A_538 = arith.constant 4096 : i32
      %dma_start3A_539 = tpu.memref_slice %arg10[%dma_start3A_538] : memref<8192xi32, #tpu.memory_space<vmem>> -> memref<4096xi32, #tpu.memory_space<vmem>>
      tpu.enqueue_dma source(%dma_start3A_539 : memref<4096xi32, #tpu.memory_space<vmem>>) target(%dma_start3A_537 : memref<4096xi32, #tpu.memory_space<vmem_shared>>) target_semaphore(%run_scoped3A_533 : memref<!tpu.dma_semaphore, #tpu.memory_space<semaphore_mem>>)
      %dma_wait3A_540 = arith.constant 4096 : i32
      %dma_wait3A_541 = tpu.memref_slice %arg10[%dma_wait3A_540] : memref<8192xi32, #tpu.memory_space<vmem>> -> memref<4096xi32, #tpu.memory_space<vmem>>
      %dma_wait3A_542 = tpu.memref_slice %arg20[%add3A_181] : memref<1048576xi32, #tpu.memory_space<vmem_shared>> -> memref<4096xi32, #tpu.memory_space<vmem_shared>>
      %dma_wait3A_543 = tpu.memref_slice %arg20[%add3A_181] : memref<1048576xi32, #tpu.memory_space<vmem_shared>> -> memref<4096xi32, #tpu.memory_space<vmem_shared>>
      %dma_wait3A_544 = arith.constant 4096 : i32
      %dma_wait3A_545 = tpu.memref_slice %arg10[%dma_wait3A_544] : memref<8192xi32, #tpu.memory_space<vmem>> -> memref<4096xi32, #tpu.memory_space<vmem>>
      tpu.wait_dma2 semaphore(%run_scoped3A_533 : memref<!tpu.dma_semaphore, #tpu.memory_space<semaphore_mem>>) src(%dma_wait3A_545 : memref<4096xi32, #tpu.memory_space<vmem>>) dst(%dma_wait3A_543 : memref<4096xi32, #tpu.memory_space<vmem_shared>>)
      tpu.yield
    }) : () -> ()
    %mul3A_182 = arith.constant 32768 : i32
    %mul3A_183 = arith.muli %arg1, %mul3A_182 : i32
    %add3A_184 = arith.constant 24576 : i32
    %add3A_185 = arith.addi %mul3A_183, %add3A_184 : i32
    "tpu.region"() ({
      %run_scoped3A_533 = tpu.sem_alloc : memref<!tpu.dma_semaphore, #tpu.memory_space<semaphore_mem>>
      %dma_start3A_534 = arith.constant 0 : i32
      %dma_start3A_535 = tpu.memref_slice %arg10[%dma_start3A_534] : memref<8192xi32, #tpu.memory_space<vmem>> -> memref<4096xi32, #tpu.memory_space<vmem>>
      %dma_start3A_536 = tpu.memref_slice %arg20[%add3A_185] : memref<1048576xi32, #tpu.memory_space<vmem_shared>> -> memref<4096xi32, #tpu.memory_space<vmem_shared>>
      %dma_start3A_537 = arith.constant 0 : i32
      %dma_start3A_538 = tpu.memref_slice %arg10[%dma_start3A_537] : memref<8192xi32, #tpu.memory_space<vmem>> -> memref<4096xi32, #tpu.memory_space<vmem>>
      %dma_start3A_539 = tpu.memref_slice %arg20[%add3A_185] : memref<1048576xi32, #tpu.memory_space<vmem_shared>> -> memref<4096xi32, #tpu.memory_space<vmem_shared>>
      tpu.enqueue_dma source(%dma_start3A_539 : memref<4096xi32, #tpu.memory_space<vmem_shared>>) target(%dma_start3A_538 : memref<4096xi32, #tpu.memory_space<vmem>>) target_semaphore(%run_scoped3A_533 : memref<!tpu.dma_semaphore, #tpu.memory_space<semaphore_mem>>)
      %dma_wait3A_540 = arith.constant 0 : i32
      %dma_wait3A_541 = tpu.memref_slice %arg10[%dma_wait3A_540] : memref<8192xi32, #tpu.memory_space<vmem>> -> memref<4096xi32, #tpu.memory_space<vmem>>
      %dma_wait3A_542 = tpu.memref_slice %arg20[%add3A_185] : memref<1048576xi32, #tpu.memory_space<vmem_shared>> -> memref<4096xi32, #tpu.memory_space<vmem_shared>>
      %dma_wait3A_543 = arith.constant 0 : i32
      %dma_wait3A_544 = tpu.memref_slice %arg10[%dma_wait3A_543] : memref<8192xi32, #tpu.memory_space<vmem>> -> memref<4096xi32, #tpu.memory_space<vmem>>
      %dma_wait3A_545 = tpu.memref_slice %arg20[%add3A_185] : memref<1048576xi32, #tpu.memory_space<vmem_shared>> -> memref<4096xi32, #tpu.memory_space<vmem_shared>>
      tpu.wait_dma2 semaphore(%run_scoped3A_533 : memref<!tpu.dma_semaphore, #tpu.memory_space<semaphore_mem>>) src(%dma_wait3A_545 : memref<4096xi32, #tpu.memory_space<vmem_shared>>) dst(%dma_wait3A_544 : memref<4096xi32, #tpu.memory_space<vmem>>)
      tpu.yield
    }) : () -> ()
    %scan3A_186 = arith.constant 0 : i32
    %scan3A_187 = arith.constant 256 : i32
    %scan3A_188 = arith.addi %scan3A_186, %scan3A_187 : i32
    %scan3A_189 = arith.constant 1 : i32
    %scan3A_190 = scf.for %scan3A_533 = %scan3A_186 to %scan3A_188 step %scan3A_189 iter_args(%scan3A_534 = %scan3A_174) -> (vector<16xi32>)  : i32 {
      %mul3A_535 = arith.constant 16 : i32
      %mul3A_536 = arith.muli %scan3A_533, %mul3A_535 : i32
      %get3A_537 = arith.index_cast %mul3A_536 : i32 to index
      %get3A_538 = tpu.vector_load %arg10[%get3A_537] {strides = array<i32>} : memref<8192xi32, #tpu.memory_space<vmem>>, vector<16xi32>,
      %get3A_539 = vector.shape_cast %get3A_538 : vector<16xi32> to vector<16xi32>
      %shift_right_logical3A = arith.constant 1 : i32
      %shift_right_logical3A_540 = vector.broadcast %shift_right_logical3A : i32 to vector<16xi32>
      %shift_right_logical3A_541 = arith.shrui %get3A_539, %shift_right_logical3A_540 : vector<16xi32>
      %and3A = arith.constant 1431655765 : i32
      %and3A_542 = vector.broadcast %and3A : i32 to vector<16xi32>
      %and3A_543 = arith.andi %shift_right_logical3A_541, %and3A_542 : vector<16xi32>
      %sub3A_544 = arith.subi %get3A_539, %and3A_543 : vector<16xi32>
      %and3A_545 = arith.constant 858993459 : i32
      %and3A_546 = vector.broadcast %and3A_545 : i32 to vector<16xi32>
      %and3A_547 = arith.andi %sub3A_544, %and3A_546 : vector<16xi32>
      %shift_right_logical3A_548 = arith.constant 2 : i32
      %shift_right_logical3A_549 = vector.broadcast %shift_right_logical3A_548 : i32 to vector<16xi32>
      %shift_right_logical3A_550 = arith.shrui %sub3A_544, %shift_right_logical3A_549 : vector<16xi32>
      %and3A_551 = arith.constant 858993459 : i32
      %and3A_552 = vector.broadcast %and3A_551 : i32 to vector<16xi32>
      %and3A_553 = arith.andi %shift_right_logical3A_550, %and3A_552 : vector<16xi32>
      %add3A_554 = arith.addi %and3A_547, %and3A_553 : vector<16xi32>
      %shift_right_logical3A_555 = arith.constant 4 : i32
      %shift_right_logical3A_556 = vector.broadcast %shift_right_logical3A_555 : i32 to vector<16xi32>
      %shift_right_logical3A_557 = arith.shrui %add3A_554, %shift_right_logical3A_556 : vector<16xi32>
      %add3A_558 = arith.addi %add3A_554, %shift_right_logical3A_557 : vector<16xi32>
      %and3A_559 = arith.constant 252645135 : i32
      %and3A_560 = vector.broadcast %and3A_559 : i32 to vector<16xi32>
      %and3A_561 = arith.andi %add3A_558, %and3A_560 : vector<16xi32>
      %shift_right_logical3A_562 = arith.constant 8 : i32
      %shift_right_logical3A_563 = vector.broadcast %shift_right_logical3A_562 : i32 to vector<16xi32>
      %shift_right_logical3A_564 = arith.shrui %and3A_561, %shift_right_logical3A_563 : vector<16xi32>
      %add3A_565 = arith.addi %and3A_561, %shift_right_logical3A_564 : vector<16xi32>
      %shift_right_logical3A_566 = arith.constant 16 : i32
      %shift_right_logical3A_567 = vector.broadcast %shift_right_logical3A_566 : i32 to vector<16xi32>
      %shift_right_logical3A_568 = arith.shrui %and3A_561, %shift_right_logical3A_567 : vector<16xi32>
      %add3A_569 = arith.addi %add3A_565, %shift_right_logical3A_568 : vector<16xi32>
      %shift_right_logical3A_570 = arith.constant 24 : i32
      %shift_right_logical3A_571 = vector.broadcast %shift_right_logical3A_570 : i32 to vector<16xi32>
      %shift_right_logical3A_572 = arith.shrui %and3A_561, %shift_right_logical3A_571 : vector<16xi32>
      %add3A_573 = arith.addi %add3A_569, %shift_right_logical3A_572 : vector<16xi32>
      %and3A_574 = arith.constant 63 : i32
      %and3A_575 = vector.broadcast %and3A_574 : i32 to vector<16xi32>
      %and3A_576 = arith.andi %add3A_573, %and3A_575 : vector<16xi32>
      %iota3A_577 = tpu.iota {dimensions = array<i32: 0>} : vector<16xi32>
      %sub3A_578 = arith.constant 1 : i32
      %sub3A_579 = vector.broadcast %sub3A_578 : i32 to vector<16xi32>
      %sub3A_580 = arith.subi %iota3A_577, %sub3A_579 : vector<16xi32>
      %max3A_581 = arith.constant 0 : i32
      %max3A_582 = vector.broadcast %max3A_581 : i32 to vector<16xi32>
      %max3A_583 = arith.maxsi %sub3A_580, %max3A_582 : vector<16xi32>
      %lt3A_584 = arith.constant 0 : i32
      %lt3A_585 = vector.broadcast %lt3A_584 : i32 to vector<16xi32>
      %lt3A_586 = arith.cmpi slt, %max3A_583, %lt3A_585 : vector<16xi32>
      %add3A_587 = arith.constant 16 : i32
      %add3A_588 = vector.broadcast %add3A_587 : i32 to vector<16xi32>
      %add3A_589 = arith.addi %max3A_583, %add3A_588 : vector<16xi32>
      %select_n3A_590 = arith.select %lt3A_586, %add3A_589, %max3A_583 : vector<16xi1>, vector<16xi32>
      %broadcast_in_dim3A_591 = vector.shape_cast %select_n3A_590 : vector<16xi32> to vector<16x1xi32>
      %gather3A_592 = vector.shape_cast %broadcast_in_dim3A_591 : vector<16x1xi32> to vector<16xi32>
      %gather3A_593 = tpu.dynamic_gather %and3A_576[%gather3A_592] in [0] : vector<16xi32>, vector<16xi32> -> vector<16xi32>
      %ge3A_594 = arith.constant 1 : i32
      %ge3A_595 = vector.broadcast %ge3A_594 : i32 to vector<16xi32>
      %ge3A_596 = arith.cmpi sge, %iota3A_577, %ge3A_595 : vector<16xi32>
      %jit3A_597 = arith.constant 0 : i32
      %broadcast_in_dim3A_598 = vector.broadcast %jit3A_597 : i32 to vector<16xi32>
      %select_n3A_599 = arith.select %ge3A_596, %gather3A_593, %broadcast_in_dim3A_598 : vector<16xi1>, vector<16xi32>
      %add3A_600 = arith.addi %and3A_576, %select_n3A_599 : vector<16xi32>
      %sub3A_601 = arith.constant 2 : i32
      %sub3A_602 = vector.broadcast %sub3A_601 : i32 to vector<16xi32>
      %sub3A_603 = arith.subi %iota3A_577, %sub3A_602 : vector<16xi32>
      %max3A_604 = arith.constant 0 : i32
      %max3A_605 = vector.broadcast %max3A_604 : i32 to vector<16xi32>
      %max3A_606 = arith.maxsi %sub3A_603, %max3A_605 : vector<16xi32>
      %lt3A_607 = arith.constant 0 : i32
      %lt3A_608 = vector.broadcast %lt3A_607 : i32 to vector<16xi32>
      %lt3A_609 = arith.cmpi slt, %max3A_606, %lt3A_608 : vector<16xi32>
      %add3A_610 = arith.constant 16 : i32
      %add3A_611 = vector.broadcast %add3A_610 : i32 to vector<16xi32>
      %add3A_612 = arith.addi %max3A_606, %add3A_611 : vector<16xi32>
      %select_n3A_613 = arith.select %lt3A_609, %add3A_612, %max3A_606 : vector<16xi1>, vector<16xi32>
      %broadcast_in_dim3A_614 = vector.shape_cast %select_n3A_613 : vector<16xi32> to vector<16x1xi32>
      %gather3A_615 = vector.shape_cast %broadcast_in_dim3A_614 : vector<16x1xi32> to vector<16xi32>
      %gather3A_616 = tpu.dynamic_gather %add3A_600[%gather3A_615] in [0] : vector<16xi32>, vector<16xi32> -> vector<16xi32>
      %ge3A_617 = arith.constant 2 : i32
      %ge3A_618 = vector.broadcast %ge3A_617 : i32 to vector<16xi32>
      %ge3A_619 = arith.cmpi sge, %iota3A_577, %ge3A_618 : vector<16xi32>
      %jit3A_620 = arith.constant 0 : i32
      %broadcast_in_dim3A_621 = vector.broadcast %jit3A_620 : i32 to vector<16xi32>
      %select_n3A_622 = arith.select %ge3A_619, %gather3A_616, %broadcast_in_dim3A_621 : vector<16xi1>, vector<16xi32>
      %add3A_623 = arith.addi %add3A_600, %select_n3A_622 : vector<16xi32>
      %sub3A_624 = arith.constant 4 : i32
      %sub3A_625 = vector.broadcast %sub3A_624 : i32 to vector<16xi32>
      %sub3A_626 = arith.subi %iota3A_577, %sub3A_625 : vector<16xi32>
      %max3A_627 = arith.constant 0 : i32
      %max3A_628 = vector.broadcast %max3A_627 : i32 to vector<16xi32>
      %max3A_629 = arith.maxsi %sub3A_626, %max3A_628 : vector<16xi32>
      %lt3A_630 = arith.constant 0 : i32
      %lt3A_631 = vector.broadcast %lt3A_630 : i32 to vector<16xi32>
      %lt3A_632 = arith.cmpi slt, %max3A_629, %lt3A_631 : vector<16xi32>
      %add3A_633 = arith.constant 16 : i32
      %add3A_634 = vector.broadcast %add3A_633 : i32 to vector<16xi32>
      %add3A_635 = arith.addi %max3A_629, %add3A_634 : vector<16xi32>
      %select_n3A_636 = arith.select %lt3A_632, %add3A_635, %max3A_629 : vector<16xi1>, vector<16xi32>
      %broadcast_in_dim3A_637 = vector.shape_cast %select_n3A_636 : vector<16xi32> to vector<16x1xi32>
      %gather3A_638 = vector.shape_cast %broadcast_in_dim3A_637 : vector<16x1xi32> to vector<16xi32>
      %gather3A_639 = tpu.dynamic_gather %add3A_623[%gather3A_638] in [0] : vector<16xi32>, vector<16xi32> -> vector<16xi32>
      %ge3A_640 = arith.constant 4 : i32
      %ge3A_641 = vector.broadcast %ge3A_640 : i32 to vector<16xi32>
      %ge3A_642 = arith.cmpi sge, %iota3A_577, %ge3A_641 : vector<16xi32>
      %jit3A_643 = arith.constant 0 : i32
      %broadcast_in_dim3A_644 = vector.broadcast %jit3A_643 : i32 to vector<16xi32>
      %select_n3A_645 = arith.select %ge3A_642, %gather3A_639, %broadcast_in_dim3A_644 : vector<16xi1>, vector<16xi32>
      %add3A_646 = arith.addi %add3A_623, %select_n3A_645 : vector<16xi32>
      %sub3A_647 = arith.constant 8 : i32
      %sub3A_648 = vector.broadcast %sub3A_647 : i32 to vector<16xi32>
      %sub3A_649 = arith.subi %iota3A_577, %sub3A_648 : vector<16xi32>
      %max3A_650 = arith.constant 0 : i32
      %max3A_651 = vector.broadcast %max3A_650 : i32 to vector<16xi32>
      %max3A_652 = arith.maxsi %sub3A_649, %max3A_651 : vector<16xi32>
      %lt3A_653 = arith.constant 0 : i32
      %lt3A_654 = vector.broadcast %lt3A_653 : i32 to vector<16xi32>
      %lt3A_655 = arith.cmpi slt, %max3A_652, %lt3A_654 : vector<16xi32>
      %add3A_656 = arith.constant 16 : i32
      %add3A_657 = vector.broadcast %add3A_656 : i32 to vector<16xi32>
      %add3A_658 = arith.addi %max3A_652, %add3A_657 : vector<16xi32>
      %select_n3A_659 = arith.select %lt3A_655, %add3A_658, %max3A_652 : vector<16xi1>, vector<16xi32>
      %broadcast_in_dim3A_660 = vector.shape_cast %select_n3A_659 : vector<16xi32> to vector<16x1xi32>
      %gather3A_661 = vector.shape_cast %broadcast_in_dim3A_660 : vector<16x1xi32> to vector<16xi32>
      %gather3A_662 = tpu.dynamic_gather %add3A_646[%gather3A_661] in [0] : vector<16xi32>, vector<16xi32> -> vector<16xi32>
      %ge3A_663 = arith.constant 8 : i32
      %ge3A_664 = vector.broadcast %ge3A_663 : i32 to vector<16xi32>
      %ge3A_665 = arith.cmpi sge, %iota3A_577, %ge3A_664 : vector<16xi32>
      %jit3A_666 = arith.constant 0 : i32
      %broadcast_in_dim3A_667 = vector.broadcast %jit3A_666 : i32 to vector<16xi32>
      %select_n3A_668 = arith.select %ge3A_665, %gather3A_662, %broadcast_in_dim3A_667 : vector<16xi1>, vector<16xi32>
      %add3A_669 = arith.addi %add3A_646, %select_n3A_668 : vector<16xi32>
      %sub3A_670 = arith.subi %add3A_669, %and3A_576 : vector<16xi32>
      %add3A_671 = arith.addi %sub3A_670, %scan3A_534 : vector<16xi32>
      %mul3A_672 = arith.constant 16 : i32
      %mul3A_673 = arith.muli %scan3A_533, %mul3A_672 : i32
      %add3A_674 = arith.constant 4096 : i32
      %add3A_675 = arith.addi %add3A_674, %mul3A_673 : i32
      %swap3A_676 = arith.index_cast %add3A_675 : i32 to index
      %swap3A_677 = tpu.vector_load %arg10[%swap3A_676] {strides = array<i32>} : memref<8192xi32, #tpu.memory_space<vmem>>, vector<16xi32>,
      %swap3A_678 = vector.shape_cast %swap3A_677 : vector<16xi32> to vector<16xi32>
      %swap3A_679 = vector.shape_cast %add3A_671 : vector<16xi32> to vector<16xi32>
      tpu.vector_store %arg10[%swap3A_676], %swap3A_679 {strides = array<i32>} : memref<8192xi32, #tpu.memory_space<vmem>>, vector<16xi32>,
      %broadcast_in_dim3A_680 = arith.constant 15 : i32
      %broadcast_in_dim3A_681 = vector.broadcast %broadcast_in_dim3A_680 : i32 to vector<16xi32>
      %lt3A_682 = arith.constant 0 : i32
      %lt3A_683 = vector.broadcast %lt3A_682 : i32 to vector<16xi32>
      %lt3A_684 = arith.cmpi slt, %broadcast_in_dim3A_681, %lt3A_683 : vector<16xi32>
      %add3A_685 = arith.constant 16 : i32
      %add3A_686 = vector.broadcast %add3A_685 : i32 to vector<16xi32>
      %add3A_687 = arith.addi %broadcast_in_dim3A_681, %add3A_686 : vector<16xi32>
      %select_n3A_688 = arith.select %lt3A_684, %add3A_687, %broadcast_in_dim3A_681 : vector<16xi1>, vector<16xi32>
      %broadcast_in_dim3A_689 = vector.shape_cast %select_n3A_688 : vector<16xi32> to vector<16x1xi32>
      %gather3A_690 = vector.shape_cast %broadcast_in_dim3A_689 : vector<16x1xi32> to vector<16xi32>
      %gather3A_691 = tpu.dynamic_gather %add3A_669[%gather3A_690] in [0] : vector<16xi32>, vector<16xi32> -> vector<16xi32>
      %add3A_692 = arith.addi %scan3A_534, %gather3A_691 : vector<16xi32>
      scf.yield %add3A_692 : vector<16xi32>
    }
    %scan3A_191 = arith.constant 256 : i32
    %mul3A_192 = arith.constant 32768 : i32
    %mul3A_193 = arith.muli %arg1, %mul3A_192 : i32
    %add3A_194 = arith.constant 524288 : i32
    %add3A_195 = arith.addi %add3A_194, %mul3A_193 : i32
    %add3A_196 = arith.constant 24576 : i32
    %add3A_197 = arith.addi %add3A_195, %add3A_196 : i32
    "tpu.region"() ({
      %run_scoped3A_533 = tpu.sem_alloc : memref<!tpu.dma_semaphore, #tpu.memory_space<semaphore_mem>>
      %dma_start3A_534 = arith.constant 4096 : i32
      %dma_start3A_535 = tpu.memref_slice %arg10[%dma_start3A_534] : memref<8192xi32, #tpu.memory_space<vmem>> -> memref<4096xi32, #tpu.memory_space<vmem>>
      %dma_start3A_536 = tpu.memref_slice %arg20[%add3A_197] : memref<1048576xi32, #tpu.memory_space<vmem_shared>> -> memref<4096xi32, #tpu.memory_space<vmem_shared>>
      %dma_start3A_537 = tpu.memref_slice %arg20[%add3A_197] : memref<1048576xi32, #tpu.memory_space<vmem_shared>> -> memref<4096xi32, #tpu.memory_space<vmem_shared>>
      %dma_start3A_538 = arith.constant 4096 : i32
      %dma_start3A_539 = tpu.memref_slice %arg10[%dma_start3A_538] : memref<8192xi32, #tpu.memory_space<vmem>> -> memref<4096xi32, #tpu.memory_space<vmem>>
      tpu.enqueue_dma source(%dma_start3A_539 : memref<4096xi32, #tpu.memory_space<vmem>>) target(%dma_start3A_537 : memref<4096xi32, #tpu.memory_space<vmem_shared>>) target_semaphore(%run_scoped3A_533 : memref<!tpu.dma_semaphore, #tpu.memory_space<semaphore_mem>>)
      %dma_wait3A_540 = arith.constant 4096 : i32
      %dma_wait3A_541 = tpu.memref_slice %arg10[%dma_wait3A_540] : memref<8192xi32, #tpu.memory_space<vmem>> -> memref<4096xi32, #tpu.memory_space<vmem>>
      %dma_wait3A_542 = tpu.memref_slice %arg20[%add3A_197] : memref<1048576xi32, #tpu.memory_space<vmem_shared>> -> memref<4096xi32, #tpu.memory_space<vmem_shared>>
      %dma_wait3A_543 = tpu.memref_slice %arg20[%add3A_197] : memref<1048576xi32, #tpu.memory_space<vmem_shared>> -> memref<4096xi32, #tpu.memory_space<vmem_shared>>
      %dma_wait3A_544 = arith.constant 4096 : i32
      %dma_wait3A_545 = tpu.memref_slice %arg10[%dma_wait3A_544] : memref<8192xi32, #tpu.memory_space<vmem>> -> memref<4096xi32, #tpu.memory_space<vmem>>
      tpu.wait_dma2 semaphore(%run_scoped3A_533 : memref<!tpu.dma_semaphore, #tpu.memory_space<semaphore_mem>>) src(%dma_wait3A_545 : memref<4096xi32, #tpu.memory_space<vmem>>) dst(%dma_wait3A_543 : memref<4096xi32, #tpu.memory_space<vmem_shared>>)
      tpu.yield
    }) : () -> ()
    %mul3A_198 = arith.constant 32768 : i32
    %mul3A_199 = arith.muli %arg1, %mul3A_198 : i32
    %add3A_200 = arith.constant 28672 : i32
    %add3A_201 = arith.addi %mul3A_199, %add3A_200 : i32
    "tpu.region"() ({
      %run_scoped3A_533 = tpu.sem_alloc : memref<!tpu.dma_semaphore, #tpu.memory_space<semaphore_mem>>
      %dma_start3A_534 = arith.constant 0 : i32
      %dma_start3A_535 = tpu.memref_slice %arg10[%dma_start3A_534] : memref<8192xi32, #tpu.memory_space<vmem>> -> memref<4096xi32, #tpu.memory_space<vmem>>
      %dma_start3A_536 = tpu.memref_slice %arg20[%add3A_201] : memref<1048576xi32, #tpu.memory_space<vmem_shared>> -> memref<4096xi32, #tpu.memory_space<vmem_shared>>
      %dma_start3A_537 = arith.constant 0 : i32
      %dma_start3A_538 = tpu.memref_slice %arg10[%dma_start3A_537] : memref<8192xi32, #tpu.memory_space<vmem>> -> memref<4096xi32, #tpu.memory_space<vmem>>
      %dma_start3A_539 = tpu.memref_slice %arg20[%add3A_201] : memref<1048576xi32, #tpu.memory_space<vmem_shared>> -> memref<4096xi32, #tpu.memory_space<vmem_shared>>
      tpu.enqueue_dma source(%dma_start3A_539 : memref<4096xi32, #tpu.memory_space<vmem_shared>>) target(%dma_start3A_538 : memref<4096xi32, #tpu.memory_space<vmem>>) target_semaphore(%run_scoped3A_533 : memref<!tpu.dma_semaphore, #tpu.memory_space<semaphore_mem>>)
      %dma_wait3A_540 = arith.constant 0 : i32
      %dma_wait3A_541 = tpu.memref_slice %arg10[%dma_wait3A_540] : memref<8192xi32, #tpu.memory_space<vmem>> -> memref<4096xi32, #tpu.memory_space<vmem>>
      %dma_wait3A_542 = tpu.memref_slice %arg20[%add3A_201] : memref<1048576xi32, #tpu.memory_space<vmem_shared>> -> memref<4096xi32, #tpu.memory_space<vmem_shared>>
      %dma_wait3A_543 = arith.constant 0 : i32
      %dma_wait3A_544 = tpu.memref_slice %arg10[%dma_wait3A_543] : memref<8192xi32, #tpu.memory_space<vmem>> -> memref<4096xi32, #tpu.memory_space<vmem>>
      %dma_wait3A_545 = tpu.memref_slice %arg20[%add3A_201] : memref<1048576xi32, #tpu.memory_space<vmem_shared>> -> memref<4096xi32, #tpu.memory_space<vmem_shared>>
      tpu.wait_dma2 semaphore(%run_scoped3A_533 : memref<!tpu.dma_semaphore, #tpu.memory_space<semaphore_mem>>) src(%dma_wait3A_545 : memref<4096xi32, #tpu.memory_space<vmem_shared>>) dst(%dma_wait3A_544 : memref<4096xi32, #tpu.memory_space<vmem>>)
      tpu.yield
    }) : () -> ()
    %scan3A_202 = arith.constant 0 : i32
    %scan3A_203 = arith.constant 256 : i32
    %scan3A_204 = arith.addi %scan3A_202, %scan3A_203 : i32
    %scan3A_205 = arith.constant 1 : i32
    %scan3A_206 = scf.for %scan3A_533 = %scan3A_202 to %scan3A_204 step %scan3A_205 iter_args(%scan3A_534 = %scan3A_190) -> (vector<16xi32>)  : i32 {
      %mul3A_535 = arith.constant 16 : i32
      %mul3A_536 = arith.muli %scan3A_533, %mul3A_535 : i32
      %get3A_537 = arith.index_cast %mul3A_536 : i32 to index
      %get3A_538 = tpu.vector_load %arg10[%get3A_537] {strides = array<i32>} : memref<8192xi32, #tpu.memory_space<vmem>>, vector<16xi32>,
      %get3A_539 = vector.shape_cast %get3A_538 : vector<16xi32> to vector<16xi32>
      %shift_right_logical3A = arith.constant 1 : i32
      %shift_right_logical3A_540 = vector.broadcast %shift_right_logical3A : i32 to vector<16xi32>
      %shift_right_logical3A_541 = arith.shrui %get3A_539, %shift_right_logical3A_540 : vector<16xi32>
      %and3A = arith.constant 1431655765 : i32
      %and3A_542 = vector.broadcast %and3A : i32 to vector<16xi32>
      %and3A_543 = arith.andi %shift_right_logical3A_541, %and3A_542 : vector<16xi32>
      %sub3A_544 = arith.subi %get3A_539, %and3A_543 : vector<16xi32>
      %and3A_545 = arith.constant 858993459 : i32
      %and3A_546 = vector.broadcast %and3A_545 : i32 to vector<16xi32>
      %and3A_547 = arith.andi %sub3A_544, %and3A_546 : vector<16xi32>
      %shift_right_logical3A_548 = arith.constant 2 : i32
      %shift_right_logical3A_549 = vector.broadcast %shift_right_logical3A_548 : i32 to vector<16xi32>
      %shift_right_logical3A_550 = arith.shrui %sub3A_544, %shift_right_logical3A_549 : vector<16xi32>
      %and3A_551 = arith.constant 858993459 : i32
      %and3A_552 = vector.broadcast %and3A_551 : i32 to vector<16xi32>
      %and3A_553 = arith.andi %shift_right_logical3A_550, %and3A_552 : vector<16xi32>
      %add3A_554 = arith.addi %and3A_547, %and3A_553 : vector<16xi32>
      %shift_right_logical3A_555 = arith.constant 4 : i32
      %shift_right_logical3A_556 = vector.broadcast %shift_right_logical3A_555 : i32 to vector<16xi32>
      %shift_right_logical3A_557 = arith.shrui %add3A_554, %shift_right_logical3A_556 : vector<16xi32>
      %add3A_558 = arith.addi %add3A_554, %shift_right_logical3A_557 : vector<16xi32>
      %and3A_559 = arith.constant 252645135 : i32
      %and3A_560 = vector.broadcast %and3A_559 : i32 to vector<16xi32>
      %and3A_561 = arith.andi %add3A_558, %and3A_560 : vector<16xi32>
      %shift_right_logical3A_562 = arith.constant 8 : i32
      %shift_right_logical3A_563 = vector.broadcast %shift_right_logical3A_562 : i32 to vector<16xi32>
      %shift_right_logical3A_564 = arith.shrui %and3A_561, %shift_right_logical3A_563 : vector<16xi32>
      %add3A_565 = arith.addi %and3A_561, %shift_right_logical3A_564 : vector<16xi32>
      %shift_right_logical3A_566 = arith.constant 16 : i32
      %shift_right_logical3A_567 = vector.broadcast %shift_right_logical3A_566 : i32 to vector<16xi32>
      %shift_right_logical3A_568 = arith.shrui %and3A_561, %shift_right_logical3A_567 : vector<16xi32>
      %add3A_569 = arith.addi %add3A_565, %shift_right_logical3A_568 : vector<16xi32>
      %shift_right_logical3A_570 = arith.constant 24 : i32
      %shift_right_logical3A_571 = vector.broadcast %shift_right_logical3A_570 : i32 to vector<16xi32>
      %shift_right_logical3A_572 = arith.shrui %and3A_561, %shift_right_logical3A_571 : vector<16xi32>
      %add3A_573 = arith.addi %add3A_569, %shift_right_logical3A_572 : vector<16xi32>
      %and3A_574 = arith.constant 63 : i32
      %and3A_575 = vector.broadcast %and3A_574 : i32 to vector<16xi32>
      %and3A_576 = arith.andi %add3A_573, %and3A_575 : vector<16xi32>
      %iota3A_577 = tpu.iota {dimensions = array<i32: 0>} : vector<16xi32>
      %sub3A_578 = arith.constant 1 : i32
      %sub3A_579 = vector.broadcast %sub3A_578 : i32 to vector<16xi32>
      %sub3A_580 = arith.subi %iota3A_577, %sub3A_579 : vector<16xi32>
      %max3A_581 = arith.constant 0 : i32
      %max3A_582 = vector.broadcast %max3A_581 : i32 to vector<16xi32>
      %max3A_583 = arith.maxsi %sub3A_580, %max3A_582 : vector<16xi32>
      %lt3A_584 = arith.constant 0 : i32
      %lt3A_585 = vector.broadcast %lt3A_584 : i32 to vector<16xi32>
      %lt3A_586 = arith.cmpi slt, %max3A_583, %lt3A_585 : vector<16xi32>
      %add3A_587 = arith.constant 16 : i32
      %add3A_588 = vector.broadcast %add3A_587 : i32 to vector<16xi32>
      %add3A_589 = arith.addi %max3A_583, %add3A_588 : vector<16xi32>
      %select_n3A_590 = arith.select %lt3A_586, %add3A_589, %max3A_583 : vector<16xi1>, vector<16xi32>
      %broadcast_in_dim3A_591 = vector.shape_cast %select_n3A_590 : vector<16xi32> to vector<16x1xi32>
      %gather3A_592 = vector.shape_cast %broadcast_in_dim3A_591 : vector<16x1xi32> to vector<16xi32>
      %gather3A_593 = tpu.dynamic_gather %and3A_576[%gather3A_592] in [0] : vector<16xi32>, vector<16xi32> -> vector<16xi32>
      %ge3A_594 = arith.constant 1 : i32
      %ge3A_595 = vector.broadcast %ge3A_594 : i32 to vector<16xi32>
      %ge3A_596 = arith.cmpi sge, %iota3A_577, %ge3A_595 : vector<16xi32>
      %jit3A_597 = arith.constant 0 : i32
      %broadcast_in_dim3A_598 = vector.broadcast %jit3A_597 : i32 to vector<16xi32>
      %select_n3A_599 = arith.select %ge3A_596, %gather3A_593, %broadcast_in_dim3A_598 : vector<16xi1>, vector<16xi32>
      %add3A_600 = arith.addi %and3A_576, %select_n3A_599 : vector<16xi32>
      %sub3A_601 = arith.constant 2 : i32
      %sub3A_602 = vector.broadcast %sub3A_601 : i32 to vector<16xi32>
      %sub3A_603 = arith.subi %iota3A_577, %sub3A_602 : vector<16xi32>
      %max3A_604 = arith.constant 0 : i32
      %max3A_605 = vector.broadcast %max3A_604 : i32 to vector<16xi32>
      %max3A_606 = arith.maxsi %sub3A_603, %max3A_605 : vector<16xi32>
      %lt3A_607 = arith.constant 0 : i32
      %lt3A_608 = vector.broadcast %lt3A_607 : i32 to vector<16xi32>
      %lt3A_609 = arith.cmpi slt, %max3A_606, %lt3A_608 : vector<16xi32>
      %add3A_610 = arith.constant 16 : i32
      %add3A_611 = vector.broadcast %add3A_610 : i32 to vector<16xi32>
      %add3A_612 = arith.addi %max3A_606, %add3A_611 : vector<16xi32>
      %select_n3A_613 = arith.select %lt3A_609, %add3A_612, %max3A_606 : vector<16xi1>, vector<16xi32>
      %broadcast_in_dim3A_614 = vector.shape_cast %select_n3A_613 : vector<16xi32> to vector<16x1xi32>
      %gather3A_615 = vector.shape_cast %broadcast_in_dim3A_614 : vector<16x1xi32> to vector<16xi32>
      %gather3A_616 = tpu.dynamic_gather %add3A_600[%gather3A_615] in [0] : vector<16xi32>, vector<16xi32> -> vector<16xi32>
      %ge3A_617 = arith.constant 2 : i32
      %ge3A_618 = vector.broadcast %ge3A_617 : i32 to vector<16xi32>
      %ge3A_619 = arith.cmpi sge, %iota3A_577, %ge3A_618 : vector<16xi32>
      %jit3A_620 = arith.constant 0 : i32
      %broadcast_in_dim3A_621 = vector.broadcast %jit3A_620 : i32 to vector<16xi32>
      %select_n3A_622 = arith.select %ge3A_619, %gather3A_616, %broadcast_in_dim3A_621 : vector<16xi1>, vector<16xi32>
      %add3A_623 = arith.addi %add3A_600, %select_n3A_622 : vector<16xi32>
      %sub3A_624 = arith.constant 4 : i32
      %sub3A_625 = vector.broadcast %sub3A_624 : i32 to vector<16xi32>
      %sub3A_626 = arith.subi %iota3A_577, %sub3A_625 : vector<16xi32>
      %max3A_627 = arith.constant 0 : i32
      %max3A_628 = vector.broadcast %max3A_627 : i32 to vector<16xi32>
      %max3A_629 = arith.maxsi %sub3A_626, %max3A_628 : vector<16xi32>
      %lt3A_630 = arith.constant 0 : i32
      %lt3A_631 = vector.broadcast %lt3A_630 : i32 to vector<16xi32>
      %lt3A_632 = arith.cmpi slt, %max3A_629, %lt3A_631 : vector<16xi32>
      %add3A_633 = arith.constant 16 : i32
      %add3A_634 = vector.broadcast %add3A_633 : i32 to vector<16xi32>
      %add3A_635 = arith.addi %max3A_629, %add3A_634 : vector<16xi32>
      %select_n3A_636 = arith.select %lt3A_632, %add3A_635, %max3A_629 : vector<16xi1>, vector<16xi32>
      %broadcast_in_dim3A_637 = vector.shape_cast %select_n3A_636 : vector<16xi32> to vector<16x1xi32>
      %gather3A_638 = vector.shape_cast %broadcast_in_dim3A_637 : vector<16x1xi32> to vector<16xi32>
      %gather3A_639 = tpu.dynamic_gather %add3A_623[%gather3A_638] in [0] : vector<16xi32>, vector<16xi32> -> vector<16xi32>
      %ge3A_640 = arith.constant 4 : i32
      %ge3A_641 = vector.broadcast %ge3A_640 : i32 to vector<16xi32>
      %ge3A_642 = arith.cmpi sge, %iota3A_577, %ge3A_641 : vector<16xi32>
      %jit3A_643 = arith.constant 0 : i32
      %broadcast_in_dim3A_644 = vector.broadcast %jit3A_643 : i32 to vector<16xi32>
      %select_n3A_645 = arith.select %ge3A_642, %gather3A_639, %broadcast_in_dim3A_644 : vector<16xi1>, vector<16xi32>
      %add3A_646 = arith.addi %add3A_623, %select_n3A_645 : vector<16xi32>
      %sub3A_647 = arith.constant 8 : i32
      %sub3A_648 = vector.broadcast %sub3A_647 : i32 to vector<16xi32>
      %sub3A_649 = arith.subi %iota3A_577, %sub3A_648 : vector<16xi32>
      %max3A_650 = arith.constant 0 : i32
      %max3A_651 = vector.broadcast %max3A_650 : i32 to vector<16xi32>
      %max3A_652 = arith.maxsi %sub3A_649, %max3A_651 : vector<16xi32>
      %lt3A_653 = arith.constant 0 : i32
      %lt3A_654 = vector.broadcast %lt3A_653 : i32 to vector<16xi32>
      %lt3A_655 = arith.cmpi slt, %max3A_652, %lt3A_654 : vector<16xi32>
      %add3A_656 = arith.constant 16 : i32
      %add3A_657 = vector.broadcast %add3A_656 : i32 to vector<16xi32>
      %add3A_658 = arith.addi %max3A_652, %add3A_657 : vector<16xi32>
      %select_n3A_659 = arith.select %lt3A_655, %add3A_658, %max3A_652 : vector<16xi1>, vector<16xi32>
      %broadcast_in_dim3A_660 = vector.shape_cast %select_n3A_659 : vector<16xi32> to vector<16x1xi32>
      %gather3A_661 = vector.shape_cast %broadcast_in_dim3A_660 : vector<16x1xi32> to vector<16xi32>
      %gather3A_662 = tpu.dynamic_gather %add3A_646[%gather3A_661] in [0] : vector<16xi32>, vector<16xi32> -> vector<16xi32>
      %ge3A_663 = arith.constant 8 : i32
      %ge3A_664 = vector.broadcast %ge3A_663 : i32 to vector<16xi32>
      %ge3A_665 = arith.cmpi sge, %iota3A_577, %ge3A_664 : vector<16xi32>
      %jit3A_666 = arith.constant 0 : i32
      %broadcast_in_dim3A_667 = vector.broadcast %jit3A_666 : i32 to vector<16xi32>
      %select_n3A_668 = arith.select %ge3A_665, %gather3A_662, %broadcast_in_dim3A_667 : vector<16xi1>, vector<16xi32>
      %add3A_669 = arith.addi %add3A_646, %select_n3A_668 : vector<16xi32>
      %sub3A_670 = arith.subi %add3A_669, %and3A_576 : vector<16xi32>
      %add3A_671 = arith.addi %sub3A_670, %scan3A_534 : vector<16xi32>
      %mul3A_672 = arith.constant 16 : i32
      %mul3A_673 = arith.muli %scan3A_533, %mul3A_672 : i32
      %add3A_674 = arith.constant 4096 : i32
      %add3A_675 = arith.addi %add3A_674, %mul3A_673 : i32
      %swap3A_676 = arith.index_cast %add3A_675 : i32 to index
      %swap3A_677 = tpu.vector_load %arg10[%swap3A_676] {strides = array<i32>} : memref<8192xi32, #tpu.memory_space<vmem>>, vector<16xi32>,
      %swap3A_678 = vector.shape_cast %swap3A_677 : vector<16xi32> to vector<16xi32>
      %swap3A_679 = vector.shape_cast %add3A_671 : vector<16xi32> to vector<16xi32>
      tpu.vector_store %arg10[%swap3A_676], %swap3A_679 {strides = array<i32>} : memref<8192xi32, #tpu.memory_space<vmem>>, vector<16xi32>,
      %broadcast_in_dim3A_680 = arith.constant 15 : i32
      %broadcast_in_dim3A_681 = vector.broadcast %broadcast_in_dim3A_680 : i32 to vector<16xi32>
      %lt3A_682 = arith.constant 0 : i32
      %lt3A_683 = vector.broadcast %lt3A_682 : i32 to vector<16xi32>
      %lt3A_684 = arith.cmpi slt, %broadcast_in_dim3A_681, %lt3A_683 : vector<16xi32>
      %add3A_685 = arith.constant 16 : i32
      %add3A_686 = vector.broadcast %add3A_685 : i32 to vector<16xi32>
      %add3A_687 = arith.addi %broadcast_in_dim3A_681, %add3A_686 : vector<16xi32>
      %select_n3A_688 = arith.select %lt3A_684, %add3A_687, %broadcast_in_dim3A_681 : vector<16xi1>, vector<16xi32>
      %broadcast_in_dim3A_689 = vector.shape_cast %select_n3A_688 : vector<16xi32> to vector<16x1xi32>
      %gather3A_690 = vector.shape_cast %broadcast_in_dim3A_689 : vector<16x1xi32> to vector<16xi32>
      %gather3A_691 = tpu.dynamic_gather %add3A_669[%gather3A_690] in [0] : vector<16xi32>, vector<16xi32> -> vector<16xi32>
      %add3A_692 = arith.addi %scan3A_534, %gather3A_691 : vector<16xi32>
      scf.yield %add3A_692 : vector<16xi32>
    }
    %scan3A_207 = arith.constant 256 : i32
    %mul3A_208 = arith.constant 32768 : i32
    %mul3A_209 = arith.muli %arg1, %mul3A_208 : i32
    %add3A_210 = arith.constant 524288 : i32
    %add3A_211 = arith.addi %add3A_210, %mul3A_209 : i32
    %add3A_212 = arith.constant 28672 : i32
    %add3A_213 = arith.addi %add3A_211, %add3A_212 : i32
    "tpu.region"() ({
      %run_scoped3A_533 = tpu.sem_alloc : memref<!tpu.dma_semaphore, #tpu.memory_space<semaphore_mem>>
      %dma_start3A_534 = arith.constant 4096 : i32
      %dma_start3A_535 = tpu.memref_slice %arg10[%dma_start3A_534] : memref<8192xi32, #tpu.memory_space<vmem>> -> memref<4096xi32, #tpu.memory_space<vmem>>
      %dma_start3A_536 = tpu.memref_slice %arg20[%add3A_213] : memref<1048576xi32, #tpu.memory_space<vmem_shared>> -> memref<4096xi32, #tpu.memory_space<vmem_shared>>
      %dma_start3A_537 = tpu.memref_slice %arg20[%add3A_213] : memref<1048576xi32, #tpu.memory_space<vmem_shared>> -> memref<4096xi32, #tpu.memory_space<vmem_shared>>
      %dma_start3A_538 = arith.constant 4096 : i32
      %dma_start3A_539 = tpu.memref_slice %arg10[%dma_start3A_538] : memref<8192xi32, #tpu.memory_space<vmem>> -> memref<4096xi32, #tpu.memory_space<vmem>>
      tpu.enqueue_dma source(%dma_start3A_539 : memref<4096xi32, #tpu.memory_space<vmem>>) target(%dma_start3A_537 : memref<4096xi32, #tpu.memory_space<vmem_shared>>) target_semaphore(%run_scoped3A_533 : memref<!tpu.dma_semaphore, #tpu.memory_space<semaphore_mem>>)
      %dma_wait3A_540 = arith.constant 4096 : i32
      %dma_wait3A_541 = tpu.memref_slice %arg10[%dma_wait3A_540] : memref<8192xi32, #tpu.memory_space<vmem>> -> memref<4096xi32, #tpu.memory_space<vmem>>
      %dma_wait3A_542 = tpu.memref_slice %arg20[%add3A_213] : memref<1048576xi32, #tpu.memory_space<vmem_shared>> -> memref<4096xi32, #tpu.memory_space<vmem_shared>>
      %dma_wait3A_543 = tpu.memref_slice %arg20[%add3A_213] : memref<1048576xi32, #tpu.memory_space<vmem_shared>> -> memref<4096xi32, #tpu.memory_space<vmem_shared>>
      %dma_wait3A_544 = arith.constant 4096 : i32
      %dma_wait3A_545 = tpu.memref_slice %arg10[%dma_wait3A_544] : memref<8192xi32, #tpu.memory_space<vmem>> -> memref<4096xi32, #tpu.memory_space<vmem>>
      tpu.wait_dma2 semaphore(%run_scoped3A_533 : memref<!tpu.dma_semaphore, #tpu.memory_space<semaphore_mem>>) src(%dma_wait3A_545 : memref<4096xi32, #tpu.memory_space<vmem>>) dst(%dma_wait3A_543 : memref<4096xi32, #tpu.memory_space<vmem_shared>>)
      tpu.yield
    }) : () -> ()
    %swap3A = arith.constant 0 : index
    %swap3A_214 = tpu.vector_load %arg15[%swap3A] {strides = array<i32>} : memref<16xi32, #tpu.memory_space<vmem>>, vector<16xi32>,
    %swap3A_215 = vector.shape_cast %swap3A_214 : vector<16xi32> to vector<16xi32>
    %swap3A_216 = vector.shape_cast %scan3A_206 : vector<16xi32> to vector<16xi32>
    tpu.vector_store %arg15[%swap3A], %swap3A_216 {strides = array<i32>} : memref<16xi32, #tpu.memory_space<vmem>>, vector<16xi32>,
    %mul3A_217 = arith.constant 16 : i32
    %mul3A_218 = arith.muli %arg1, %mul3A_217 : i32
    "tpu.region"() ({
      %run_scoped3A_533 = tpu.sem_alloc : memref<!tpu.dma_semaphore, #tpu.memory_space<semaphore_mem>>
      %dma_start3A_534 = tpu.memref_slice %arg23[%mul3A_218] : memref<256xi32, #tpu.memory_space<vmem_shared>> -> memref<16xi32, #tpu.memory_space<vmem_shared>>
      %dma_start3A_535 = tpu.memref_slice %arg23[%mul3A_218] : memref<256xi32, #tpu.memory_space<vmem_shared>> -> memref<16xi32, #tpu.memory_space<vmem_shared>>
      tpu.enqueue_dma source(%arg15 : memref<16xi32, #tpu.memory_space<vmem>>) target(%dma_start3A_535 : memref<16xi32, #tpu.memory_space<vmem_shared>>) target_semaphore(%run_scoped3A_533 : memref<!tpu.dma_semaphore, #tpu.memory_space<semaphore_mem>>)
      %dma_wait3A_536 = tpu.memref_slice %arg23[%mul3A_218] : memref<256xi32, #tpu.memory_space<vmem_shared>> -> memref<16xi32, #tpu.memory_space<vmem_shared>>
      %dma_wait3A_537 = tpu.memref_slice %arg23[%mul3A_218] : memref<256xi32, #tpu.memory_space<vmem_shared>> -> memref<16xi32, #tpu.memory_space<vmem_shared>>
      tpu.wait_dma2 semaphore(%run_scoped3A_533 : memref<!tpu.dma_semaphore, #tpu.memory_space<semaphore_mem>>) src(%arg15 : memref<16xi32, #tpu.memory_space<vmem>>) dst(%dma_wait3A_537 : memref<16xi32, #tpu.memory_space<vmem_shared>>)
      tpu.yield
    }) : () -> ()
    %mul3A_219 = arith.constant 256 : i32
    %mul3A_220 = arith.muli %arg1, %mul3A_219 : i32
    "tpu.region"() ({
      %run_scoped3A_533 = tpu.sem_alloc : memref<!tpu.dma_semaphore, #tpu.memory_space<semaphore_mem>>
      %dma_start3A_534 = tpu.memref_slice %arg21[%mul3A_220] : memref<4096xf32, #tpu.memory_space<vmem_shared>> -> memref<256xf32, #tpu.memory_space<vmem_shared>>
      %dma_start3A_535 = tpu.memref_slice %arg21[%mul3A_220] : memref<4096xf32, #tpu.memory_space<vmem_shared>> -> memref<256xf32, #tpu.memory_space<vmem_shared>>
      tpu.enqueue_dma source(%dma_start3A_535 : memref<256xf32, #tpu.memory_space<vmem_shared>>) target(%arg16 : memref<256xf32, #tpu.memory_space<vmem>>) target_semaphore(%run_scoped3A_533 : memref<!tpu.dma_semaphore, #tpu.memory_space<semaphore_mem>>)
      %dma_wait3A_536 = tpu.memref_slice %arg21[%mul3A_220] : memref<4096xf32, #tpu.memory_space<vmem_shared>> -> memref<256xf32, #tpu.memory_space<vmem_shared>>
      %dma_wait3A_537 = tpu.memref_slice %arg21[%mul3A_220] : memref<4096xf32, #tpu.memory_space<vmem_shared>> -> memref<256xf32, #tpu.memory_space<vmem_shared>>
      tpu.wait_dma2 semaphore(%run_scoped3A_533 : memref<!tpu.dma_semaphore, #tpu.memory_space<semaphore_mem>>) src(%dma_wait3A_537 : memref<256xf32, #tpu.memory_space<vmem_shared>>) dst(%arg16 : memref<256xf32, #tpu.memory_space<vmem>>)
      tpu.yield
    }) : () -> ()
    %scan3A_221 = arith.constant 0 : i32
    %scan3A_222 = arith.constant 0 : i32
    %scan3A_223 = arith.constant 16 : i32
    %scan3A_224 = arith.addi %scan3A_222, %scan3A_223 : i32
    %scan3A_225 = arith.constant 1 : i32
    %scan3A_226 = scf.for %scan3A_533 = %scan3A_222 to %scan3A_224 step %scan3A_225 iter_args(%scan3A_534 = %scan3A_221) -> (i32)  : i32 {
      %mul3A_535 = arith.constant 16 : i32
      %mul3A_536 = arith.muli %scan3A_533, %mul3A_535 : i32
      %get3A_537 = arith.index_cast %mul3A_536 : i32 to index
      %get3A_538 = tpu.vector_load %arg16[%get3A_537] {strides = array<i32>} : memref<256xf32, #tpu.memory_space<vmem>>, vector<16xf32>,
      %get3A_539 = vector.shape_cast %get3A_538 : vector<16xf32> to vector<16xf32>
      %bitcast_convert_type3A = tpu.bitcast %get3A_539 : vector<16xf32> -> vector<16xi32>
      %shift_right_logical3A = arith.constant 1 : i32
      %shift_right_logical3A_540 = vector.broadcast %shift_right_logical3A : i32 to vector<16xi32>
      %shift_right_logical3A_541 = arith.shrui %bitcast_convert_type3A, %shift_right_logical3A_540 : vector<16xi32>
      %sub3A_542 = arith.constant 1597463007 : i32
      %sub3A_543 = vector.broadcast %sub3A_542 : i32 to vector<16xi32>
      %sub3A_544 = arith.subi %sub3A_543, %shift_right_logical3A_541 : vector<16xi32>
      %bitcast_convert_type3A_545 = tpu.bitcast %sub3A_544 : vector<16xi32> -> vector<16xf32>
      %mul3A_546 = arith.constant 5.000000e-01 : f32
      %mul3A_547 = vector.broadcast %mul3A_546 : f32 to vector<16xf32>
      %mul3A_548 = arith.mulf %mul3A_547, %get3A_539 : vector<16xf32>
      %mul3A_549 = arith.mulf %mul3A_548, %bitcast_convert_type3A_545 : vector<16xf32>
      %mul3A_550 = arith.mulf %mul3A_549, %bitcast_convert_type3A_545 : vector<16xf32>
      %sub3A_551 = arith.constant 1.500000e+00 : f32
      %sub3A_552 = vector.broadcast %sub3A_551 : f32 to vector<16xf32>
      %sub3A_553 = arith.subf %sub3A_552, %mul3A_550 : vector<16xf32>
      %mul3A_554 = arith.mulf %bitcast_convert_type3A_545, %sub3A_553 : vector<16xf32>
      %mul3A_555 = arith.constant 5.000000e-01 : f32
      %mul3A_556 = vector.broadcast %mul3A_555 : f32 to vector<16xf32>
      %mul3A_557 = arith.mulf %mul3A_556, %get3A_539 : vector<16xf32>
      %mul3A_558 = arith.mulf %mul3A_557, %mul3A_554 : vector<16xf32>
      %mul3A_559 = arith.mulf %mul3A_558, %mul3A_554 : vector<16xf32>
      %sub3A_560 = arith.constant 1.500000e+00 : f32
      %sub3A_561 = vector.broadcast %sub3A_560 : f32 to vector<16xf32>
      %sub3A_562 = arith.subf %sub3A_561, %mul3A_559 : vector<16xf32>
      %mul3A_563 = arith.mulf %mul3A_554, %sub3A_562 : vector<16xf32>
      %mul3A_564 = arith.constant 5.000000e-01 : f32
      %mul3A_565 = vector.broadcast %mul3A_564 : f32 to vector<16xf32>
      %mul3A_566 = arith.mulf %mul3A_565, %get3A_539 : vector<16xf32>
      %mul3A_567 = arith.mulf %mul3A_566, %mul3A_563 : vector<16xf32>
      %mul3A_568 = arith.mulf %mul3A_567, %mul3A_563 : vector<16xf32>
      %sub3A_569 = arith.constant 1.500000e+00 : f32
      %sub3A_570 = vector.broadcast %sub3A_569 : f32 to vector<16xf32>
      %sub3A_571 = arith.subf %sub3A_570, %mul3A_568 : vector<16xf32>
      %mul3A_572 = arith.mulf %mul3A_563, %sub3A_571 : vector<16xf32>
      %gt3A = arith.constant 0.000000e+00 : f32
      %gt3A_573 = vector.broadcast %gt3A : f32 to vector<16xf32>
      %gt3A_574 = arith.cmpf ogt, %get3A_539, %gt3A_573 : vector<16xf32>
      %jit3A_575 = arith.constant 0.000000e+00 : f32
      %broadcast_in_dim3A_576 = vector.broadcast %jit3A_575 : f32 to vector<16xf32>
      %select_n3A_577 = arith.select %gt3A_574, %mul3A_572, %broadcast_in_dim3A_576 : vector<16xi1>, vector<16xf32>
      %swap3A_578 = arith.index_cast %mul3A_536 : i32 to index
      %swap3A_579 = tpu.vector_load %arg17[%swap3A_578] {strides = array<i32>} : memref<256xf32, #tpu.memory_space<vmem>>, vector<16xf32>,
      %swap3A_580 = vector.shape_cast %swap3A_579 : vector<16xf32> to vector<16xf32>
      %swap3A_581 = vector.shape_cast %select_n3A_577 : vector<16xf32> to vector<16xf32>
      tpu.vector_store %arg17[%swap3A_578], %swap3A_581 {strides = array<i32>} : memref<256xf32, #tpu.memory_space<vmem>>, vector<16xf32>,
      %scan3A_582 = arith.constant 0 : i32
      scf.yield %scan3A_582 : i32
    }
    %scan3A_227 = arith.constant 16 : i32
    %mul3A_228 = arith.constant 256 : i32
    %mul3A_229 = arith.muli %arg1, %mul3A_228 : i32
    "tpu.region"() ({
      %run_scoped3A_533 = tpu.sem_alloc : memref<!tpu.dma_semaphore, #tpu.memory_space<semaphore_mem>>
      %dma_start3A_534 = tpu.memref_slice %arg22[%mul3A_229] : memref<4096xf32, #tpu.memory_space<vmem_shared>> -> memref<256xf32, #tpu.memory_space<vmem_shared>>
      %dma_start3A_535 = tpu.memref_slice %arg22[%mul3A_229] : memref<4096xf32, #tpu.memory_space<vmem_shared>> -> memref<256xf32, #tpu.memory_space<vmem_shared>>
      tpu.enqueue_dma source(%arg17 : memref<256xf32, #tpu.memory_space<vmem>>) target(%dma_start3A_535 : memref<256xf32, #tpu.memory_space<vmem_shared>>) target_semaphore(%run_scoped3A_533 : memref<!tpu.dma_semaphore, #tpu.memory_space<semaphore_mem>>)
      %dma_wait3A_536 = tpu.memref_slice %arg22[%mul3A_229] : memref<4096xf32, #tpu.memory_space<vmem_shared>> -> memref<256xf32, #tpu.memory_space<vmem_shared>>
      %dma_wait3A_537 = tpu.memref_slice %arg22[%mul3A_229] : memref<4096xf32, #tpu.memory_space<vmem_shared>> -> memref<256xf32, #tpu.memory_space<vmem_shared>>
      tpu.wait_dma2 semaphore(%run_scoped3A_533 : memref<!tpu.dma_semaphore, #tpu.memory_space<semaphore_mem>>) src(%arg17 : memref<256xf32, #tpu.memory_space<vmem>>) dst(%dma_wait3A_537 : memref<256xf32, #tpu.memory_space<vmem_shared>>)
      tpu.yield
    }) : () -> ()
    %barrier3A_230 = arith.constant 0 : index
    tpu.barrier barrier_id(%barrier3A_230)
    "tpu.region"() ({
      %run_scoped3A_533 = tpu.sem_alloc : memref<!tpu.dma_semaphore, #tpu.memory_space<semaphore_mem>>
      tpu.enqueue_dma source(%arg23 : memref<256xi32, #tpu.memory_space<vmem_shared>>) target(%arg19 : memref<256xi32, #tpu.memory_space<vmem>>) target_semaphore(%run_scoped3A_533 : memref<!tpu.dma_semaphore, #tpu.memory_space<semaphore_mem>>)
      tpu.wait_dma2 semaphore(%run_scoped3A_533 : memref<!tpu.dma_semaphore, #tpu.memory_space<semaphore_mem>>) src(%arg23 : memref<256xi32, #tpu.memory_space<vmem_shared>>) dst(%arg19 : memref<256xi32, #tpu.memory_space<vmem>>)
      tpu.yield
    }) : () -> ()
    %iota3A = tpu.iota {dimensions = array<i32: 0>} : vector<16xi32>
    %broadcast_in_dim3A_231 = arith.constant 0 : i32
    %broadcast_in_dim3A_232 = vector.broadcast %broadcast_in_dim3A_231 : i32 to vector<16xi32>
    %get3A = arith.constant 0 : index
    %get3A_233 = tpu.vector_load %arg19[%get3A] {strides = array<i32>} : memref<256xi32, #tpu.memory_space<vmem>>, vector<16xi32>,
    %get3A_234 = vector.shape_cast %get3A_233 : vector<16xi32> to vector<16xi32>
    %eq3A = arith.constant 0 : i32
    %eq3A_235 = vector.broadcast %eq3A : i32 to vector<16xi32>
    %eq3A_236 = arith.cmpi eq, %iota3A, %eq3A_235 : vector<16xi32>
    %select_n3A = arith.select %eq3A_236, %get3A_234, %broadcast_in_dim3A_232 : vector<16xi1>, vector<16xi32>
    %get3A_237 = arith.constant 16 : index
    %get3A_238 = tpu.vector_load %arg19[%get3A_237] {strides = array<i32>} : memref<256xi32, #tpu.memory_space<vmem>>, vector<16xi32>,
    %get3A_239 = vector.shape_cast %get3A_238 : vector<16xi32> to vector<16xi32>
    %eq3A_240 = arith.constant 1 : i32
    %eq3A_241 = vector.broadcast %eq3A_240 : i32 to vector<16xi32>
    %eq3A_242 = arith.cmpi eq, %iota3A, %eq3A_241 : vector<16xi32>
    %select_n3A_243 = arith.select %eq3A_242, %get3A_239, %select_n3A : vector<16xi1>, vector<16xi32>
    %get3A_244 = arith.constant 32 : index
    %get3A_245 = tpu.vector_load %arg19[%get3A_244] {strides = array<i32>} : memref<256xi32, #tpu.memory_space<vmem>>, vector<16xi32>,
    %get3A_246 = vector.shape_cast %get3A_245 : vector<16xi32> to vector<16xi32>
    %eq3A_247 = arith.constant 2 : i32
    %eq3A_248 = vector.broadcast %eq3A_247 : i32 to vector<16xi32>
    %eq3A_249 = arith.cmpi eq, %iota3A, %eq3A_248 : vector<16xi32>
    %select_n3A_250 = arith.select %eq3A_249, %get3A_246, %select_n3A_243 : vector<16xi1>, vector<16xi32>
    %get3A_251 = arith.constant 48 : index
    %get3A_252 = tpu.vector_load %arg19[%get3A_251] {strides = array<i32>} : memref<256xi32, #tpu.memory_space<vmem>>, vector<16xi32>,
    %get3A_253 = vector.shape_cast %get3A_252 : vector<16xi32> to vector<16xi32>
    %eq3A_254 = arith.constant 3 : i32
    %eq3A_255 = vector.broadcast %eq3A_254 : i32 to vector<16xi32>
    %eq3A_256 = arith.cmpi eq, %iota3A, %eq3A_255 : vector<16xi32>
    %select_n3A_257 = arith.select %eq3A_256, %get3A_253, %select_n3A_250 : vector<16xi1>, vector<16xi32>
    %get3A_258 = arith.constant 64 : index
    %get3A_259 = tpu.vector_load %arg19[%get3A_258] {strides = array<i32>} : memref<256xi32, #tpu.memory_space<vmem>>, vector<16xi32>,
    %get3A_260 = vector.shape_cast %get3A_259 : vector<16xi32> to vector<16xi32>
    %eq3A_261 = arith.constant 4 : i32
    %eq3A_262 = vector.broadcast %eq3A_261 : i32 to vector<16xi32>
    %eq3A_263 = arith.cmpi eq, %iota3A, %eq3A_262 : vector<16xi32>
    %select_n3A_264 = arith.select %eq3A_263, %get3A_260, %select_n3A_257 : vector<16xi1>, vector<16xi32>
    %get3A_265 = arith.constant 80 : index
    %get3A_266 = tpu.vector_load %arg19[%get3A_265] {strides = array<i32>} : memref<256xi32, #tpu.memory_space<vmem>>, vector<16xi32>,
    %get3A_267 = vector.shape_cast %get3A_266 : vector<16xi32> to vector<16xi32>
    %eq3A_268 = arith.constant 5 : i32
    %eq3A_269 = vector.broadcast %eq3A_268 : i32 to vector<16xi32>
    %eq3A_270 = arith.cmpi eq, %iota3A, %eq3A_269 : vector<16xi32>
    %select_n3A_271 = arith.select %eq3A_270, %get3A_267, %select_n3A_264 : vector<16xi1>, vector<16xi32>
    %get3A_272 = arith.constant 96 : index
    %get3A_273 = tpu.vector_load %arg19[%get3A_272] {strides = array<i32>} : memref<256xi32, #tpu.memory_space<vmem>>, vector<16xi32>,
    %get3A_274 = vector.shape_cast %get3A_273 : vector<16xi32> to vector<16xi32>
    %eq3A_275 = arith.constant 6 : i32
    %eq3A_276 = vector.broadcast %eq3A_275 : i32 to vector<16xi32>
    %eq3A_277 = arith.cmpi eq, %iota3A, %eq3A_276 : vector<16xi32>
    %select_n3A_278 = arith.select %eq3A_277, %get3A_274, %select_n3A_271 : vector<16xi1>, vector<16xi32>
    %get3A_279 = arith.constant 112 : index
    %get3A_280 = tpu.vector_load %arg19[%get3A_279] {strides = array<i32>} : memref<256xi32, #tpu.memory_space<vmem>>, vector<16xi32>,
    %get3A_281 = vector.shape_cast %get3A_280 : vector<16xi32> to vector<16xi32>
    %eq3A_282 = arith.constant 7 : i32
    %eq3A_283 = vector.broadcast %eq3A_282 : i32 to vector<16xi32>
    %eq3A_284 = arith.cmpi eq, %iota3A, %eq3A_283 : vector<16xi32>
    %select_n3A_285 = arith.select %eq3A_284, %get3A_281, %select_n3A_278 : vector<16xi1>, vector<16xi32>
    %get3A_286 = arith.constant 128 : index
    %get3A_287 = tpu.vector_load %arg19[%get3A_286] {strides = array<i32>} : memref<256xi32, #tpu.memory_space<vmem>>, vector<16xi32>,
    %get3A_288 = vector.shape_cast %get3A_287 : vector<16xi32> to vector<16xi32>
    %eq3A_289 = arith.constant 8 : i32
    %eq3A_290 = vector.broadcast %eq3A_289 : i32 to vector<16xi32>
    %eq3A_291 = arith.cmpi eq, %iota3A, %eq3A_290 : vector<16xi32>
    %select_n3A_292 = arith.select %eq3A_291, %get3A_288, %select_n3A_285 : vector<16xi1>, vector<16xi32>
    %get3A_293 = arith.constant 144 : index
    %get3A_294 = tpu.vector_load %arg19[%get3A_293] {strides = array<i32>} : memref<256xi32, #tpu.memory_space<vmem>>, vector<16xi32>,
    %get3A_295 = vector.shape_cast %get3A_294 : vector<16xi32> to vector<16xi32>
    %eq3A_296 = arith.constant 9 : i32
    %eq3A_297 = vector.broadcast %eq3A_296 : i32 to vector<16xi32>
    %eq3A_298 = arith.cmpi eq, %iota3A, %eq3A_297 : vector<16xi32>
    %select_n3A_299 = arith.select %eq3A_298, %get3A_295, %select_n3A_292 : vector<16xi1>, vector<16xi32>
    %get3A_300 = arith.constant 160 : index
    %get3A_301 = tpu.vector_load %arg19[%get3A_300] {strides = array<i32>} : memref<256xi32, #tpu.memory_space<vmem>>, vector<16xi32>,
    %get3A_302 = vector.shape_cast %get3A_301 : vector<16xi32> to vector<16xi32>
    %eq3A_303 = arith.constant 10 : i32
    %eq3A_304 = vector.broadcast %eq3A_303 : i32 to vector<16xi32>
    %eq3A_305 = arith.cmpi eq, %iota3A, %eq3A_304 : vector<16xi32>
    %select_n3A_306 = arith.select %eq3A_305, %get3A_302, %select_n3A_299 : vector<16xi1>, vector<16xi32>
    %get3A_307 = arith.constant 176 : index
    %get3A_308 = tpu.vector_load %arg19[%get3A_307] {strides = array<i32>} : memref<256xi32, #tpu.memory_space<vmem>>, vector<16xi32>,
    %get3A_309 = vector.shape_cast %get3A_308 : vector<16xi32> to vector<16xi32>
    %eq3A_310 = arith.constant 11 : i32
    %eq3A_311 = vector.broadcast %eq3A_310 : i32 to vector<16xi32>
    %eq3A_312 = arith.cmpi eq, %iota3A, %eq3A_311 : vector<16xi32>
    %select_n3A_313 = arith.select %eq3A_312, %get3A_309, %select_n3A_306 : vector<16xi1>, vector<16xi32>
    %get3A_314 = arith.constant 192 : index
    %get3A_315 = tpu.vector_load %arg19[%get3A_314] {strides = array<i32>} : memref<256xi32, #tpu.memory_space<vmem>>, vector<16xi32>,
    %get3A_316 = vector.shape_cast %get3A_315 : vector<16xi32> to vector<16xi32>
    %eq3A_317 = arith.constant 12 : i32
    %eq3A_318 = vector.broadcast %eq3A_317 : i32 to vector<16xi32>
    %eq3A_319 = arith.cmpi eq, %iota3A, %eq3A_318 : vector<16xi32>
    %select_n3A_320 = arith.select %eq3A_319, %get3A_316, %select_n3A_313 : vector<16xi1>, vector<16xi32>
    %get3A_321 = arith.constant 208 : index
    %get3A_322 = tpu.vector_load %arg19[%get3A_321] {strides = array<i32>} : memref<256xi32, #tpu.memory_space<vmem>>, vector<16xi32>,
    %get3A_323 = vector.shape_cast %get3A_322 : vector<16xi32> to vector<16xi32>
    %eq3A_324 = arith.constant 13 : i32
    %eq3A_325 = vector.broadcast %eq3A_324 : i32 to vector<16xi32>
    %eq3A_326 = arith.cmpi eq, %iota3A, %eq3A_325 : vector<16xi32>
    %select_n3A_327 = arith.select %eq3A_326, %get3A_323, %select_n3A_320 : vector<16xi1>, vector<16xi32>
    %get3A_328 = arith.constant 224 : index
    %get3A_329 = tpu.vector_load %arg19[%get3A_328] {strides = array<i32>} : memref<256xi32, #tpu.memory_space<vmem>>, vector<16xi32>,
    %get3A_330 = vector.shape_cast %get3A_329 : vector<16xi32> to vector<16xi32>
    %eq3A_331 = arith.constant 14 : i32
    %eq3A_332 = vector.broadcast %eq3A_331 : i32 to vector<16xi32>
    %eq3A_333 = arith.cmpi eq, %iota3A, %eq3A_332 : vector<16xi32>
    %select_n3A_334 = arith.select %eq3A_333, %get3A_330, %select_n3A_327 : vector<16xi1>, vector<16xi32>
    %get3A_335 = arith.constant 240 : index
    %get3A_336 = tpu.vector_load %arg19[%get3A_335] {strides = array<i32>} : memref<256xi32, #tpu.memory_space<vmem>>, vector<16xi32>,
    %get3A_337 = vector.shape_cast %get3A_336 : vector<16xi32> to vector<16xi32>
    %eq3A_338 = arith.constant 15 : i32
    %eq3A_339 = vector.broadcast %eq3A_338 : i32 to vector<16xi32>
    %eq3A_340 = arith.cmpi eq, %iota3A, %eq3A_339 : vector<16xi32>
    %select_n3A_341 = arith.select %eq3A_340, %get3A_337, %select_n3A_334 : vector<16xi1>, vector<16xi32>
    %iota3A_342 = tpu.iota {dimensions = array<i32: 0>} : vector<16xi32>
    %sub3A = arith.constant 1 : i32
    %sub3A_343 = vector.broadcast %sub3A : i32 to vector<16xi32>
    %sub3A_344 = arith.subi %iota3A_342, %sub3A_343 : vector<16xi32>
    %max3A = arith.constant 0 : i32
    %max3A_345 = vector.broadcast %max3A : i32 to vector<16xi32>
    %max3A_346 = arith.maxsi %sub3A_344, %max3A_345 : vector<16xi32>
    %lt3A = arith.constant 0 : i32
    %lt3A_347 = vector.broadcast %lt3A : i32 to vector<16xi32>
    %lt3A_348 = arith.cmpi slt, %max3A_346, %lt3A_347 : vector<16xi32>
    %add3A_349 = arith.constant 16 : i32
    %add3A_350 = vector.broadcast %add3A_349 : i32 to vector<16xi32>
    %add3A_351 = arith.addi %max3A_346, %add3A_350 : vector<16xi32>
    %select_n3A_352 = arith.select %lt3A_348, %add3A_351, %max3A_346 : vector<16xi1>, vector<16xi32>
    %broadcast_in_dim3A_353 = vector.shape_cast %select_n3A_352 : vector<16xi32> to vector<16x1xi32>
    %gather3A = vector.shape_cast %broadcast_in_dim3A_353 : vector<16x1xi32> to vector<16xi32>
    %gather3A_354 = tpu.dynamic_gather %select_n3A_341[%gather3A] in [0] : vector<16xi32>, vector<16xi32> -> vector<16xi32>
    %ge3A = arith.constant 1 : i32
    %ge3A_355 = vector.broadcast %ge3A : i32 to vector<16xi32>
    %ge3A_356 = arith.cmpi sge, %iota3A_342, %ge3A_355 : vector<16xi32>
    %jit3A = arith.constant 0 : i32
    %broadcast_in_dim3A_357 = vector.broadcast %jit3A : i32 to vector<16xi32>
    %select_n3A_358 = arith.select %ge3A_356, %gather3A_354, %broadcast_in_dim3A_357 : vector<16xi1>, vector<16xi32>
    %add3A_359 = arith.addi %select_n3A_341, %select_n3A_358 : vector<16xi32>
    %sub3A_360 = arith.constant 2 : i32
    %sub3A_361 = vector.broadcast %sub3A_360 : i32 to vector<16xi32>
    %sub3A_362 = arith.subi %iota3A_342, %sub3A_361 : vector<16xi32>
    %max3A_363 = arith.constant 0 : i32
    %max3A_364 = vector.broadcast %max3A_363 : i32 to vector<16xi32>
    %max3A_365 = arith.maxsi %sub3A_362, %max3A_364 : vector<16xi32>
    %lt3A_366 = arith.constant 0 : i32
    %lt3A_367 = vector.broadcast %lt3A_366 : i32 to vector<16xi32>
    %lt3A_368 = arith.cmpi slt, %max3A_365, %lt3A_367 : vector<16xi32>
    %add3A_369 = arith.constant 16 : i32
    %add3A_370 = vector.broadcast %add3A_369 : i32 to vector<16xi32>
    %add3A_371 = arith.addi %max3A_365, %add3A_370 : vector<16xi32>
    %select_n3A_372 = arith.select %lt3A_368, %add3A_371, %max3A_365 : vector<16xi1>, vector<16xi32>
    %broadcast_in_dim3A_373 = vector.shape_cast %select_n3A_372 : vector<16xi32> to vector<16x1xi32>
    %gather3A_374 = vector.shape_cast %broadcast_in_dim3A_373 : vector<16x1xi32> to vector<16xi32>
    %gather3A_375 = tpu.dynamic_gather %add3A_359[%gather3A_374] in [0] : vector<16xi32>, vector<16xi32> -> vector<16xi32>
    %ge3A_376 = arith.constant 2 : i32
    %ge3A_377 = vector.broadcast %ge3A_376 : i32 to vector<16xi32>
    %ge3A_378 = arith.cmpi sge, %iota3A_342, %ge3A_377 : vector<16xi32>
    %jit3A_379 = arith.constant 0 : i32
    %broadcast_in_dim3A_380 = vector.broadcast %jit3A_379 : i32 to vector<16xi32>
    %select_n3A_381 = arith.select %ge3A_378, %gather3A_375, %broadcast_in_dim3A_380 : vector<16xi1>, vector<16xi32>
    %add3A_382 = arith.addi %add3A_359, %select_n3A_381 : vector<16xi32>
    %sub3A_383 = arith.constant 4 : i32
    %sub3A_384 = vector.broadcast %sub3A_383 : i32 to vector<16xi32>
    %sub3A_385 = arith.subi %iota3A_342, %sub3A_384 : vector<16xi32>
    %max3A_386 = arith.constant 0 : i32
    %max3A_387 = vector.broadcast %max3A_386 : i32 to vector<16xi32>
    %max3A_388 = arith.maxsi %sub3A_385, %max3A_387 : vector<16xi32>
    %lt3A_389 = arith.constant 0 : i32
    %lt3A_390 = vector.broadcast %lt3A_389 : i32 to vector<16xi32>
    %lt3A_391 = arith.cmpi slt, %max3A_388, %lt3A_390 : vector<16xi32>
    %add3A_392 = arith.constant 16 : i32
    %add3A_393 = vector.broadcast %add3A_392 : i32 to vector<16xi32>
    %add3A_394 = arith.addi %max3A_388, %add3A_393 : vector<16xi32>
    %select_n3A_395 = arith.select %lt3A_391, %add3A_394, %max3A_388 : vector<16xi1>, vector<16xi32>
    %broadcast_in_dim3A_396 = vector.shape_cast %select_n3A_395 : vector<16xi32> to vector<16x1xi32>
    %gather3A_397 = vector.shape_cast %broadcast_in_dim3A_396 : vector<16x1xi32> to vector<16xi32>
    %gather3A_398 = tpu.dynamic_gather %add3A_382[%gather3A_397] in [0] : vector<16xi32>, vector<16xi32> -> vector<16xi32>
    %ge3A_399 = arith.constant 4 : i32
    %ge3A_400 = vector.broadcast %ge3A_399 : i32 to vector<16xi32>
    %ge3A_401 = arith.cmpi sge, %iota3A_342, %ge3A_400 : vector<16xi32>
    %jit3A_402 = arith.constant 0 : i32
    %broadcast_in_dim3A_403 = vector.broadcast %jit3A_402 : i32 to vector<16xi32>
    %select_n3A_404 = arith.select %ge3A_401, %gather3A_398, %broadcast_in_dim3A_403 : vector<16xi1>, vector<16xi32>
    %add3A_405 = arith.addi %add3A_382, %select_n3A_404 : vector<16xi32>
    %sub3A_406 = arith.constant 8 : i32
    %sub3A_407 = vector.broadcast %sub3A_406 : i32 to vector<16xi32>
    %sub3A_408 = arith.subi %iota3A_342, %sub3A_407 : vector<16xi32>
    %max3A_409 = arith.constant 0 : i32
    %max3A_410 = vector.broadcast %max3A_409 : i32 to vector<16xi32>
    %max3A_411 = arith.maxsi %sub3A_408, %max3A_410 : vector<16xi32>
    %lt3A_412 = arith.constant 0 : i32
    %lt3A_413 = vector.broadcast %lt3A_412 : i32 to vector<16xi32>
    %lt3A_414 = arith.cmpi slt, %max3A_411, %lt3A_413 : vector<16xi32>
    %add3A_415 = arith.constant 16 : i32
    %add3A_416 = vector.broadcast %add3A_415 : i32 to vector<16xi32>
    %add3A_417 = arith.addi %max3A_411, %add3A_416 : vector<16xi32>
    %select_n3A_418 = arith.select %lt3A_414, %add3A_417, %max3A_411 : vector<16xi1>, vector<16xi32>
    %broadcast_in_dim3A_419 = vector.shape_cast %select_n3A_418 : vector<16xi32> to vector<16x1xi32>
    %gather3A_420 = vector.shape_cast %broadcast_in_dim3A_419 : vector<16x1xi32> to vector<16xi32>
    %gather3A_421 = tpu.dynamic_gather %add3A_405[%gather3A_420] in [0] : vector<16xi32>, vector<16xi32> -> vector<16xi32>
    %ge3A_422 = arith.constant 8 : i32
    %ge3A_423 = vector.broadcast %ge3A_422 : i32 to vector<16xi32>
    %ge3A_424 = arith.cmpi sge, %iota3A_342, %ge3A_423 : vector<16xi32>
    %jit3A_425 = arith.constant 0 : i32
    %broadcast_in_dim3A_426 = vector.broadcast %jit3A_425 : i32 to vector<16xi32>
    %select_n3A_427 = arith.select %ge3A_424, %gather3A_421, %broadcast_in_dim3A_426 : vector<16xi1>, vector<16xi32>
    %add3A_428 = arith.addi %add3A_405, %select_n3A_427 : vector<16xi32>
    %sub3A_429 = arith.subi %add3A_428, %select_n3A_341 : vector<16xi32>
    %mul3A_430 = arith.constant 8192 : i32
    %mul3A_431 = arith.muli %arg1, %mul3A_430 : i32
    %add3A_432 = arith.constant 0 : i32
    %add3A_433 = arith.addi %mul3A_431, %add3A_432 : i32
    %run_scoped3A_434 = arith.constant 0 : i32
    "tpu.region"() ({
      %run_scoped3A_533 = tpu.sem_alloc : memref<!tpu.dma_semaphore, #tpu.memory_space<semaphore_mem>>
      %dma_start3A_534 = tpu.memref_slice %arg2[%run_scoped3A_434, %add3A_433] : memref<2x131072xi32, #tpu.memory_space<hbm>> -> memref<1x4096xi32, #tpu.memory_space<hbm>>
      %dma_start3A_535 = tpu.memref_squeeze %dma_start3A_534 : memref<1x4096xi32, #tpu.memory_space<hbm>> -> memref<4096xi32, #tpu.memory_space<hbm>>
      %dma_start3A_536 = tpu.memref_slice %arg2[%run_scoped3A_434, %add3A_433] : memref<2x131072xi32, #tpu.memory_space<hbm>> -> memref<1x4096xi32, #tpu.memory_space<hbm>>
      %dma_start3A_537 = tpu.memref_squeeze %dma_start3A_536 : memref<1x4096xi32, #tpu.memory_space<hbm>> -> memref<4096xi32, #tpu.memory_space<hbm>>
      tpu.enqueue_dma source(%dma_start3A_537 : memref<4096xi32, #tpu.memory_space<hbm>>) target(%arg6 : memref<4096xi32, #tpu.memory_space<vmem>>) target_semaphore(%run_scoped3A_533 : memref<!tpu.dma_semaphore, #tpu.memory_space<semaphore_mem>>)
      %dma_wait3A_538 = tpu.memref_slice %arg2[%run_scoped3A_434, %add3A_433] : memref<2x131072xi32, #tpu.memory_space<hbm>> -> memref<1x4096xi32, #tpu.memory_space<hbm>>
      %dma_wait3A_539 = tpu.memref_squeeze %dma_wait3A_538 : memref<1x4096xi32, #tpu.memory_space<hbm>> -> memref<4096xi32, #tpu.memory_space<hbm>>
      %dma_wait3A_540 = tpu.memref_slice %arg2[%run_scoped3A_434, %add3A_433] : memref<2x131072xi32, #tpu.memory_space<hbm>> -> memref<1x4096xi32, #tpu.memory_space<hbm>>
      %dma_wait3A_541 = tpu.memref_squeeze %dma_wait3A_540 : memref<1x4096xi32, #tpu.memory_space<hbm>> -> memref<4096xi32, #tpu.memory_space<hbm>>
      tpu.wait_dma2 semaphore(%run_scoped3A_533 : memref<!tpu.dma_semaphore, #tpu.memory_space<semaphore_mem>>) src(%dma_wait3A_541 : memref<4096xi32, #tpu.memory_space<hbm>>) dst(%arg6 : memref<4096xi32, #tpu.memory_space<vmem>>)
      tpu.yield
    }) : () -> ()
    %run_scoped3A_435 = arith.constant 1 : i32
    "tpu.region"() ({
      %run_scoped3A_533 = tpu.sem_alloc : memref<!tpu.dma_semaphore, #tpu.memory_space<semaphore_mem>>
      %dma_start3A_534 = tpu.memref_slice %arg2[%run_scoped3A_435, %add3A_433] : memref<2x131072xi32, #tpu.memory_space<hbm>> -> memref<1x4096xi32, #tpu.memory_space<hbm>>
      %dma_start3A_535 = tpu.memref_squeeze %dma_start3A_534 : memref<1x4096xi32, #tpu.memory_space<hbm>> -> memref<4096xi32, #tpu.memory_space<hbm>>
      %dma_start3A_536 = tpu.memref_slice %arg2[%run_scoped3A_435, %add3A_433] : memref<2x131072xi32, #tpu.memory_space<hbm>> -> memref<1x4096xi32, #tpu.memory_space<hbm>>
      %dma_start3A_537 = tpu.memref_squeeze %dma_start3A_536 : memref<1x4096xi32, #tpu.memory_space<hbm>> -> memref<4096xi32, #tpu.memory_space<hbm>>
      tpu.enqueue_dma source(%dma_start3A_537 : memref<4096xi32, #tpu.memory_space<hbm>>) target(%arg7 : memref<4096xi32, #tpu.memory_space<vmem>>) target_semaphore(%run_scoped3A_533 : memref<!tpu.dma_semaphore, #tpu.memory_space<semaphore_mem>>)
      %dma_wait3A_538 = tpu.memref_slice %arg2[%run_scoped3A_435, %add3A_433] : memref<2x131072xi32, #tpu.memory_space<hbm>> -> memref<1x4096xi32, #tpu.memory_space<hbm>>
      %dma_wait3A_539 = tpu.memref_squeeze %dma_wait3A_538 : memref<1x4096xi32, #tpu.memory_space<hbm>> -> memref<4096xi32, #tpu.memory_space<hbm>>
      %dma_wait3A_540 = tpu.memref_slice %arg2[%run_scoped3A_435, %add3A_433] : memref<2x131072xi32, #tpu.memory_space<hbm>> -> memref<1x4096xi32, #tpu.memory_space<hbm>>
      %dma_wait3A_541 = tpu.memref_squeeze %dma_wait3A_540 : memref<1x4096xi32, #tpu.memory_space<hbm>> -> memref<4096xi32, #tpu.memory_space<hbm>>
      tpu.wait_dma2 semaphore(%run_scoped3A_533 : memref<!tpu.dma_semaphore, #tpu.memory_space<semaphore_mem>>) src(%dma_wait3A_541 : memref<4096xi32, #tpu.memory_space<hbm>>) dst(%arg7 : memref<4096xi32, #tpu.memory_space<vmem>>)
      tpu.yield
    }) : () -> ()
    "tpu.region"() ({
      %run_scoped3A_533 = tpu.sem_alloc : memref<!tpu.dma_semaphore, #tpu.memory_space<semaphore_mem>>
      %dma_start3A_534 = tpu.memref_slice %arg3[%add3A_433] : memref<131072xf32, #tpu.memory_space<hbm>> -> memref<4096xf32, #tpu.memory_space<hbm>>
      %dma_start3A_535 = tpu.memref_slice %arg3[%add3A_433] : memref<131072xf32, #tpu.memory_space<hbm>> -> memref<4096xf32, #tpu.memory_space<hbm>>
      tpu.enqueue_dma source(%dma_start3A_535 : memref<4096xf32, #tpu.memory_space<hbm>>) target(%arg8 : memref<4096xf32, #tpu.memory_space<vmem>>) target_semaphore(%run_scoped3A_533 : memref<!tpu.dma_semaphore, #tpu.memory_space<semaphore_mem>>)
      %dma_wait3A_536 = tpu.memref_slice %arg3[%add3A_433] : memref<131072xf32, #tpu.memory_space<hbm>> -> memref<4096xf32, #tpu.memory_space<hbm>>
      %dma_wait3A_537 = tpu.memref_slice %arg3[%add3A_433] : memref<131072xf32, #tpu.memory_space<hbm>> -> memref<4096xf32, #tpu.memory_space<hbm>>
      tpu.wait_dma2 semaphore(%run_scoped3A_533 : memref<!tpu.dma_semaphore, #tpu.memory_space<semaphore_mem>>) src(%dma_wait3A_537 : memref<4096xf32, #tpu.memory_space<hbm>>) dst(%arg8 : memref<4096xf32, #tpu.memory_space<vmem>>)
      tpu.yield
    }) : () -> ()
    %scan3A_436 = arith.constant 0 : i32
    %scan3A_437 = arith.constant 0 : i32
    %scan3A_438 = arith.constant 256 : i32
    %scan3A_439 = arith.addi %scan3A_437, %scan3A_438 : i32
    %scan3A_440 = arith.constant 1 : i32
    %scan3A_441 = scf.for %scan3A_533 = %scan3A_437 to %scan3A_439 step %scan3A_440 iter_args(%scan3A_534 = %scan3A_436) -> (i32)  : i32 {
      %mul3A_535 = arith.constant 16 : i32
      %mul3A_536 = arith.muli %scan3A_533, %mul3A_535 : i32
      %mul3A_537 = arith.constant 16 : i32
      %mul3A_538 = arith.muli %scan3A_533, %mul3A_537 : i32
      %add3A_539 = arith.constant 4096 : i32
      %add3A_540 = arith.addi %add3A_539, %mul3A_538 : i32
      %get3A_541 = arith.index_cast %mul3A_536 : i32 to index
      %get3A_542 = tpu.vector_load %arg6[%get3A_541] {strides = array<i32>} : memref<4096xi32, #tpu.memory_space<vmem>>, vector<16xi32>,
      %get3A_543 = vector.shape_cast %get3A_542 : vector<16xi32> to vector<16xi32>
      %get3A_544 = arith.index_cast %mul3A_536 : i32 to index
      %get3A_545 = tpu.vector_load %arg7[%get3A_544] {strides = array<i32>} : memref<4096xi32, #tpu.memory_space<vmem>>, vector<16xi32>,
      %get3A_546 = vector.shape_cast %get3A_545 : vector<16xi32> to vector<16xi32>
      %mul3A_547 = arith.constant 128 : i32
      %mul3A_548 = vector.broadcast %mul3A_547 : i32 to vector<16xi32>
      %mul3A_549 = arith.muli %get3A_543, %mul3A_548 : vector<16xi32>
      %shift_right_logical3A = arith.constant 5 : i32
      %shift_right_logical3A_550 = vector.broadcast %shift_right_logical3A : i32 to vector<16xi32>
      %shift_right_logical3A_551 = arith.shrui %get3A_546, %shift_right_logical3A_550 : vector<16xi32>
      %add3A_552 = arith.addi %mul3A_549, %shift_right_logical3A_551 : vector<16xi32>
      %swap3A_553 = arith.index_cast %mul3A_536 : i32 to index
      %swap3A_554 = tpu.vector_load %arg9[%swap3A_553] {strides = array<i32>} : memref<8192xi32, #tpu.memory_space<vmem>>, vector<16xi32>,
      %swap3A_555 = vector.shape_cast %swap3A_554 : vector<16xi32> to vector<16xi32>
      %swap3A_556 = vector.shape_cast %add3A_552 : vector<16xi32> to vector<16xi32>
      tpu.vector_store %arg9[%swap3A_553], %swap3A_556 {strides = array<i32>} : memref<8192xi32, #tpu.memory_space<vmem>>, vector<16xi32>,
      %add3A_557 = arith.constant 524288 : i32
      %add3A_558 = vector.broadcast %add3A_557 : i32 to vector<16xi32>
      %add3A_559 = arith.addi %add3A_558, %add3A_552 : vector<16xi32>
      %swap3A_560 = arith.index_cast %add3A_540 : i32 to index
      %swap3A_561 = tpu.vector_load %arg9[%swap3A_560] {strides = array<i32>} : memref<8192xi32, #tpu.memory_space<vmem>>, vector<16xi32>,
      %swap3A_562 = vector.shape_cast %swap3A_561 : vector<16xi32> to vector<16xi32>
      %swap3A_563 = vector.shape_cast %add3A_559 : vector<16xi32> to vector<16xi32>
      tpu.vector_store %arg9[%swap3A_560], %swap3A_563 {strides = array<i32>} : memref<8192xi32, #tpu.memory_space<vmem>>, vector<16xi32>,
      %scan3A_564 = arith.constant 0 : i32
      scf.yield %scan3A_564 : i32
    }
    %scan3A_442 = arith.constant 256 : i32
    %dma_start3A_443 = arith.constant 0 : i32
    %dma_start3A_444 = tpu.memref_slice %arg20[%dma_start3A_443] : memref<1048576xi32, #tpu.memory_space<vmem_shared>> -> memref<1048576xi32, #tpu.memory_space<vmem_shared>>
    tpu.enqueue_indirect_dma source(%dma_start3A_444 : memref<1048576xi32, #tpu.memory_space<vmem_shared>>) target(%arg10 : memref<8192xi32, #tpu.memory_space<vmem>>) offsets(%arg9 : memref<8192xi32, #tpu.memory_space<vmem>>) semaphore(%arg25 : memref<!tpu.dma_semaphore, #tpu.memory_space<semaphore_mem>>)
    %dma_wait3A_445 = arith.constant 0 : i32
    %dma_wait3A_446 = tpu.memref_slice %arg20[%dma_wait3A_445] : memref<1048576xi32, #tpu.memory_space<vmem_shared>> -> memref<1048576xi32, #tpu.memory_space<vmem_shared>>
    tpu.wait_indirect_dma semaphore(%arg25 : memref<!tpu.dma_semaphore, #tpu.memory_space<semaphore_mem>>) src(%dma_wait3A_446 : memref<1048576xi32, #tpu.memory_space<vmem_shared>>) dst(%arg10 : memref<8192xi32, #tpu.memory_space<vmem>>)
    %scan3A_447 = arith.constant 0 : i32
    %scan3A_448 = arith.constant 0 : i32
    %scan3A_449 = arith.constant 256 : i32
    %scan3A_450 = arith.addi %scan3A_448, %scan3A_449 : i32
    %scan3A_451 = arith.constant 1 : i32
    %scan3A_452 = scf.for %scan3A_533 = %scan3A_448 to %scan3A_450 step %scan3A_451 iter_args(%scan3A_534 = %scan3A_447) -> (i32)  : i32 {
      %mul3A_535 = arith.constant 16 : i32
      %mul3A_536 = arith.muli %scan3A_533, %mul3A_535 : i32
      %mul3A_537 = arith.constant 16 : i32
      %mul3A_538 = arith.muli %scan3A_533, %mul3A_537 : i32
      %add3A_539 = arith.constant 4096 : i32
      %add3A_540 = arith.addi %add3A_539, %mul3A_538 : i32
      %get3A_541 = arith.index_cast %mul3A_536 : i32 to index
      %get3A_542 = tpu.vector_load %arg6[%get3A_541] {strides = array<i32>} : memref<4096xi32, #tpu.memory_space<vmem>>, vector<16xi32>,
      %get3A_543 = vector.shape_cast %get3A_542 : vector<16xi32> to vector<16xi32>
      %swap3A_544 = arith.index_cast %mul3A_536 : i32 to index
      %swap3A_545 = tpu.vector_load %arg9[%swap3A_544] {strides = array<i32>} : memref<8192xi32, #tpu.memory_space<vmem>>, vector<16xi32>,
      %swap3A_546 = vector.shape_cast %swap3A_545 : vector<16xi32> to vector<16xi32>
      %swap3A_547 = vector.shape_cast %get3A_543 : vector<16xi32> to vector<16xi32>
      tpu.vector_store %arg9[%swap3A_544], %swap3A_547 {strides = array<i32>} : memref<8192xi32, #tpu.memory_space<vmem>>, vector<16xi32>,
      %get3A_548 = arith.index_cast %mul3A_536 : i32 to index
      %get3A_549 = tpu.vector_load %arg7[%get3A_548] {strides = array<i32>} : memref<4096xi32, #tpu.memory_space<vmem>>, vector<16xi32>,
      %get3A_550 = vector.shape_cast %get3A_549 : vector<16xi32> to vector<16xi32>
      %swap3A_551 = arith.index_cast %add3A_540 : i32 to index
      %swap3A_552 = tpu.vector_load %arg9[%swap3A_551] {strides = array<i32>} : memref<8192xi32, #tpu.memory_space<vmem>>, vector<16xi32>,
      %swap3A_553 = vector.shape_cast %swap3A_552 : vector<16xi32> to vector<16xi32>
      %swap3A_554 = vector.shape_cast %get3A_550 : vector<16xi32> to vector<16xi32>
      tpu.vector_store %arg9[%swap3A_551], %swap3A_554 {strides = array<i32>} : memref<8192xi32, #tpu.memory_space<vmem>>, vector<16xi32>,
      %scan3A_555 = arith.constant 0 : i32
      scf.yield %scan3A_555 : i32
    }
    %scan3A_453 = arith.constant 256 : i32
    %dma_start3A_454 = arith.constant 0 : i32
    %dma_start3A_455 = tpu.memref_slice %arg22[%dma_start3A_454] : memref<4096xf32, #tpu.memory_space<vmem_shared>> -> memref<4096xf32, #tpu.memory_space<vmem_shared>>
    tpu.enqueue_indirect_dma source(%dma_start3A_455 : memref<4096xf32, #tpu.memory_space<vmem_shared>>) target(%arg11 : memref<8192xf32, #tpu.memory_space<vmem>>) offsets(%arg9 : memref<8192xi32, #tpu.memory_space<vmem>>) semaphore(%arg25 : memref<!tpu.dma_semaphore, #tpu.memory_space<semaphore_mem>>)
    %dma_wait3A_456 = arith.constant 0 : i32
    %dma_wait3A_457 = tpu.memref_slice %arg22[%dma_wait3A_456] : memref<4096xf32, #tpu.memory_space<vmem_shared>> -> memref<4096xf32, #tpu.memory_space<vmem_shared>>
    tpu.wait_indirect_dma semaphore(%arg25 : memref<!tpu.dma_semaphore, #tpu.memory_space<semaphore_mem>>) src(%dma_wait3A_457 : memref<4096xf32, #tpu.memory_space<vmem_shared>>) dst(%arg11 : memref<8192xf32, #tpu.memory_space<vmem>>)
    %scan3A_458 = arith.constant 0 : i32
    %scan3A_459 = arith.constant 0 : i32
    %scan3A_460 = arith.constant 256 : i32
    %scan3A_461 = arith.addi %scan3A_459, %scan3A_460 : i32
    %scan3A_462 = arith.constant 1 : i32
    %scan3A_463 = scf.for %scan3A_533 = %scan3A_459 to %scan3A_461 step %scan3A_462 iter_args(%scan3A_534 = %scan3A_458) -> (i32)  : i32 {
      %mul3A_535 = arith.constant 16 : i32
      %mul3A_536 = arith.muli %scan3A_533, %mul3A_535 : i32
      %mul3A_537 = arith.constant 16 : i32
      %mul3A_538 = arith.muli %scan3A_533, %mul3A_537 : i32
      %add3A_539 = arith.constant 4096 : i32
      %add3A_540 = arith.addi %add3A_539, %mul3A_538 : i32
      %get3A_541 = arith.index_cast %mul3A_536 : i32 to index
      %get3A_542 = tpu.vector_load %arg6[%get3A_541] {strides = array<i32>} : memref<4096xi32, #tpu.memory_space<vmem>>, vector<16xi32>,
      %get3A_543 = vector.shape_cast %get3A_542 : vector<16xi32> to vector<16xi32>
      %get3A_544 = arith.index_cast %mul3A_536 : i32 to index
      %get3A_545 = tpu.vector_load %arg7[%get3A_544] {strides = array<i32>} : memref<4096xi32, #tpu.memory_space<vmem>>, vector<16xi32>,
      %get3A_546 = vector.shape_cast %get3A_545 : vector<16xi32> to vector<16xi32>
      %get3A_547 = arith.index_cast %mul3A_536 : i32 to index
      %get3A_548 = tpu.vector_load %arg10[%get3A_547] {strides = array<i32>} : memref<8192xi32, #tpu.memory_space<vmem>>, vector<16xi32>,
      %get3A_549 = vector.shape_cast %get3A_548 : vector<16xi32> to vector<16xi32>
      %broadcast_in_dim3A_550 = arith.constant 1 : i32
      %broadcast_in_dim3A_551 = vector.broadcast %broadcast_in_dim3A_550 : i32 to vector<16xi32>
      %and3A = arith.constant 31 : i32
      %and3A_552 = vector.broadcast %and3A : i32 to vector<16xi32>
      %and3A_553 = arith.andi %get3A_546, %and3A_552 : vector<16xi32>
      %shift_left3A = arith.shli %broadcast_in_dim3A_551, %and3A_553 : vector<16xi32>
      %sub3A_554 = arith.constant 1 : i32
      %sub3A_555 = vector.broadcast %sub3A_554 : i32 to vector<16xi32>
      %sub3A_556 = arith.subi %shift_left3A, %sub3A_555 : vector<16xi32>
      %and3A_557 = arith.andi %get3A_549, %sub3A_556 : vector<16xi32>
      %shift_right_logical3A = arith.constant 1 : i32
      %shift_right_logical3A_558 = vector.broadcast %shift_right_logical3A : i32 to vector<16xi32>
      %shift_right_logical3A_559 = arith.shrui %and3A_557, %shift_right_logical3A_558 : vector<16xi32>
      %and3A_560 = arith.constant 1431655765 : i32
      %and3A_561 = vector.broadcast %and3A_560 : i32 to vector<16xi32>
      %and3A_562 = arith.andi %shift_right_logical3A_559, %and3A_561 : vector<16xi32>
      %sub3A_563 = arith.subi %and3A_557, %and3A_562 : vector<16xi32>
      %and3A_564 = arith.constant 858993459 : i32
      %and3A_565 = vector.broadcast %and3A_564 : i32 to vector<16xi32>
      %and3A_566 = arith.andi %sub3A_563, %and3A_565 : vector<16xi32>
      %shift_right_logical3A_567 = arith.constant 2 : i32
      %shift_right_logical3A_568 = vector.broadcast %shift_right_logical3A_567 : i32 to vector<16xi32>
      %shift_right_logical3A_569 = arith.shrui %sub3A_563, %shift_right_logical3A_568 : vector<16xi32>
      %and3A_570 = arith.constant 858993459 : i32
      %and3A_571 = vector.broadcast %and3A_570 : i32 to vector<16xi32>
      %and3A_572 = arith.andi %shift_right_logical3A_569, %and3A_571 : vector<16xi32>
      %add3A_573 = arith.addi %and3A_566, %and3A_572 : vector<16xi32>
      %shift_right_logical3A_574 = arith.constant 4 : i32
      %shift_right_logical3A_575 = vector.broadcast %shift_right_logical3A_574 : i32 to vector<16xi32>
      %shift_right_logical3A_576 = arith.shrui %add3A_573, %shift_right_logical3A_575 : vector<16xi32>
      %add3A_577 = arith.addi %add3A_573, %shift_right_logical3A_576 : vector<16xi32>
      %and3A_578 = arith.constant 252645135 : i32
      %and3A_579 = vector.broadcast %and3A_578 : i32 to vector<16xi32>
      %and3A_580 = arith.andi %add3A_577, %and3A_579 : vector<16xi32>
      %shift_right_logical3A_581 = arith.constant 8 : i32
      %shift_right_logical3A_582 = vector.broadcast %shift_right_logical3A_581 : i32 to vector<16xi32>
      %shift_right_logical3A_583 = arith.shrui %and3A_580, %shift_right_logical3A_582 : vector<16xi32>
      %add3A_584 = arith.addi %and3A_580, %shift_right_logical3A_583 : vector<16xi32>
      %shift_right_logical3A_585 = arith.constant 16 : i32
      %shift_right_logical3A_586 = vector.broadcast %shift_right_logical3A_585 : i32 to vector<16xi32>
      %shift_right_logical3A_587 = arith.shrui %and3A_580, %shift_right_logical3A_586 : vector<16xi32>
      %add3A_588 = arith.addi %add3A_584, %shift_right_logical3A_587 : vector<16xi32>
      %shift_right_logical3A_589 = arith.constant 24 : i32
      %shift_right_logical3A_590 = vector.broadcast %shift_right_logical3A_589 : i32 to vector<16xi32>
      %shift_right_logical3A_591 = arith.shrui %and3A_580, %shift_right_logical3A_590 : vector<16xi32>
      %add3A_592 = arith.addi %add3A_588, %shift_right_logical3A_591 : vector<16xi32>
      %and3A_593 = arith.constant 63 : i32
      %and3A_594 = vector.broadcast %and3A_593 : i32 to vector<16xi32>
      %and3A_595 = arith.andi %add3A_592, %and3A_594 : vector<16xi32>
      %mul3A_596 = arith.constant 4096 : i32
      %mul3A_597 = vector.broadcast %mul3A_596 : i32 to vector<16xi32>
      %mul3A_598 = arith.muli %get3A_543, %mul3A_597 : vector<16xi32>
      %add3A_599 = arith.addi %mul3A_598, %get3A_546 : vector<16xi32>
      %mul3A_600 = arith.constant 128 : i32
      %mul3A_601 = vector.broadcast %mul3A_600 : i32 to vector<16xi32>
      %mul3A_602 = arith.muli %get3A_543, %mul3A_601 : vector<16xi32>
      %shift_right_logical3A_603 = arith.constant 5 : i32
      %shift_right_logical3A_604 = vector.broadcast %shift_right_logical3A_603 : i32 to vector<16xi32>
      %shift_right_logical3A_605 = arith.shrui %get3A_546, %shift_right_logical3A_604 : vector<16xi32>
      %add3A_606 = arith.addi %mul3A_602, %shift_right_logical3A_605 : vector<16xi32>
      %shift_right_logical3A_607 = arith.constant 15 : i32
      %shift_right_logical3A_608 = vector.broadcast %shift_right_logical3A_607 : i32 to vector<16xi32>
      %shift_right_logical3A_609 = arith.shrui %add3A_606, %shift_right_logical3A_608 : vector<16xi32>
      %lt3A_610 = arith.constant 0 : i32
      %lt3A_611 = vector.broadcast %lt3A_610 : i32 to vector<16xi32>
      %lt3A_612 = arith.cmpi slt, %shift_right_logical3A_609, %lt3A_611 : vector<16xi32>
      %add3A_613 = arith.constant 16 : i32
      %add3A_614 = vector.broadcast %add3A_613 : i32 to vector<16xi32>
      %add3A_615 = arith.addi %shift_right_logical3A_609, %add3A_614 : vector<16xi32>
      %select_n3A_616 = arith.select %lt3A_612, %add3A_615, %shift_right_logical3A_609 : vector<16xi1>, vector<16xi32>
      %broadcast_in_dim3A_617 = vector.shape_cast %select_n3A_616 : vector<16xi32> to vector<16x1xi32>
      %gather3A_618 = vector.shape_cast %broadcast_in_dim3A_617 : vector<16x1xi32> to vector<16xi32>
      %gather3A_619 = tpu.dynamic_gather %sub3A_429[%gather3A_618] in [0] : vector<16xi32>, vector<16xi32> -> vector<16xi32>
      %get3A_620 = arith.index_cast %add3A_540 : i32 to index
      %get3A_621 = tpu.vector_load %arg10[%get3A_620] {strides = array<i32>} : memref<8192xi32, #tpu.memory_space<vmem>>, vector<16xi32>,
      %get3A_622 = vector.shape_cast %get3A_621 : vector<16xi32> to vector<16xi32>
      %add3A_623 = arith.addi %get3A_622, %gather3A_619 : vector<16xi32>
      %add3A_624 = arith.addi %add3A_623, %and3A_595 : vector<16xi32>
      %mul3A_625 = arith.constant 65536 : i32
      %mul3A_626 = arith.muli %arg0, %mul3A_625 : i32
      %sub3A_627 = vector.broadcast %mul3A_626 : i32 to vector<16xi32>
      %sub3A_628 = arith.subi %add3A_624, %sub3A_627 : vector<16xi32>
      %lt3A_629 = arith.constant 0 : i32
      %lt3A_630 = vector.broadcast %lt3A_629 : i32 to vector<16xi32>
      %lt3A_631 = arith.cmpi slt, %sub3A_628, %lt3A_630 : vector<16xi32>
      %ge3A_632 = arith.constant 65536 : i32
      %ge3A_633 = vector.broadcast %ge3A_632 : i32 to vector<16xi32>
      %ge3A_634 = arith.cmpi sge, %sub3A_628, %ge3A_633 : vector<16xi32>
      %or3A = arith.ori %lt3A_631, %ge3A_634 : vector<16xi1>
      %and3A_635 = arith.constant 4095 : i32
      %and3A_636 = vector.broadcast %and3A_635 : i32 to vector<16xi32>
      %and3A_637 = arith.andi %add3A_599, %and3A_636 : vector<16xi32>
      %add3A_638 = arith.constant 65536 : i32
      %add3A_639 = vector.broadcast %add3A_638 : i32 to vector<16xi32>
      %add3A_640 = arith.addi %add3A_639, %and3A_637 : vector<16xi32>
      %select_n3A_641 = arith.select %or3A, %add3A_640, %sub3A_628 : vector<16xi1>, vector<16xi32>
      %swap3A_642 = arith.index_cast %mul3A_536 : i32 to index
      %swap3A_643 = tpu.vector_load %arg12[%swap3A_642] {strides = array<i32>} : memref<8192xi32, #tpu.memory_space<vmem>>, vector<16xi32>,
      %swap3A_644 = vector.shape_cast %swap3A_643 : vector<16xi32> to vector<16xi32>
      %swap3A_645 = vector.shape_cast %select_n3A_641 : vector<16xi32> to vector<16xi32>
      tpu.vector_store %arg12[%swap3A_642], %swap3A_645 {strides = array<i32>} : memref<8192xi32, #tpu.memory_space<vmem>>, vector<16xi32>,
      %add3A_646 = arith.constant 69632 : i32
      %add3A_647 = vector.broadcast %add3A_646 : i32 to vector<16xi32>
      %add3A_648 = arith.addi %select_n3A_641, %add3A_647 : vector<16xi32>
      %swap3A_649 = arith.index_cast %add3A_540 : i32 to index
      %swap3A_650 = tpu.vector_load %arg12[%swap3A_649] {strides = array<i32>} : memref<8192xi32, #tpu.memory_space<vmem>>, vector<16xi32>,
      %swap3A_651 = vector.shape_cast %swap3A_650 : vector<16xi32> to vector<16xi32>
      %swap3A_652 = vector.shape_cast %add3A_648 : vector<16xi32> to vector<16xi32>
      tpu.vector_store %arg12[%swap3A_649], %swap3A_652 {strides = array<i32>} : memref<8192xi32, #tpu.memory_space<vmem>>, vector<16xi32>,
      %get3A_653 = arith.index_cast %mul3A_536 : i32 to index
      %get3A_654 = tpu.vector_load %arg11[%get3A_653] {strides = array<i32>} : memref<8192xf32, #tpu.memory_space<vmem>>, vector<16xf32>,
      %get3A_655 = vector.shape_cast %get3A_654 : vector<16xf32> to vector<16xf32>
      %get3A_656 = arith.index_cast %mul3A_536 : i32 to index
      %get3A_657 = tpu.vector_load %arg8[%get3A_656] {strides = array<i32>} : memref<4096xf32, #tpu.memory_space<vmem>>, vector<16xf32>,
      %get3A_658 = vector.shape_cast %get3A_657 : vector<16xf32> to vector<16xf32>
      %mul3A_659 = arith.mulf %get3A_655, %get3A_658 : vector<16xf32>
      %get3A_660 = arith.index_cast %add3A_540 : i32 to index
      %get3A_661 = tpu.vector_load %arg11[%get3A_660] {strides = array<i32>} : memref<8192xf32, #tpu.memory_space<vmem>>, vector<16xf32>,
      %get3A_662 = vector.shape_cast %get3A_661 : vector<16xf32> to vector<16xf32>
      %mul3A_663 = arith.mulf %mul3A_659, %get3A_662 : vector<16xf32>
      %swap3A_664 = arith.index_cast %mul3A_536 : i32 to index
      %swap3A_665 = tpu.vector_load %arg10[%swap3A_664] {strides = array<i32>} : memref<8192xi32, #tpu.memory_space<vmem>>, vector<16xi32>,
      %swap3A_666 = vector.shape_cast %swap3A_665 : vector<16xi32> to vector<16xi32>
      %swap3A_667 = vector.shape_cast %add3A_599 : vector<16xi32> to vector<16xi32>
      tpu.vector_store %arg10[%swap3A_664], %swap3A_667 {strides = array<i32>} : memref<8192xi32, #tpu.memory_space<vmem>>, vector<16xi32>,
      %bitcast_convert_type3A = tpu.bitcast %mul3A_663 : vector<16xf32> -> vector<16xi32>
      %swap3A_668 = arith.index_cast %add3A_540 : i32 to index
      %swap3A_669 = tpu.vector_load %arg10[%swap3A_668] {strides = array<i32>} : memref<8192xi32, #tpu.memory_space<vmem>>, vector<16xi32>,
      %swap3A_670 = vector.shape_cast %swap3A_669 : vector<16xi32> to vector<16xi32>
      %swap3A_671 = vector.shape_cast %bitcast_convert_type3A : vector<16xi32> to vector<16xi32>
      tpu.vector_store %arg10[%swap3A_668], %swap3A_671 {strides = array<i32>} : memref<8192xi32, #tpu.memory_space<vmem>>, vector<16xi32>,
      %scan3A_672 = arith.constant 0 : i32
      scf.yield %scan3A_672 : i32
    }
    %scan3A_464 = arith.constant 256 : i32
    %dma_start3A_465 = arith.constant 0 : i32
    %dma_start3A_466 = tpu.memref_slice %arg24[%dma_start3A_465] : memref<139264xi32, #tpu.memory_space<vmem_shared>> -> memref<139264xi32, #tpu.memory_space<vmem_shared>>
    tpu.enqueue_indirect_dma source(%arg10 : memref<8192xi32, #tpu.memory_space<vmem>>) target(%dma_start3A_466 : memref<139264xi32, #tpu.memory_space<vmem_shared>>) offsets(%arg12 : memref<8192xi32, #tpu.memory_space<vmem>>) semaphore(%arg25 : memref<!tpu.dma_semaphore, #tpu.memory_space<semaphore_mem>>)
    %dma_wait3A_467 = arith.constant 0 : i32
    %dma_wait3A_468 = tpu.memref_slice %arg24[%dma_wait3A_467] : memref<139264xi32, #tpu.memory_space<vmem_shared>> -> memref<139264xi32, #tpu.memory_space<vmem_shared>>
    tpu.wait_indirect_dma semaphore(%arg25 : memref<!tpu.dma_semaphore, #tpu.memory_space<semaphore_mem>>) src(%arg10 : memref<8192xi32, #tpu.memory_space<vmem>>) dst(%dma_wait3A_468 : memref<139264xi32, #tpu.memory_space<vmem_shared>>)
    %mul3A_469 = arith.constant 8192 : i32
    %mul3A_470 = arith.muli %arg1, %mul3A_469 : i32
    %add3A_471 = arith.constant 4096 : i32
    %add3A_472 = arith.addi %mul3A_470, %add3A_471 : i32
    %run_scoped3A_473 = arith.constant 0 : i32
    "tpu.region"() ({
      %run_scoped3A_533 = tpu.sem_alloc : memref<!tpu.dma_semaphore, #tpu.memory_space<semaphore_mem>>
      %dma_start3A_534 = tpu.memref_slice %arg2[%run_scoped3A_473, %add3A_472] : memref<2x131072xi32, #tpu.memory_space<hbm>> -> memref<1x4096xi32, #tpu.memory_space<hbm>>
      %dma_start3A_535 = tpu.memref_squeeze %dma_start3A_534 : memref<1x4096xi32, #tpu.memory_space<hbm>> -> memref<4096xi32, #tpu.memory_space<hbm>>
      %dma_start3A_536 = tpu.memref_slice %arg2[%run_scoped3A_473, %add3A_472] : memref<2x131072xi32, #tpu.memory_space<hbm>> -> memref<1x4096xi32, #tpu.memory_space<hbm>>
      %dma_start3A_537 = tpu.memref_squeeze %dma_start3A_536 : memref<1x4096xi32, #tpu.memory_space<hbm>> -> memref<4096xi32, #tpu.memory_space<hbm>>
      tpu.enqueue_dma source(%dma_start3A_537 : memref<4096xi32, #tpu.memory_space<hbm>>) target(%arg6 : memref<4096xi32, #tpu.memory_space<vmem>>) target_semaphore(%run_scoped3A_533 : memref<!tpu.dma_semaphore, #tpu.memory_space<semaphore_mem>>)
      %dma_wait3A_538 = tpu.memref_slice %arg2[%run_scoped3A_473, %add3A_472] : memref<2x131072xi32, #tpu.memory_space<hbm>> -> memref<1x4096xi32, #tpu.memory_space<hbm>>
      %dma_wait3A_539 = tpu.memref_squeeze %dma_wait3A_538 : memref<1x4096xi32, #tpu.memory_space<hbm>> -> memref<4096xi32, #tpu.memory_space<hbm>>
      %dma_wait3A_540 = tpu.memref_slice %arg2[%run_scoped3A_473, %add3A_472] : memref<2x131072xi32, #tpu.memory_space<hbm>> -> memref<1x4096xi32, #tpu.memory_space<hbm>>
      %dma_wait3A_541 = tpu.memref_squeeze %dma_wait3A_540 : memref<1x4096xi32, #tpu.memory_space<hbm>> -> memref<4096xi32, #tpu.memory_space<hbm>>
      tpu.wait_dma2 semaphore(%run_scoped3A_533 : memref<!tpu.dma_semaphore, #tpu.memory_space<semaphore_mem>>) src(%dma_wait3A_541 : memref<4096xi32, #tpu.memory_space<hbm>>) dst(%arg6 : memref<4096xi32, #tpu.memory_space<vmem>>)
      tpu.yield
    }) : () -> ()
    %run_scoped3A_474 = arith.constant 1 : i32
    "tpu.region"() ({
      %run_scoped3A_533 = tpu.sem_alloc : memref<!tpu.dma_semaphore, #tpu.memory_space<semaphore_mem>>
      %dma_start3A_534 = tpu.memref_slice %arg2[%run_scoped3A_474, %add3A_472] : memref<2x131072xi32, #tpu.memory_space<hbm>> -> memref<1x4096xi32, #tpu.memory_space<hbm>>
      %dma_start3A_535 = tpu.memref_squeeze %dma_start3A_534 : memref<1x4096xi32, #tpu.memory_space<hbm>> -> memref<4096xi32, #tpu.memory_space<hbm>>
      %dma_start3A_536 = tpu.memref_slice %arg2[%run_scoped3A_474, %add3A_472] : memref<2x131072xi32, #tpu.memory_space<hbm>> -> memref<1x4096xi32, #tpu.memory_space<hbm>>
      %dma_start3A_537 = tpu.memref_squeeze %dma_start3A_536 : memref<1x4096xi32, #tpu.memory_space<hbm>> -> memref<4096xi32, #tpu.memory_space<hbm>>
      tpu.enqueue_dma source(%dma_start3A_537 : memref<4096xi32, #tpu.memory_space<hbm>>) target(%arg7 : memref<4096xi32, #tpu.memory_space<vmem>>) target_semaphore(%run_scoped3A_533 : memref<!tpu.dma_semaphore, #tpu.memory_space<semaphore_mem>>)
      %dma_wait3A_538 = tpu.memref_slice %arg2[%run_scoped3A_474, %add3A_472] : memref<2x131072xi32, #tpu.memory_space<hbm>> -> memref<1x4096xi32, #tpu.memory_space<hbm>>
      %dma_wait3A_539 = tpu.memref_squeeze %dma_wait3A_538 : memref<1x4096xi32, #tpu.memory_space<hbm>> -> memref<4096xi32, #tpu.memory_space<hbm>>
      %dma_wait3A_540 = tpu.memref_slice %arg2[%run_scoped3A_474, %add3A_472] : memref<2x131072xi32, #tpu.memory_space<hbm>> -> memref<1x4096xi32, #tpu.memory_space<hbm>>
      %dma_wait3A_541 = tpu.memref_squeeze %dma_wait3A_540 : memref<1x4096xi32, #tpu.memory_space<hbm>> -> memref<4096xi32, #tpu.memory_space<hbm>>
      tpu.wait_dma2 semaphore(%run_scoped3A_533 : memref<!tpu.dma_semaphore, #tpu.memory_space<semaphore_mem>>) src(%dma_wait3A_541 : memref<4096xi32, #tpu.memory_space<hbm>>) dst(%arg7 : memref<4096xi32, #tpu.memory_space<vmem>>)
      tpu.yield
    }) : () -> ()
    "tpu.region"() ({
      %run_scoped3A_533 = tpu.sem_alloc : memref<!tpu.dma_semaphore, #tpu.memory_space<semaphore_mem>>
      %dma_start3A_534 = tpu.memref_slice %arg3[%add3A_472] : memref<131072xf32, #tpu.memory_space<hbm>> -> memref<4096xf32, #tpu.memory_space<hbm>>
      %dma_start3A_535 = tpu.memref_slice %arg3[%add3A_472] : memref<131072xf32, #tpu.memory_space<hbm>> -> memref<4096xf32, #tpu.memory_space<hbm>>
      tpu.enqueue_dma source(%dma_start3A_535 : memref<4096xf32, #tpu.memory_space<hbm>>) target(%arg8 : memref<4096xf32, #tpu.memory_space<vmem>>) target_semaphore(%run_scoped3A_533 : memref<!tpu.dma_semaphore, #tpu.memory_space<semaphore_mem>>)
      %dma_wait3A_536 = tpu.memref_slice %arg3[%add3A_472] : memref<131072xf32, #tpu.memory_space<hbm>> -> memref<4096xf32, #tpu.memory_space<hbm>>
      %dma_wait3A_537 = tpu.memref_slice %arg3[%add3A_472] : memref<131072xf32, #tpu.memory_space<hbm>> -> memref<4096xf32, #tpu.memory_space<hbm>>
      tpu.wait_dma2 semaphore(%run_scoped3A_533 : memref<!tpu.dma_semaphore, #tpu.memory_space<semaphore_mem>>) src(%dma_wait3A_537 : memref<4096xf32, #tpu.memory_space<hbm>>) dst(%arg8 : memref<4096xf32, #tpu.memory_space<vmem>>)
      tpu.yield
    }) : () -> ()
    %scan3A_475 = arith.constant 0 : i32
    %scan3A_476 = arith.constant 0 : i32
    %scan3A_477 = arith.constant 256 : i32
    %scan3A_478 = arith.addi %scan3A_476, %scan3A_477 : i32
    %scan3A_479 = arith.constant 1 : i32
    %scan3A_480 = scf.for %scan3A_533 = %scan3A_476 to %scan3A_478 step %scan3A_479 iter_args(%scan3A_534 = %scan3A_475) -> (i32)  : i32 {
      %mul3A_535 = arith.constant 16 : i32
      %mul3A_536 = arith.muli %scan3A_533, %mul3A_535 : i32
      %mul3A_537 = arith.constant 16 : i32
      %mul3A_538 = arith.muli %scan3A_533, %mul3A_537 : i32
      %add3A_539 = arith.constant 4096 : i32
      %add3A_540 = arith.addi %add3A_539, %mul3A_538 : i32
      %get3A_541 = arith.index_cast %mul3A_536 : i32 to index
      %get3A_542 = tpu.vector_load %arg6[%get3A_541] {strides = array<i32>} : memref<4096xi32, #tpu.memory_space<vmem>>, vector<16xi32>,
      %get3A_543 = vector.shape_cast %get3A_542 : vector<16xi32> to vector<16xi32>
      %get3A_544 = arith.index_cast %mul3A_536 : i32 to index
      %get3A_545 = tpu.vector_load %arg7[%get3A_544] {strides = array<i32>} : memref<4096xi32, #tpu.memory_space<vmem>>, vector<16xi32>,
      %get3A_546 = vector.shape_cast %get3A_545 : vector<16xi32> to vector<16xi32>
      %mul3A_547 = arith.constant 128 : i32
      %mul3A_548 = vector.broadcast %mul3A_547 : i32 to vector<16xi32>
      %mul3A_549 = arith.muli %get3A_543, %mul3A_548 : vector<16xi32>
      %shift_right_logical3A = arith.constant 5 : i32
      %shift_right_logical3A_550 = vector.broadcast %shift_right_logical3A : i32 to vector<16xi32>
      %shift_right_logical3A_551 = arith.shrui %get3A_546, %shift_right_logical3A_550 : vector<16xi32>
      %add3A_552 = arith.addi %mul3A_549, %shift_right_logical3A_551 : vector<16xi32>
      %swap3A_553 = arith.index_cast %mul3A_536 : i32 to index
      %swap3A_554 = tpu.vector_load %arg9[%swap3A_553] {strides = array<i32>} : memref<8192xi32, #tpu.memory_space<vmem>>, vector<16xi32>,
      %swap3A_555 = vector.shape_cast %swap3A_554 : vector<16xi32> to vector<16xi32>
      %swap3A_556 = vector.shape_cast %add3A_552 : vector<16xi32> to vector<16xi32>
      tpu.vector_store %arg9[%swap3A_553], %swap3A_556 {strides = array<i32>} : memref<8192xi32, #tpu.memory_space<vmem>>, vector<16xi32>,
      %add3A_557 = arith.constant 524288 : i32
      %add3A_558 = vector.broadcast %add3A_557 : i32 to vector<16xi32>
      %add3A_559 = arith.addi %add3A_558, %add3A_552 : vector<16xi32>
      %swap3A_560 = arith.index_cast %add3A_540 : i32 to index
      %swap3A_561 = tpu.vector_load %arg9[%swap3A_560] {strides = array<i32>} : memref<8192xi32, #tpu.memory_space<vmem>>, vector<16xi32>,
      %swap3A_562 = vector.shape_cast %swap3A_561 : vector<16xi32> to vector<16xi32>
      %swap3A_563 = vector.shape_cast %add3A_559 : vector<16xi32> to vector<16xi32>
      tpu.vector_store %arg9[%swap3A_560], %swap3A_563 {strides = array<i32>} : memref<8192xi32, #tpu.memory_space<vmem>>, vector<16xi32>,
      %scan3A_564 = arith.constant 0 : i32
      scf.yield %scan3A_564 : i32
    }
    %scan3A_481 = arith.constant 256 : i32
    %dma_start3A_482 = arith.constant 0 : i32
    %dma_start3A_483 = tpu.memref_slice %arg20[%dma_start3A_482] : memref<1048576xi32, #tpu.memory_space<vmem_shared>> -> memref<1048576xi32, #tpu.memory_space<vmem_shared>>
    tpu.enqueue_indirect_dma source(%dma_start3A_483 : memref<1048576xi32, #tpu.memory_space<vmem_shared>>) target(%arg10 : memref<8192xi32, #tpu.memory_space<vmem>>) offsets(%arg9 : memref<8192xi32, #tpu.memory_space<vmem>>) semaphore(%arg25 : memref<!tpu.dma_semaphore, #tpu.memory_space<semaphore_mem>>)
    %dma_wait3A_484 = arith.constant 0 : i32
    %dma_wait3A_485 = tpu.memref_slice %arg20[%dma_wait3A_484] : memref<1048576xi32, #tpu.memory_space<vmem_shared>> -> memref<1048576xi32, #tpu.memory_space<vmem_shared>>
    tpu.wait_indirect_dma semaphore(%arg25 : memref<!tpu.dma_semaphore, #tpu.memory_space<semaphore_mem>>) src(%dma_wait3A_485 : memref<1048576xi32, #tpu.memory_space<vmem_shared>>) dst(%arg10 : memref<8192xi32, #tpu.memory_space<vmem>>)
    %scan3A_486 = arith.constant 0 : i32
    %scan3A_487 = arith.constant 0 : i32
    %scan3A_488 = arith.constant 256 : i32
    %scan3A_489 = arith.addi %scan3A_487, %scan3A_488 : i32
    %scan3A_490 = arith.constant 1 : i32
    %scan3A_491 = scf.for %scan3A_533 = %scan3A_487 to %scan3A_489 step %scan3A_490 iter_args(%scan3A_534 = %scan3A_486) -> (i32)  : i32 {
      %mul3A_535 = arith.constant 16 : i32
      %mul3A_536 = arith.muli %scan3A_533, %mul3A_535 : i32
      %mul3A_537 = arith.constant 16 : i32
      %mul3A_538 = arith.muli %scan3A_533, %mul3A_537 : i32
      %add3A_539 = arith.constant 4096 : i32
      %add3A_540 = arith.addi %add3A_539, %mul3A_538 : i32
      %get3A_541 = arith.index_cast %mul3A_536 : i32 to index
      %get3A_542 = tpu.vector_load %arg6[%get3A_541] {strides = array<i32>} : memref<4096xi32, #tpu.memory_space<vmem>>, vector<16xi32>,
      %get3A_543 = vector.shape_cast %get3A_542 : vector<16xi32> to vector<16xi32>
      %swap3A_544 = arith.index_cast %mul3A_536 : i32 to index
      %swap3A_545 = tpu.vector_load %arg9[%swap3A_544] {strides = array<i32>} : memref<8192xi32, #tpu.memory_space<vmem>>, vector<16xi32>,
      %swap3A_546 = vector.shape_cast %swap3A_545 : vector<16xi32> to vector<16xi32>
      %swap3A_547 = vector.shape_cast %get3A_543 : vector<16xi32> to vector<16xi32>
      tpu.vector_store %arg9[%swap3A_544], %swap3A_547 {strides = array<i32>} : memref<8192xi32, #tpu.memory_space<vmem>>, vector<16xi32>,
      %get3A_548 = arith.index_cast %mul3A_536 : i32 to index
      %get3A_549 = tpu.vector_load %arg7[%get3A_548] {strides = array<i32>} : memref<4096xi32, #tpu.memory_space<vmem>>, vector<16xi32>,
      %get3A_550 = vector.shape_cast %get3A_549 : vector<16xi32> to vector<16xi32>
      %swap3A_551 = arith.index_cast %add3A_540 : i32 to index
      %swap3A_552 = tpu.vector_load %arg9[%swap3A_551] {strides = array<i32>} : memref<8192xi32, #tpu.memory_space<vmem>>, vector<16xi32>,
      %swap3A_553 = vector.shape_cast %swap3A_552 : vector<16xi32> to vector<16xi32>
      %swap3A_554 = vector.shape_cast %get3A_550 : vector<16xi32> to vector<16xi32>
      tpu.vector_store %arg9[%swap3A_551], %swap3A_554 {strides = array<i32>} : memref<8192xi32, #tpu.memory_space<vmem>>, vector<16xi32>,
      %scan3A_555 = arith.constant 0 : i32
      scf.yield %scan3A_555 : i32
    }
    %scan3A_492 = arith.constant 256 : i32
    %dma_start3A_493 = arith.constant 0 : i32
    %dma_start3A_494 = tpu.memref_slice %arg22[%dma_start3A_493] : memref<4096xf32, #tpu.memory_space<vmem_shared>> -> memref<4096xf32, #tpu.memory_space<vmem_shared>>
    tpu.enqueue_indirect_dma source(%dma_start3A_494 : memref<4096xf32, #tpu.memory_space<vmem_shared>>) target(%arg11 : memref<8192xf32, #tpu.memory_space<vmem>>) offsets(%arg9 : memref<8192xi32, #tpu.memory_space<vmem>>) semaphore(%arg25 : memref<!tpu.dma_semaphore, #tpu.memory_space<semaphore_mem>>)
    %dma_wait3A_495 = arith.constant 0 : i32
    %dma_wait3A_496 = tpu.memref_slice %arg22[%dma_wait3A_495] : memref<4096xf32, #tpu.memory_space<vmem_shared>> -> memref<4096xf32, #tpu.memory_space<vmem_shared>>
    tpu.wait_indirect_dma semaphore(%arg25 : memref<!tpu.dma_semaphore, #tpu.memory_space<semaphore_mem>>) src(%dma_wait3A_496 : memref<4096xf32, #tpu.memory_space<vmem_shared>>) dst(%arg11 : memref<8192xf32, #tpu.memory_space<vmem>>)
    %scan3A_497 = arith.constant 0 : i32
    %scan3A_498 = arith.constant 0 : i32
    %scan3A_499 = arith.constant 256 : i32
    %scan3A_500 = arith.addi %scan3A_498, %scan3A_499 : i32
    %scan3A_501 = arith.constant 1 : i32
    %scan3A_502 = scf.for %scan3A_533 = %scan3A_498 to %scan3A_500 step %scan3A_501 iter_args(%scan3A_534 = %scan3A_497) -> (i32)  : i32 {
      %mul3A_535 = arith.constant 16 : i32
      %mul3A_536 = arith.muli %scan3A_533, %mul3A_535 : i32
      %mul3A_537 = arith.constant 16 : i32
      %mul3A_538 = arith.muli %scan3A_533, %mul3A_537 : i32
      %add3A_539 = arith.constant 4096 : i32
      %add3A_540 = arith.addi %add3A_539, %mul3A_538 : i32
      %get3A_541 = arith.index_cast %mul3A_536 : i32 to index
      %get3A_542 = tpu.vector_load %arg6[%get3A_541] {strides = array<i32>} : memref<4096xi32, #tpu.memory_space<vmem>>, vector<16xi32>,
      %get3A_543 = vector.shape_cast %get3A_542 : vector<16xi32> to vector<16xi32>
      %get3A_544 = arith.index_cast %mul3A_536 : i32 to index
      %get3A_545 = tpu.vector_load %arg7[%get3A_544] {strides = array<i32>} : memref<4096xi32, #tpu.memory_space<vmem>>, vector<16xi32>,
      %get3A_546 = vector.shape_cast %get3A_545 : vector<16xi32> to vector<16xi32>
      %get3A_547 = arith.index_cast %mul3A_536 : i32 to index
      %get3A_548 = tpu.vector_load %arg10[%get3A_547] {strides = array<i32>} : memref<8192xi32, #tpu.memory_space<vmem>>, vector<16xi32>,
      %get3A_549 = vector.shape_cast %get3A_548 : vector<16xi32> to vector<16xi32>
      %broadcast_in_dim3A_550 = arith.constant 1 : i32
      %broadcast_in_dim3A_551 = vector.broadcast %broadcast_in_dim3A_550 : i32 to vector<16xi32>
      %and3A = arith.constant 31 : i32
      %and3A_552 = vector.broadcast %and3A : i32 to vector<16xi32>
      %and3A_553 = arith.andi %get3A_546, %and3A_552 : vector<16xi32>
      %shift_left3A = arith.shli %broadcast_in_dim3A_551, %and3A_553 : vector<16xi32>
      %sub3A_554 = arith.constant 1 : i32
      %sub3A_555 = vector.broadcast %sub3A_554 : i32 to vector<16xi32>
      %sub3A_556 = arith.subi %shift_left3A, %sub3A_555 : vector<16xi32>
      %and3A_557 = arith.andi %get3A_549, %sub3A_556 : vector<16xi32>
      %shift_right_logical3A = arith.constant 1 : i32
      %shift_right_logical3A_558 = vector.broadcast %shift_right_logical3A : i32 to vector<16xi32>
      %shift_right_logical3A_559 = arith.shrui %and3A_557, %shift_right_logical3A_558 : vector<16xi32>
      %and3A_560 = arith.constant 1431655765 : i32
      %and3A_561 = vector.broadcast %and3A_560 : i32 to vector<16xi32>
      %and3A_562 = arith.andi %shift_right_logical3A_559, %and3A_561 : vector<16xi32>
      %sub3A_563 = arith.subi %and3A_557, %and3A_562 : vector<16xi32>
      %and3A_564 = arith.constant 858993459 : i32
      %and3A_565 = vector.broadcast %and3A_564 : i32 to vector<16xi32>
      %and3A_566 = arith.andi %sub3A_563, %and3A_565 : vector<16xi32>
      %shift_right_logical3A_567 = arith.constant 2 : i32
      %shift_right_logical3A_568 = vector.broadcast %shift_right_logical3A_567 : i32 to vector<16xi32>
      %shift_right_logical3A_569 = arith.shrui %sub3A_563, %shift_right_logical3A_568 : vector<16xi32>
      %and3A_570 = arith.constant 858993459 : i32
      %and3A_571 = vector.broadcast %and3A_570 : i32 to vector<16xi32>
      %and3A_572 = arith.andi %shift_right_logical3A_569, %and3A_571 : vector<16xi32>
      %add3A_573 = arith.addi %and3A_566, %and3A_572 : vector<16xi32>
      %shift_right_logical3A_574 = arith.constant 4 : i32
      %shift_right_logical3A_575 = vector.broadcast %shift_right_logical3A_574 : i32 to vector<16xi32>
      %shift_right_logical3A_576 = arith.shrui %add3A_573, %shift_right_logical3A_575 : vector<16xi32>
      %add3A_577 = arith.addi %add3A_573, %shift_right_logical3A_576 : vector<16xi32>
      %and3A_578 = arith.constant 252645135 : i32
      %and3A_579 = vector.broadcast %and3A_578 : i32 to vector<16xi32>
      %and3A_580 = arith.andi %add3A_577, %and3A_579 : vector<16xi32>
      %shift_right_logical3A_581 = arith.constant 8 : i32
      %shift_right_logical3A_582 = vector.broadcast %shift_right_logical3A_581 : i32 to vector<16xi32>
      %shift_right_logical3A_583 = arith.shrui %and3A_580, %shift_right_logical3A_582 : vector<16xi32>
      %add3A_584 = arith.addi %and3A_580, %shift_right_logical3A_583 : vector<16xi32>
      %shift_right_logical3A_585 = arith.constant 16 : i32
      %shift_right_logical3A_586 = vector.broadcast %shift_right_logical3A_585 : i32 to vector<16xi32>
      %shift_right_logical3A_587 = arith.shrui %and3A_580, %shift_right_logical3A_586 : vector<16xi32>
      %add3A_588 = arith.addi %add3A_584, %shift_right_logical3A_587 : vector<16xi32>
      %shift_right_logical3A_589 = arith.constant 24 : i32
      %shift_right_logical3A_590 = vector.broadcast %shift_right_logical3A_589 : i32 to vector<16xi32>
      %shift_right_logical3A_591 = arith.shrui %and3A_580, %shift_right_logical3A_590 : vector<16xi32>
      %add3A_592 = arith.addi %add3A_588, %shift_right_logical3A_591 : vector<16xi32>
      %and3A_593 = arith.constant 63 : i32
      %and3A_594 = vector.broadcast %and3A_593 : i32 to vector<16xi32>
      %and3A_595 = arith.andi %add3A_592, %and3A_594 : vector<16xi32>
      %mul3A_596 = arith.constant 4096 : i32
      %mul3A_597 = vector.broadcast %mul3A_596 : i32 to vector<16xi32>
      %mul3A_598 = arith.muli %get3A_543, %mul3A_597 : vector<16xi32>
      %add3A_599 = arith.addi %mul3A_598, %get3A_546 : vector<16xi32>
      %mul3A_600 = arith.constant 128 : i32
      %mul3A_601 = vector.broadcast %mul3A_600 : i32 to vector<16xi32>
      %mul3A_602 = arith.muli %get3A_543, %mul3A_601 : vector<16xi32>
      %shift_right_logical3A_603 = arith.constant 5 : i32
      %shift_right_logical3A_604 = vector.broadcast %shift_right_logical3A_603 : i32 to vector<16xi32>
      %shift_right_logical3A_605 = arith.shrui %get3A_546, %shift_right_logical3A_604 : vector<16xi32>
      %add3A_606 = arith.addi %mul3A_602, %shift_right_logical3A_605 : vector<16xi32>
      %shift_right_logical3A_607 = arith.constant 15 : i32
      %shift_right_logical3A_608 = vector.broadcast %shift_right_logical3A_607 : i32 to vector<16xi32>
      %shift_right_logical3A_609 = arith.shrui %add3A_606, %shift_right_logical3A_608 : vector<16xi32>
      %lt3A_610 = arith.constant 0 : i32
      %lt3A_611 = vector.broadcast %lt3A_610 : i32 to vector<16xi32>
      %lt3A_612 = arith.cmpi slt, %shift_right_logical3A_609, %lt3A_611 : vector<16xi32>
      %add3A_613 = arith.constant 16 : i32
      %add3A_614 = vector.broadcast %add3A_613 : i32 to vector<16xi32>
      %add3A_615 = arith.addi %shift_right_logical3A_609, %add3A_614 : vector<16xi32>
      %select_n3A_616 = arith.select %lt3A_612, %add3A_615, %shift_right_logical3A_609 : vector<16xi1>, vector<16xi32>
      %broadcast_in_dim3A_617 = vector.shape_cast %select_n3A_616 : vector<16xi32> to vector<16x1xi32>
      %gather3A_618 = vector.shape_cast %broadcast_in_dim3A_617 : vector<16x1xi32> to vector<16xi32>
      %gather3A_619 = tpu.dynamic_gather %sub3A_429[%gather3A_618] in [0] : vector<16xi32>, vector<16xi32> -> vector<16xi32>
      %get3A_620 = arith.index_cast %add3A_540 : i32 to index
      %get3A_621 = tpu.vector_load %arg10[%get3A_620] {strides = array<i32>} : memref<8192xi32, #tpu.memory_space<vmem>>, vector<16xi32>,
      %get3A_622 = vector.shape_cast %get3A_621 : vector<16xi32> to vector<16xi32>
      %add3A_623 = arith.addi %get3A_622, %gather3A_619 : vector<16xi32>
      %add3A_624 = arith.addi %add3A_623, %and3A_595 : vector<16xi32>
      %mul3A_625 = arith.constant 65536 : i32
      %mul3A_626 = arith.muli %arg0, %mul3A_625 : i32
      %sub3A_627 = vector.broadcast %mul3A_626 : i32 to vector<16xi32>
      %sub3A_628 = arith.subi %add3A_624, %sub3A_627 : vector<16xi32>
      %lt3A_629 = arith.constant 0 : i32
      %lt3A_630 = vector.broadcast %lt3A_629 : i32 to vector<16xi32>
      %lt3A_631 = arith.cmpi slt, %sub3A_628, %lt3A_630 : vector<16xi32>
      %ge3A_632 = arith.constant 65536 : i32
      %ge3A_633 = vector.broadcast %ge3A_632 : i32 to vector<16xi32>
      %ge3A_634 = arith.cmpi sge, %sub3A_628, %ge3A_633 : vector<16xi32>
      %or3A = arith.ori %lt3A_631, %ge3A_634 : vector<16xi1>
      %and3A_635 = arith.constant 4095 : i32
      %and3A_636 = vector.broadcast %and3A_635 : i32 to vector<16xi32>
      %and3A_637 = arith.andi %add3A_599, %and3A_636 : vector<16xi32>
      %add3A_638 = arith.constant 65536 : i32
      %add3A_639 = vector.broadcast %add3A_638 : i32 to vector<16xi32>
      %add3A_640 = arith.addi %add3A_639, %and3A_637 : vector<16xi32>
      %select_n3A_641 = arith.select %or3A, %add3A_640, %sub3A_628 : vector<16xi1>, vector<16xi32>
      %swap3A_642 = arith.index_cast %mul3A_536 : i32 to index
      %swap3A_643 = tpu.vector_load %arg12[%swap3A_642] {strides = array<i32>} : memref<8192xi32, #tpu.memory_space<vmem>>, vector<16xi32>,
      %swap3A_644 = vector.shape_cast %swap3A_643 : vector<16xi32> to vector<16xi32>
      %swap3A_645 = vector.shape_cast %select_n3A_641 : vector<16xi32> to vector<16xi32>
      tpu.vector_store %arg12[%swap3A_642], %swap3A_645 {strides = array<i32>} : memref<8192xi32, #tpu.memory_space<vmem>>, vector<16xi32>,
      %add3A_646 = arith.constant 69632 : i32
      %add3A_647 = vector.broadcast %add3A_646 : i32 to vector<16xi32>
      %add3A_648 = arith.addi %select_n3A_641, %add3A_647 : vector<16xi32>
      %swap3A_649 = arith.index_cast %add3A_540 : i32 to index
      %swap3A_650 = tpu.vector_load %arg12[%swap3A_649] {strides = array<i32>} : memref<8192xi32, #tpu.memory_space<vmem>>, vector<16xi32>,
      %swap3A_651 = vector.shape_cast %swap3A_650 : vector<16xi32> to vector<16xi32>
      %swap3A_652 = vector.shape_cast %add3A_648 : vector<16xi32> to vector<16xi32>
      tpu.vector_store %arg12[%swap3A_649], %swap3A_652 {strides = array<i32>} : memref<8192xi32, #tpu.memory_space<vmem>>, vector<16xi32>,
      %get3A_653 = arith.index_cast %mul3A_536 : i32 to index
      %get3A_654 = tpu.vector_load %arg11[%get3A_653] {strides = array<i32>} : memref<8192xf32, #tpu.memory_space<vmem>>, vector<16xf32>,
      %get3A_655 = vector.shape_cast %get3A_654 : vector<16xf32> to vector<16xf32>
      %get3A_656 = arith.index_cast %mul3A_536 : i32 to index
      %get3A_657 = tpu.vector_load %arg8[%get3A_656] {strides = array<i32>} : memref<4096xf32, #tpu.memory_space<vmem>>, vector<16xf32>,
      %get3A_658 = vector.shape_cast %get3A_657 : vector<16xf32> to vector<16xf32>
      %mul3A_659 = arith.mulf %get3A_655, %get3A_658 : vector<16xf32>
      %get3A_660 = arith.index_cast %add3A_540 : i32 to index
      %get3A_661 = tpu.vector_load %arg11[%get3A_660] {strides = array<i32>} : memref<8192xf32, #tpu.memory_space<vmem>>, vector<16xf32>,
      %get3A_662 = vector.shape_cast %get3A_661 : vector<16xf32> to vector<16xf32>
      %mul3A_663 = arith.mulf %mul3A_659, %get3A_662 : vector<16xf32>
      %swap3A_664 = arith.index_cast %mul3A_536 : i32 to index
      %swap3A_665 = tpu.vector_load %arg10[%swap3A_664] {strides = array<i32>} : memref<8192xi32, #tpu.memory_space<vmem>>, vector<16xi32>,
      %swap3A_666 = vector.shape_cast %swap3A_665 : vector<16xi32> to vector<16xi32>
      %swap3A_667 = vector.shape_cast %add3A_599 : vector<16xi32> to vector<16xi32>
      tpu.vector_store %arg10[%swap3A_664], %swap3A_667 {strides = array<i32>} : memref<8192xi32, #tpu.memory_space<vmem>>, vector<16xi32>,
      %bitcast_convert_type3A = tpu.bitcast %mul3A_663 : vector<16xf32> -> vector<16xi32>
      %swap3A_668 = arith.index_cast %add3A_540 : i32 to index
      %swap3A_669 = tpu.vector_load %arg10[%swap3A_668] {strides = array<i32>} : memref<8192xi32, #tpu.memory_space<vmem>>, vector<16xi32>,
      %swap3A_670 = vector.shape_cast %swap3A_669 : vector<16xi32> to vector<16xi32>
      %swap3A_671 = vector.shape_cast %bitcast_convert_type3A : vector<16xi32> to vector<16xi32>
      tpu.vector_store %arg10[%swap3A_668], %swap3A_671 {strides = array<i32>} : memref<8192xi32, #tpu.memory_space<vmem>>, vector<16xi32>,
      %scan3A_672 = arith.constant 0 : i32
      scf.yield %scan3A_672 : i32
    }
    %scan3A_503 = arith.constant 256 : i32
    %dma_start3A_504 = arith.constant 0 : i32
    %dma_start3A_505 = tpu.memref_slice %arg24[%dma_start3A_504] : memref<139264xi32, #tpu.memory_space<vmem_shared>> -> memref<139264xi32, #tpu.memory_space<vmem_shared>>
    tpu.enqueue_indirect_dma source(%arg10 : memref<8192xi32, #tpu.memory_space<vmem>>) target(%dma_start3A_505 : memref<139264xi32, #tpu.memory_space<vmem_shared>>) offsets(%arg12 : memref<8192xi32, #tpu.memory_space<vmem>>) semaphore(%arg25 : memref<!tpu.dma_semaphore, #tpu.memory_space<semaphore_mem>>)
    %dma_wait3A_506 = arith.constant 0 : i32
    %dma_wait3A_507 = tpu.memref_slice %arg24[%dma_wait3A_506] : memref<139264xi32, #tpu.memory_space<vmem_shared>> -> memref<139264xi32, #tpu.memory_space<vmem_shared>>
    tpu.wait_indirect_dma semaphore(%arg25 : memref<!tpu.dma_semaphore, #tpu.memory_space<semaphore_mem>>) src(%arg10 : memref<8192xi32, #tpu.memory_space<vmem>>) dst(%dma_wait3A_507 : memref<139264xi32, #tpu.memory_space<vmem_shared>>)
    %barrier3A_508 = arith.constant 0 : index
    tpu.barrier barrier_id(%barrier3A_508)
    %mul3A_509 = arith.constant 4096 : i32
    %mul3A_510 = arith.muli %arg1, %mul3A_509 : i32
    %mul3A_511 = arith.constant 65536 : i32
    %mul3A_512 = arith.muli %arg0, %mul3A_511 : i32
    %mul3A_513 = arith.constant 4096 : i32
    %mul3A_514 = arith.muli %arg1, %mul3A_513 : i32
    %add3A_515 = arith.addi %mul3A_512, %mul3A_514 : i32
    %dma_start3A_516 = tpu.memref_slice %arg4[%add3A_515] : memref<131072xi32, #tpu.memory_space<hbm>> -> memref<4096xi32, #tpu.memory_space<hbm>>
    %dma_start3A_517 = tpu.memref_slice %arg24[%mul3A_510] : memref<139264xi32, #tpu.memory_space<vmem_shared>> -> memref<4096xi32, #tpu.memory_space<vmem_shared>>
    tpu.enqueue_dma source(%dma_start3A_517 : memref<4096xi32, #tpu.memory_space<vmem_shared>>) target(%dma_start3A_516 : memref<4096xi32, #tpu.memory_space<hbm>>) target_semaphore(%arg25 : memref<!tpu.dma_semaphore, #tpu.memory_space<semaphore_mem>>)
    %mul3A_518 = arith.constant 4096 : i32
    %mul3A_519 = arith.muli %arg1, %mul3A_518 : i32
    %add3A_520 = arith.constant 69632 : i32
    %add3A_521 = arith.addi %add3A_520, %mul3A_519 : i32
    %mul3A_522 = arith.constant 65536 : i32
    %mul3A_523 = arith.muli %arg0, %mul3A_522 : i32
    %mul3A_524 = arith.constant 4096 : i32
    %mul3A_525 = arith.muli %arg1, %mul3A_524 : i32
    %add3A_526 = arith.addi %mul3A_523, %mul3A_525 : i32
    %dma_start3A_527 = tpu.memref_slice %arg5[%add3A_526] : memref<131072xi32, #tpu.memory_space<hbm>> -> memref<4096xi32, #tpu.memory_space<hbm>>
    %dma_start3A_528 = tpu.memref_slice %arg24[%add3A_521] : memref<139264xi32, #tpu.memory_space<vmem_shared>> -> memref<4096xi32, #tpu.memory_space<vmem_shared>>
    tpu.enqueue_dma source(%dma_start3A_528 : memref<4096xi32, #tpu.memory_space<vmem_shared>>) target(%dma_start3A_527 : memref<4096xi32, #tpu.memory_space<hbm>>) target_semaphore(%arg25 : memref<!tpu.dma_semaphore, #tpu.memory_space<semaphore_mem>>)
    %dma_wait3A_529 = tpu.memref_slice %arg4[%add3A_515] : memref<131072xi32, #tpu.memory_space<hbm>> -> memref<4096xi32, #tpu.memory_space<hbm>>
    %dma_wait3A_530 = tpu.memref_slice %arg24[%mul3A_510] : memref<139264xi32, #tpu.memory_space<vmem_shared>> -> memref<4096xi32, #tpu.memory_space<vmem_shared>>
    tpu.wait_dma2 semaphore(%arg25 : memref<!tpu.dma_semaphore, #tpu.memory_space<semaphore_mem>>) src(%dma_wait3A_530 : memref<4096xi32, #tpu.memory_space<vmem_shared>>) dst(%dma_wait3A_529 : memref<4096xi32, #tpu.memory_space<hbm>>)
    %dma_wait3A_531 = tpu.memref_slice %arg5[%add3A_526] : memref<131072xi32, #tpu.memory_space<hbm>> -> memref<4096xi32, #tpu.memory_space<hbm>>
    %dma_wait3A_532 = tpu.memref_slice %arg24[%add3A_521] : memref<139264xi32, #tpu.memory_space<vmem_shared>> -> memref<4096xi32, #tpu.memory_space<vmem_shared>>
    tpu.wait_dma2 semaphore(%arg25 : memref<!tpu.dma_semaphore, #tpu.memory_space<semaphore_mem>>) src(%dma_wait3A_532 : memref<4096xi32, #tpu.memory_space<vmem_shared>>) dst(%dma_wait3A_531 : memref<4096xi32, #tpu.memory_space<hbm>>)
    return
  }
}

module attributes {stable_mosaic.version = 14 : i64} {
  func.func @_unpack_body(%arg0: memref<131072xi32, #tpu.memory_space<vmem>>, %arg1: memref<2x131072xi32, #tpu.memory_space<vmem>>) attributes {dimension_semantics = [], scalar_prefetch = 0 : i64, scratch_operands = 0 : i64, tpu.core_type = #tpu.core_type<tc>} {
    %get3A = arith.constant 0 : index
    %get3A_0 = vector.load %arg0[%get3A] : memref<131072xi32, #tpu.memory_space<vmem>>, vector<131072xi32>
    %shift_right_logical3A = arith.constant 12 : i32
    %shift_right_logical3A_1 = vector.broadcast %shift_right_logical3A : i32 to vector<131072xi32>
    %shift_right_logical3A_2 = arith.shrui %get3A_0, %shift_right_logical3A_1 : vector<131072xi32>
    %swap3A = arith.constant 0 : index
    %swap3A_3 = arith.constant 0 : index
    %swap3A_4 = vector.load %arg1[%swap3A, %swap3A_3] : memref<2x131072xi32, #tpu.memory_space<vmem>>, vector<1x131072xi32>
    %swap3A_5 = vector.shape_cast %swap3A_4 : vector<1x131072xi32> to vector<131072xi32>
    %swap3A_6 = vector.shape_cast %shift_right_logical3A_2 : vector<131072xi32> to vector<1x131072xi32>
    tpu.vector_store %arg1[%swap3A, %swap3A_3], %swap3A_6 {strides = array<i32>} : memref<2x131072xi32, #tpu.memory_space<vmem>>, vector<1x131072xi32>,
    %and3A = arith.constant 4095 : i32
    %and3A_7 = vector.broadcast %and3A : i32 to vector<131072xi32>
    %and3A_8 = arith.andi %get3A_0, %and3A_7 : vector<131072xi32>
    %swap3A_9 = arith.constant 1 : index
    %swap3A_10 = arith.constant 0 : index
    %swap3A_11 = vector.load %arg1[%swap3A_9, %swap3A_10] : memref<2x131072xi32, #tpu.memory_space<vmem>>, vector<1x131072xi32>
    %swap3A_12 = vector.shape_cast %swap3A_11 : vector<1x131072xi32> to vector<131072xi32>
    %swap3A_13 = vector.shape_cast %and3A_8 : vector<131072xi32> to vector<1x131072xi32>
    tpu.vector_store %arg1[%swap3A_9, %swap3A_10], %swap3A_13 {strides = array<i32>} : memref<2x131072xi32, #tpu.memory_space<vmem>>, vector<1x131072xi32>,
    return
  }
}

module attributes {stable_mosaic.version = 14 : i64} {
  func.func @_decay_body(%arg0: memref<131072xf32, #tpu.memory_space<vmem>>, %arg1: memref<131072xf32, #tpu.memory_space<vmem>>) attributes {dimension_semantics = [], scalar_prefetch = 0 : i64, scratch_operands = 0 : i64, tpu.core_type = #tpu.core_type<tc>} {
    %get3A = arith.constant 0 : index
    %get3A_0 = vector.load %arg0[%get3A] : memref<131072xf32, #tpu.memory_space<vmem>>, vector<131072xf32>
    %reduce_max3A = vector.shape_cast %get3A_0 : vector<131072xf32> to vector<1x131072xf32>
    %reduce_max3A_1 = arith.constant dense<0xFF800000> : vector<1xf32>
    %reduce_max3A_2 = vector.multi_reduction <maximumf>, %reduce_max3A, %reduce_max3A_1 [1] : vector<1x131072xf32> to vector<1xf32>
    %reduce_max3A_3 = vector.shape_cast %reduce_max3A_2 : vector<1xf32> to vector<1x1xf32>
    %reduce_max3A_4 = vector.extract %reduce_max3A_3[0, 0] : f32 from vector<1x1xf32>
    %sub3A = vector.broadcast %reduce_max3A_4 : f32 to vector<131072xf32>
    %sub3A_5 = arith.subf %sub3A, %get3A_0 : vector<131072xf32>
    %mul3A = arith.constant -1.000000e-01 : f32
    %mul3A_6 = vector.broadcast %mul3A : f32 to vector<131072xf32>
    %mul3A_7 = arith.mulf %mul3A_6, %sub3A_5 : vector<131072xf32>
    %exp3A = math.exp %mul3A_7 : vector<131072xf32>
    %swap3A = arith.constant 0 : index
    %swap3A_8 = vector.load %arg1[%swap3A] : memref<131072xf32, #tpu.memory_space<vmem>>, vector<131072xf32>
    tpu.vector_store %arg1[%swap3A], %exp3A {strides = array<i32>} : memref<131072xf32, #tpu.memory_space<vmem>>, vector<131072xf32>,
    return
  }
}

</mosaic_0001>

<sc_bundles>
// kernel: kernel.5.cloned.1.call-start
scs
__scs_entry_jumppad:
0x0: {  	(pc) =	sbr.rel $0x88, $3  }
0x1: {  	(tag) =	ssettag $0x0;
	lr =	simm.s32 $0x1  }
0x2: {  	[smem:$0x3F9F] =	sst lr;
	_ =	strace $0xD0000000  }
0x3: {  	_ = 	snop  }
0x4: {  	_ = 	snop  }
0x5: {  	_ = 	snop  }
0x6: {  	_ = 	snop  }
0x7: {  	_ = 	snop  }
__scs_overlays_trampoline_lowered:
0x8: {  	[smem:$0x3FAE] =	sst s0  }
0x9: {  	[smem:$0x3FAF] =	sst s1  }
0xa: {  	[smem:$0x3FB0] =	sst s2  }
0xb: {  	[smem:$0x3FB1] =	sst s3  }
0xc: {  	[smem:$0x3FB2] =	sst s4  }
0xd: {  	[smem:$0x3FB3] =	sst s5  }
0xe: {  	[smem:$0x3FB4] =	sst s6  }
0xf: {  	[smem:$0x3FB5] =	sst s7  }
0x10: {  	[smem:$0x3FB6] =	sst s8  }
0x11: {  	[smem:$0x3FB7] =	sst s9;
	s0 =	simm.s32 @!p0 $0x0  }
0x12: {  	s1 =	sld [smem:$0x3F9D];
	s0 =	simm.s32 @p0 $0x1  }
0x13: {  	[smem:$0x3FB8] =	sst s0;
	s0 =	simm.s32 @!p1 $0x0  }
0x14: {  	s2 =	sld [smem:$0x3F9C];
	s0 =	simm.s32 @p1 $0x1  }
0x15: {  	[smem:$0x3FB9] =	sst s0;
	s0 =	simm.s32 @!p2 $0x0  }
0x16: {  	s3 =	sld [smem:$0x3FDB];
	s0 =	simm.s32 @p2 $0x1  }
0x17: {  	s4 =	simm.s32 $0x1BF5;
	[smem:$0x3FBB] =	sst s0  }
0x18: {  	s0 =	sld [smem:$0x3F9E];
	_ =	swait.ge [sflag:s4], $0x0  }
0x19: {  	s7 =	sld [smem:$0x3F9F]  }
0x1a: {  	s8 =	sadd.s32 $0xFFFFE003, lr  }
0x1b: {  	s9 =	sadd.s32 $0xFFFFFEF7, lr;
	s5 =	simm.s32 $0xFFFFFFFF;
	p2 =	slt.u32 s8, $0xFFFFF086  }
0x1c: {  	p1 =	slt.u32 s9, $0xF7A;
	s5 =	simm.s32 @!p2 $0x0  }
0x1d: {  	s5 =	simm.s32 @p1 $0x1;
	p0 =	seq.s32 s7, s2  }
0x1e: {  	s7 =	smul.u32 @!p0 $0xF7A, s2;
	p2 =	seq.s32 @!p0 s5, $0x0  }
0x1f: {  	s9 =	smul.u32 $0xF7A, s1;
	s8 =	simm.s32 @!p0 $0x1BF5;
	p2 =	por !p2, p0  }
0x20: {  	[sflag:s8] =	ssyncset.s32 @!p0 $0xFFFFF086;
	s6 =	sadd.s32 @!p0 s3, s7;
	s7 =	simm.s32 @!p0 $0x108  }
0x21: {  	s3 =	sadd.s32 s3, s9;
	s6 =	sadd.s32 @!p0 $0x88, s6;
	s7 =	simm.s32 @p2 $0x1082  }
0x22: {  	[simem:s7], [sflag:s8] =	dma.local @!p0 [hbm:s6], $0xF7A  }
0x23: {  	s9 =	sor.u32 $0xD0000000, s2;
	s6 =	simm.s32 $0x108;
	_ =	swait.ge @!p0 [sflag:s8], $0x0  }
0x24: {  	s3 =	sadd.s32 $0x88, s3;
	s6 =	simm.s32 @!p1 $0x1082;
	[sflag:s4] =	ssyncset.s32 $0xFFFFF086  }
0x25: {  	[simem:s6], [sflag:s4] =	dma.local [hbm:s3], $0xF7A  }
0x26: {  	[smem:$0x3F9F] =	sst s1;
	(tag) =	ssettag s2;
	_ =	strace s9  }
0x27: {  	s1 =	sld [smem:$0x3FAF]  }
0x28: {  	s2 =	sld [smem:$0x3FB0]  }
0x29: {  	s4 =	sld [smem:$0x3FB2]  }
0x2a: {  	p0 =	seq.s32 s5, $0x0;
	s5 =	sld [smem:$0x3FB3]  }
0x2b: {  	s6 =	sld [smem:$0x3FB4]  }
0x2c: {  	s7 =	sld [smem:$0x3FB5]  }
0x2d: {  	s3 =	simm.s32 $0x108;
	s8 =	sld [smem:$0x3FB6]  }
0x2e: {  	s3 =	simm.s32 @!p0 $0x1082;
	s9 =	sld [smem:$0x3FB7]  }
0x2f: {  	lr =	sadd.s32 s0, s3;
	s0 =	sld [smem:$0x3FAE]  }
0x30: {  	s3 =	sld [smem:$0x3FB1]  }
0x31: {  	[smem:$0x3FBA] =	sst s10  }
0x32: {  	s10 =	sld [smem:$0x3FB8];
	_ =	sdelay $0x3  }
0x33: {  	p0 =	seq.s32 s10, $0x1;
	s10 =	sld [smem:$0x3FBA];
	_ =	sdelay $0x3  }
0x34: {  	[smem:$0x3FBA] =	sst s10  }
0x35: {  	s10 =	sld [smem:$0x3FB9];
	_ =	sdelay $0x3  }
0x36: {  	p1 =	seq.s32 s10, $0x1;
	s10 =	sld [smem:$0x3FBA];
	_ =	sdelay $0x3  }
0x37: {  	[smem:$0x3FBA] =	sst s10  }
0x38: {  	s10 =	sld [smem:$0x3FBB]  }
0x39: {  	_ = 	snop;
	(pc) =	sbr.ind lr, $3  }
0x3a: {  	_ = 	snop  }
0x3b: {  	_ = 	snop  }
0x3c: {  	p2 =	seq.s32 s10, $0x1;
	s10 =	sld [smem:$0x3FBA]  }
0x3d: {  	_ =	shalt  }
0x3e: {  	_ =	shalt  }
0x3f: {  	_ =	shalt  }
0x40: {  	_ =	shalt  }
0x41: {  	_ =	shalt  }
0x42: {  	_ =	shalt  }
0x43: {  	_ =	shalt  }
0x44: {  	_ =	shalt  }
0x45: {  	_ =	shalt  }
0x46: {  	_ =	shalt  }
0x47: {  	_ =	shalt  }
0x48: {  	_ =	shalt  }
0x49: {  	_ =	shalt  }
0x4a: {  	_ =	shalt  }
0x4b: {  	_ =	shalt  }
0x4c: {  	_ =	shalt  }
0x4d: {  	_ =	shalt  }
0x4e: {  	_ =	shalt  }
0x4f: {  	_ =	shalt  }
0x50: {  	_ =	shalt  }
0x51: {  	_ =	shalt  }
0x52: {  	_ =	shalt  }
0x53: {  	_ =	shalt  }
0x54: {  	_ =	shalt  }
0x55: {  	_ =	shalt  }
0x56: {  	_ =	shalt  }
0x57: {  	_ =	shalt  }
0x58: {  	_ =	shalt  }
0x59: {  	_ =	shalt  }
0x5a: {  	_ =	shalt  }
0x5b: {  	_ =	shalt  }
0x5c: {  	_ =	shalt  }
0x5d: {  	_ =	shalt  }
0x5e: {  	_ =	shalt  }
0x5f: {  	_ =	shalt  }
0x60: {  	_ =	shalt  }
0x61: {  	_ =	shalt  }
0x62: {  	_ =	shalt  }
0x63: {  	_ =	shalt  }
0x64: {  	_ =	shalt  }
0x65: {  	_ =	shalt  }
0x66: {  	_ =	shalt  }
0x67: {  	_ =	shalt  }
0x68: {  	_ =	shalt  }
0x69: {  	_ =	shalt  }
0x6a: {  	_ =	shalt  }
0x6b: {  	_ =	shalt  }
0x6c: {  	_ =	shalt  }
0x6d: {  	_ =	shalt  }
0x6e: {  	_ =	shalt  }
0x6f: {  	_ =	shalt  }
0x70: {  	_ =	shalt  }
0x71: {  	_ =	shalt  }
0x72: {  	_ =	shalt  }
0x73: {  	_ =	shalt  }
0x74: {  	_ =	shalt  }
0x75: {  	_ =	shalt  }
0x76: {  	_ =	shalt  }
0x77: {  	_ =	shalt  }
0x78: {  	_ =	shalt  }
0x79: {  	_ =	shalt  }
0x7a: {  	_ =	shalt  }
0x7b: {  	_ =	shalt  }
0x7c: {  	_ =	shalt  }
0x7d: {  	_ =	shalt  }
0x7e: {  	_ =	shalt  }
0x7f: {  	_ =	shalt  }
0x80: {  	_ =	shalt  }
0x81: {  	_ =	shalt  }
0x82: {  	_ =	shalt  }
0x83: {  	_ =	shalt  }
0x84: {  	_ =	shalt  }
0x85: {  	_ =	shalt  }
0x86: {  	_ =	shalt  }
0x87: {  	_ =	shalt  }
.Lfunc_end0:
.L_simem_size_0:
called_computation_lowered:
.L_overlay_start_0:
0x88: {  	s2 =	sld [smem:$0x3FD9]  }
0x89: {  	s3 =	sld [smem:$0x3FFE];
	_ =	sdelay $0x1  }
0x8a: {  	s1 =	srdreg.scid  }
0x8b: {  	s0 =	sand.u32 $0x1, s1  }
0x8c: {  	s14 =	sshll.u32 s0, $0xA;
	s2 =	sadd.s32 s3, s2  }
0x8d: {  	s2 =	sadd.s32 s2, s14  }
0x8e: {  	[smem:$0x3FC6] =	sst s2  }
0x8f: {  	_ = 	snop  }
0x90: {  	s2 =	sld [smem:$0x3FD0];
	_ =	sdelay $0x2  }
0x91: {  	s4 =	simm.s32 $0xA;
	s5 =	simm.s32 $0x10;
	s15 =	sld [smem:$0x3FC9]  }
0x92: {  	[smem:s5], [sflag:s4] =	dma.local [hbm:s2], $0x1  }
0x93: {  	_ =	swait.eq [sflag:s4], $0x1  }
0x94: {  	[sflag:s4] =	ssyncset.done $0x0  }
0x95: {  	s16 =	sld [smem:$0x10];
	[sflag:s4] =	ssyncadd.s32 $0xFFFFFFFF  }
0x96: {  	s17 =	sld [smem:$0x11];
	(tm) =	ssettm $0x1  }
0x97: {  	s18 =	sld [smem:$0x3FFB];
	_ =	sdelay $0x3  }
0x98: {  	_ =	strace s18  }
0x99: {  	s5 =	sld [smem:$0x3FFC];
	_ =	sdelay $0x3  }
0x9a: {  	_ =	strace s5  }
0x9b: {  	s5 =	sld [smem:$0x3FFD];
	_ =	sdelay $0x3  }
0x9c: {  	_ =	strace s5  }
0x9d: {  	_ =	strace $0x8FFFFFFF  }
0x9e: {  	s19 =	sld [smem:$0x3FDB];
	_ =	sdelay $0x1  }
0x9f: {  	s6 =	simm.s32 $_scs_section_size  }
0xa0: {  	s7 =	simm.s32 $_size__tile_overlayer_lowered;
	s8 =	simm.s32 $_tile_overlayer_lowered  }
0xa1: {  	s22 =	simm.s32 $0x1BFF;
	s21 =	sshll.u32 s8, $0x1;
	s5 =	sadd.s32 s6, s19  }
0xa2: {  	s9 =	simm.s32 $0x0;
	s20 =	sshll.u32 s7, $0x1;
	s7 =	sadd.s32 s21, s5  }
0xa3: {  	[timem:s9], [sflag:s22] =	dma.local [hbm:s7], s20  }
0xa4: {  	_ =	swait.ge [sflag:s22], s20  }
0xa5: {  	s6 =	ssub.s32 $0x0, s20;
	[sflag:s22] =	ssyncset.done $0x0  }
0xa6: {  	[sflag:s22] =	ssyncadd.s32 s6;
	_ =	sdelay $0x1  }
0xa7: {  	s23 =	simm.s32 $0x1B8B  }
0xa8: {  	_ =	swait.ge [sflag:s23], $0x1  }
0xa9: {  	[sflag:s23] =	ssyncset.done $0x0  }
0xaa: {  	s25 =	simm.s32 $0x1B8E;
	s24 =	sld [smem:$0x3FFE];
	[sflag:s23] =	ssyncadd.s32 $0xFFFFFFFF  }
0xab: {  	s26 =	simm.s32 $execute0_lowered;
	[smem:$0x3FD2] =	sst s25  }
0xac: {  	s7 =	sshll.u32 s26, $0x1;
	_ =	strace $0x80000046;
	[dreg:$0x1] =	wrdreg $0xFFFFFFFF  }
0xad: {  	s28 =	simm.s32 $_size_execute0_lowered;
	s5 =	sadd.s32 s5, s7;
	[dreg:$0x0] =	wrdreg $0x0  }
0xae: {  	s7 =	sshll.u32 s28, $0x1;
	[dreg:$0x2] =	wrdreg s5  }
0xaf: {  	[dreg:$0x3] =	wrdreg s7  }
0xb0: {  	[dreg:$0x4] =	wrdreg $0xC0  }
0xb1: {  	_ =	task [dreg:s9], $0x5FFFF  }
0xb2: {  	[dreg:$0x1] =	wrdreg $0xFFFFFFFF  }
0xb3: {  	[dreg:$0x0] =	wrdreg $0x60  }
0xb4: {  	[dreg:$0x2] =	wrdreg s15  }
0xb5: {  	[dreg:$0x3] =	wrdreg s17  }
0xb6: {  	[dreg:$0x4] =	wrdreg s16  }
0xb7: {  	[dreg:$0x5] =	wrdreg s24  }
0xb8: {  	[dreg:$0x6] =	wrdreg $0xD4800  }
0xb9: {  	[dreg:$0x7] =	wrdreg $0x1D4800  }
0xba: {  	[dreg:$0x8] =	wrdreg $0x1D6800  }
0xbb: {  	[dreg:$0x9] =	wrdreg $0x1D5800  }
0xbc: {  	[dreg:$0xa] =	wrdreg $0x1D6900  }
0xbd: {  	[dreg:$0xb] =	wrdreg $0x9  }
0xbe: {  	_ =	task.clear_ibuf [dreg:s9], $0xCFFFF;
	_ =	strace $0x90000046  }
0xbf: {  	s29 =	simm.s32 $0x9;
	_ =	strace $0x80000048  }
0xc0: {  	_ =	swait.ge [sflag:s29], $0x1  }
0xc1: {  	[sflag:s29] =	ssyncadd.s32 $0xFFFFFFFF  }
0xc2: {  	_ =	strace $0x90000048  }
0xc3: {  	_ =	sfence  }
0xc4: {  	s30 =	sld [smem:$0x0];
	_ =	sdelay $0x2  }
0xc5: {  	s31 =	sshll.u32 s1, $0xD;
	s1 =	sshrl.u32 s1, $0x2  }
0xc6: {  	s3 =	sand.u32 $0x4000, s31;
	s1 =	sadd.s32 s1, s30  }
0xc7: {  	s0 =	sor.u32 s3, s0;
	s1 =	sshll.u32 s1, $0x11  }
0xc8: {  	s0 =	sor.u32 s1, s0  }
0xc9: {  	s0 =	sadd.s32 $0x8F2B, s0  }
0xca: {  	[sflag:s0] =	ssyncadd.remote.s32 $0x1  }
0xcb: {  	_ =	sfence.sel $0xFFFF  }
0xcc: {  	[dreg:$0x0] =	wrdreg $0xFFFFFFFF;
	(pc) =	sbr.abs _section_cstart, $3  }
0xcd: {  	[dreg:$0x1] =	wrdreg $0xFFFFFFFF  }
0xce: {  	_ =	task.clear_ibuf [dreg:s9], $0x2FFFF;
	_ =	strace $0x9FFFFFFF  }
0xcf: {  	(tm) =	ssettm $0x7FFFFFFF  }
tec
execute0_lowered:
.L_overlay_start_1:
0x0: {  	(tag) =	ssettag $0x1  }
0x1: {  	s0 =	rddreg [dreg:$0x0]  }
0x2: {  	s2 =	rddreg [dreg:$0x1]  }
0x3: {  	s3 =	rddreg [dreg:$0x2]  }
0x4: {  	s4 =	rddreg [dreg:$0x3]  }
0x5: {  	s1 =	rddreg [dreg:$0x4]  }
0x6: {  	s21 =	rddreg [dreg:$0x5]  }
0x7: {  	s22 =	rddreg [dreg:$0x6]  }
0x8: {  	s23 =	rddreg [dreg:$0x7]  }
0x9: {  	s24 =	rddreg [dreg:$0x8];
	s7 =	simm.s32 $0x0;
	s5 =	srdreg.scid  }
0xa: {  	s18 =	stileid.u32;
	[smem:$0x7FF] =	sst s7;
	s5 =	sand.u32 $0x1, s5  }
0xb: {  	s6 =	sshll.u32 s18, $0xC;
	s9 =	sshll.u32 s18, $0xF;
	s20 =	sshll.u32 s18, $0x8  }
0xc: {  	s26 =	sshll.u32 s18, $0x6;
	s13 =	sshll.u32 s18, $0xB;
	s15 =	sadd.s32 $0x10, s0  }
0xd: {  	s18 =	sshll.u32 s18, $0xA;
	_ =	strace $0x80000047;
	s11 =	sshll.u32 s5, $0x10  }
0xe: {  	s5 =	ssub.s32 $0x2, s5;
	s17 =	sor.u32 $0x20, s26;
	s16 =	sadd.s32 s0, s13  }
0xf: {  	s13 =	sadd.s32 s13, s15;
	[dreg:$0xa] =	wrdreg s26;
	s26 =	sshrl.u32 s26, $0x2  }
0x10: {  	s8 =	sor.u32 s6, s11;
	s10 =	sshrl.u32 s5, $0x1;
	[dreg:$0xb] =	wrdreg s16  }
0x11: {  	s16 =	sshll.u32 s17, $0x5;
	s25 =	sshll.u32 s17, $0x4;
	s11 =	ssub.s32 $0x0, s11  }
0x12: {  	s19 =	sshrl.u32 s8, $0x3;
	s8 =	sadd.s32 s9, s1;
	s5 =	ssub.s32 s5, s10  }
0x13: {  	s14 =	sadd.s32 s0, s16;
	s15 =	sadd.s32 s16, s15;
	s16 =	sadd.s32 s2, s18  }
0x14: {  	s17 =	sadd.s32 s2, s25;
	s18 =	sadd.s32 s20, s21;
	s0 =	sadd.s32 s26, s22  }
0x15: {  	s1 =	sadd.s32 s20, s23;
	s2 =	sadd.s32 s6, s24;
	[dreg:$0xc] =	wrdreg s0  }
0x16: {  	v0 =	vimm.s32 $0xEDCBA987;
	s4 =	sadd.s32 s19, s4;
	s10 =	sadd.s32 $0x1000, s8;
	[dreg:$0xd] =	wrdreg s1  }
0x17: {  	v2 =	vimm.s32 $0x65432100;
	v5 =	vimm.s32 $0xDCBA9876;
	v1 =	vunpack.c.l.s4.s8 v0;
	s12 =	sadd.s32 $0x2000, s8;
	s3 =	sadd.s32 s3, s19;
	[dreg:$0xe] =	wrdreg s2  }
0x18: {  	v8 =	vimm.s32 $0xE40000;
	v9 =	vimm.s32 $0x32100000;
	v3 =	vunpack.c.l.s4.s8 v2;
	s0 =	sadd.s32 $0x11000, s2;
	s6 =	smax.u32 s5, $0x1;
	[dreg:$0xf] =	wrdreg s3  }
0x19: {  	vm0 =	vmmov $0x3;
	v5 =	vunpack.c.l.s4.s8 v5;
	v4 =	vunpack.c.0.s8.s32 v1;
	s26 =	sadd.s32 $0x3000, s8;
	s9 =	sadd.s32 $0x80000, s8;
	[dreg:$0x11] =	wrdreg s6  }
0x1a: {  	v6 =	vunpack.c.0.s8.s32 v3;
	v3 =	vimm.s32 $0x54321000;
	v0 =	vmov s11;
	s28 =	sadd.s32 $0x4000, s8;
	s11 =	sadd.s32 $0x81000, s8;
	[dreg:$0x13] =	wrdreg s9  }
0x1b: {  	v5 =	vunpack.c.0.s8.s32 v5;
	v7 =	vunpack.c.l.s4.s8 v3;
	v4 =	vand.u32 $0xF, v4;
	s29 =	sadd.s32 $0x5000, s8;
	s19 =	sadd.s32 $0x82000, s8;
	[dreg:$0x14] =	wrdreg s11  }
0x1c: {  	vm2 =	vcmask $0x3F30;
	s30 =	sadd.s32 $0x6000, s8;
	s20 =	sadd.s32 $0x83000, s8;
	v4 =	vcombine.low v6, v4;
	v6 =	vunpack.c.l.s2.s4 v8;
	[dreg:$0x15] =	wrdreg s19  }
0x1d: {  	s31 =	sadd.s32 $0x7000, s8;
	s22 =	sadd.s32 $0x84000, s8;
	v7 =	vunpack.c.0.s8.s32 v7;
	v8 =	vand.u32 $0xF, v5;
	v5 =	vimm.s32 $0xBA987654;
	[dreg:$0x16] =	wrdreg s20  }
0x1e: {  	vm1 =	vmmov $0xf;
	s23 =	sadd.s32 $0x85000, s8;
	s24 =	sadd.s32 $0x86000, s8;
	[dreg:$0x17] =	wrdreg s22;
	v10 =	vunpack.c.l.s4.s8 v5;
	v11 =	vunpack.c.l.s4.s8 v6  }
0x1f: {  	v2 =	vimm.f32 $0.0e+00;
	s25 =	sadd.s32 $0x87000, s8;
	s2 =	simm.s32 $0x6000;
	[dreg:$0x18] =	wrdreg s23;
	v6 =	vcombine.low v7, v8;
	v7 =	vunpack.c.l.s4.s8 v9  }
0x20: {  	s4 =	sadd.s32 $0x1000, s4;
	s0 =	sshrl.u32 s0, $0x3;
	[dreg:$0x19] =	wrdreg s24;
	v9 =	vimm.s32 $0x7060504;
	v8 =	vunpack.c.0.s8.s32 v10;
	v10 =	vunpack.c.0.s8.s32 v11  }
0x21: {  	v1 =	vimm.s32 $0x0;
	[dreg:$0x1a] =	wrdreg s25;
	s22 =	simm.s32 $0x5000;
	s23 =	simm.s32 $0x2;
	v9 =	vunpack.c.0.s8.s32 v9;
	v7 =	vunpack.c.0.s8.s32 v7  }
0x22: {  	v3 =	vimm.s32 $0x1;
	s24 =	simm.s32 $0x80;
	s25 =	simm.s32 $0x100;
	s6 =	simm.s32 $0x2000;
	v8 =	vand.u32 $0xF, v8;
	v10 =	vand.u32 $0x3, v10  }
0x23: {  	s9 =	simm.s32 $0xB000;
	s19 =	simm.s32 $0xC000;
	[dreg:$0x10] =	wrdreg s4;
	v5 =	vlaneseq.u32;
	v7 =	vcombine.low v7, v8;
	v8 =	vsel vm2, v9, v10  }
0x24: {  	s3 =	simm.s32 $0x1;
	[dreg:$0x12] =	wrdreg s0;
	s0 =	simm.s32 $0x1000;
	vm2 =	vmmov $0xff;
	v9 =	vimm.s32 $0xF;
	v10 =	vimm.s32 $0xFFFFFFFF  }
.LBB2_1:
0x25: {  	s4 =	simm.s32 $0x40;
	s5 =	simm.s32 $0x0  }
.LBB2_2:
0x26: {  	p0 =	sne.s32 s4, $0x3FC0;
	[tilespmem:s5+$0x5000] =	vst v1;
	s5 =	smov.u32 s4;
	s4 =	sadd.s32 $0x40, s4  }
.Ltmp0:
0x27: {  	(pc) =	sbr.rel @p0 .LBB2_2-.Ltmp0, $2  }
0x28: {  	_ =	sdelay $0x2  }
0x29: {  	s5 =	sshra.s32 s5, $0x2  }
0x2a: {  	[tilespmem:s5+$0x5000] =	vst v1  }
0x2b: {  	[tilespmem:$0xD280] =	vst v2  }
0x2c: {  	[tilespmem:$0xD290] =	vst v2  }
0x2d: {  	[tilespmem:$0xD2A0] =	vst v2  }
0x2e: {  	[tilespmem:$0xD2B0] =	vst v2  }
0x2f: {  	[tilespmem:$0xD2C0] =	vst v2  }
0x30: {  	[tilespmem:$0xD2D0] =	vst v2  }
0x31: {  	[tilespmem:$0xD2E0] =	vst v2  }
0x32: {  	[tilespmem:$0xD2F0] =	vst v2  }
0x33: {  	[tilespmem:$0xD300] =	vst v2  }
0x34: {  	[tilespmem:$0xD310] =	vst v2  }
0x35: {  	[tilespmem:$0xD320] =	vst v2  }
0x36: {  	[tilespmem:$0xD330] =	vst v2  }
0x37: {  	[tilespmem:$0xD340] =	vst v2  }
0x38: {  	[tilespmem:$0xD350] =	vst v2  }
0x39: {  	[tilespmem:$0xD360] =	vst v2  }
0x3a: {  	[tilespmem:$0xD370] =	vst v2  }
0x3b: {  	[spmem:s8] =	stream.linear.scatter [tilespmem:s22], [sflag:$0x2], $0x1000, $0x38;
	[tilespmem:$0x1F890] =	vst v63  }
0x3c: {  	_ =	swait.ge [sflag:s23], $0x1000  }
0x3d: {  	[sflag:s23] =	ssyncset.done $0x0  }
0x3e: {  	[sflag:s23] =	ssyncadd.s32 $0xFFFFF000  }
0x3f: {  	[spmem:s10] =	stream.linear.scatter [tilespmem:s22], [sflag:$0x2], $0x1000, $0x38;
	[tilespmem:$0x1F890] =	vst v63  }
0x40: {  	_ =	swait.ge [sflag:s23], $0x1000  }
0x41: {  	[sflag:s23] =	ssyncset.done $0x0  }
0x42: {  	[sflag:s23] =	ssyncadd.s32 $0xFFFFF000  }
0x43: {  	[spmem:s12] =	stream.linear.scatter [tilespmem:s22], [sflag:$0x2], $0x1000, $0x38;
	[tilespmem:$0x1F890] =	vst v63  }
0x44: {  	_ =	swait.ge [sflag:s23], $0x1000  }
0x45: {  	[sflag:s23] =	ssyncset.done $0x0  }
0x46: {  	[sflag:s23] =	ssyncadd.s32 $0xFFFFF000  }
0x47: {  	[spmem:s26] =	stream.linear.scatter [tilespmem:s22], [sflag:$0x2], $0x1000, $0x38;
	[tilespmem:$0x1F890] =	vst v63  }
0x48: {  	_ =	swait.ge [sflag:s23], $0x1000  }
0x49: {  	[sflag:s23] =	ssyncset.done $0x0  }
0x4a: {  	[sflag:s23] =	ssyncadd.s32 $0xFFFFF000  }
0x4b: {  	[spmem:s28] =	stream.linear.scatter [tilespmem:s22], [sflag:$0x2], $0x1000, $0x38;
	[tilespmem:$0x1F890] =	vst v63  }
0x4c: {  	_ =	swait.ge [sflag:s23], $0x1000  }
0x4d: {  	[sflag:s23] =	ssyncset.done $0x0  }
0x4e: {  	[sflag:s23] =	ssyncadd.s32 $0xFFFFF000  }
0x4f: {  	[spmem:s29] =	stream.linear.scatter [tilespmem:s22], [sflag:$0x2], $0x1000, $0x38;
	[tilespmem:$0x1F890] =	vst v63  }
0x50: {  	_ =	swait.ge [sflag:s23], $0x1000  }
0x51: {  	[sflag:s23] =	ssyncset.done $0x0  }
0x52: {  	[sflag:s23] =	ssyncadd.s32 $0xFFFFF000  }
0x53: {  	[spmem:s30] =	stream.linear.scatter [tilespmem:s22], [sflag:$0x2], $0x1000, $0x38;
	[tilespmem:$0x1F890] =	vst v63  }
0x54: {  	_ =	swait.ge [sflag:s23], $0x1000  }
0x55: {  	[sflag:s23] =	ssyncset.done $0x0  }
0x56: {  	[sflag:s23] =	ssyncadd.s32 $0xFFFFF000  }
0x57: {  	[spmem:s31] =	stream.linear.scatter [tilespmem:s22], [sflag:$0x2], $0x1000, $0x38;
	[tilespmem:$0x1F890] =	vst v63  }
0x58: {  	_ =	swait.ge [sflag:s23], $0x1000  }
0x59: {  	[sflag:s23] =	ssyncset.done $0x0  }
0x5a: {  	s1 =	simm.s32 $0xD280;
	[sflag:s23] =	ssyncadd.s32 $0xFFFFF000  }
0x5b: {  	[spmem:s18] =	stream.linear.scatter [tilespmem:s1], [sflag:$0x2], $0x100, $0x38;
	[tilespmem:$0x1F890] =	vst v63  }
0x5c: {  	_ =	swait.ge [sflag:s23], $0x100  }
0x5d: {  	[sflag:s23] =	ssyncset.done $0x0  }
0x5e: {  	[sflag:s23] =	ssyncadd.s32 $0xFFFFFF00  }
0x5f: {  	[bflag:$0x0] =	sbarrier.arrive $0xFFFF  }
0x60: {  	s4 =	simm.s32 $0x0;
	s20 =	rddreg [dreg:$0xb]  }
0x61: {  	[tilespmem:s4], [sflag:$0x2] =	stream.strided.gather [hbm4b:s20+s24], $0x1000, s25, s24, $0x38;
	[tilespmem:$0x1F890] =	vst v63  }
0x62: {  	_ =	swait.ge [sflag:s23], $0x1000  }
0x63: {  	[sflag:s23] =	ssyncset.done $0x0  }
0x64: {  	[sflag:s23] =	ssyncadd.s32 $0xFFFFF000  }
0x65: {  	[tilespmem:s0], [sflag:$0x2] =	stream.strided.gather [hbm4b:s13+s24], $0x1000, s25, s24, $0x38;
	[tilespmem:$0x1F890] =	vst v63  }
0x66: {  	_ =	swait.ge [sflag:s23], $0x1000  }
0x67: {  	[sflag:s23] =	ssyncset.done $0x0  }
0x68: {  	[sflag:s23] =	ssyncadd.s32 $0xFFFFF000  }
0x69: {  	[tilespmem:s6], [sflag:$0x2] =	stream.linear.gather [hbm4b:s16+s4], $0x1000, $0x38;
	[tilespmem:$0x1F890] =	vst v63  }
0x6a: {  	_ =	swait.ge [sflag:s23], $0x1000  }
0x6b: {  	[sflag:s23] =	ssyncset.done $0x0  }
0x6c: {  	s4 =	simm.s32 $0x0;
	[sflag:s23] =	ssyncadd.s32 $0xFFFFF000  }
0x6d: {  	v11 =	vld [tilespmem:s4+$0x1000]  }
0x6e: {  	v12 =	vld [tilespmem:s4+$0x0]  }
0x6f: {  	s5 =	simm.s32 $0x40  }
.LBB2_4:
0x70: {  	p0 =	sne.s32 s5, $0x3FC0  }
.Ltmp1:
0x71: {  	_ = 	snop;
	(pc) =	sbr.rel @p0 .LBB2_4-.Ltmp1, $4  }
0x72: {  	s11 =	sshra.s32 s5, $0x2;
	v14 =	vand.u32 $0x1F, v11  }
0x73: {  	v13 =	vshrl.u32 v11, $0x5;
	v11 =	vld [tilespmem:s11+$0x1000];
	v15 =	vshll.u32 v12, $0x7;
	v14 =	vshll.u32 v3, v14  }
0x74: {  	v12 =	vld [tilespmem:s11+$0x0];
	v13 =	vadd.s32 v15, v13;
	[tilespmem:s4+$0xC000] =	vst v14  }
0x75: {  	s5 =	sadd.s32 $0x40, s5;
	[tilespmem:s4+$0xB000] =	vst v13;
	s4 =	smov.u32 s11  }
0x76: {  	_ =	sdelay $0x1  }
0x77: {  	v13 =	vand.u32 $0x1F, v11  }
0x78: {  	v11 =	vshrl.u32 v11, $0x5;
	v12 =	vshll.u32 v12, $0x7;
	v13 =	vshll.u32 v3, v13  }
0x79: {  	v11 =	vadd.s32 v12, v11;
	[tilespmem:s4+$0xC000] =	vst v13  }
0x7a: {  	s1 =	rddreg [dreg:$0x4];
	[tilespmem:s4+$0xB000] =	vst v11  }
0x7b: {  	[spmem:s1] =	stream.indirect.scatter.add.s32 [tilespmem:s19], [sflag:$0x1], $0x1, s9, s0, $0xb8;
	[tilespmem:$0x1F890] =	vst v63  }
0x7c: {  	s20 =	simm.s32 $0x0  }
0x7d: {  	[spmem:s21] =	stream.indirect.scatter.add.f32 [tilespmem:s6], [sflag:$0x1], $0x1, s20, s0, $0xb8;
	[tilespmem:$0x1F890] =	vst v63  }
0x7e: {  	_ =	swait.ge [sflag:s3], $0x1000  }
0x7f: {  	[sflag:s3] =	ssyncset.done $0x0  }
0x80: {  	[sflag:s3] =	ssyncadd.s32 $0xFFFFF000  }
0x81: {  	_ =	swait.ge [sflag:s3], $0x1000  }
0x82: {  	[sflag:s3] =	ssyncset.done $0x0  }
0x83: {  	[sflag:s3] =	ssyncadd.s32 $0xFFFFF000  }
0x84: {  	[tilespmem:s20], [sflag:$0x2] =	stream.strided.gather [hbm4b:s14+s24], $0x1000, s25, s24, $0x38;
	[tilespmem:$0x1F890] =	vst v63  }
0x85: {  	_ =	swait.ge [sflag:s23], $0x1000  }
0x86: {  	[sflag:s23] =	ssyncset.done $0x0  }
0x87: {  	[sflag:s23] =	ssyncadd.s32 $0xFFFFF000  }
0x88: {  	[tilespmem:s0], [sflag:$0x2] =	stream.strided.gather [hbm4b:s15+s24], $0x1000, s25, s24, $0x38;
	[tilespmem:$0x1F890] =	vst v63  }
0x89: {  	_ =	swait.ge [sflag:s23], $0x1000  }
0x8a: {  	[sflag:s23] =	ssyncset.done $0x0  }
0x8b: {  	[sflag:s23] =	ssyncadd.s32 $0xFFFFF000  }
0x8c: {  	[tilespmem:s6], [sflag:$0x2] =	stream.linear.gather [hbm4b:s17+s20], $0x1000, $0x38;
	[tilespmem:$0x1F890] =	vst v63  }
0x8d: {  	_ =	swait.ge [sflag:s23], $0x1000  }
0x8e: {  	[sflag:s23] =	ssyncset.done $0x0  }
0x8f: {  	s4 =	simm.s32 $0x0;
	[sflag:s23] =	ssyncadd.s32 $0xFFFFF000  }
0x90: {  	v11 =	vld [tilespmem:s4+$0x1000]  }
0x91: {  	v12 =	vld [tilespmem:s4+$0x0]  }
0x92: {  	s5 =	simm.s32 $0x40  }
.LBB2_6:
0x93: {  	p0 =	sne.s32 s5, $0x3FC0  }
.Ltmp2:
0x94: {  	_ = 	snop;
	(pc) =	sbr.rel @p0 .LBB2_6-.Ltmp2, $4  }
0x95: {  	s11 =	sshra.s32 s5, $0x2;
	v14 =	vand.u32 $0x1F, v11  }
0x96: {  	v13 =	vshrl.u32 v11, $0x5;
	v11 =	vld [tilespmem:s11+$0x1000];
	v15 =	vshll.u32 v12, $0x7;
	v14 =	vshll.u32 v3, v14  }
0x97: {  	v12 =	vld [tilespmem:s11+$0x0];
	v13 =	vadd.s32 v15, v13;
	[tilespmem:s4+$0xC000] =	vst v14  }
0x98: {  	s5 =	sadd.s32 $0x40, s5;
	[tilespmem:s4+$0xB000] =	vst v13;
	s4 =	smov.u32 s11  }
0x99: {  	_ =	sdelay $0x1  }
0x9a: {  	v13 =	vand.u32 $0x1F, v11  }
0x9b: {  	v11 =	vshrl.u32 v11, $0x5;
	v12 =	vshll.u32 v12, $0x7;
	v13 =	vshll.u32 v3, v13  }
0x9c: {  	v11 =	vadd.s32 v12, v11;
	[tilespmem:s4+$0xC000] =	vst v13  }
0x9d: {  	s1 =	rddreg [dreg:$0x4];
	[tilespmem:s4+$0xB000] =	vst v11  }
0x9e: {  	[spmem:s1] =	stream.indirect.scatter.add.s32 [tilespmem:s19], [sflag:$0x1], $0x1, s9, s0, $0xb8;
	[tilespmem:$0x1F890] =	vst v63  }
0x9f: {  	s4 =	simm.s32 $0x0  }
0xa0: {  	[spmem:s21] =	stream.indirect.scatter.add.f32 [tilespmem:s6], [sflag:$0x1], $0x1, s4, s0, $0xb8;
	[tilespmem:$0x1F890] =	vst v63  }
0xa1: {  	_ =	swait.ge [sflag:s3], $0x1000  }
0xa2: {  	[sflag:s3] =	ssyncset.done $0x0  }
0xa3: {  	[sflag:s3] =	ssyncadd.s32 $0xFFFFF000  }
0xa4: {  	_ =	swait.ge [sflag:s3], $0x1000  }
0xa5: {  	[sflag:s3] =	ssyncset.done $0x0  }
0xa6: {  	[sflag:s3] =	ssyncadd.s32 $0xFFFFF000  }
0xa7: {  	s5 =	simm.s32 $0x5000;
	[bflag:$0x0] =	sbarrier.arrive $0xFFFF  }
0xa8: {  	[tilespmem:s5], [sflag:$0x2] =	stream.linear.gather [spmem:s8], $0x1000, $0x38;
	[tilespmem:$0x1F890] =	vst v63  }
0xa9: {  	_ =	swait.ge [sflag:s23], $0x1000  }
0xaa: {  	[sflag:s23] =	ssyncset.done $0x0  }
0xab: {  	[sflag:s23] =	ssyncadd.s32 $0xFFFFF000  }
0xac: {  	v11 =	vimm.s32 $0x0;
	s19 =	simm.s32 $0x10;
	v12 =	vld [tilespmem:s5+$0x0]  }
.LBB2_8:
0xad: {  	p0 =	sne.s32 s19, $0xFF0;
	_ =	sdelay $0x3  }
0xae: {  	v13 =	vshrl.u32 v12, $0x1  }
0xaf: {  	v13 =	vand.u32 $0x55555555, v13  }
0xb0: {  	v12 =	vsub.s32 v12, v13  }
0xb1: {  	v13 =	vshrl.u32 v12, $0x2  }
0xb2: {  	v12 =	vand.u32 $0x33333333, v12;
	v13 =	vand.u32 $0x33333333, v13  }
0xb3: {  	v12 =	vadd.s32 v12, v13  }
0xb4: {  	v13 =	vshrl.u32 v12, $0x4  }
0xb5: {  	v12 =	vadd.s32 v12, v13  }
0xb6: {  	v12 =	vand.u32 $0xF0F0F0F, v12  }
0xb7: {  	v13 =	vshrl.u32 v12, $0x8  }
0xb8: {  	v14 =	vshrl.u32 v12, $0x10;
	v13 =	vadd.s32 v12, v13  }
0xb9: {  	v12 =	vshrl.u32 v12, $0x18;
	v13 =	vadd.s32 v14, v13  }
0xba: {  	v12 =	vadd.s32 v12, v13  }
0xbb: {  	v12 =	vand.u32 $0x3F, v12  }
0xbc: {  	v13 =	vperm.xlane v12, v4;
	v14 =	vsub.s32 v11, v12  }
0xbd: {  	vm3 =	veq.s32 v5, $0x0  }
0xbe: {  	v13 =	vsel vm3, $0x0, v13  }
0xbf: {  	v12 =	vadd.s32 v13, v12  }
0xc0: {  	v13 =	vperm.xlane v12, v6;
	_ =	sdelay $0x1  }
0xc1: {  	v13 =	vsel vm0, $0x0, v13  }
0xc2: {  	v12 =	vadd.s32 v13, v12  }
0xc3: {  	v13 =	vperm.xlane v12, v7;
	_ =	sdelay $0x1  }
0xc4: {  	v13 =	vsel vm1, $0x0, v13  }
0xc5: {  	v12 =	vadd.s32 v13, v12  }
0xc6: {  	v13 =	vperm.xlane v12, v8;
	_ =	sdelay $0x1  }
.Ltmp3:
0xc7: {  	v13 =	vsel vm2, $0x0, v13;
	(pc) =	sbr.rel @p0 .LBB2_8-.Ltmp3, $4  }
0xc8: {  	v12 =	vadd.s32 v13, v12  }
0xc9: {  	s11 =	sand.u32 $0xFF0, s4;
	s4 =	smov.u32 s19;
	v13 =	vadd.s32 v12, v14;
	v14 =	vperm.xlane v12, v9  }
0xca: {  	s5 =	sadd.s32 $0x10, s5;
	[tilespmem:s11+$0x6000] =	vst v13  }
0xcb: {  	s19 =	sadd.s32 $0x10, s19;
	v12 =	vld [tilespmem:s5+$0x0];
	v11 =	vadd.s32 v11, v14  }
0xcc: {  	_ =	sdelay $0x3  }
0xcd: {  	v13 =	vshrl.u32 v12, $0x1  }
0xce: {  	v13 =	vand.u32 $0x55555555, v13  }
0xcf: {  	v12 =	vsub.s32 v12, v13  }
0xd0: {  	v13 =	vshrl.u32 v12, $0x2  }
0xd1: {  	v12 =	vand.u32 $0x33333333, v12;
	v13 =	vand.u32 $0x33333333, v13  }
0xd2: {  	v12 =	vadd.s32 v12, v13  }
0xd3: {  	v13 =	vshrl.u32 v12, $0x4  }
0xd4: {  	v12 =	vadd.s32 v12, v13  }
0xd5: {  	v12 =	vand.u32 $0xF0F0F0F, v12  }
0xd6: {  	v13 =	vshrl.u32 v12, $0x8  }
0xd7: {  	v14 =	vshrl.u32 v12, $0x10;
	v13 =	vadd.s32 v12, v13  }
0xd8: {  	v12 =	vshrl.u32 v12, $0x18;
	v13 =	vadd.s32 v14, v13  }
0xd9: {  	v12 =	vadd.s32 v12, v13  }
0xda: {  	v12 =	vand.u32 $0x3F, v12  }
0xdb: {  	v13 =	vperm.xlane v12, v4;
	_ =	sdelay $0x1  }
0xdc: {  	v13 =	vsel vm3, $0x0, v13  }
0xdd: {  	v13 =	vadd.s32 v13, v12  }
0xde: {  	v14 =	vperm.xlane v13, v6;
	_ =	sdelay $0x1  }
0xdf: {  	v14 =	vsel vm0, $0x0, v14  }
0xe0: {  	v13 =	vadd.s32 v14, v13  }
0xe1: {  	v14 =	vperm.xlane v13, v7;
	_ =	sdelay $0x1  }
0xe2: {  	v14 =	vsel vm1, $0x0, v14  }
0xe3: {  	v13 =	vadd.s32 v14, v13  }
0xe4: {  	v14 =	vperm.xlane v13, v8;
	_ =	sdelay $0x1  }
0xe5: {  	v14 =	vsel vm2, $0x0, v14  }
0xe6: {  	v12 =	vsub.s32 v11, v12;
	v13 =	vadd.s32 v14, v13  }
0xe7: {  	s4 =	sand.u32 $0xFF0, s4;
	v12 =	vadd.s32 v13, v12  }
0xe8: {  	s1 =	rddreg [dreg:$0x13];
	[tilespmem:s4+$0x6000] =	vst v12  }
0xe9: {  	[spmem:s1] =	stream.linear.scatter [tilespmem:s2], [sflag:$0x2], $0x1000, $0x38;
	[tilespmem:$0x1F890] =	vst v63  }
0xea: {  	_ =	swait.ge [sflag:s23], $0x1000  }
0xeb: {  	[sflag:s23] =	ssyncset.done $0x0  }
0xec: {  	s5 =	simm.s32 $0x5000;
	[sflag:s23] =	ssyncadd.s32 $0xFFFFF000  }
0xed: {  	[tilespmem:s5], [sflag:$0x2] =	stream.linear.gather [spmem:s10], $0x1000, $0x38;
	[tilespmem:$0x1F890] =	vst v63  }
0xee: {  	_ =	swait.ge [sflag:s23], $0x1000  }
0xef: {  	v12 =	vperm.xlane v13, v9;
	[sflag:s23] =	ssyncset.done $0x0  }
0xf0: {  	[sflag:s23] =	ssyncadd.s32 $0xFFFFF000  }
0xf1: {  	s19 =	simm.s32 $0x10;
	s4 =	simm.s32 $0x0;
	v11 =	vadd.s32 v11, v12;
	v12 =	vld [tilespmem:s5+$0x0]  }
.LBB2_10:
0xf2: {  	p0 =	sne.s32 s19, $0xFF0;
	_ =	sdelay $0x3  }
0xf3: {  	v13 =	vshrl.u32 v12, $0x1  }
0xf4: {  	v13 =	vand.u32 $0x55555555, v13  }
0xf5: {  	v12 =	vsub.s32 v12, v13  }
0xf6: {  	v13 =	vshrl.u32 v12, $0x2  }
0xf7: {  	v12 =	vand.u32 $0x33333333, v12;
	v13 =	vand.u32 $0x33333333, v13  }
0xf8: {  	v12 =	vadd.s32 v12, v13  }
0xf9: {  	v13 =	vshrl.u32 v12, $0x4  }
0xfa: {  	v12 =	vadd.s32 v12, v13  }
0xfb: {  	v12 =	vand.u32 $0xF0F0F0F, v12  }
0xfc: {  	v13 =	vshrl.u32 v12, $0x8  }
0xfd: {  	v14 =	vshrl.u32 v12, $0x10;
	v13 =	vadd.s32 v12, v13  }
0xfe: {  	v12 =	vshrl.u32 v12, $0x18;
	v13 =	vadd.s32 v14, v13  }
0xff: {  	v12 =	vadd.s32 v12, v13  }
0x100: {  	v12 =	vand.u32 $0x3F, v12  }
0x101: {  	v13 =	vperm.xlane v12, v4;
	v14 =	vsub.s32 v11, v12  }
0x102: {  	vm3 =	veq.s32 v5, $0x0  }
0x103: {  	v13 =	vsel vm3, $0x0, v13  }
0x104: {  	v12 =	vadd.s32 v13, v12  }
0x105: {  	v13 =	vperm.xlane v12, v6;
	_ =	sdelay $0x1  }
0x106: {  	v13 =	vsel vm0, $0x0, v13  }
0x107: {  	v12 =	vadd.s32 v13, v12  }
0x108: {  	v13 =	vperm.xlane v12, v7;
	_ =	sdelay $0x1  }
0x109: {  	v13 =	vsel vm1, $0x0, v13  }
0x10a: {  	v12 =	vadd.s32 v13, v12  }
0x10b: {  	v13 =	vperm.xlane v12, v8;
	_ =	sdelay $0x1  }
.Ltmp4:
0x10c: {  	v13 =	vsel vm2, $0x0, v13;
	(pc) =	sbr.rel @p0 .LBB2_10-.Ltmp4, $4  }
0x10d: {  	v12 =	vadd.s32 v13, v12  }
0x10e: {  	s11 =	sand.u32 $0xFF0, s4;
	s4 =	smov.u32 s19;
	v13 =	vadd.s32 v12, v14;
	v14 =	vperm.xlane v12, v9  }
0x10f: {  	s5 =	sadd.s32 $0x10, s5;
	[tilespmem:s11+$0x6000] =	vst v13  }
0x110: {  	s19 =	sadd.s32 $0x10, s19;
	v12 =	vld [tilespmem:s5+$0x0];
	v11 =	vadd.s32 v11, v14  }
0x111: {  	_ =	sdelay $0x3  }
0x112: {  	v13 =	vshrl.u32 v12, $0x1  }
0x113: {  	v13 =	vand.u32 $0x55555555, v13  }
0x114: {  	v12 =	vsub.s32 v12, v13  }
0x115: {  	v13 =	vshrl.u32 v12, $0x2  }
0x116: {  	v12 =	vand.u32 $0x33333333, v12;
	v13 =	vand.u32 $0x33333333, v13  }
0x117: {  	v12 =	vadd.s32 v12, v13  }
0x118: {  	v13 =	vshrl.u32 v12, $0x4  }
0x119: {  	v12 =	vadd.s32 v12, v13  }
0x11a: {  	v12 =	vand.u32 $0xF0F0F0F, v12  }
0x11b: {  	v13 =	vshrl.u32 v12, $0x8  }
0x11c: {  	v14 =	vshrl.u32 v12, $0x10;
	v13 =	vadd.s32 v12, v13  }
0x11d: {  	v12 =	vshrl.u32 v12, $0x18;
	v13 =	vadd.s32 v14, v13  }
0x11e: {  	v12 =	vadd.s32 v12, v13  }
0x11f: {  	v12 =	vand.u32 $0x3F, v12  }
0x120: {  	v13 =	vperm.xlane v12, v4;
	_ =	sdelay $0x1  }
0x121: {  	v13 =	vsel vm3, $0x0, v13  }
0x122: {  	v13 =	vadd.s32 v13, v12  }
0x123: {  	v14 =	vperm.xlane v13, v6;
	_ =	sdelay $0x1  }
0x124: {  	v14 =	vsel vm0, $0x0, v14  }
0x125: {  	v13 =	vadd.s32 v14, v13  }
0x126: {  	v14 =	vperm.xlane v13, v7;
	_ =	sdelay $0x1  }
0x127: {  	v14 =	vsel vm1, $0x0, v14  }
0x128: {  	v13 =	vadd.s32 v14, v13  }
0x129: {  	v14 =	vperm.xlane v13, v8;
	_ =	sdelay $0x1  }
0x12a: {  	v14 =	vsel vm2, $0x0, v14  }
0x12b: {  	v12 =	vsub.s32 v11, v12;
	v13 =	vadd.s32 v14, v13  }
0x12c: {  	s4 =	sand.u32 $0xFF0, s4;
	v12 =	vadd.s32 v13, v12  }
0x12d: {  	s1 =	rddreg [dreg:$0x14];
	[tilespmem:s4+$0x6000] =	vst v12  }
0x12e: {  	[spmem:s1] =	stream.linear.scatter [tilespmem:s2], [sflag:$0x2], $0x1000, $0x38;
	[tilespmem:$0x1F890] =	vst v63  }
0x12f: {  	_ =	swait.ge [sflag:s23], $0x1000  }
0x130: {  	[sflag:s23] =	ssyncset.done $0x0  }
0x131: {  	s5 =	simm.s32 $0x5000;
	[sflag:s23] =	ssyncadd.s32 $0xFFFFF000  }
0x132: {  	[tilespmem:s5], [sflag:$0x2] =	stream.linear.gather [spmem:s12], $0x1000, $0x38;
	[tilespmem:$0x1F890] =	vst v63  }
0x133: {  	_ =	swait.ge [sflag:s23], $0x1000  }
0x134: {  	v12 =	vperm.xlane v13, v9;
	[sflag:s23] =	ssyncset.done $0x0  }
0x135: {  	[sflag:s23] =	ssyncadd.s32 $0xFFFFF000  }
0x136: {  	s19 =	simm.s32 $0x10;
	s4 =	simm.s32 $0x0;
	v11 =	vadd.s32 v11, v12;
	v12 =	vld [tilespmem:s5+$0x0]  }
.LBB2_12:
0x137: {  	p0 =	sne.s32 s19, $0xFF0;
	_ =	sdelay $0x3  }
0x138: {  	v13 =	vshrl.u32 v12, $0x1  }
0x139: {  	v13 =	vand.u32 $0x55555555, v13  }
0x13a: {  	v12 =	vsub.s32 v12, v13  }
0x13b: {  	v13 =	vshrl.u32 v12, $0x2  }
0x13c: {  	v12 =	vand.u32 $0x33333333, v12;
	v13 =	vand.u32 $0x33333333, v13  }
0x13d: {  	v12 =	vadd.s32 v12, v13  }
0x13e: {  	v13 =	vshrl.u32 v12, $0x4  }
0x13f: {  	v12 =	vadd.s32 v12, v13  }
0x140: {  	v12 =	vand.u32 $0xF0F0F0F, v12  }
0x141: {  	v13 =	vshrl.u32 v12, $0x8  }
0x142: {  	v14 =	vshrl.u32 v12, $0x10;
	v13 =	vadd.s32 v12, v13  }
0x143: {  	v12 =	vshrl.u32 v12, $0x18;
	v13 =	vadd.s32 v14, v13  }
0x144: {  	v12 =	vadd.s32 v12, v13  }
0x145: {  	v12 =	vand.u32 $0x3F, v12  }
0x146: {  	v13 =	vperm.xlane v12, v4;
	v14 =	vsub.s32 v11, v12  }
0x147: {  	vm3 =	veq.s32 v5, $0x0  }
0x148: {  	v13 =	vsel vm3, $0x0, v13  }
0x149: {  	v12 =	vadd.s32 v13, v12  }
0x14a: {  	v13 =	vperm.xlane v12, v6;
	_ =	sdelay $0x1  }
0x14b: {  	v13 =	vsel vm0, $0x0, v13  }
0x14c: {  	v12 =	vadd.s32 v13, v12  }
0x14d: {  	v13 =	vperm.xlane v12, v7;
	_ =	sdelay $0x1  }
0x14e: {  	v13 =	vsel vm1, $0x0, v13  }
0x14f: {  	v12 =	vadd.s32 v13, v12  }
0x150: {  	v13 =	vperm.xlane v12, v8;
	_ =	sdelay $0x1  }
.Ltmp5:
0x151: {  	v13 =	vsel vm2, $0x0, v13;
	(pc) =	sbr.rel @p0 .LBB2_12-.Ltmp5, $4  }
0x152: {  	v12 =	vadd.s32 v13, v12  }
0x153: {  	s11 =	sand.u32 $0xFF0, s4;
	s4 =	smov.u32 s19;
	v13 =	vadd.s32 v12, v14;
	v14 =	vperm.xlane v12, v9  }
0x154: {  	s5 =	sadd.s32 $0x10, s5;
	[tilespmem:s11+$0x6000] =	vst v13  }
0x155: {  	s19 =	sadd.s32 $0x10, s19;
	v12 =	vld [tilespmem:s5+$0x0];
	v11 =	vadd.s32 v11, v14  }
0x156: {  	_ =	sdelay $0x3  }
0x157: {  	v13 =	vshrl.u32 v12, $0x1  }
0x158: {  	v13 =	vand.u32 $0x55555555, v13  }
0x159: {  	v12 =	vsub.s32 v12, v13  }
0x15a: {  	v13 =	vshrl.u32 v12, $0x2  }
0x15b: {  	v12 =	vand.u32 $0x33333333, v12;
	v13 =	vand.u32 $0x33333333, v13  }
0x15c: {  	v12 =	vadd.s32 v12, v13  }
0x15d: {  	v13 =	vshrl.u32 v12, $0x4  }
0x15e: {  	v12 =	vadd.s32 v12, v13  }
0x15f: {  	v12 =	vand.u32 $0xF0F0F0F, v12  }
0x160: {  	v13 =	vshrl.u32 v12, $0x8  }
0x161: {  	v14 =	vshrl.u32 v12, $0x10;
	v13 =	vadd.s32 v12, v13  }
0x162: {  	v12 =	vshrl.u32 v12, $0x18;
	v13 =	vadd.s32 v14, v13  }
0x163: {  	v12 =	vadd.s32 v12, v13  }
0x164: {  	v12 =	vand.u32 $0x3F, v12  }
0x165: {  	v13 =	vperm.xlane v12, v4;
	_ =	sdelay $0x1  }
0x166: {  	v13 =	vsel vm3, $0x0, v13  }
0x167: {  	v13 =	vadd.s32 v13, v12  }
0x168: {  	v14 =	vperm.xlane v13, v6;
	_ =	sdelay $0x1  }
0x169: {  	v14 =	vsel vm0, $0x0, v14  }
0x16a: {  	v13 =	vadd.s32 v14, v13  }
0x16b: {  	v14 =	vperm.xlane v13, v7;
	_ =	sdelay $0x1  }
0x16c: {  	v14 =	vsel vm1, $0x0, v14  }
0x16d: {  	v13 =	vadd.s32 v14, v13  }
0x16e: {  	v14 =	vperm.xlane v13, v8;
	_ =	sdelay $0x1  }
0x16f: {  	v14 =	vsel vm2, $0x0, v14  }
0x170: {  	v12 =	vsub.s32 v11, v12;
	v13 =	vadd.s32 v14, v13  }
0x171: {  	s4 =	sand.u32 $0xFF0, s4;
	v12 =	vadd.s32 v13, v12  }
0x172: {  	s1 =	rddreg [dreg:$0x15];
	[tilespmem:s4+$0x6000] =	vst v12  }
0x173: {  	[spmem:s1] =	stream.linear.scatter [tilespmem:s2], [sflag:$0x2], $0x1000, $0x38;
	[tilespmem:$0x1F890] =	vst v63  }
0x174: {  	_ =	swait.ge [sflag:s23], $0x1000  }
0x175: {  	[sflag:s23] =	ssyncset.done $0x0  }
0x176: {  	s5 =	simm.s32 $0x5000;
	[sflag:s23] =	ssyncadd.s32 $0xFFFFF000  }
0x177: {  	[tilespmem:s5], [sflag:$0x2] =	stream.linear.gather [spmem:s26], $0x1000, $0x38;
	[tilespmem:$0x1F890] =	vst v63  }
0x178: {  	_ =	swait.ge [sflag:s23], $0x1000  }
0x179: {  	v12 =	vperm.xlane v13, v9;
	[sflag:s23] =	ssyncset.done $0x0  }
0x17a: {  	[sflag:s23] =	ssyncadd.s32 $0xFFFFF000  }
0x17b: {  	s19 =	simm.s32 $0x10;
	s4 =	simm.s32 $0x0;
	v11 =	vadd.s32 v11, v12;
	v12 =	vld [tilespmem:s5+$0x0]  }
.LBB2_14:
0x17c: {  	p0 =	sne.s32 s19, $0xFF0;
	_ =	sdelay $0x3  }
0x17d: {  	v13 =	vshrl.u32 v12, $0x1  }
0x17e: {  	v13 =	vand.u32 $0x55555555, v13  }
0x17f: {  	v12 =	vsub.s32 v12, v13  }
0x180: {  	v13 =	vshrl.u32 v12, $0x2  }
0x181: {  	v12 =	vand.u32 $0x33333333, v12;
	v13 =	vand.u32 $0x33333333, v13  }
0x182: {  	v12 =	vadd.s32 v12, v13  }
0x183: {  	v13 =	vshrl.u32 v12, $0x4  }
0x184: {  	v12 =	vadd.s32 v12, v13  }
0x185: {  	v12 =	vand.u32 $0xF0F0F0F, v12  }
0x186: {  	v13 =	vshrl.u32 v12, $0x8  }
0x187: {  	v14 =	vshrl.u32 v12, $0x10;
	v13 =	vadd.s32 v12, v13  }
0x188: {  	v12 =	vshrl.u32 v12, $0x18;
	v13 =	vadd.s32 v14, v13  }
0x189: {  	v12 =	vadd.s32 v12, v13  }
0x18a: {  	v12 =	vand.u32 $0x3F, v12  }
0x18b: {  	v13 =	vperm.xlane v12, v4;
	v14 =	vsub.s32 v11, v12  }
0x18c: {  	vm3 =	veq.s32 v5, $0x0  }
0x18d: {  	v13 =	vsel vm3, $0x0, v13  }
0x18e: {  	v12 =	vadd.s32 v13, v12  }
0x18f: {  	v13 =	vperm.xlane v12, v6;
	_ =	sdelay $0x1  }
0x190: {  	v13 =	vsel vm0, $0x0, v13  }
0x191: {  	v12 =	vadd.s32 v13, v12  }
0x192: {  	v13 =	vperm.xlane v12, v7;
	_ =	sdelay $0x1  }
0x193: {  	v13 =	vsel vm1, $0x0, v13  }
0x194: {  	v12 =	vadd.s32 v13, v12  }
0x195: {  	v13 =	vperm.xlane v12, v8;
	_ =	sdelay $0x1  }
.Ltmp6:
0x196: {  	v13 =	vsel vm2, $0x0, v13;
	(pc) =	sbr.rel @p0 .LBB2_14-.Ltmp6, $4  }
0x197: {  	v12 =	vadd.s32 v13, v12  }
0x198: {  	s11 =	sand.u32 $0xFF0, s4;
	s4 =	smov.u32 s19;
	v13 =	vadd.s32 v12, v14;
	v14 =	vperm.xlane v12, v9  }
0x199: {  	s5 =	sadd.s32 $0x10, s5;
	[tilespmem:s11+$0x6000] =	vst v13  }
0x19a: {  	s19 =	sadd.s32 $0x10, s19;
	v12 =	vld [tilespmem:s5+$0x0];
	v11 =	vadd.s32 v11, v14  }
0x19b: {  	_ =	sdelay $0x3  }
0x19c: {  	v13 =	vshrl.u32 v12, $0x1  }
0x19d: {  	v13 =	vand.u32 $0x55555555, v13  }
0x19e: {  	v12 =	vsub.s32 v12, v13  }
0x19f: {  	v13 =	vshrl.u32 v12, $0x2  }
0x1a0: {  	v12 =	vand.u32 $0x33333333, v12;
	v13 =	vand.u32 $0x33333333, v13  }
0x1a1: {  	v12 =	vadd.s32 v12, v13  }
0x1a2: {  	v13 =	vshrl.u32 v12, $0x4  }
0x1a3: {  	v12 =	vadd.s32 v12, v13  }
0x1a4: {  	v12 =	vand.u32 $0xF0F0F0F, v12  }
0x1a5: {  	v13 =	vshrl.u32 v12, $0x8  }
0x1a6: {  	v14 =	vshrl.u32 v12, $0x10;
	v13 =	vadd.s32 v12, v13  }
0x1a7: {  	v12 =	vshrl.u32 v12, $0x18;
	v13 =	vadd.s32 v14, v13  }
0x1a8: {  	v12 =	vadd.s32 v12, v13  }
0x1a9: {  	v12 =	vand.u32 $0x3F, v12  }
0x1aa: {  	v13 =	vperm.xlane v12, v4;
	_ =	sdelay $0x1  }
0x1ab: {  	v13 =	vsel vm3, $0x0, v13  }
0x1ac: {  	v13 =	vadd.s32 v13, v12  }
0x1ad: {  	v14 =	vperm.xlane v13, v6;
	_ =	sdelay $0x1  }
0x1ae: {  	v14 =	vsel vm0, $0x0, v14  }
0x1af: {  	v13 =	vadd.s32 v14, v13  }
0x1b0: {  	v14 =	vperm.xlane v13, v7;
	_ =	sdelay $0x1  }
0x1b1: {  	v14 =	vsel vm1, $0x0, v14  }
0x1b2: {  	v13 =	vadd.s32 v14, v13  }
0x1b3: {  	v14 =	vperm.xlane v13, v8;
	_ =	sdelay $0x1  }
0x1b4: {  	v14 =	vsel vm2, $0x0, v14  }
0x1b5: {  	v12 =	vsub.s32 v11, v12;
	v13 =	vadd.s32 v14, v13  }
0x1b6: {  	s4 =	sand.u32 $0xFF0, s4;
	v12 =	vadd.s32 v13, v12  }
0x1b7: {  	s1 =	rddreg [dreg:$0x16];
	[tilespmem:s4+$0x6000] =	vst v12  }
0x1b8: {  	[spmem:s1] =	stream.linear.scatter [tilespmem:s2], [sflag:$0x2], $0x1000, $0x38;
	[tilespmem:$0x1F890] =	vst v63  }
0x1b9: {  	_ =	swait.ge [sflag:s23], $0x1000  }
0x1ba: {  	[sflag:s23] =	ssyncset.done $0x0  }
0x1bb: {  	s5 =	simm.s32 $0x5000;
	[sflag:s23] =	ssyncadd.s32 $0xFFFFF000  }
0x1bc: {  	[tilespmem:s5], [sflag:$0x2] =	stream.linear.gather [spmem:s28], $0x1000, $0x38;
	[tilespmem:$0x1F890] =	vst v63  }
0x1bd: {  	_ =	swait.ge [sflag:s23], $0x1000  }
0x1be: {  	v12 =	vperm.xlane v13, v9;
	[sflag:s23] =	ssyncset.done $0x0  }
0x1bf: {  	[sflag:s23] =	ssyncadd.s32 $0xFFFFF000  }
0x1c0: {  	s19 =	simm.s32 $0x10;
	s4 =	simm.s32 $0x0;
	v11 =	vadd.s32 v11, v12;
	v12 =	vld [tilespmem:s5+$0x0]  }
.LBB2_16:
0x1c1: {  	p0 =	sne.s32 s19, $0xFF0;
	_ =	sdelay $0x3  }
0x1c2: {  	v13 =	vshrl.u32 v12, $0x1  }
0x1c3: {  	v13 =	vand.u32 $0x55555555, v13  }
0x1c4: {  	v12 =	vsub.s32 v12, v13  }
0x1c5: {  	v13 =	vshrl.u32 v12, $0x2  }
0x1c6: {  	v12 =	vand.u32 $0x33333333, v12;
	v13 =	vand.u32 $0x33333333, v13  }
0x1c7: {  	v12 =	vadd.s32 v12, v13  }
0x1c8: {  	v13 =	vshrl.u32 v12, $0x4  }
0x1c9: {  	v12 =	vadd.s32 v12, v13  }
0x1ca: {  	v12 =	vand.u32 $0xF0F0F0F, v12  }
0x1cb: {  	v13 =	vshrl.u32 v12, $0x8  }
0x1cc: {  	v14 =	vshrl.u32 v12, $0x10;
	v13 =	vadd.s32 v12, v13  }
0x1cd: {  	v12 =	vshrl.u32 v12, $0x18;
	v13 =	vadd.s32 v14, v13  }
0x1ce: {  	v12 =	vadd.s32 v12, v13  }
0x1cf: {  	v12 =	vand.u32 $0x3F, v12  }
0x1d0: {  	v13 =	vperm.xlane v12, v4;
	v14 =	vsub.s32 v11, v12  }
0x1d1: {  	vm3 =	veq.s32 v5, $0x0  }
0x1d2: {  	v13 =	vsel vm3, $0x0, v13  }
0x1d3: {  	v12 =	vadd.s32 v13, v12  }
0x1d4: {  	v13 =	vperm.xlane v12, v6;
	_ =	sdelay $0x1  }
0x1d5: {  	v13 =	vsel vm0, $0x0, v13  }
0x1d6: {  	v12 =	vadd.s32 v13, v12  }
0x1d7: {  	v13 =	vperm.xlane v12, v7;
	_ =	sdelay $0x1  }
0x1d8: {  	v13 =	vsel vm1, $0x0, v13  }
0x1d9: {  	v12 =	vadd.s32 v13, v12  }
0x1da: {  	v13 =	vperm.xlane v12, v8;
	_ =	sdelay $0x1  }
.Ltmp7:
0x1db: {  	v13 =	vsel vm2, $0x0, v13;
	(pc) =	sbr.rel @p0 .LBB2_16-.Ltmp7, $4  }
0x1dc: {  	v12 =	vadd.s32 v13, v12  }
0x1dd: {  	s11 =	sand.u32 $0xFF0, s4;
	s4 =	smov.u32 s19;
	v13 =	vadd.s32 v12, v14;
	v14 =	vperm.xlane v12, v9  }
0x1de: {  	s5 =	sadd.s32 $0x10, s5;
	[tilespmem:s11+$0x6000] =	vst v13  }
0x1df: {  	s19 =	sadd.s32 $0x10, s19;
	v12 =	vld [tilespmem:s5+$0x0];
	v11 =	vadd.s32 v11, v14  }
0x1e0: {  	_ =	sdelay $0x3  }
0x1e1: {  	v13 =	vshrl.u32 v12, $0x1  }
0x1e2: {  	v13 =	vand.u32 $0x55555555, v13  }
0x1e3: {  	v12 =	vsub.s32 v12, v13  }
0x1e4: {  	v13 =	vshrl.u32 v12, $0x2  }
0x1e5: {  	v12 =	vand.u32 $0x33333333, v12;
	v13 =	vand.u32 $0x33333333, v13  }
0x1e6: {  	v12 =	vadd.s32 v12, v13  }
0x1e7: {  	v13 =	vshrl.u32 v12, $0x4  }
0x1e8: {  	v12 =	vadd.s32 v12, v13  }
0x1e9: {  	v12 =	vand.u32 $0xF0F0F0F, v12  }
0x1ea: {  	v13 =	vshrl.u32 v12, $0x8  }
0x1eb: {  	v14 =	vshrl.u32 v12, $0x10;
	v13 =	vadd.s32 v12, v13  }
0x1ec: {  	v12 =	vshrl.u32 v12, $0x18;
	v13 =	vadd.s32 v14, v13  }
0x1ed: {  	v12 =	vadd.s32 v12, v13  }
0x1ee: {  	v12 =	vand.u32 $0x3F, v12  }
0x1ef: {  	v13 =	vperm.xlane v12, v4;
	_ =	sdelay $0x1  }
0x1f0: {  	v13 =	vsel vm3, $0x0, v13  }
0x1f1: {  	v13 =	vadd.s32 v13, v12  }
0x1f2: {  	v14 =	vperm.xlane v13, v6;
	_ =	sdelay $0x1  }
0x1f3: {  	v14 =	vsel vm0, $0x0, v14  }
0x1f4: {  	v13 =	vadd.s32 v14, v13  }
0x1f5: {  	v14 =	vperm.xlane v13, v7;
	_ =	sdelay $0x1  }
0x1f6: {  	v14 =	vsel vm1, $0x0, v14  }
0x1f7: {  	v13 =	vadd.s32 v14, v13  }
0x1f8: {  	v14 =	vperm.xlane v13, v8;
	_ =	sdelay $0x1  }
0x1f9: {  	v14 =	vsel vm2, $0x0, v14  }
0x1fa: {  	v12 =	vsub.s32 v11, v12;
	v13 =	vadd.s32 v14, v13  }
0x1fb: {  	s4 =	sand.u32 $0xFF0, s4;
	v12 =	vadd.s32 v13, v12  }
0x1fc: {  	s1 =	rddreg [dreg:$0x17];
	[tilespmem:s4+$0x6000] =	vst v12  }
0x1fd: {  	[spmem:s1] =	stream.linear.scatter [tilespmem:s2], [sflag:$0x2], $0x1000, $0x38;
	[tilespmem:$0x1F890] =	vst v63  }
0x1fe: {  	_ =	swait.ge [sflag:s23], $0x1000  }
0x1ff: {  	[sflag:s23] =	ssyncset.done $0x0  }
0x200: {  	s5 =	simm.s32 $0x5000;
	[sflag:s23] =	ssyncadd.s32 $0xFFFFF000  }
0x201: {  	[tilespmem:s5], [sflag:$0x2] =	stream.linear.gather [spmem:s29], $0x1000, $0x38;
	[tilespmem:$0x1F890] =	vst v63  }
0x202: {  	_ =	swait.ge [sflag:s23], $0x1000  }
0x203: {  	v12 =	vperm.xlane v13, v9;
	[sflag:s23] =	ssyncset.done $0x0  }
0x204: {  	[sflag:s23] =	ssyncadd.s32 $0xFFFFF000  }
0x205: {  	s19 =	simm.s32 $0x10;
	s4 =	simm.s32 $0x0;
	v11 =	vadd.s32 v11, v12;
	v12 =	vld [tilespmem:s5+$0x0]  }
.LBB2_18:
0x206: {  	p0 =	sne.s32 s19, $0xFF0;
	_ =	sdelay $0x3  }
0x207: {  	v13 =	vshrl.u32 v12, $0x1  }
0x208: {  	v13 =	vand.u32 $0x55555555, v13  }
0x209: {  	v12 =	vsub.s32 v12, v13  }
0x20a: {  	v13 =	vshrl.u32 v12, $0x2  }
0x20b: {  	v12 =	vand.u32 $0x33333333, v12;
	v13 =	vand.u32 $0x33333333, v13  }
0x20c: {  	v12 =	vadd.s32 v12, v13  }
0x20d: {  	v13 =	vshrl.u32 v12, $0x4  }
0x20e: {  	v12 =	vadd.s32 v12, v13  }
0x20f: {  	v12 =	vand.u32 $0xF0F0F0F, v12  }
0x210: {  	v13 =	vshrl.u32 v12, $0x8  }
0x211: {  	v14 =	vshrl.u32 v12, $0x10;
	v13 =	vadd.s32 v12, v13  }
0x212: {  	v12 =	vshrl.u32 v12, $0x18;
	v13 =	vadd.s32 v14, v13  }
0x213: {  	v12 =	vadd.s32 v12, v13  }
0x214: {  	v12 =	vand.u32 $0x3F, v12  }
0x215: {  	v13 =	vperm.xlane v12, v4;
	v14 =	vsub.s32 v11, v12  }
0x216: {  	vm3 =	veq.s32 v5, $0x0  }
0x217: {  	v13 =	vsel vm3, $0x0, v13  }
0x218: {  	v12 =	vadd.s32 v13, v12  }
0x219: {  	v13 =	vperm.xlane v12, v6;
	_ =	sdelay $0x1  }
0x21a: {  	v13 =	vsel vm0, $0x0, v13  }
0x21b: {  	v12 =	vadd.s32 v13, v12  }
0x21c: {  	v13 =	vperm.xlane v12, v7;
	_ =	sdelay $0x1  }
0x21d: {  	v13 =	vsel vm1, $0x0, v13  }
0x21e: {  	v12 =	vadd.s32 v13, v12  }
0x21f: {  	v13 =	vperm.xlane v12, v8;
	_ =	sdelay $0x1  }
.Ltmp8:
0x220: {  	v13 =	vsel vm2, $0x0, v13;
	(pc) =	sbr.rel @p0 .LBB2_18-.Ltmp8, $4  }
0x221: {  	v12 =	vadd.s32 v13, v12  }
0x222: {  	s11 =	sand.u32 $0xFF0, s4;
	s4 =	smov.u32 s19;
	v13 =	vadd.s32 v12, v14;
	v14 =	vperm.xlane v12, v9  }
0x223: {  	s5 =	sadd.s32 $0x10, s5;
	[tilespmem:s11+$0x6000] =	vst v13  }
0x224: {  	s19 =	sadd.s32 $0x10, s19;
	v12 =	vld [tilespmem:s5+$0x0];
	v11 =	vadd.s32 v11, v14  }
0x225: {  	_ =	sdelay $0x3  }
0x226: {  	v13 =	vshrl.u32 v12, $0x1  }
0x227: {  	v13 =	vand.u32 $0x55555555, v13  }
0x228: {  	v12 =	vsub.s32 v12, v13  }
0x229: {  	v13 =	vshrl.u32 v12, $0x2  }
0x22a: {  	v12 =	vand.u32 $0x33333333, v12;
	v13 =	vand.u32 $0x33333333, v13  }
0x22b: {  	v12 =	vadd.s32 v12, v13  }
0x22c: {  	v13 =	vshrl.u32 v12, $0x4  }
0x22d: {  	v12 =	vadd.s32 v12, v13  }
0x22e: {  	v12 =	vand.u32 $0xF0F0F0F, v12  }
0x22f: {  	v13 =	vshrl.u32 v12, $0x8  }
0x230: {  	v14 =	vshrl.u32 v12, $0x10;
	v13 =	vadd.s32 v12, v13  }
0x231: {  	v12 =	vshrl.u32 v12, $0x18;
	v13 =	vadd.s32 v14, v13  }
0x232: {  	v12 =	vadd.s32 v12, v13  }
0x233: {  	v12 =	vand.u32 $0x3F, v12  }
0x234: {  	v13 =	vperm.xlane v12, v4;
	_ =	sdelay $0x1  }
0x235: {  	v13 =	vsel vm3, $0x0, v13  }
0x236: {  	v13 =	vadd.s32 v13, v12  }
0x237: {  	v14 =	vperm.xlane v13, v6;
	_ =	sdelay $0x1  }
0x238: {  	v14 =	vsel vm0, $0x0, v14  }
0x239: {  	v13 =	vadd.s32 v14, v13  }
0x23a: {  	v14 =	vperm.xlane v13, v7;
	_ =	sdelay $0x1  }
0x23b: {  	v14 =	vsel vm1, $0x0, v14  }
0x23c: {  	v13 =	vadd.s32 v14, v13  }
0x23d: {  	v14 =	vperm.xlane v13, v8;
	_ =	sdelay $0x1  }
0x23e: {  	v14 =	vsel vm2, $0x0, v14  }
0x23f: {  	v12 =	vsub.s32 v11, v12;
	v13 =	vadd.s32 v14, v13  }
0x240: {  	s4 =	sand.u32 $0xFF0, s4;
	v12 =	vadd.s32 v13, v12  }
0x241: {  	s1 =	rddreg [dreg:$0x18];
	[tilespmem:s4+$0x6000] =	vst v12  }
0x242: {  	[spmem:s1] =	stream.linear.scatter [tilespmem:s2], [sflag:$0x2], $0x1000, $0x38;
	[tilespmem:$0x1F890] =	vst v63  }
0x243: {  	_ =	swait.ge [sflag:s23], $0x1000  }
0x244: {  	[sflag:s23] =	ssyncset.done $0x0  }
0x245: {  	s5 =	simm.s32 $0x5000;
	[sflag:s23] =	ssyncadd.s32 $0xFFFFF000  }
0x246: {  	[tilespmem:s5], [sflag:$0x2] =	stream.linear.gather [spmem:s30], $0x1000, $0x38;
	[tilespmem:$0x1F890] =	vst v63  }
0x247: {  	_ =	swait.ge [sflag:s23], $0x1000  }
0x248: {  	v12 =	vperm.xlane v13, v9;
	[sflag:s23] =	ssyncset.done $0x0  }
0x249: {  	[sflag:s23] =	ssyncadd.s32 $0xFFFFF000  }
0x24a: {  	s19 =	simm.s32 $0x10;
	s4 =	simm.s32 $0x0;
	v11 =	vadd.s32 v11, v12;
	v12 =	vld [tilespmem:s5+$0x0]  }
.LBB2_20:
0x24b: {  	p0 =	sne.s32 s19, $0xFF0;
	_ =	sdelay $0x3  }
0x24c: {  	v13 =	vshrl.u32 v12, $0x1  }
0x24d: {  	v13 =	vand.u32 $0x55555555, v13  }
0x24e: {  	v12 =	vsub.s32 v12, v13  }
0x24f: {  	v13 =	vshrl.u32 v12, $0x2  }
0x250: {  	v12 =	vand.u32 $0x33333333, v12;
	v13 =	vand.u32 $0x33333333, v13  }
0x251: {  	v12 =	vadd.s32 v12, v13  }
0x252: {  	v13 =	vshrl.u32 v12, $0x4  }
0x253: {  	v12 =	vadd.s32 v12, v13  }
0x254: {  	v12 =	vand.u32 $0xF0F0F0F, v12  }
0x255: {  	v13 =	vshrl.u32 v12, $0x8  }
0x256: {  	v14 =	vshrl.u32 v12, $0x10;
	v13 =	vadd.s32 v12, v13  }
0x257: {  	v12 =	vshrl.u32 v12, $0x18;
	v13 =	vadd.s32 v14, v13  }
0x258: {  	v12 =	vadd.s32 v12, v13  }
0x259: {  	v12 =	vand.u32 $0x3F, v12  }
0x25a: {  	v13 =	vperm.xlane v12, v4;
	v14 =	vsub.s32 v11, v12  }
0x25b: {  	vm3 =	veq.s32 v5, $0x0  }
0x25c: {  	v13 =	vsel vm3, $0x0, v13  }
0x25d: {  	v12 =	vadd.s32 v13, v12  }
0x25e: {  	v13 =	vperm.xlane v12, v6;
	_ =	sdelay $0x1  }
0x25f: {  	v13 =	vsel vm0, $0x0, v13  }
0x260: {  	v12 =	vadd.s32 v13, v12  }
0x261: {  	v13 =	vperm.xlane v12, v7;
	_ =	sdelay $0x1  }
0x262: {  	v13 =	vsel vm1, $0x0, v13  }
0x263: {  	v12 =	vadd.s32 v13, v12  }
0x264: {  	v13 =	vperm.xlane v12, v8;
	_ =	sdelay $0x1  }
.Ltmp9:
0x265: {  	v13 =	vsel vm2, $0x0, v13;
	(pc) =	sbr.rel @p0 .LBB2_20-.Ltmp9, $4  }
0x266: {  	v12 =	vadd.s32 v13, v12  }
0x267: {  	s11 =	sand.u32 $0xFF0, s4;
	s4 =	smov.u32 s19;
	v13 =	vadd.s32 v12, v14;
	v14 =	vperm.xlane v12, v9  }
0x268: {  	s5 =	sadd.s32 $0x10, s5;
	[tilespmem:s11+$0x6000] =	vst v13  }
0x269: {  	s19 =	sadd.s32 $0x10, s19;
	v12 =	vld [tilespmem:s5+$0x0];
	v11 =	vadd.s32 v11, v14  }
0x26a: {  	_ =	sdelay $0x3  }
0x26b: {  	v13 =	vshrl.u32 v12, $0x1  }
0x26c: {  	v13 =	vand.u32 $0x55555555, v13  }
0x26d: {  	v12 =	vsub.s32 v12, v13  }
0x26e: {  	v13 =	vshrl.u32 v12, $0x2  }
0x26f: {  	v12 =	vand.u32 $0x33333333, v12;
	v13 =	vand.u32 $0x33333333, v13  }
0x270: {  	v12 =	vadd.s32 v12, v13  }
0x271: {  	v13 =	vshrl.u32 v12, $0x4  }
0x272: {  	v12 =	vadd.s32 v12, v13  }
0x273: {  	v12 =	vand.u32 $0xF0F0F0F, v12  }
0x274: {  	v13 =	vshrl.u32 v12, $0x8  }
0x275: {  	v14 =	vshrl.u32 v12, $0x10;
	v13 =	vadd.s32 v12, v13  }
0x276: {  	v12 =	vshrl.u32 v12, $0x18;
	v13 =	vadd.s32 v14, v13  }
0x277: {  	v12 =	vadd.s32 v12, v13  }
0x278: {  	v12 =	vand.u32 $0x3F, v12  }
0x279: {  	v13 =	vperm.xlane v12, v4;
	_ =	sdelay $0x1  }
0x27a: {  	v13 =	vsel vm3, $0x0, v13  }
0x27b: {  	v13 =	vadd.s32 v13, v12  }
0x27c: {  	v14 =	vperm.xlane v13, v6;
	_ =	sdelay $0x1  }
0x27d: {  	v14 =	vsel vm0, $0x0, v14  }
0x27e: {  	v13 =	vadd.s32 v14, v13  }
0x27f: {  	v14 =	vperm.xlane v13, v7;
	_ =	sdelay $0x1  }
0x280: {  	v14 =	vsel vm1, $0x0, v14  }
0x281: {  	v13 =	vadd.s32 v14, v13  }
0x282: {  	v14 =	vperm.xlane v13, v8;
	_ =	sdelay $0x1  }
0x283: {  	v14 =	vsel vm2, $0x0, v14  }
0x284: {  	v12 =	vsub.s32 v11, v12;
	v13 =	vadd.s32 v14, v13  }
0x285: {  	s4 =	sand.u32 $0xFF0, s4;
	v12 =	vadd.s32 v13, v12  }
0x286: {  	s1 =	rddreg [dreg:$0x19];
	[tilespmem:s4+$0x6000] =	vst v12  }
0x287: {  	[spmem:s1] =	stream.linear.scatter [tilespmem:s2], [sflag:$0x2], $0x1000, $0x38;
	[tilespmem:$0x1F890] =	vst v63  }
0x288: {  	_ =	swait.ge [sflag:s23], $0x1000  }
0x289: {  	[sflag:s23] =	ssyncset.done $0x0  }
0x28a: {  	s5 =	simm.s32 $0x5000;
	[sflag:s23] =	ssyncadd.s32 $0xFFFFF000  }
0x28b: {  	[tilespmem:s5], [sflag:$0x2] =	stream.linear.gather [spmem:s31], $0x1000, $0x38;
	[tilespmem:$0x1F890] =	vst v63  }
0x28c: {  	_ =	swait.ge [sflag:s23], $0x1000  }
0x28d: {  	v12 =	vperm.xlane v13, v9;
	[sflag:s23] =	ssyncset.done $0x0  }
0x28e: {  	[sflag:s23] =	ssyncadd.s32 $0xFFFFF000  }
0x28f: {  	s9 =	smov.u32 s21;
	s19 =	simm.s32 $0x10;
	s4 =	simm.s32 $0x0;
	v11 =	vadd.s32 v11, v12;
	v12 =	vld [tilespmem:s5+$0x0]  }
.LBB2_22:
0x290: {  	p0 =	sne.s32 s19, $0xFF0;
	_ =	sdelay $0x3  }
0x291: {  	v13 =	vshrl.u32 v12, $0x1  }
0x292: {  	v13 =	vand.u32 $0x55555555, v13  }
0x293: {  	v12 =	vsub.s32 v12, v13  }
0x294: {  	v13 =	vshrl.u32 v12, $0x2  }
0x295: {  	v12 =	vand.u32 $0x33333333, v12;
	v13 =	vand.u32 $0x33333333, v13  }
0x296: {  	v12 =	vadd.s32 v12, v13  }
0x297: {  	v13 =	vshrl.u32 v12, $0x4  }
0x298: {  	v12 =	vadd.s32 v12, v13  }
0x299: {  	v12 =	vand.u32 $0xF0F0F0F, v12  }
0x29a: {  	v13 =	vshrl.u32 v12, $0x8  }
0x29b: {  	v14 =	vshrl.u32 v12, $0x10;
	v13 =	vadd.s32 v12, v13  }
0x29c: {  	v12 =	vshrl.u32 v12, $0x18;
	v13 =	vadd.s32 v14, v13  }
0x29d: {  	v12 =	vadd.s32 v12, v13  }
0x29e: {  	v12 =	vand.u32 $0x3F, v12  }
0x29f: {  	v13 =	vperm.xlane v12, v4;
	v14 =	vsub.s32 v11, v12  }
0x2a0: {  	vm3 =	veq.s32 v5, $0x0  }
0x2a1: {  	v13 =	vsel vm3, $0x0, v13  }
0x2a2: {  	v12 =	vadd.s32 v13, v12  }
0x2a3: {  	v13 =	vperm.xlane v12, v6;
	_ =	sdelay $0x1  }
0x2a4: {  	v13 =	vsel vm0, $0x0, v13  }
0x2a5: {  	v12 =	vadd.s32 v13, v12  }
0x2a6: {  	v13 =	vperm.xlane v12, v7;
	_ =	sdelay $0x1  }
0x2a7: {  	v13 =	vsel vm1, $0x0, v13  }
0x2a8: {  	v12 =	vadd.s32 v13, v12  }
0x2a9: {  	v13 =	vperm.xlane v12, v8;
	_ =	sdelay $0x1  }
.Ltmp10:
0x2aa: {  	v13 =	vsel vm2, $0x0, v13;
	(pc) =	sbr.rel @p0 .LBB2_22-.Ltmp10, $4  }
0x2ab: {  	v12 =	vadd.s32 v13, v12  }
0x2ac: {  	s11 =	sand.u32 $0xFF0, s4;
	s4 =	smov.u32 s19;
	v13 =	vadd.s32 v12, v14;
	v14 =	vperm.xlane v12, v9  }
0x2ad: {  	s5 =	sadd.s32 $0x10, s5;
	[tilespmem:s11+$0x6000] =	vst v13  }
0x2ae: {  	s19 =	sadd.s32 $0x10, s19;
	v12 =	vld [tilespmem:s5+$0x0];
	v11 =	vadd.s32 v11, v14  }
0x2af: {  	_ =	sdelay $0x3  }
0x2b0: {  	v13 =	vshrl.u32 v12, $0x1  }
0x2b1: {  	v13 =	vand.u32 $0x55555555, v13  }
0x2b2: {  	v12 =	vsub.s32 v12, v13  }
0x2b3: {  	v13 =	vshrl.u32 v12, $0x2  }
0x2b4: {  	v12 =	vand.u32 $0x33333333, v12;
	v13 =	vand.u32 $0x33333333, v13  }
0x2b5: {  	v12 =	vadd.s32 v12, v13  }
0x2b6: {  	v13 =	vshrl.u32 v12, $0x4  }
0x2b7: {  	v12 =	vadd.s32 v12, v13  }
0x2b8: {  	v12 =	vand.u32 $0xF0F0F0F, v12  }
0x2b9: {  	v13 =	vshrl.u32 v12, $0x8  }
0x2ba: {  	v14 =	vshrl.u32 v12, $0x10;
	v13 =	vadd.s32 v12, v13  }
0x2bb: {  	v12 =	vshrl.u32 v12, $0x18;
	v13 =	vadd.s32 v14, v13  }
0x2bc: {  	v12 =	vadd.s32 v12, v13  }
0x2bd: {  	v12 =	vand.u32 $0x3F, v12  }
0x2be: {  	v13 =	vperm.xlane v12, v4;
	_ =	sdelay $0x1  }
0x2bf: {  	v13 =	vsel vm3, $0x0, v13  }
0x2c0: {  	v13 =	vadd.s32 v13, v12  }
0x2c1: {  	v14 =	vperm.xlane v13, v6;
	_ =	sdelay $0x1  }
0x2c2: {  	v14 =	vsel vm0, $0x0, v14  }
0x2c3: {  	v13 =	vadd.s32 v14, v13  }
0x2c4: {  	v14 =	vperm.xlane v13, v7;
	_ =	sdelay $0x1  }
0x2c5: {  	v14 =	vsel vm1, $0x0, v14  }
0x2c6: {  	v13 =	vadd.s32 v14, v13  }
0x2c7: {  	v14 =	vperm.xlane v13, v8;
	_ =	sdelay $0x1  }
0x2c8: {  	v14 =	vsel vm2, $0x0, v14  }
0x2c9: {  	v12 =	vsub.s32 v11, v12;
	v13 =	vadd.s32 v14, v13  }
0x2ca: {  	s4 =	sand.u32 $0xFF0, s4;
	v12 =	vadd.s32 v13, v12  }
0x2cb: {  	s1 =	rddreg [dreg:$0x1a];
	[tilespmem:s4+$0x6000] =	vst v12  }
0x2cc: {  	[spmem:s1] =	stream.linear.scatter [tilespmem:s2], [sflag:$0x2], $0x1000, $0x38;
	[tilespmem:$0x1F890] =	vst v63  }
0x2cd: {  	v12 =	vperm.xlane v13, v9;
	_ =	swait.ge [sflag:s23], $0x1000  }
0x2ce: {  	[sflag:s23] =	ssyncset.done $0x0  }
0x2cf: {  	v11 =	vadd.s32 v11, v12;
	[sflag:s23] =	ssyncadd.s32 $0xFFFFF000  }
0x2d0: {  	s20 =	simm.s32 $0xD000;
	s19 =	rddreg [dreg:$0xc];
	[tilespmem:$0xD000] =	vst v11  }
0x2d1: {  	[spmem:s19] =	stream.linear.scatter [tilespmem:s20], [sflag:$0x2], $0x10, $0x38;
	[tilespmem:$0x1F890] =	vst v63  }
0x2d2: {  	_ =	swait.ge [sflag:s23], $0x10  }
0x2d3: {  	[sflag:s23] =	ssyncset.done $0x0  }
0x2d4: {  	s21 =	simm.s32 $0xD080;
	[sflag:s23] =	ssyncadd.s32 $0xFFFFFFF0  }
0x2d5: {  	[tilespmem:s21], [sflag:$0x2] =	stream.linear.gather [spmem:s18], $0x100, $0x38;
	[tilespmem:$0x1F890] =	vst v63  }
0x2d6: {  	_ =	swait.ge [sflag:s23], $0x100  }
0x2d7: {  	[sflag:s23] =	ssyncset.done $0x0  }
0x2d8: {  	s19 =	simm.s32 $0x0;
	[sflag:s23] =	ssyncadd.s32 $0xFFFFFF00  }
0x2d9: {  	v12 =	vld [tilespmem:s19+$0xD080];
	_ =	sdelay $0x3  }
0x2da: {  	s4 =	simm.s32 $0x10  }
0x2db: {  	v11 =	vld [tilespmem:s4+$0xD080];
	v13 =	vshrl.u32 v12, $0x1;
	v16 =	vmul.f32 $5.000000000e-01, v12  }
0x2dc: {  	v14 =	vsub.s32 $0x5F3759DF, v13  }
0x2dd: {  	v13 =	vmul.f32 v14, v16;
	_ =	sdelay $0x1  }
0x2de: {  	v17 =	vmul.f32 v14, v13  }
0x2df: {  	v18 =	vshrl.u32 v11, $0x1;
	v15 =	vmul.f32 $5.000000000e-01, v11  }
0x2e0: {  	s5 =	simm.s32 $0x20;
	v18 =	vsub.s32 $0x5F3759DF, v18;
	v17 =	vsub.f32 $1.500000000e+00, v17  }
0x2e1: {  	v19 =	vmul.f32 v18, v15;
	v13 =	vld [tilespmem:s5+$0xD080]  }
0x2e2: {  	v17 =	vmul.f32 v14, v17  }
0x2e3: {  	v20 =	vmul.f32 v18, v19  }
0x2e4: {  	v21 =	vmul.f32 v17, v16  }
0x2e5: {  	v20 =	vsub.f32 $1.500000000e+00, v20  }
0x2e6: {  	v22 =	vshrl.u32 v13, $0x1;
	v19 =	vmul.f32 $5.000000000e-01, v13;
	v21 =	vmul.f32 v21, v17  }
0x2e7: {  	s20 =	simm.s32 $0x30;
	v23 =	vsub.s32 $0x5F3759DF, v22  }
0x2e8: {  	v14 =	vld [tilespmem:s20+$0xD080];
	v20 =	vmul.f32 v18, v20;
	v22 =	vmul.f32 v23, v19;
	v18 =	vsub.f32 $1.500000000e+00, v21;
	_ =	sdelay $0x1  }
0x2e9: {  	v21 =	vmul.f32 v23, v22;
	v17 =	vmul.f32 v18, v17  }
0x2ea: {  	v22 =	vmul.f32 v20, v15  }
0x2eb: {  	v21 =	vsub.f32 $1.500000000e+00, v21;
	v16 =	vmul.f32 v17, v16  }
0x2ec: {  	s21 =	simm.s32 $0x40;
	v24 =	vshrl.u32 v14, $0x1;
	v18 =	vmul.f32 $5.000000000e-01, v14;
	v25 =	vmul.f32 v22, v20  }
0x2ed: {  	v22 =	vsub.s32 $0x5F3759DF, v24;
	v21 =	vmul.f32 v23, v21;
	v23 =	vmul.f32 v16, v17;
	v16 =	vld [tilespmem:s21+$0xD080]  }
0x2ee: {  	v26 =	vmul.f32 v22, v18;
	_ =	sdelay $0x1  }
0x2ef: {  	s11 =	simm.s32 $0x140;
	v24 =	vsub.f32 $1.500000000e+00, v25;
	v26 =	vmul.f32 v22, v26;
	v25 =	vmul.f32 v21, v19  }
.LBB2_24:
0x2f0: {  	s1 =	smov.u32 s20  }
0x2f1: {  	v27 =	vshrl.u32 v16, $0x1;
	v24 =	vmul.f32 v24, v20;
	v23 =	vsub.f32 $1.500000000e+00, v23;
	v28 =	vmovc v16;
	v29 =	vmovc v22;
	s20 =	smov.u32 s21;
	s21 =	sshra.s32 s11, $0x2;
	p0 =	sne.s32 s11, $0x3C0  }
.Ltmp11:
0x2f2: {  	v20 =	vmovc v21;
	v16 =	vld [tilespmem:s21+$0xD080];
	v30 =	vmul.f32 $5.000000000e-01, v28;
	v26 =	vsub.f32 $1.500000000e+00, v26;
	v25 =	vmul.f32 v25, v21;
	(pc) =	sbr.rel @p0 .LBB2_24-.Ltmp11, $4  }
0x2f3: {  	s11 =	sadd.s32 $0x40, s11;
	v22 =	vsub.s32 $0x5F3759DF, v27;
	v27 =	vmul.f32 v24, v15;
	v31 =	vmul.f32 v23, v17;
	v17 =	vmovc v24;
	v15 =	vmovc v19  }
0x2f4: {  	vm3 =	vgt.f32 v12, $0.0e+00;
	v12 =	vmovc v11;
	v11 =	vmovc v13;
	v32 =	vmul.f32 v22, v30;
	v21 =	vmul.f32 v29, v26  }
0x2f5: {  	v13 =	vmovc v14;
	v14 =	vmovc v28;
	v24 =	vsub.f32 $1.500000000e+00, v25;
	v23 =	vmul.f32 v27, v17;
	v27 =	vnsel vm3, $0x0, v31  }
0x2f6: {  	v19 =	vmovc v18;
	v26 =	vmul.f32 v22, v32;
	v25 =	vmul.f32 v21, v18;
	[tilespmem:s19+$0xD180] =	vst v27;
	v18 =	vmov v30;
	s19 =	smov.u32 s4;
	s4 =	smov.u32 s5;
	s5 =	smov.u32 s1  }
0x2f7: {  	v27 =	vshrl.u32 v16, $0x1;
	v28 =	vmul.f32 $5.000000000e-01, v16  }
0x2f8: {  	v27 =	vsub.s32 $0x5F3759DF, v27  }
0x2f9: {  	v29 =	vmul.f32 v27, v28;
	_ =	sdelay $0x1  }
0x2fa: {  	v29 =	vmul.f32 v27, v29  }
0x2fb: {  	v26 =	vsub.f32 $1.500000000e+00, v26  }
0x2fc: {  	v29 =	vsub.f32 $1.500000000e+00, v29  }
0x2fd: {  	v22 =	vmul.f32 v22, v26  }
0x2fe: {  	v51 =	vmul.f32 v27, v29  }
0x2ff: {  	v52 =	vmul.f32 v22, v18  }
0x300: {  	v25 =	vmul.f32 v25, v21;
	v29 =	vmul.f32 v51, v28  }
0x301: {  	v27 =	vmul.f32 v52, v22  }
0x302: {  	v25 =	vsub.f32 $1.500000000e+00, v25;
	v29 =	vmul.f32 v29, v51  }
0x303: {  	v20 =	vmul.f32 v24, v20;
	v53 =	vsub.f32 $1.500000000e+00, v27  }
0x304: {  	v54 =	vmul.f32 v25, v21;
	v55 =	vsub.f32 $1.500000000e+00, v29  }
0x305: {  	v15 =	vmul.f32 v20, v15;
	v22 =	vmul.f32 v53, v22  }
0x306: {  	v19 =	vmul.f32 v54, v19;
	v56 =	vmul.f32 v55, v51  }
0x307: {  	v23 =	vsub.f32 $1.500000000e+00, v23;
	v15 =	vmul.f32 v15, v20;
	v57 =	vmul.f32 v22, v18  }
0x308: {  	v19 =	vmul.f32 v19, v54;
	v25 =	vmul.f32 v56, v28  }
0x309: {  	v17 =	vmul.f32 v23, v17;
	v15 =	vsub.f32 $1.500000000e+00, v15;
	v18 =	vmul.f32 v57, v22  }
0x30a: {  	vm3 =	vgt.f32 v12, $0.0e+00;
	v12 =	vsub.f32 $1.500000000e+00, v19;
	v58 =	vmul.f32 v25, v56  }
0x30b: {  	v17 =	vnsel vm3, $0x0, v17;
	v15 =	vmul.f32 v15, v20;
	v18 =	vsub.f32 $1.500000000e+00, v18  }
0x30c: {  	vm3 =	vgt.f32 v11, $0.0e+00;
	v11 =	vmul.f32 v12, v54;
	v12 =	vsub.f32 $1.500000000e+00, v58  }
0x30d: {  	[tilespmem:s19+$0xD180] =	vst v17;
	v15 =	vnsel vm3, $0x0, v15;
	vm3 =	vgt.f32 v13, $0.0e+00;
	v13 =	vmul.f32 v18, v22  }
0x30e: {  	[tilespmem:s4+$0xD180] =	vst v15;
	v11 =	vnsel vm3, $0x0, v11;
	vm3 =	vgt.f32 v14, $0.0e+00;
	v12 =	vmul.f32 v12, v56  }
0x30f: {  	[tilespmem:s5+$0xD180] =	vst v11;
	v11 =	vnsel vm3, $0x0, v13;
	vm3 =	vgt.f32 v16, $0.0e+00  }
0x310: {  	[tilespmem:s20+$0xD180] =	vst v11;
	v11 =	vnsel vm3, $0x0, v12  }
0x311: {  	s1 =	rddreg [dreg:$0xd];
	[tilespmem:s21+$0xD180] =	vst v11;
	s21 =	simm.s32 $0xD180  }
0x312: {  	[spmem:s1] =	stream.linear.scatter [tilespmem:s21], [sflag:$0x2], $0x100, $0x38;
	[tilespmem:$0x1F890] =	vst v63  }
0x313: {  	_ =	swait.ge [sflag:s23], $0x100  }
0x314: {  	[sflag:s23] =	ssyncset.done $0x0  }
0x315: {  	[sflag:s23] =	ssyncadd.s32 $0xFFFFFF00  }
0x316: {  	[bflag:$0x0] =	sbarrier.arrive $0xFFFF  }
0x317: {  	s11 =	simm.s32 $0xD380;
	s5 =	rddreg [dreg:$0x6]  }
0x318: {  	[tilespmem:s11], [sflag:$0x2] =	stream.linear.gather [spmem:s5], $0x100, $0x38;
	[tilespmem:$0x1F890] =	vst v63  }
0x319: {  	_ =	swait.ge [sflag:s23], $0x100  }
0x31a: {  	[sflag:s23] =	ssyncset.done $0x0  }
0x31b: {  	[sflag:s23] =	ssyncadd.s32 $0xFFFFFF00  }
0x31c: {  	v11 =	vld [tilespmem:$0xD380]  }
0x31d: {  	v12 =	vld [tilespmem:$0xD390]  }
0x31e: {  	v13 =	vld [tilespmem:$0xD3A0]  }
0x31f: {  	v14 =	vld [tilespmem:$0xD3B0]  }
0x320: {  	v15 =	vld [tilespmem:$0xD3C0]  }
0x321: {  	v16 =	vld [tilespmem:$0xD3D0]  }
0x322: {  	v17 =	vld [tilespmem:$0xD3E0]  }
0x323: {  	v59 =	vld [tilespmem:$0xD3F0]  }
0x324: {  	v60 =	vld [tilespmem:$0xD400]  }
0x325: {  	v61 =	vld [tilespmem:$0xD410]  }
0x326: {  	vm3 =	vmmov $0x1;
	v62 =	vld [tilespmem:$0xD420]  }
0x327: {  	v63 =	vld [tilespmem:$0xD430];
	v11 =	vsel vm3, v11, v12  }
0x328: {  	v12 =	vld [tilespmem:$0xD440];
	vm3 =	vmmov $0x7;
	v11 =	vsel vm0, v11, v13  }
0x329: {  	v13 =	vld [tilespmem:$0xD450];
	v11 =	vsel vm3, v11, v14  }
0x32a: {  	s19 =	simm.s32 $0x0;
	s20 =	rddreg [dreg:$0xb];
	v14 =	vld [tilespmem:$0xD460];
	vm3 =	vmmov $0x1f;
	v11 =	vsel vm1, v11, v15  }
0x32b: {  	v15 =	vld [tilespmem:$0xD470];
	[tilespmem:s19], [sflag:$0x2] =	stream.strided.gather [hbm4b:s20+s24], $0x1000, s25, s24, $0x38;
	v11 =	vsel vm3, v11, v16;
	vm3 =	vmmov $0x3f  }
0x32c: {  	_ =	swait.ge [sflag:s23], $0x1000;
	v11 =	vsel vm3, v11, v17;
	vm3 =	vmmov $0x7f  }
0x32d: {  	[sflag:s23] =	ssyncset.done $0x0;
	v11 =	vsel vm3, v11, v59  }
0x32e: {  	s21 =	simm.s32 $0x1000;
	vm3 =	vmmov $0x1ff;
	[sflag:s23] =	ssyncadd.s32 $0xFFFFF000;
	v11 =	vsel vm2, v11, v60  }
0x32f: {  	[tilespmem:s21], [sflag:$0x2] =	stream.strided.gather [hbm4b:s13+s24], $0x1000, s25, s24, $0x38;
	v11 =	vsel vm3, v11, v61;
	vm3 =	vmmov $0x3ff;
	[tilespmem:$0x1F890] =	vst v63  }
0x330: {  	_ =	swait.ge [sflag:s23], $0x1000;
	v11 =	vsel vm3, v11, v62;
	vm3 =	vmmov $0x7ff  }
0x331: {  	[sflag:s23] =	ssyncset.done $0x0;
	v11 =	vsel vm3, v11, v63;
	vm3 =	vmmov $0xfff  }
0x332: {  	[sflag:s23] =	ssyncadd.s32 $0xFFFFF000;
	v11 =	vsel vm3, v11, v12;
	vm3 =	vmmov $0x1fff  }
0x333: {  	[tilespmem:s6], [sflag:$0x2] =	stream.linear.gather [hbm4b:s16+s19], $0x1000, $0x38;
	v11 =	vsel vm3, v11, v13;
	vm3 =	vmmov $0x3fff;
	[tilespmem:$0x1F890] =	vst v63  }
0x334: {  	_ =	swait.ge [sflag:s23], $0x1000;
	v11 =	vsel vm3, v11, v14;
	vm3 =	vmmov $0x7fff  }
0x335: {  	[sflag:s23] =	ssyncset.done $0x0;
	v11 =	vsel vm3, v11, v15  }
0x336: {  	[sflag:s23] =	ssyncadd.s32 $0xFFFFF000;
	v12 =	vperm.xlane v11, v4  }
0x337: {  	vm3 =	veq.s32 v5, $0x0;
	v13 =	vld [tilespmem:s19+$0x0]  }
0x338: {  	v14 =	vld [tilespmem:s21+$0x0];
	v12 =	vsel vm3, $0x0, v12  }
0x339: {  	v12 =	vadd.s32 v11, v12  }
0x33a: {  	v15 =	vperm.xlane v12, v6;
	_ =	sdelay $0x1  }
0x33b: {  	v15 =	vsel vm0, $0x0, v15  }
0x33c: {  	v13 =	vshll.u32 v13, $0x7;
	v14 =	vshrl.u32 v14, $0x5;
	v12 =	vadd.s32 v15, v12  }
0x33d: {  	s4 =	simm.s32 $0x3000;
	v13 =	vadd.s32 v13, v14;
	v15 =	vperm.xlane v12, v7  }
0x33e: {  	s1 =	sand.u32 $0xFF0, s19;
	[tilespmem:s4+$0x0] =	vst v13;
	v13 =	vadd.s32 $0x80000, v13  }
0x33f: {  	s11 =	simm.s32 $0x1010;
	[tilespmem:s1+$0x4000] =	vst v13;
	v14 =	vsel vm1, $0x0, v15  }
0x340: {  	s5 =	simm.s32 $0x10;
	v15 =	vld [tilespmem:s11+$0x0];
	v12 =	vadd.s32 v14, v12  }
0x341: {  	s20 =	simm.s32 $0x10;
	s19 =	simm.s32 $0x20;
	v14 =	vld [tilespmem:s5+$0x0];
	v13 =	vperm.xlane v12, v8  }
.LBB2_26:
0x342: {  	p0 =	sne.s32 s19, $0xFF0;
	_ =	sdelay $0x3  }
0x343: {  	v14 =	vshll.u32 v14, $0x7;
	v15 =	vshrl.u32 v15, $0x5  }
.Ltmp12:
0x344: {  	s4 =	sadd.s32 $0x10, s4;
	v14 =	vadd.s32 v14, v15;
	(pc) =	sbr.rel @p0 .LBB2_26-.Ltmp12, $4  }
0x345: {  	s1 =	sand.u32 $0xFF0, s5;
	s5 =	smov.u32 s19;
	[tilespmem:s4+$0x0] =	vst v14;
	v14 =	vadd.s32 $0x80000, v14  }
0x346: {  	s20 =	sadd.s32 $0x10, s20;
	[tilespmem:s1+$0x4000] =	vst v14  }
0x347: {  	s11 =	sadd.s32 $0x10, s11;
	v14 =	vld [tilespmem:s20+$0x0]  }
0x348: {  	s19 =	sadd.s32 $0x10, s19;
	v15 =	vld [tilespmem:s11+$0x0]  }
0x349: {  	_ =	sdelay $0x3  }
0x34a: {  	v14 =	vshll.u32 v14, $0x7;
	v15 =	vshrl.u32 v15, $0x5  }
0x34b: {  	s1 =	sadd.s32 $0x10, s4;
	v14 =	vadd.s32 v14, v15  }
0x34c: {  	s19 =	sand.u32 $0xFF0, s5;
	[tilespmem:s1+$0x0] =	vst v14;
	v14 =	vadd.s32 $0x80000, v14  }
0x34d: {  	s4 =	simm.s32 $0x3000;
	s20 =	rddreg [dreg:$0x4];
	[tilespmem:s19+$0x4000] =	vst v14  }
0x34e: {  	[tilespmem:s22], [sflag:$0x1] =	stream.indirect.gather [spmem:s20], $0x1, s4, s6, $0xb8;
	[tilespmem:$0x1F890] =	vst v63  }
0x34f: {  	_ =	swait.ge [sflag:s3], $0x2000  }
0x350: {  	[sflag:s3] =	ssyncset.done $0x0  }
0x351: {  	s21 =	simm.s32 $0x0;
	[sflag:s3] =	ssyncadd.s32 $0xFFFFE000  }
0x352: {  	v14 =	vld [tilespmem:s21+$0x0];
	_ =	sdelay $0x4  }
0x353: {  	s5 =	simm.s32 $0x1000;
	[tilespmem:s4+$0x0] =	vst v14  }
0x354: {  	v14 =	vld [tilespmem:s5+$0x0];
	_ =	sdelay $0x3  }
0x355: {  	s1 =	sand.u32 $0xFF0, s21  }
0x356: {  	s11 =	simm.s32 $0x10;
	[tilespmem:s1+$0x4000] =	vst v14  }
0x357: {  	s19 =	simm.s32 $0x20;
	s20 =	simm.s32 $0x10;
	v14 =	vld [tilespmem:s11+$0x0]  }
.LBB2_28:
0x358: {  	p0 =	sne.s32 s19, $0xFF0;
	_ =	sdelay $0x2  }
0x359: {  	s4 =	sadd.s32 $0x10, s4  }
0x35a: {  	s5 =	sadd.s32 $0x10, s5;
	[tilespmem:s4+$0x0] =	vst v14  }
0x35b: {  	v14 =	vld [tilespmem:s5+$0x0];
	_ =	sdelay $0x1  }
.Ltmp13:
0x35c: {  	(pc) =	sbr.rel @p0 .LBB2_28-.Ltmp13, $4  }
0x35d: {  	_ = 	snop  }
0x35e: {  	s1 =	sand.u32 $0xFF0, s11;
	s11 =	smov.u32 s19  }
0x35f: {  	s20 =	sadd.s32 $0x10, s20;
	[tilespmem:s1+$0x4000] =	vst v14  }
0x360: {  	s19 =	sadd.s32 $0x10, s19;
	v14 =	vld [tilespmem:s20+$0x0]  }
0x361: {  	_ =	sdelay $0x2  }
0x362: {  	s1 =	sadd.s32 $0x10, s4  }
0x363: {  	s5 =	sadd.s32 $0x10, s5;
	[tilespmem:s1+$0x0] =	vst v14  }
0x364: {  	v14 =	vld [tilespmem:s5+$0x0];
	_ =	sdelay $0x3  }
0x365: {  	s11 =	sand.u32 $0xFF0, s11  }
0x366: {  	s19 =	rddreg [dreg:$0x7];
	s20 =	simm.s32 $0x3000;
	s21 =	simm.s32 $0x7000;
	[tilespmem:s11+$0x4000] =	vst v14  }
0x367: {  	[tilespmem:s21], [sflag:$0x1] =	stream.indirect.gather [spmem:s19], $0x1, s20, s6, $0xb8;
	[tilespmem:$0x1F890] =	vst v63  }
0x368: {  	_ =	swait.ge [sflag:s3], $0x2000  }
0x369: {  	[sflag:s3] =	ssyncset.done $0x0  }
0x36a: {  	s5 =	simm.s32 $0x0;
	[sflag:s3] =	ssyncadd.s32 $0xFFFFE000  }
0x36b: {  	v14 =	vld [tilespmem:s5+$0x7000]  }
0x36c: {  	v15 =	vld [tilespmem:s5+$0x2000]  }
0x36d: {  	v16 =	vld [tilespmem:s5+$0x0]  }
0x36e: {  	v17 =	vld [tilespmem:s5+$0x1000]  }
0x36f: {  	v18 =	vld [tilespmem:s5+$0x8000];
	_ =	sdelay $0x2  }
0x370: {  	v14 =	vmul.f32 v15, v14  }
0x371: {  	v15 =	vshll.u32 v16, $0xC  }
0x372: {  	v15 =	vadd.s32 v17, v15;
	v14 =	vmul.f32 v18, v14  }
0x373: {  	v19 =	vld [tilespmem:s5+$0x5000];
	[tilespmem:s5+$0x5000] =	vst v15  }
0x374: {  	s19 =	simm.s32 $0x10;
	v15 =	vld [tilespmem:s5+$0x6000];
	[tilespmem:s5+$0x6000] =	vst v14  }
0x375: {  	v13 =	vsel vm2, $0x0, v13;
	v18 =	vld [tilespmem:s19+$0x7000]  }
0x376: {  	v16 =	vshll.u32 v16, $0x7;
	v20 =	vshrl.u32 v17, $0x5;
	v14 =	vand.u32 $0x1F, v17;
	v21 =	vld [tilespmem:s19+$0x2000]  }
0x377: {  	v11 =	vsub.s32 v13, v11;
	v13 =	vadd.s32 v16, v20;
	v14 =	vshll.u32 v10, v14;
	v16 =	vld [tilespmem:s19+$0x0]  }
0x378: {  	v11 =	vadd.s32 v12, v11;
	v12 =	vshrl.u32 v13, $0xF;
	v20 =	vld [tilespmem:s19+$0x8000];
	v14 =	vandn.u32 v19, v14  }
0x379: {  	v12 =	vperm.xlane v11, v12;
	v19 =	vld [tilespmem:s19+$0x1000];
	v13 =	vshrl.u32 v14, $0x1  }
0x37a: {  	v13 =	vand.u32 $0x15555555, v13  }
0x37b: {  	v17 =	vand.u32 $0xFFF, v17;
	v12 =	vadd.s32 v0, v12;
	v13 =	vsub.s32 v14, v13  }
0x37c: {  	v14 =	vand.u32 $0x33333333, v13;
	v13 =	vshrl.u32 v13, $0x2;
	v18 =	vmul.f32 v21, v18  }
0x37d: {  	v15 =	vadd.s32 v15, v12;
	v21 =	vshll.u32 v16, $0xC;
	v13 =	vand.u32 $0x33333333, v13  }
0x37e: {  	v12 =	vadd.s32 v14, v13;
	v13 =	vadd.s32 v19, v21;
	v18 =	vmul.f32 v20, v18  }
0x37f: {  	v17 =	vor.u32 $0x10000, v17;
	v16 =	vshll.u32 v16, $0x7;
	v14 =	vld [tilespmem:s19+$0x5000];
	v21 =	vshrl.u32 v19, $0x5;
	[tilespmem:s19+$0x5000] =	vst v13  }
0x380: {  	s4 =	simm.s32 $0x20;
	v22 =	vld [tilespmem:s19+$0x6000];
	v20 =	vand.u32 $0x1F, v19;
	v13 =	vshrl.u32 v12, $0x4;
	v16 =	vadd.s32 v16, v21;
	[tilespmem:s19+$0x6000] =	vst v18  }
0x381: {  	v12 =	vadd.s32 v12, v13;
	v13 =	vshll.u32 v10, v20;
	v16 =	vshrl.u32 v16, $0xF;
	v23 =	vld [tilespmem:s4+$0x7000]  }
0x382: {  	v18 =	vand.u32 $0xFFF, v19;
	v12 =	vand.u32 $0xF0F0F0F, v12;
	v16 =	vperm.xlane v11, v16;
	v25 =	vld [tilespmem:s4+$0x2000]  }
0x383: {  	v20 =	vshrl.u32 v12, $0x8;
	v21 =	vshrl.u32 v12, $0x10;
	v24 =	vshrl.u32 v12, $0x18  }
0x384: {  	v20 =	vadd.s32 v12, v20;
	v26 =	vandn.u32 v14, v13;
	v12 =	vor.u32 $0x10000, v18;
	v18 =	vld [tilespmem:s4+$0x0]  }
0x385: {  	v19 =	vld [tilespmem:s4+$0x8000];
	v16 =	vadd.s32 v0, v16;
	v13 =	vadd.s32 v21, v20;
	v14 =	vshrl.u32 v26, $0x1  }
0x386: {  	v20 =	vadd.s32 v24, v13;
	v13 =	vld [tilespmem:s4+$0x1000];
	v21 =	vand.u32 $0x15555555, v14;
	v14 =	vadd.s32 v22, v16  }
0x387: {  	v20 =	vand.u32 $0x3F, v20;
	v16 =	vsub.s32 v26, v21;
	v21 =	vmul.f32 v25, v23  }
0x388: {  	v15 =	vadd.s32 v20, v15;
	v20 =	vand.u32 $0x33333333, v16;
	v16 =	vshrl.u32 v16, $0x2  }
0x389: {  	vm3 =	vgt.u32 v15, $0xFFFF;
	v22 =	vand.u32 $0x33333333, v16;
	v16 =	vshll.u32 v18, $0x7  }
0x38a: {  	v21 =	vmul.f32 v19, v21;
	v15 =	vsel vm3, v17, v15;
	v17 =	vshll.u32 v18, $0xC  }
0x38b: {  	v20 =	vadd.s32 v20, v22;
	[tilespmem:s5+$0x9000] =	vst v15;
	v18 =	vand.u32 $0x1F, v13;
	v22 =	vadd.s32 v13, v17  }
0x38c: {  	s11 =	simm.s32 $0x140;
	s20 =	simm.s32 $0xC0;
	s21 =	simm.s32 $0x100;
	v19 =	vshrl.u32 v13, $0x5;
	v17 =	vld [tilespmem:s4+$0x5000];
	v18 =	vshll.u32 v10, v18;
	[tilespmem:s4+$0x5000] =	vst v22;
	v22 =	vshrl.u32 v20, $0x4  }
.LBB2_30:
0x38d: {  	p0 =	sne.s32 s11, $0x3FC0;
	v16 =	vadd.s32 v16, v19;
	v19 =	vld [tilespmem:s4+$0x6000];
	v13 =	vand.u32 $0xFFF, v13;
	[tilespmem:s4+$0x6000] =	vst v21;
	v20 =	vadd.s32 v20, v22  }
0x38e: {  	s1 =	sshra.s32 s20, $0x2;
	s20 =	smov.u32 s21;
	s21 =	smov.u32 s11;
	v16 =	vshrl.u32 v16, $0xF;
	v21 =	vor.u32 $0x10000, v13;
	v13 =	vand.u32 $0xF0F0F0F, v20  }
0x38f: {  	v22 =	vld [tilespmem:s1+$0x8000];
	v16 =	vperm.xlane v11, v16;
	v20 =	vshrl.u32 v13, $0x8;
	v23 =	vshrl.u32 v13, $0x10  }
0x390: {  	v15 =	vadd.s32 $0x11000, v15;
	v24 =	vld [tilespmem:s1+$0x7000];
	v20 =	vadd.s32 v13, v20;
	v13 =	vshrl.u32 v13, $0x18  }
0x391: {  	v25 =	vld [tilespmem:s1+$0x2000];
	v17 =	vandn.u32 v17, v18;
	v16 =	vadd.s32 v0, v16;
	v18 =	vadd.s32 v23, v20;
	[tilespmem:s5+$0xA000] =	vst v15;
	s5 =	smov.u32 s19;
	s19 =	smov.u32 s4;
	s4 =	smov.u32 s1  }
0x392: {  	v20 =	vld [tilespmem:s4+$0x0];
	v15 =	vshrl.u32 v17, $0x1;
	v16 =	vadd.s32 v19, v16;
	v18 =	vadd.s32 v13, v18  }
0x393: {  	v13 =	vld [tilespmem:s4+$0x1000];
	v15 =	vand.u32 $0x15555555, v15;
	v18 =	vand.u32 $0x3F, v18  }
0x394: {  	v15 =	vsub.s32 v17, v15;
	v17 =	vadd.s32 v18, v14;
	v14 =	vmov v16  }
.Ltmp14:
0x395: {  	v18 =	vand.u32 $0x33333333, v15;
	v15 =	vshrl.u32 v15, $0x2;
	vm3 =	vgt.u32 v17, $0xFFFF;
	(pc) =	sbr.rel @p0 .LBB2_30-.Ltmp14, $4  }
0x396: {  	v19 =	vmul.f32 v25, v24;
	v23 =	vand.u32 $0x33333333, v15;
	v15 =	vsel vm3, v12, v17;
	v12 =	vmovc v21  }
0x397: {  	v17 =	vshll.u32 v20, $0xC;
	v16 =	vshll.u32 v20, $0x7;
	v20 =	vadd.s32 v18, v23;
	[tilespmem:s5+$0x9000] =	vst v15  }
0x398: {  	v18 =	vand.u32 $0x1F, v13;
	v23 =	vadd.s32 v13, v17;
	v21 =	vmul.f32 v22, v19  }
0x399: {  	s11 =	sadd.s32 $0x40, s11;
	v19 =	vshrl.u32 v13, $0x5;
	v22 =	vshrl.u32 v20, $0x4;
	v17 =	vld [tilespmem:s4+$0x5000];
	v18 =	vshll.u32 v10, v18;
	[tilespmem:s4+$0x5000] =	vst v23  }
0x39a: {  	_ =	sdelay $0x1  }
0x39b: {  	v20 =	vadd.s32 v20, v22  }
0x39c: {  	v23 =	vld [tilespmem:s4+$0x6000];
	[tilespmem:s4+$0x6000] =	vst v21;
	s20 =	sshra.s32 s20, $0x2;
	v20 =	vand.u32 $0xF0F0F0F, v20  }
0x39d: {  	v15 =	vadd.s32 $0x11000, v15;
	v21 =	vld [tilespmem:s20+$0x8000];
	v31 =	vshrl.u32 v20, $0x8;
	v17 =	vandn.u32 v17, v18  }
0x39e: {  	v25 =	vld [tilespmem:s20+$0x7000];
	v24 =	vshrl.u32 v20, $0x10;
	v32 =	vadd.s32 v20, v31;
	v26 =	vshrl.u32 v17, $0x1  }
0x39f: {  	v33 =	vld [tilespmem:s20+$0x2000];
	[tilespmem:s5+$0xA000] =	vst v15;
	v20 =	vshrl.u32 v20, $0x18;
	v18 =	vadd.s32 v24, v32;
	v15 =	vand.u32 $0x15555555, v26  }
0x3a0: {  	v18 =	vadd.s32 v20, v18;
	v15 =	vsub.s32 v17, v15  }
0x3a1: {  	v34 =	vld [tilespmem:s20+$0x0];
	v18 =	vand.u32 $0x3F, v18;
	v36 =	vshrl.u32 v15, $0x2  }
0x3a2: {  	v35 =	vld [tilespmem:s20+$0x1000];
	v14 =	vadd.s32 v18, v14;
	v15 =	vand.u32 $0x33333333, v15;
	v37 =	vand.u32 $0x33333333, v36  }
0x3a3: {  	vm3 =	vgt.u32 v14, $0xFFFF;
	v15 =	vadd.s32 v15, v37  }
0x3a4: {  	v12 =	vsel vm3, v12, v14;
	v14 =	vshrl.u32 v15, $0x4  }
0x3a5: {  	v16 =	vadd.s32 v16, v19;
	v38 =	vmul.f32 v33, v25;
	v14 =	vadd.s32 v15, v14  }
0x3a6: {  	v16 =	vshrl.u32 v16, $0xF;
	v39 =	vshll.u32 v34, $0xC;
	v14 =	vand.u32 $0xF0F0F0F, v14  }
0x3a7: {  	v18 =	vmul.f32 v21, v38;
	[tilespmem:s19+$0x9000] =	vst v12;
	v15 =	vadd.s32 v35, v39;
	v41 =	vshrl.u32 v14, $0x8  }
0x3a8: {  	v16 =	vperm.xlane v11, v16;
	v40 =	vld [tilespmem:s20+$0x5000];
	[tilespmem:s20+$0x5000] =	vst v15;
	v42 =	vshrl.u32 v14, $0x10;
	v20 =	vadd.s32 v14, v41  }
0x3a9: {  	s11 =	sshra.s32 s21, $0x2;
	v15 =	vld [tilespmem:s20+$0x6000];
	[tilespmem:s20+$0x6000] =	vst v18;
	v14 =	vshrl.u32 v14, $0x18;
	v18 =	vadd.s32 v42, v20  }
0x3aa: {  	v16 =	vadd.s32 v0, v16;
	v43 =	vld [tilespmem:s11+$0x8000];
	v14 =	vadd.s32 v14, v18  }
0x3ab: {  	v16 =	vadd.s32 v23, v16;
	v12 =	vadd.s32 $0x11000, v12;
	v44 =	vld [tilespmem:s11+$0x7000];
	v14 =	vand.u32 $0x3F, v14  }
0x3ac: {  	v13 =	vand.u32 $0xFFF, v13;
	v45 =	vld [tilespmem:s11+$0x2000];
	[tilespmem:s19+$0xA000] =	vst v12;
	v12 =	vadd.s32 v14, v16  }
0x3ad: {  	v13 =	vor.u32 $0x10000, v13;
	vm3 =	vgt.u32 v12, $0xFFFF  }
0x3ae: {  	v48 =	vshrl.u32 v35, $0x5;
	v49 =	vld [tilespmem:s11+$0x1000];
	v14 =	vshll.u32 v34, $0x7;
	v12 =	vsel vm3, v13, v12  }
0x3af: {  	v47 =	vand.u32 $0x1F, v35;
	v46 =	vld [tilespmem:s11+$0x0];
	v14 =	vadd.s32 v14, v48;
	[tilespmem:s4+$0x9000] =	vst v12  }
0x3b0: {  	v13 =	vshll.u32 v10, v47;
	v14 =	vshrl.u32 v14, $0xF;
	v50 =	vld [tilespmem:s11+$0x5000]  }
0x3b1: {  	v17 =	vand.u32 $0xFFF, v35;
	v13 =	vandn.u32 v40, v13;
	v14 =	vperm.xlane v11, v14  }
0x3b2: {  	v17 =	vor.u32 $0x10000, v17;
	v18 =	vmul.f32 v45, v44;
	v51 =	vshrl.u32 v13, $0x1  }
0x3b3: {  	v52 =	vand.u32 $0x1F, v49;
	v22 =	vand.u32 $0x15555555, v51;
	v14 =	vadd.s32 v0, v14  }
0x3b4: {  	v13 =	vsub.s32 v13, v22;
	v14 =	vadd.s32 v15, v14;
	v22 =	vshll.u32 v10, v52  }
0x3b5: {  	v15 =	vand.u32 $0x33333333, v13;
	v13 =	vshrl.u32 v13, $0x2;
	v19 =	vandn.u32 v50, v22  }
0x3b6: {  	v53 =	vshll.u32 v46, $0xC;
	v13 =	vand.u32 $0x33333333, v13;
	v22 =	vshrl.u32 v19, $0x1  }
0x3b7: {  	v16 =	vshll.u32 v46, $0x7;
	v13 =	vadd.s32 v15, v13;
	v15 =	vand.u32 $0x15555555, v22  }
0x3b8: {  	v54 =	vshrl.u32 v49, $0x5;
	v20 =	vadd.s32 v49, v53;
	v15 =	vsub.s32 v19, v15  }
0x3b9: {  	v18 =	vmul.f32 v43, v18;
	v16 =	vadd.s32 v16, v54;
	v56 =	vshrl.u32 v15, $0x2  }
0x3ba: {  	v55 =	vshrl.u32 v13, $0x4;
	v15 =	vand.u32 $0x33333333, v15;
	v57 =	vand.u32 $0x33333333, v56  }
0x3bb: {  	v16 =	vshrl.u32 v16, $0xF;
	v13 =	vadd.s32 v13, v55;
	v15 =	vadd.s32 v15, v57  }
0x3bc: {  	v12 =	vadd.s32 $0x11000, v12;
	v13 =	vand.u32 $0xF0F0F0F, v13;
	v19 =	vshrl.u32 v15, $0x4  }
0x3bd: {  	v16 =	vperm.xlane v11, v16;
	v58 =	vshrl.u32 v13, $0x8;
	v15 =	vadd.s32 v15, v19  }
0x3be: {  	v60 =	vld [tilespmem:s11+$0x6000];
	v59 =	vshrl.u32 v13, $0x10;
	v21 =	vadd.s32 v13, v58;
	v15 =	vand.u32 $0xF0F0F0F, v15  }
0x3bf: {  	v13 =	vshrl.u32 v13, $0x18;
	v21 =	vadd.s32 v59, v21;
	v61 =	vshrl.u32 v15, $0x8  }
0x3c0: {  	v13 =	vadd.s32 v13, v21;
	v62 =	vshrl.u32 v15, $0x10;
	v22 =	vadd.s32 v15, v61  }
0x3c1: {  	v13 =	vand.u32 $0x3F, v13;
	v15 =	vshrl.u32 v15, $0x18;
	v21 =	vadd.s32 v62, v22  }
0x3c2: {  	[tilespmem:s11+$0x5000] =	vst v20;
	v16 =	vadd.s32 v0, v16;
	v13 =	vadd.s32 v13, v14;
	v14 =	vadd.s32 v15, v21  }
0x3c3: {  	[tilespmem:s11+$0x6000] =	vst v18;
	vm3 =	vgt.u32 v13, $0xFFFF;
	v15 =	vadd.s32 v60, v16;
	v14 =	vand.u32 $0x3F, v14  }
0x3c4: {  	v63 =	vand.u32 $0xFFF, v49;
	[tilespmem:s4+$0xA000] =	vst v12;
	v12 =	vsel vm3, v17, v13;
	v13 =	vadd.s32 v14, v15  }
0x3c5: {  	[tilespmem:s20+$0x9000] =	vst v12;
	v12 =	vadd.s32 $0x11000, v12;
	v14 =	vor.u32 $0x10000, v63;
	vm3 =	vgt.u32 v13, $0xFFFF  }
0x3c6: {  	[tilespmem:s20+$0xA000] =	vst v12;
	v12 =	vsel vm3, v14, v13  }
0x3c7: {  	[tilespmem:s11+$0x9000] =	vst v12;
	v12 =	vadd.s32 $0x11000, v12  }
0x3c8: {  	s1 =	rddreg [dreg:$0x8];
	s19 =	simm.s32 $0x9000;
	[tilespmem:s11+$0xA000] =	vst v12  }
0x3c9: {  	[spmem:s1] =	stream.indirect.scatter [tilespmem:s22], [sflag:$0x1], $0x1, s19, s6, $0xb8;
	[tilespmem:$0x1F890] =	vst v63  }
0x3ca: {  	_ =	swait.ge [sflag:s3], $0x2000  }
0x3cb: {  	[sflag:s3] =	ssyncset.done $0x0  }
0x3cc: {  	s20 =	simm.s32 $0x0;
	[sflag:s3] =	ssyncadd.s32 $0xFFFFE000  }
0x3cd: {  	[tilespmem:s20], [sflag:$0x2] =	stream.strided.gather [hbm4b:s14+s24], $0x1000, s25, s24, $0x38;
	[tilespmem:$0x1F890] =	vst v63  }
0x3ce: {  	_ =	swait.ge [sflag:s23], $0x1000  }
0x3cf: {  	[sflag:s23] =	ssyncset.done $0x0  }
0x3d0: {  	s21 =	simm.s32 $0x1000;
	[sflag:s23] =	ssyncadd.s32 $0xFFFFF000  }
0x3d1: {  	[tilespmem:s21], [sflag:$0x2] =	stream.strided.gather [hbm4b:s15+s24], $0x1000, s25, s24, $0x38;
	[tilespmem:$0x1F890] =	vst v63  }
0x3d2: {  	_ =	swait.ge [sflag:s23], $0x1000  }
0x3d3: {  	[sflag:s23] =	ssyncset.done $0x0  }
0x3d4: {  	[sflag:s23] =	ssyncadd.s32 $0xFFFFF000  }
0x3d5: {  	[tilespmem:s6], [sflag:$0x2] =	stream.linear.gather [hbm4b:s17+s20], $0x1000, $0x38;
	[tilespmem:$0x1F890] =	vst v63  }
0x3d6: {  	_ =	swait.ge [sflag:s23], $0x1000  }
0x3d7: {  	[sflag:s23] =	ssyncset.done $0x0  }
0x3d8: {  	[sflag:s23] =	ssyncadd.s32 $0xFFFFF000  }
0x3d9: {  	v12 =	vld [tilespmem:s20+$0x0]  }
0x3da: {  	v13 =	vld [tilespmem:s21+$0x0];
	_ =	sdelay $0x4  }
0x3db: {  	v12 =	vshll.u32 v12, $0x7;
	v13 =	vshrl.u32 v13, $0x5  }
0x3dc: {  	s4 =	simm.s32 $0x3000;
	v12 =	vadd.s32 v12, v13  }
0x3dd: {  	s1 =	sand.u32 $0xFF0, s20;
	[tilespmem:s4+$0x0] =	vst v12;
	v12 =	vadd.s32 $0x80000, v12  }
0x3de: {  	s5 =	simm.s32 $0x10;
	[tilespmem:s1+$0x4000] =	vst v12  }
0x3df: {  	s11 =	simm.s32 $0x1010;
	v12 =	vld [tilespmem:s5+$0x0]  }
0x3e0: {  	s19 =	simm.s32 $0x20;
	s20 =	simm.s32 $0x10;
	v13 =	vld [tilespmem:s11+$0x0]  }
.LBB2_32:
0x3e1: {  	p0 =	sne.s32 s19, $0xFF0;
	_ =	sdelay $0x3  }
0x3e2: {  	v12 =	vshll.u32 v12, $0x7;
	v13 =	vshrl.u32 v13, $0x5  }
.Ltmp15:
0x3e3: {  	s4 =	sadd.s32 $0x10, s4;
	v12 =	vadd.s32 v12, v13;
	(pc) =	sbr.rel @p0 .LBB2_32-.Ltmp15, $4  }
0x3e4: {  	s1 =	sand.u32 $0xFF0, s5;
	s5 =	smov.u32 s19;
	[tilespmem:s4+$0x0] =	vst v12;
	v12 =	vadd.s32 $0x80000, v12  }
0x3e5: {  	s20 =	sadd.s32 $0x10, s20;
	[tilespmem:s1+$0x4000] =	vst v12  }
0x3e6: {  	s11 =	sadd.s32 $0x10, s11;
	v12 =	vld [tilespmem:s20+$0x0]  }
0x3e7: {  	s19 =	sadd.s32 $0x10, s19;
	v13 =	vld [tilespmem:s11+$0x0]  }
0x3e8: {  	_ =	sdelay $0x3  }
0x3e9: {  	v12 =	vshll.u32 v12, $0x7;
	v13 =	vshrl.u32 v13, $0x5  }
0x3ea: {  	s1 =	sadd.s32 $0x10, s4;
	v12 =	vadd.s32 v12, v13  }
0x3eb: {  	s19 =	sand.u32 $0xFF0, s5;
	[tilespmem:s1+$0x0] =	vst v12;
	v12 =	vadd.s32 $0x80000, v12  }
0x3ec: {  	s4 =	simm.s32 $0x3000;
	s20 =	rddreg [dreg:$0x4];
	[tilespmem:s19+$0x4000] =	vst v12  }
0x3ed: {  	[tilespmem:s22], [sflag:$0x1] =	stream.indirect.gather [spmem:s20], $0x1, s4, s6, $0xb8;
	[tilespmem:$0x1F890] =	vst v63  }
0x3ee: {  	_ =	swait.ge [sflag:s3], $0x2000  }
0x3ef: {  	[sflag:s3] =	ssyncset.done $0x0  }
0x3f0: {  	s21 =	simm.s32 $0x0;
	[sflag:s3] =	ssyncadd.s32 $0xFFFFE000  }
0x3f1: {  	v12 =	vld [tilespmem:s21+$0x0];
	_ =	sdelay $0x4  }
0x3f2: {  	s5 =	simm.s32 $0x1000;
	[tilespmem:s4+$0x0] =	vst v12  }
0x3f3: {  	v12 =	vld [tilespmem:s5+$0x0];
	_ =	sdelay $0x3  }
0x3f4: {  	s1 =	sand.u32 $0xFF0, s21  }
0x3f5: {  	s11 =	simm.s32 $0x10;
	[tilespmem:s1+$0x4000] =	vst v12  }
0x3f6: {  	s19 =	simm.s32 $0x20;
	s20 =	simm.s32 $0x10;
	v12 =	vld [tilespmem:s11+$0x0]  }
.LBB2_34:
0x3f7: {  	p0 =	sne.s32 s19, $0xFF0;
	_ =	sdelay $0x2  }
0x3f8: {  	s4 =	sadd.s32 $0x10, s4  }
0x3f9: {  	s5 =	sadd.s32 $0x10, s5;
	[tilespmem:s4+$0x0] =	vst v12  }
0x3fa: {  	v12 =	vld [tilespmem:s5+$0x0];
	_ =	sdelay $0x1  }
.Ltmp16:
0x3fb: {  	(pc) =	sbr.rel @p0 .LBB2_34-.Ltmp16, $4  }
0x3fc: {  	_ = 	snop  }
0x3fd: {  	s1 =	sand.u32 $0xFF0, s11;
	s11 =	smov.u32 s19  }
0x3fe: {  	s20 =	sadd.s32 $0x10, s20;
	[tilespmem:s1+$0x4000] =	vst v12  }
0x3ff: {  	s19 =	sadd.s32 $0x10, s19;
	v12 =	vld [tilespmem:s20+$0x0]  }
0x400: {  	_ =	sdelay $0x2  }
0x401: {  	s1 =	sadd.s32 $0x10, s4  }
0x402: {  	s5 =	sadd.s32 $0x10, s5;
	[tilespmem:s1+$0x0] =	vst v12  }
0x403: {  	v12 =	vld [tilespmem:s5+$0x0];
	_ =	sdelay $0x3  }
0x404: {  	s11 =	sand.u32 $0xFF0, s11  }
0x405: {  	s19 =	rddreg [dreg:$0x7];
	s20 =	simm.s32 $0x3000;
	s21 =	simm.s32 $0x7000;
	[tilespmem:s11+$0x4000] =	vst v12  }
0x406: {  	[tilespmem:s21], [sflag:$0x1] =	stream.indirect.gather [spmem:s19], $0x1, s20, s6, $0xb8;
	[tilespmem:$0x1F890] =	vst v63  }
0x407: {  	_ =	swait.ge [sflag:s3], $0x2000  }
0x408: {  	[sflag:s3] =	ssyncset.done $0x0  }
0x409: {  	s5 =	simm.s32 $0x0;
	[sflag:s3] =	ssyncadd.s32 $0xFFFFE000  }
0x40a: {  	v12 =	vld [tilespmem:s5+$0x7000]  }
0x40b: {  	v13 =	vld [tilespmem:s5+$0x2000]  }
0x40c: {  	v14 =	vld [tilespmem:s5+$0x0]  }
0x40d: {  	v15 =	vld [tilespmem:s5+$0x1000]  }
0x40e: {  	v16 =	vld [tilespmem:s5+$0x8000];
	_ =	sdelay $0x2  }
0x40f: {  	v12 =	vmul.f32 v13, v12  }
0x410: {  	v13 =	vshll.u32 v14, $0xC  }
0x411: {  	v17 =	vld [tilespmem:s5+$0x5000];
	v13 =	vadd.s32 v15, v13;
	v12 =	vmul.f32 v16, v12  }
0x412: {  	[tilespmem:s5+$0x5000] =	vst v13  }
0x413: {  	s19 =	simm.s32 $0x10;
	v13 =	vld [tilespmem:s5+$0x6000];
	[tilespmem:s5+$0x6000] =	vst v12  }
0x414: {  	v14 =	vshll.u32 v14, $0x7;
	v18 =	vshrl.u32 v15, $0x5;
	v12 =	vand.u32 $0x1F, v15;
	v16 =	vld [tilespmem:s19+$0x7000]  }
0x415: {  	v14 =	vadd.s32 v14, v18;
	v12 =	vshll.u32 v10, v12;
	v19 =	vld [tilespmem:s19+$0x2000]  }
0x416: {  	v14 =	vshrl.u32 v14, $0xF;
	v12 =	vandn.u32 v17, v12;
	v17 =	vld [tilespmem:s19+$0x0]  }
0x417: {  	v14 =	vperm.xlane v11, v14;
	v20 =	vld [tilespmem:s19+$0x1000];
	v18 =	vshrl.u32 v12, $0x1  }
0x418: {  	v21 =	vld [tilespmem:s19+$0x8000];
	v18 =	vand.u32 $0x15555555, v18  }
0x419: {  	v15 =	vand.u32 $0xFFF, v15;
	v14 =	vadd.s32 v0, v14;
	v12 =	vsub.s32 v12, v18  }
0x41a: {  	v22 =	vadd.s32 v13, v14;
	v18 =	vand.u32 $0x33333333, v12;
	v12 =	vshrl.u32 v12, $0x2  }
0x41b: {  	v14 =	vld [tilespmem:s19+$0x5000];
	v16 =	vmul.f32 v19, v16;
	v12 =	vand.u32 $0x33333333, v12;
	v19 =	vshll.u32 v17, $0xC  }
0x41c: {  	v17 =	vshll.u32 v17, $0x7;
	v12 =	vadd.s32 v18, v12;
	v13 =	vadd.s32 v20, v19  }
0x41d: {  	v16 =	vmul.f32 v21, v16;
	v19 =	vshrl.u32 v20, $0x5;
	[tilespmem:s19+$0x5000] =	vst v13;
	v13 =	vshrl.u32 v12, $0x4  }
0x41e: {  	v18 =	vand.u32 $0x1F, v20;
	v17 =	vadd.s32 v17, v19;
	v12 =	vadd.s32 v12, v13  }
0x41f: {  	s4 =	simm.s32 $0x20;
	v21 =	vld [tilespmem:s19+$0x6000];
	v13 =	vshll.u32 v10, v18;
	[tilespmem:s19+$0x6000] =	vst v16;
	v16 =	vand.u32 $0xFFF, v20;
	v17 =	vshrl.u32 v17, $0xF  }
0x420: {  	v12 =	vand.u32 $0xF0F0F0F, v12;
	v17 =	vperm.xlane v11, v17;
	v23 =	vld [tilespmem:s4+$0x7000];
	v26 =	vandn.u32 v14, v13  }
0x421: {  	v25 =	vld [tilespmem:s4+$0x2000];
	v19 =	vshrl.u32 v12, $0x8;
	v20 =	vshrl.u32 v12, $0x10;
	v24 =	vshrl.u32 v12, $0x18  }
0x422: {  	v18 =	vld [tilespmem:s4+$0x8000];
	v14 =	vshrl.u32 v26, $0x1;
	v19 =	vadd.s32 v12, v19;
	v12 =	vor.u32 $0x10000, v16  }
0x423: {  	v16 =	vld [tilespmem:s4+$0x0];
	v17 =	vadd.s32 v0, v17;
	v13 =	vadd.s32 v20, v19;
	v20 =	vand.u32 $0x15555555, v14  }
0x424: {  	v14 =	vadd.s32 v21, v17;
	v19 =	vadd.s32 v24, v13;
	v13 =	vld [tilespmem:s4+$0x1000];
	v17 =	vsub.s32 v26, v20  }
0x425: {  	v19 =	vand.u32 $0x3F, v19;
	v20 =	vand.u32 $0x33333333, v17;
	v17 =	vshrl.u32 v17, $0x2  }
0x426: {  	v21 =	vmul.f32 v25, v23;
	v19 =	vadd.s32 v19, v22;
	v17 =	vand.u32 $0x33333333, v17  }
0x427: {  	v15 =	vor.u32 $0x10000, v15;
	vm3 =	vgt.u32 v19, $0xFFFF;
	v20 =	vadd.s32 v20, v17  }
0x428: {  	v21 =	vmul.f32 v18, v21;
	v15 =	vsel vm3, v15, v19;
	v19 =	vshll.u32 v16, $0xC  }
0x429: {  	v16 =	vshll.u32 v16, $0x7;
	[tilespmem:s5+$0x9000] =	vst v15;
	v22 =	vand.u32 $0x1F, v13;
	v23 =	vadd.s32 v13, v19  }
0x42a: {  	s11 =	simm.s32 $0x140;
	s20 =	simm.s32 $0xC0;
	s21 =	simm.s32 $0x100;
	v19 =	vshrl.u32 v13, $0x5;
	v17 =	vld [tilespmem:s4+$0x5000];
	v18 =	vshll.u32 v10, v22;
	[tilespmem:s4+$0x5000] =	vst v23;
	v22 =	vshrl.u32 v20, $0x4  }
.LBB2_36:
0x42b: {  	p0 =	sne.s32 s11, $0x3FC0;
	v16 =	vadd.s32 v16, v19;
	v19 =	vld [tilespmem:s4+$0x6000];
	v13 =	vand.u32 $0xFFF, v13;
	[tilespmem:s4+$0x6000] =	vst v21;
	v20 =	vadd.s32 v20, v22  }
0x42c: {  	s1 =	sshra.s32 s20, $0x2;
	s20 =	smov.u32 s21;
	s21 =	smov.u32 s11;
	v16 =	vshrl.u32 v16, $0xF;
	v21 =	vor.u32 $0x10000, v13;
	v13 =	vand.u32 $0xF0F0F0F, v20  }
0x42d: {  	v22 =	vld [tilespmem:s1+$0x8000];
	v16 =	vperm.xlane v11, v16;
	v20 =	vshrl.u32 v13, $0x8;
	v23 =	vshrl.u32 v13, $0x10  }
0x42e: {  	v15 =	vadd.s32 $0x11000, v15;
	v24 =	vld [tilespmem:s1+$0x7000];
	v20 =	vadd.s32 v13, v20;
	v13 =	vshrl.u32 v13, $0x18  }
0x42f: {  	v25 =	vld [tilespmem:s1+$0x2000];
	v17 =	vandn.u32 v17, v18;
	v16 =	vadd.s32 v0, v16;
	v18 =	vadd.s32 v23, v20;
	[tilespmem:s5+$0xA000] =	vst v15;
	s5 =	smov.u32 s19;
	s19 =	smov.u32 s4;
	s4 =	smov.u32 s1  }
0x430: {  	v20 =	vld [tilespmem:s4+$0x0];
	v15 =	vshrl.u32 v17, $0x1;
	v16 =	vadd.s32 v19, v16;
	v18 =	vadd.s32 v13, v18  }
0x431: {  	v13 =	vld [tilespmem:s4+$0x1000];
	v15 =	vand.u32 $0x15555555, v15;
	v18 =	vand.u32 $0x3F, v18  }
0x432: {  	v15 =	vsub.s32 v17, v15;
	v17 =	vadd.s32 v18, v14;
	v14 =	vmov v16  }
.Ltmp17:
0x433: {  	v18 =	vand.u32 $0x33333333, v15;
	v15 =	vshrl.u32 v15, $0x2;
	vm3 =	vgt.u32 v17, $0xFFFF;
	(pc) =	sbr.rel @p0 .LBB2_36-.Ltmp17, $4  }
0x434: {  	v19 =	vmul.f32 v25, v24;
	v23 =	vand.u32 $0x33333333, v15;
	v15 =	vsel vm3, v12, v17;
	v12 =	vmovc v21  }
0x435: {  	v17 =	vshll.u32 v20, $0xC;
	v16 =	vshll.u32 v20, $0x7;
	v20 =	vadd.s32 v18, v23;
	[tilespmem:s5+$0x9000] =	vst v15  }
0x436: {  	v18 =	vand.u32 $0x1F, v13;
	v23 =	vadd.s32 v13, v17;
	v21 =	vmul.f32 v22, v19  }
0x437: {  	s11 =	sadd.s32 $0x40, s11;
	v19 =	vshrl.u32 v13, $0x5;
	v22 =	vshrl.u32 v20, $0x4;
	v17 =	vld [tilespmem:s4+$0x5000];
	v18 =	vshll.u32 v10, v18;
	[tilespmem:s4+$0x5000] =	vst v23  }
0x438: {  	_ =	sdelay $0x2  }
0x439: {  	v23 =	vld [tilespmem:s4+$0x6000];
	[tilespmem:s4+$0x6000] =	vst v21;
	v20 =	vadd.s32 v20, v22;
	s20 =	sshra.s32 s20, $0x2  }
0x43a: {  	v20 =	vand.u32 $0xF0F0F0F, v20;
	v21 =	vld [tilespmem:s20+$0x8000];
	v17 =	vandn.u32 v17, v18  }
0x43b: {  	v15 =	vadd.s32 $0x11000, v15;
	v25 =	vld [tilespmem:s20+$0x7000];
	v56 =	vshrl.u32 v20, $0x8;
	v26 =	vshrl.u32 v17, $0x1  }
0x43c: {  	v58 =	vld [tilespmem:s20+$0x2000];
	[tilespmem:s5+$0xA000] =	vst v15;
	v24 =	vshrl.u32 v20, $0x10;
	v57 =	vadd.s32 v20, v56;
	v59 =	vand.u32 $0x15555555, v26  }
0x43d: {  	v60 =	vld [tilespmem:s20+$0x0];
	v20 =	vshrl.u32 v20, $0x18;
	v18 =	vadd.s32 v24, v57;
	v15 =	vsub.s32 v17, v59  }
0x43e: {  	v61 =	vld [tilespmem:s20+$0x1000];
	v18 =	vadd.s32 v20, v18;
	v62 =	vshrl.u32 v15, $0x2  }
0x43f: {  	v18 =	vand.u32 $0x3F, v18;
	v15 =	vand.u32 $0x33333333, v15;
	v63 =	vand.u32 $0x33333333, v62  }
0x440: {  	v16 =	vadd.s32 v16, v19;
	v14 =	vadd.s32 v18, v14;
	v15 =	vadd.s32 v15, v63  }
0x441: {  	v26 =	vmul.f32 v58, v25;
	vm3 =	vgt.u32 v14, $0xFFFF;
	v27 =	vshrl.u32 v15, $0x4  }
0x442: {  	v28 =	vshll.u32 v60, $0xC;
	v12 =	vsel vm3, v12, v14;
	v14 =	vadd.s32 v15, v27  }
0x443: {  	v29 =	vadd.s32 v61, v28;
	v18 =	vmul.f32 v21, v26;
	[tilespmem:s19+$0x9000] =	vst v12;
	v14 =	vand.u32 $0xF0F0F0F, v14  }
0x444: {  	v16 =	vshrl.u32 v16, $0xF;
	v30 =	vld [tilespmem:s20+$0x5000];
	[tilespmem:s20+$0x5000] =	vst v29;
	v32 =	vshrl.u32 v14, $0x8  }
0x445: {  	s1 =	sshra.s32 s21, $0x2;
	v16 =	vperm.xlane v11, v16;
	v31 =	vld [tilespmem:s20+$0x6000];
	[tilespmem:s20+$0x6000] =	vst v18;
	v33 =	vshrl.u32 v14, $0x10;
	v20 =	vadd.s32 v14, v32  }
0x446: {  	v34 =	vld [tilespmem:s1+$0x8000];
	v14 =	vshrl.u32 v14, $0x18;
	v18 =	vadd.s32 v33, v20  }
0x447: {  	v16 =	vadd.s32 v0, v16;
	v12 =	vadd.s32 $0x11000, v12;
	v35 =	vld [tilespmem:s1+$0x7000];
	v14 =	vadd.s32 v14, v18  }
0x448: {  	v16 =	vadd.s32 v23, v16;
	v36 =	vld [tilespmem:s1+$0x2000];
	[tilespmem:s19+$0xA000] =	vst v12;
	v14 =	vand.u32 $0x3F, v14  }
0x449: {  	v13 =	vand.u32 $0xFFF, v13;
	v42 =	vld [tilespmem:s1+$0x1000];
	v37 =	vadd.s32 v14, v16  }
0x44a: {  	v13 =	vor.u32 $0x10000, v13;
	v39 =	vld [tilespmem:s1+$0x0];
	vm3 =	vgt.u32 v37, $0xFFFF  }
0x44b: {  	v12 =	vsel vm3, v13, v37  }
0x44c: {  	v38 =	vshll.u32 v60, $0x7;
	v40 =	vand.u32 $0x1F, v61;
	v17 =	vand.u32 $0xFFF, v61;
	[tilespmem:s4+$0x9000] =	vst v12  }
0x44d: {  	v41 =	vshrl.u32 v61, $0x5;
	v43 =	vshll.u32 v10, v40;
	v17 =	vor.u32 $0x10000, v17;
	v44 =	vld [tilespmem:s1+$0x5000]  }
0x44e: {  	v18 =	vmul.f32 v36, v35;
	v46 =	vand.u32 $0x1F, v42;
	v13 =	vandn.u32 v30, v43  }
0x44f: {  	v48 =	vshll.u32 v39, $0xC;
	v50 =	vshrl.u32 v42, $0x5;
	v45 =	vshrl.u32 v13, $0x1  }
0x450: {  	v14 =	vadd.s32 v38, v41;
	v16 =	vshll.u32 v39, $0x7;
	v22 =	vand.u32 $0x15555555, v45  }
0x451: {  	v20 =	vadd.s32 v42, v48;
	v13 =	vsub.s32 v13, v22;
	v22 =	vshll.u32 v10, v46  }
0x452: {  	v18 =	vmul.f32 v34, v18;
	v14 =	vshrl.u32 v14, $0xF;
	v19 =	vandn.u32 v44, v22  }
0x453: {  	v16 =	vadd.s32 v16, v50;
	v14 =	vperm.xlane v11, v14;
	v22 =	vshrl.u32 v19, $0x1  }
0x454: {  	v47 =	vand.u32 $0x33333333, v13;
	v13 =	vshrl.u32 v13, $0x2;
	v49 =	vand.u32 $0x15555555, v22  }
0x455: {  	v16 =	vshrl.u32 v16, $0xF;
	v13 =	vand.u32 $0x33333333, v13;
	v15 =	vsub.s32 v19, v49  }
0x456: {  	v11 =	vperm.xlane v11, v16;
	v13 =	vadd.s32 v47, v13;
	v52 =	vshrl.u32 v15, $0x2  }
0x457: {  	v51 =	vshrl.u32 v13, $0x4;
	v15 =	vand.u32 $0x33333333, v15;
	v53 =	vand.u32 $0x33333333, v52  }
0x458: {  	v12 =	vadd.s32 $0x11000, v12;
	v13 =	vadd.s32 v13, v51;
	v15 =	vadd.s32 v15, v53  }
0x459: {  	v14 =	vadd.s32 v0, v14;
	v13 =	vand.u32 $0xF0F0F0F, v13;
	v54 =	vshrl.u32 v15, $0x4  }
0x45a: {  	v14 =	vadd.s32 v31, v14;
	v55 =	vshrl.u32 v13, $0x8;
	v15 =	vadd.s32 v15, v54  }
0x45b: {  	v57 =	vld [tilespmem:s1+$0x6000];
	v56 =	vshrl.u32 v13, $0x10;
	v19 =	vadd.s32 v13, v55;
	v15 =	vand.u32 $0xF0F0F0F, v15  }
0x45c: {  	v13 =	vshrl.u32 v13, $0x18;
	v19 =	vadd.s32 v56, v19;
	v58 =	vshrl.u32 v15, $0x8  }
0x45d: {  	v13 =	vadd.s32 v13, v19;
	v59 =	vshrl.u32 v15, $0x10;
	v21 =	vadd.s32 v15, v58  }
0x45e: {  	v13 =	vand.u32 $0x3F, v13;
	v15 =	vshrl.u32 v15, $0x18;
	v19 =	vadd.s32 v59, v21  }
0x45f: {  	[tilespmem:s1+$0x5000] =	vst v20;
	v11 =	vadd.s32 v0, v11;
	v13 =	vadd.s32 v13, v14;
	v60 =	vadd.s32 v15, v19  }
0x460: {  	[tilespmem:s1+$0x6000] =	vst v18;
	v11 =	vadd.s32 v57, v11;
	vm3 =	vgt.u32 v13, $0xFFFF;
	v14 =	vand.u32 $0x3F, v60  }
0x461: {  	v61 =	vand.u32 $0xFFF, v42;
	[tilespmem:s4+$0xA000] =	vst v12;
	v62 =	vsel vm3, v17, v13;
	v11 =	vadd.s32 v14, v11  }
0x462: {  	v63 =	vor.u32 $0x10000, v61;
	[tilespmem:s20+$0x9000] =	vst v62;
	v12 =	vadd.s32 $0x11000, v62;
	vm3 =	vgt.u32 v11, $0xFFFF  }
0x463: {  	[tilespmem:s20+$0xA000] =	vst v12;
	v11 =	vsel vm3, v63, v11  }
0x464: {  	[tilespmem:s1+$0x9000] =	vst v11;
	v11 =	vadd.s32 $0x11000, v11  }
0x465: {  	s5 =	simm.s32 $0x9000;
	[tilespmem:s1+$0xA000] =	vst v11;
	s1 =	rddreg [dreg:$0x8]  }
0x466: {  	[spmem:s1] =	stream.indirect.scatter [tilespmem:s22], [sflag:$0x1], $0x1, s5, s6, $0xb8;
	[tilespmem:$0x1F890] =	vst v63  }
0x467: {  	_ =	swait.ge [sflag:s3], $0x2000  }
0x468: {  	[sflag:s3] =	ssyncset.done $0x0  }
0x469: {  	[sflag:s3] =	ssyncadd.s32 $0xFFFFE000  }
0x46a: {  	[bflag:$0x0] =	sbarrier.arrive $0xFFFF  }
0x46b: {  	s11 =	rddreg [dreg:$0xa]  }
0x46c: {  	s19 =	rddreg [dreg:$0xe]  }
0x46d: {  	s20 =	rddreg [dreg:$0xf];
	s1 =	sor.u32 $0x1C01, s11;
	s4 =	sshrl.u32 s19, $0x3  }
0x46e: {  	[hbm:s20], [sflag:s1] =	dma.local [spmem:s4], $0x200  }
0x46f: {  	s4 =	rddreg [dreg:$0x10]  }
0x470: {  	s5 =	rddreg [dreg:$0x12]  }
0x471: {  	[hbm:s4], [sflag:s1] =	dma.local [spmem:s5], $0x200  }
0x472: {  	_ =	swait.ge [sflag:s3], $0x200  }
0x473: {  	[sflag:s3] =	ssyncset.done $0x0  }
0x474: {  	[sflag:s3] =	ssyncadd.s32 $0xFFFFFE00  }
0x475: {  	_ =	swait.ge [sflag:s3], $0x200  }
0x476: {  	s7 =	sadd.s32 $0x1, s7;
	s21 =	rddreg [dreg:$0x11]  }
0x477: {  	p0 =	sne.s32 s7, s21  }
.Ltmp18:
0x478: {  	_ = 	snop;
	(pc) =	sbr.rel @p0 .LBB2_1-.Ltmp18, $3  }
0x479: {  	_ =	sdelay $0x1  }
0x47a: {  	s19 =	simm.s32 $0xC000;
	[sflag:s3] =	ssyncset.done $0x0  }
0x47b: {  	[sflag:s3] =	ssyncadd.s32 $0xFFFFFE00;
	s21 =	smov.u32 s9;
	s9 =	simm.s32 $0xB000  }
0x47c: {  	_ =	sfence.sel $0x180000  }
0x47d: {  	[bflag:$0x0] =	sbarrier.arrive $0xFFFF  }
0x47e: {  	_ =	strace $0x90000047  }
0x47f: {  	s0 =	stileid.u32;
	[bflag:$0x2] =	sbarrier.arrive $0xFFFF  }
0x480: {  	p0 =	sne.s32 s0, $0x0;
	s0 =	rddreg [dreg:$0x9]  }
0x481: {  	s0 =	sadd.s32 @!p0 $0x100000, s0  }
0x482: {  	[sflag:s0] =	ssyncadd.tile.s32 @!p0 $0x1;
	_ =	shalt  }
.Lfunc_end2:
_tile_overlayer_lowered:
.L_overlay_start_2:
0x483: {  	(tag) =	ssettag $0x2  }
0x484: {  	s0 =	rddreg [dreg:$0x0];
	s2 =	stileid.u32  }
0x485: {  	s1 =	rddreg [dreg:$0x1];
	p0 =	sne.s32 s2, $0x0  }
0x486: {  	s3 =	rddreg [dreg:$0x2];
	[bflag:$0x3] =	sbarrier.arrive $0xFFFF;
	s2 =	simm.s32 @!p0 $0x1C02  }
0x487: {  	[timem:s3], [sflag:s2] =	dma.local @!p0 [hbm:s0], s1  }
0x488: {  	s0 =	simm.s32 @!p0 $0x2  }
0x489: {  	_ =	swait.ge @!p0 [sflag:s0], s1  }
0x48a: {  	s1 =	ssub.s32 @!p0 $0x0, s1;
	[sflag:s0] =	ssyncset.done @!p0 $0x0  }
0x48b: {  	[sflag:s0] =	ssyncadd.s32 @!p0 s1  }
0x48c: {  	[bflag:$0x3] =	sbarrier.arrive $0xFFFF  }
0x48d: {  	_ =	shalt  }

</sc_bundles>
